<compile_context>
chip_gen: v7x
topology: tpu7x:2x2x1
jax: 0.10.2.dev20260603
libtpu: 0.0.44.dev20260713+nightly
codegen_flags: <defaults>
</compile_context>

<pallas_src>
import functools

import jax
import jax.numpy as jnp
from jax import lax
from jax.experimental import pallas as pl
from jax.experimental.pallas import tpu as pltpu
from jax.experimental.pallas import tpu_sc as plsc

B, D, HW = 8, 256, 1024
N, M, DS = 32, 512, 8


def _tc_body(z_ref, cb_ref, idx_ref, cbT_ref):
    x = z_ref[0]
    for n in range(N):
        xs = x[n * DS:(n + 1) * DS, :]
        cbn = cb_ref[n]
        xc2 = lax.dot_general(cbn + cbn, xs, (((1,), (0,)), ((), ())),
                              preferred_element_type=jnp.float32)
        c2 = jnp.sum(cbn * cbn, axis=1, keepdims=True)
        x2 = jnp.sum(xs * xs, axis=0, keepdims=True)
        d = (x2 + c2) - xc2
        idx_ref[0, n, :] = jnp.argmin(d, axis=0)

    @pl.when(pl.program_id(0) == 0)
    def _():
        for n in range(N):
            cbT_ref[n] = jnp.transpose(cb_ref[n], (1, 0))


def _tc_call(z3, cb):
    return pl.pallas_call(
        _tc_body,
        grid=(B,),
        in_specs=[
            pl.BlockSpec((1, D, HW), lambda b: (b, 0, 0)),
            pl.BlockSpec((N, M, DS), lambda b: (0, 0, 0)),
        ],
        out_specs=[
            pl.BlockSpec((1, N, HW), lambda b: (b, 0, 0)),
            pl.BlockSpec((N, DS, M), lambda b: (0, 0, 0)),
        ],
        out_shape=[
            jax.ShapeDtypeStruct((B, N, HW), jnp.int32),
            jax.ShapeDtypeStruct((N, DS, M), jnp.float32),
        ],
    )(z3, cb)


@functools.cache
def _sc_gather_build():
    mesh = plsc.VectorSubcoreMesh(core_axis_name="c", subcore_axis_name="s")

    @functools.partial(
        pl.kernel,
        mesh=mesh,
        out_type=(
            jax.ShapeDtypeStruct((B, D, HW), jnp.float32),
            jax.ShapeDtypeStruct((N, 16), jnp.float32),
        ),
        scratch_types=[
            pltpu.VMEM((DS * M,), jnp.float32),
            pltpu.VMEM((2, HW), jnp.int32),
            pltpu.VMEM((2, DS, HW), jnp.float32),
            pltpu.VMEM((2, DS, HW), jnp.float32),
            pltpu.VMEM((16,), jnp.float32),
            pltpu.SemaphoreType.DMA,
            pltpu.SemaphoreType.DMA,
            pltpu.SemaphoreType.DMA,
            pltpu.SemaphoreType.DMA,
            pltpu.SemaphoreType.DMA,
            pltpu.SemaphoreType.DMA,
        ],
        compiler_params=pltpu.CompilerParams(needs_layout_passes=False),
    )
    def sc_gather(cbT_hbm, idx_hbm, z_hbm, zq_hbm, loss_hbm,
                  tab_v, idx_v, xs_v, out_v, loss_v,
                  si0, si1, sx0, sx1, so0, so1):
        cid = lax.axis_index("c")
        sid = lax.axis_index("s")
        n = sid * 2 + cid
        sin = (si0, si1)
        sxs = (sx0, sx1)
        sout = (so0, so1)
        pltpu.sync_copy(cbT_hbm.at[n], tab_v)

        def start_in(b):
            p = b % 2
            h_i = pltpu.async_copy(idx_hbm.at[b, n], idx_v.at[p], sin[p])
            h_x = pltpu.async_copy(z_hbm.at[b, pl.ds(n * DS, DS), :],
                                   xs_v.at[p], sxs[p])
            return h_i, h_x

        acc = tuple(jnp.zeros((16,), jnp.float32) for _ in range(DS))
        pending_in = start_in(0)
        pending_out = [None, None]
        for b in range(B):
            p = b % 2
            pending_in[0].wait()
            pending_in[1].wait()
            if b + 1 < B:
                pending_in = start_in(b + 1)
            if pending_out[p] is not None:
                pending_out[p].wait()

            def body(i, carry):
                iv = idx_v[p, pl.ds(i * 16, 16)]
                out = []
                for j in range(DS):
                    g = plsc.load_gather(tab_v, [iv + jnp.int32(j * M)])
                    out_v[p, j, pl.ds(i * 16, 16)] = g
                    df = xs_v[p, j, pl.ds(i * 16, 16)] - g
                    out.append(carry[j] + df * df)
                return tuple(out)

            acc = lax.fori_loop(0, HW // 16, body, acc)
            pending_out[p] = pltpu.async_copy(
                out_v.at[p], zq_hbm.at[b, pl.ds(n * DS, DS), :], sout[p])
        total = acc[0]
        for j in range(1, DS):
            total = total + acc[j]
        loss_v[...] = total
        pending_out[0].wait()
        pending_out[1].wait()
        pltpu.sync_copy(loss_v, loss_hbm.at[n])

    return sc_gather


def kernel(z, cb):
    z3 = z.reshape(B, D, HW)
    idx, cbT3 = _tc_call(z3, cb)
    cbT = cbT3.reshape(N, DS * M)
    zq3, loss_parts = _sc_gather_build()(cbT, idx, z3)
    vq = jnp.sum(loss_parts) * jnp.float32(1.25 / (N * B * HW * DS))
    z_q = zq3.reshape(z.shape)
    indices = idx.reshape(B, N, 32, 32)
    return (z_q, vq, indices)

# --- scband reference (transcript-rebuilt; emitter-appended) ---
"""Pipeline reference for scband-dcvqquantizer-17892833755572 (READ-ONLY COPY).

The authoritative reference and input builder live on the scoring server;
editing this copy changes nothing except your own understanding.
"""

import jax, jax.numpy as jnp
import numpy as np


def setup_inputs(seed: int = 0) -> dict:
    key = jax.random.key(seed)
    k1, k2 = jax.random.split(key)
    z = jax.random.normal(k1, (8, 256, 32, 32), dtype=jnp.float32)
    # codebooks: N=32 subspaces, M=512 codes, ds=8 dims each (init * 0.02 as in torch)
    cb = jax.random.normal(k2, (32, 512, 8), dtype=jnp.float32) * 0.02
    return {"z": z, "cb": cb}


def reference(z, cb):
    beta = 0.25
    B, D, H, W = z.shape
    N, M, ds = cb.shape
    sg = jax.lax.stop_gradient
    # [B, D, H, W] -> [B, H, W, D] -> [T, D] -> [N, T, ds]
    z_flat = jnp.transpose(z, (0, 2, 3, 1)).reshape(-1, D)
    xs = jnp.transpose(z_flat.reshape(-1, N, ds), (1, 0, 2))  # [N, T, ds]
    # pairwise Euclidean distances per subspace (cdist)
    x2 = jnp.sum(xs * xs, axis=-1, keepdims=True)          # [N, T, 1]
    c2 = jnp.sum(cb * cb, axis=-1)[:, None, :]             # [N, 1, M]
    xc = jnp.einsum('ntd,nmd->ntm', xs, cb)                # [N, T, M]
    dist = jnp.sqrt(jnp.maximum(x2 + c2 - 2.0 * xc, 0.0))  # [N, T, M]
    idx = jnp.argmin(dist, axis=-1)                        # [N, T]
    q = jnp.take_along_axis(cb, idx[:, :, None], axis=1)   # [N, T, ds]
    # VQ loss, accumulated over subspaces then divided by N (as in torch)
    loss_codebook = jnp.mean((sg(xs) - q) ** 2, axis=(1, 2))   # [N]
    loss_commit = jnp.mean((xs - sg(q)) ** 2, axis=(1, 2))     # [N]
    vq = jnp.mean(loss_codebook + beta * loss_commit)
    # straight-through estimator
    q_st = xs + sg(q - xs)                                 # [N, T, ds]
    z_q_flat = jnp.transpose(q_st, (1, 0, 2)).reshape(-1, D)
    z_q = jnp.transpose(z_q_flat.reshape(B, H, W, D), (0, 3, 1, 2))
    indices = jnp.transpose(idx.reshape(N, B, H, W), (1, 0, 2, 3))  # [B, N, H, W]
    return (z_q, vq, indices)

if __name__ == "__main__":
    import jax
    _d = setup_inputs()
    print(jax.jit(kernel)(*tuple(_d.values())))

</pallas_src>

<mosaic_0001>
#map = affine_map<(d0, d1) -> (0, 0)>
#map1 = affine_map<(d0, d1) -> (0, 0, 0)>
module attributes {stable_mosaic.version = 14 : i64} {
  func.func @sc_gather(%arg0: i32, %arg1: i32, %arg2: memref<32x4096xf32, #tpu.memory_space<hbm>>, %arg3: memref<8x32x1024xi32, #tpu.memory_space<hbm>>, %arg4: memref<8x256x1024xf32, #tpu.memory_space<hbm>>, %arg5: memref<8x256x1024xf32, #tpu.memory_space<hbm>>, %arg6: memref<32x16xf32, #tpu.memory_space<hbm>>, %arg7: memref<4096xf32, #tpu.memory_space<vmem>>, %arg8: memref<2x1024xi32, #tpu.memory_space<vmem>>, %arg9: memref<2x8x1024xf32, #tpu.memory_space<vmem>>, %arg10: memref<2x8x1024xf32, #tpu.memory_space<vmem>>, %arg11: memref<16xf32, #tpu.memory_space<vmem>>, %arg12: memref<!tpu.dma_semaphore, #tpu.memory_space<semaphore_mem>>, %arg13: memref<!tpu.dma_semaphore, #tpu.memory_space<semaphore_mem>>, %arg14: memref<!tpu.dma_semaphore, #tpu.memory_space<semaphore_mem>>, %arg15: memref<!tpu.dma_semaphore, #tpu.memory_space<semaphore_mem>>, %arg16: memref<!tpu.dma_semaphore, #tpu.memory_space<semaphore_mem>>, %arg17: memref<!tpu.dma_semaphore, #tpu.memory_space<semaphore_mem>>) attributes {dimension_semantics = [#tpu.dimension_semantics<core_parallel>, #tpu.dimension_semantics<subcore_parallel>], iteration_bounds = array<i64: 2, 16>, scalar_prefetch = 0 : i64, scratch_operands = 11 : i64, tpu.core_type = #tpu.core_type<sc_vector_subcore>, window_params = [{transform_indices = #map}, {transform_indices = #map1}, {transform_indices = #map1}, {transform_indices = #map1}, {transform_indices = #map}]} {
    %mul3A = arith.constant 2 : i32
    %mul3A_0 = arith.muli %arg1, %mul3A : i32
    %add3A = arith.addi %mul3A_0, %arg0 : i32
    "tpu.region"() ({
      %run_scoped3A = tpu.sem_alloc : memref<!tpu.dma_semaphore, #tpu.memory_space<semaphore_mem>>
      %dma_start3A_837 = arith.constant 0 : i32
      %dma_start3A_838 = tpu.memref_slice %arg2[%add3A, %dma_start3A_837] : memref<32x4096xf32, #tpu.memory_space<hbm>> -> memref<1x4096xf32, #tpu.memory_space<hbm>>
      %dma_start3A_839 = tpu.memref_squeeze %dma_start3A_838 : memref<1x4096xf32, #tpu.memory_space<hbm>> -> memref<4096xf32, #tpu.memory_space<hbm>>
      %dma_start3A_840 = arith.constant 0 : i32
      %dma_start3A_841 = tpu.memref_slice %arg2[%add3A, %dma_start3A_840] : memref<32x4096xf32, #tpu.memory_space<hbm>> -> memref<1x4096xf32, #tpu.memory_space<hbm>>
      %dma_start3A_842 = tpu.memref_squeeze %dma_start3A_841 : memref<1x4096xf32, #tpu.memory_space<hbm>> -> memref<4096xf32, #tpu.memory_space<hbm>>
      tpu.enqueue_dma source(%dma_start3A_842 : memref<4096xf32, #tpu.memory_space<hbm>>) target(%arg7 : memref<4096xf32, #tpu.memory_space<vmem>>) target_semaphore(%run_scoped3A : memref<!tpu.dma_semaphore, #tpu.memory_space<semaphore_mem>>)
      %dma_wait3A_843 = arith.constant 0 : i32
      %dma_wait3A_844 = tpu.memref_slice %arg2[%add3A, %dma_wait3A_843] : memref<32x4096xf32, #tpu.memory_space<hbm>> -> memref<1x4096xf32, #tpu.memory_space<hbm>>
      %dma_wait3A_845 = tpu.memref_squeeze %dma_wait3A_844 : memref<1x4096xf32, #tpu.memory_space<hbm>> -> memref<4096xf32, #tpu.memory_space<hbm>>
      %dma_wait3A_846 = arith.constant 0 : i32
      %dma_wait3A_847 = tpu.memref_slice %arg2[%add3A, %dma_wait3A_846] : memref<32x4096xf32, #tpu.memory_space<hbm>> -> memref<1x4096xf32, #tpu.memory_space<hbm>>
      %dma_wait3A_848 = tpu.memref_squeeze %dma_wait3A_847 : memref<1x4096xf32, #tpu.memory_space<hbm>> -> memref<4096xf32, #tpu.memory_space<hbm>>
      tpu.wait_dma2 semaphore(%run_scoped3A : memref<!tpu.dma_semaphore, #tpu.memory_space<semaphore_mem>>) src(%dma_wait3A_848 : memref<4096xf32, #tpu.memory_space<hbm>>) dst(%arg7 : memref<4096xf32, #tpu.memory_space<vmem>>)
      tpu.yield
    }) : () -> ()
    %broadcast_in_dim3A = arith.constant 0.000000e+00 : f32
    %broadcast_in_dim3A_1 = vector.broadcast %broadcast_in_dim3A : f32 to vector<16xf32>
    %broadcast_in_dim3A_2 = arith.constant 0.000000e+00 : f32
    %broadcast_in_dim3A_3 = vector.broadcast %broadcast_in_dim3A_2 : f32 to vector<16xf32>
    %broadcast_in_dim3A_4 = arith.constant 0.000000e+00 : f32
    %broadcast_in_dim3A_5 = vector.broadcast %broadcast_in_dim3A_4 : f32 to vector<16xf32>
    %broadcast_in_dim3A_6 = arith.constant 0.000000e+00 : f32
    %broadcast_in_dim3A_7 = vector.broadcast %broadcast_in_dim3A_6 : f32 to vector<16xf32>
    %broadcast_in_dim3A_8 = arith.constant 0.000000e+00 : f32
    %broadcast_in_dim3A_9 = vector.broadcast %broadcast_in_dim3A_8 : f32 to vector<16xf32>
    %broadcast_in_dim3A_10 = arith.constant 0.000000e+00 : f32
    %broadcast_in_dim3A_11 = vector.broadcast %broadcast_in_dim3A_10 : f32 to vector<16xf32>
    %broadcast_in_dim3A_12 = arith.constant 0.000000e+00 : f32
    %broadcast_in_dim3A_13 = vector.broadcast %broadcast_in_dim3A_12 : f32 to vector<16xf32>
    %broadcast_in_dim3A_14 = arith.constant 0.000000e+00 : f32
    %broadcast_in_dim3A_15 = vector.broadcast %broadcast_in_dim3A_14 : f32 to vector<16xf32>
    %dma_start3A = arith.constant 0 : i32
    %dma_start3A_16 = arith.constant 0 : i32
    %dma_start3A_17 = arith.constant 0 : i32
    %dma_start3A_18 = tpu.memref_slice %arg8[%dma_start3A_16, %dma_start3A_17] : memref<2x1024xi32, #tpu.memory_space<vmem>> -> memref<1x1024xi32, #tpu.memory_space<vmem>>
    %dma_start3A_19 = tpu.memref_squeeze %dma_start3A_18 : memref<1x1024xi32, #tpu.memory_space<vmem>> -> memref<1024xi32, #tpu.memory_space<vmem>>
    %dma_start3A_20 = arith.constant 0 : i32
    %dma_start3A_21 = tpu.memref_slice %arg3[%dma_start3A, %add3A, %dma_start3A_20] : memref<8x32x1024xi32, #tpu.memory_space<hbm>> -> memref<1x1x1024xi32, #tpu.memory_space<hbm>>
    %dma_start3A_22 = tpu.memref_squeeze %dma_start3A_21 : memref<1x1x1024xi32, #tpu.memory_space<hbm>> -> memref<1024xi32, #tpu.memory_space<hbm>>
    %dma_start3A_23 = arith.constant 0 : i32
    %dma_start3A_24 = tpu.memref_slice %arg8[%dma_start3A_16, %dma_start3A_23] : memref<2x1024xi32, #tpu.memory_space<vmem>> -> memref<1x1024xi32, #tpu.memory_space<vmem>>
    %dma_start3A_25 = tpu.memref_squeeze %dma_start3A_24 : memref<1x1024xi32, #tpu.memory_space<vmem>> -> memref<1024xi32, #tpu.memory_space<vmem>>
    %dma_start3A_26 = arith.constant 0 : i32
    %dma_start3A_27 = tpu.memref_slice %arg3[%dma_start3A, %add3A, %dma_start3A_26] : memref<8x32x1024xi32, #tpu.memory_space<hbm>> -> memref<1x1x1024xi32, #tpu.memory_space<hbm>>
    %dma_start3A_28 = tpu.memref_squeeze %dma_start3A_27 : memref<1x1x1024xi32, #tpu.memory_space<hbm>> -> memref<1024xi32, #tpu.memory_space<hbm>>
    tpu.enqueue_dma source(%dma_start3A_28 : memref<1024xi32, #tpu.memory_space<hbm>>) target(%dma_start3A_25 : memref<1024xi32, #tpu.memory_space<vmem>>) target_semaphore(%arg12 : memref<!tpu.dma_semaphore, #tpu.memory_space<semaphore_mem>>)
    %mul3A_29 = arith.constant 8 : i32
    %mul3A_30 = arith.muli %add3A, %mul3A_29 : i32
    %dma_start3A_31 = arith.constant 0 : i32
    %dma_start3A_32 = arith.constant 0 : i32
    %dma_start3A_33 = arith.constant 0 : i32
    %dma_start3A_34 = arith.constant 0 : i32
    %dma_start3A_35 = tpu.memref_slice %arg9[%dma_start3A_32, %dma_start3A_33, %dma_start3A_34] : memref<2x8x1024xf32, #tpu.memory_space<vmem>> -> memref<1x8x1024xf32, #tpu.memory_space<vmem>>
    %dma_start3A_36 = tpu.memref_squeeze %dma_start3A_35 : memref<1x8x1024xf32, #tpu.memory_space<vmem>> -> memref<8x1024xf32, #tpu.memory_space<vmem>>
    %dma_start3A_37 = arith.constant 0 : i32
    %dma_start3A_38 = tpu.memref_slice %arg4[%dma_start3A_31, %mul3A_30, %dma_start3A_37] : memref<8x256x1024xf32, #tpu.memory_space<hbm>> -> memref<1x8x1024xf32, #tpu.memory_space<hbm>>
    %dma_start3A_39 = tpu.memref_squeeze %dma_start3A_38 : memref<1x8x1024xf32, #tpu.memory_space<hbm>> -> memref<8x1024xf32, #tpu.memory_space<hbm>>
    %dma_start3A_40 = arith.constant 0 : i32
    %dma_start3A_41 = arith.constant 0 : i32
    %dma_start3A_42 = tpu.memref_slice %arg9[%dma_start3A_32, %dma_start3A_40, %dma_start3A_41] : memref<2x8x1024xf32, #tpu.memory_space<vmem>> -> memref<1x8x1024xf32, #tpu.memory_space<vmem>>
    %dma_start3A_43 = tpu.memref_squeeze %dma_start3A_42 : memref<1x8x1024xf32, #tpu.memory_space<vmem>> -> memref<8x1024xf32, #tpu.memory_space<vmem>>
    %dma_start3A_44 = arith.constant 0 : i32
    %dma_start3A_45 = tpu.memref_slice %arg4[%dma_start3A_31, %mul3A_30, %dma_start3A_44] : memref<8x256x1024xf32, #tpu.memory_space<hbm>> -> memref<1x8x1024xf32, #tpu.memory_space<hbm>>
    %dma_start3A_46 = tpu.memref_squeeze %dma_start3A_45 : memref<1x8x1024xf32, #tpu.memory_space<hbm>> -> memref<8x1024xf32, #tpu.memory_space<hbm>>
    tpu.enqueue_dma source(%dma_start3A_46 : memref<8x1024xf32, #tpu.memory_space<hbm>>) target(%dma_start3A_43 : memref<8x1024xf32, #tpu.memory_space<vmem>>) target_semaphore(%arg14 : memref<!tpu.dma_semaphore, #tpu.memory_space<semaphore_mem>>)
    %dma_wait3A = arith.constant 0 : i32
    %dma_wait3A_47 = arith.constant 0 : i32
    %dma_wait3A_48 = arith.constant 0 : i32
    %dma_wait3A_49 = tpu.memref_slice %arg8[%dma_wait3A_47, %dma_wait3A_48] : memref<2x1024xi32, #tpu.memory_space<vmem>> -> memref<1x1024xi32, #tpu.memory_space<vmem>>
    %dma_wait3A_50 = tpu.memref_squeeze %dma_wait3A_49 : memref<1x1024xi32, #tpu.memory_space<vmem>> -> memref<1024xi32, #tpu.memory_space<vmem>>
    %dma_wait3A_51 = arith.constant 0 : i32
    %dma_wait3A_52 = tpu.memref_slice %arg3[%dma_wait3A, %add3A, %dma_wait3A_51] : memref<8x32x1024xi32, #tpu.memory_space<hbm>> -> memref<1x1x1024xi32, #tpu.memory_space<hbm>>
    %dma_wait3A_53 = tpu.memref_squeeze %dma_wait3A_52 : memref<1x1x1024xi32, #tpu.memory_space<hbm>> -> memref<1024xi32, #tpu.memory_space<hbm>>
    %dma_wait3A_54 = arith.constant 0 : i32
    %dma_wait3A_55 = tpu.memref_slice %arg8[%dma_wait3A_47, %dma_wait3A_54] : memref<2x1024xi32, #tpu.memory_space<vmem>> -> memref<1x1024xi32, #tpu.memory_space<vmem>>
    %dma_wait3A_56 = tpu.memref_squeeze %dma_wait3A_55 : memref<1x1024xi32, #tpu.memory_space<vmem>> -> memref<1024xi32, #tpu.memory_space<vmem>>
    %dma_wait3A_57 = arith.constant 0 : i32
    %dma_wait3A_58 = tpu.memref_slice %arg3[%dma_wait3A, %add3A, %dma_wait3A_57] : memref<8x32x1024xi32, #tpu.memory_space<hbm>> -> memref<1x1x1024xi32, #tpu.memory_space<hbm>>
    %dma_wait3A_59 = tpu.memref_squeeze %dma_wait3A_58 : memref<1x1x1024xi32, #tpu.memory_space<hbm>> -> memref<1024xi32, #tpu.memory_space<hbm>>
    tpu.wait_dma2 semaphore(%arg12 : memref<!tpu.dma_semaphore, #tpu.memory_space<semaphore_mem>>) src(%dma_wait3A_59 : memref<1024xi32, #tpu.memory_space<hbm>>) dst(%dma_wait3A_56 : memref<1024xi32, #tpu.memory_space<vmem>>)
    %dma_wait3A_60 = arith.constant 0 : i32
    %dma_wait3A_61 = arith.constant 0 : i32
    %dma_wait3A_62 = arith.constant 0 : i32
    %dma_wait3A_63 = arith.constant 0 : i32
    %dma_wait3A_64 = tpu.memref_slice %arg9[%dma_wait3A_61, %dma_wait3A_62, %dma_wait3A_63] : memref<2x8x1024xf32, #tpu.memory_space<vmem>> -> memref<1x8x1024xf32, #tpu.memory_space<vmem>>
    %dma_wait3A_65 = tpu.memref_squeeze %dma_wait3A_64 : memref<1x8x1024xf32, #tpu.memory_space<vmem>> -> memref<8x1024xf32, #tpu.memory_space<vmem>>
    %dma_wait3A_66 = arith.constant 0 : i32
    %dma_wait3A_67 = tpu.memref_slice %arg4[%dma_wait3A_60, %mul3A_30, %dma_wait3A_66] : memref<8x256x1024xf32, #tpu.memory_space<hbm>> -> memref<1x8x1024xf32, #tpu.memory_space<hbm>>
    %dma_wait3A_68 = tpu.memref_squeeze %dma_wait3A_67 : memref<1x8x1024xf32, #tpu.memory_space<hbm>> -> memref<8x1024xf32, #tpu.memory_space<hbm>>
    %dma_wait3A_69 = arith.constant 0 : i32
    %dma_wait3A_70 = arith.constant 0 : i32
    %dma_wait3A_71 = tpu.memref_slice %arg9[%dma_wait3A_61, %dma_wait3A_69, %dma_wait3A_70] : memref<2x8x1024xf32, #tpu.memory_space<vmem>> -> memref<1x8x1024xf32, #tpu.memory_space<vmem>>
    %dma_wait3A_72 = tpu.memref_squeeze %dma_wait3A_71 : memref<1x8x1024xf32, #tpu.memory_space<vmem>> -> memref<8x1024xf32, #tpu.memory_space<vmem>>
    %dma_wait3A_73 = arith.constant 0 : i32
    %dma_wait3A_74 = tpu.memref_slice %arg4[%dma_wait3A_60, %mul3A_30, %dma_wait3A_73] : memref<8x256x1024xf32, #tpu.memory_space<hbm>> -> memref<1x8x1024xf32, #tpu.memory_space<hbm>>
    %dma_wait3A_75 = tpu.memref_squeeze %dma_wait3A_74 : memref<1x8x1024xf32, #tpu.memory_space<hbm>> -> memref<8x1024xf32, #tpu.memory_space<hbm>>
    tpu.wait_dma2 semaphore(%arg14 : memref<!tpu.dma_semaphore, #tpu.memory_space<semaphore_mem>>) src(%dma_wait3A_75 : memref<8x1024xf32, #tpu.memory_space<hbm>>) dst(%dma_wait3A_72 : memref<8x1024xf32, #tpu.memory_space<vmem>>)
    %dma_start3A_76 = arith.constant 1 : i32
    %dma_start3A_77 = arith.constant 1 : i32
    %dma_start3A_78 = arith.constant 0 : i32
    %dma_start3A_79 = tpu.memref_slice %arg8[%dma_start3A_77, %dma_start3A_78] : memref<2x1024xi32, #tpu.memory_space<vmem>> -> memref<1x1024xi32, #tpu.memory_space<vmem>>
    %dma_start3A_80 = tpu.memref_squeeze %dma_start3A_79 : memref<1x1024xi32, #tpu.memory_space<vmem>> -> memref<1024xi32, #tpu.memory_space<vmem>>
    %dma_start3A_81 = arith.constant 0 : i32
    %dma_start3A_82 = tpu.memref_slice %arg3[%dma_start3A_76, %add3A, %dma_start3A_81] : memref<8x32x1024xi32, #tpu.memory_space<hbm>> -> memref<1x1x1024xi32, #tpu.memory_space<hbm>>
    %dma_start3A_83 = tpu.memref_squeeze %dma_start3A_82 : memref<1x1x1024xi32, #tpu.memory_space<hbm>> -> memref<1024xi32, #tpu.memory_space<hbm>>
    %dma_start3A_84 = arith.constant 0 : i32
    %dma_start3A_85 = tpu.memref_slice %arg8[%dma_start3A_77, %dma_start3A_84] : memref<2x1024xi32, #tpu.memory_space<vmem>> -> memref<1x1024xi32, #tpu.memory_space<vmem>>
    %dma_start3A_86 = tpu.memref_squeeze %dma_start3A_85 : memref<1x1024xi32, #tpu.memory_space<vmem>> -> memref<1024xi32, #tpu.memory_space<vmem>>
    %dma_start3A_87 = arith.constant 0 : i32
    %dma_start3A_88 = tpu.memref_slice %arg3[%dma_start3A_76, %add3A, %dma_start3A_87] : memref<8x32x1024xi32, #tpu.memory_space<hbm>> -> memref<1x1x1024xi32, #tpu.memory_space<hbm>>
    %dma_start3A_89 = tpu.memref_squeeze %dma_start3A_88 : memref<1x1x1024xi32, #tpu.memory_space<hbm>> -> memref<1024xi32, #tpu.memory_space<hbm>>
    tpu.enqueue_dma source(%dma_start3A_89 : memref<1024xi32, #tpu.memory_space<hbm>>) target(%dma_start3A_86 : memref<1024xi32, #tpu.memory_space<vmem>>) target_semaphore(%arg13 : memref<!tpu.dma_semaphore, #tpu.memory_space<semaphore_mem>>)
    %mul3A_90 = arith.constant 8 : i32
    %mul3A_91 = arith.muli %add3A, %mul3A_90 : i32
    %dma_start3A_92 = arith.constant 1 : i32
    %dma_start3A_93 = arith.constant 1 : i32
    %dma_start3A_94 = arith.constant 0 : i32
    %dma_start3A_95 = arith.constant 0 : i32
    %dma_start3A_96 = tpu.memref_slice %arg9[%dma_start3A_93, %dma_start3A_94, %dma_start3A_95] : memref<2x8x1024xf32, #tpu.memory_space<vmem>> -> memref<1x8x1024xf32, #tpu.memory_space<vmem>>
    %dma_start3A_97 = tpu.memref_squeeze %dma_start3A_96 : memref<1x8x1024xf32, #tpu.memory_space<vmem>> -> memref<8x1024xf32, #tpu.memory_space<vmem>>
    %dma_start3A_98 = arith.constant 0 : i32
    %dma_start3A_99 = tpu.memref_slice %arg4[%dma_start3A_92, %mul3A_91, %dma_start3A_98] : memref<8x256x1024xf32, #tpu.memory_space<hbm>> -> memref<1x8x1024xf32, #tpu.memory_space<hbm>>
    %dma_start3A_100 = tpu.memref_squeeze %dma_start3A_99 : memref<1x8x1024xf32, #tpu.memory_space<hbm>> -> memref<8x1024xf32, #tpu.memory_space<hbm>>
    %dma_start3A_101 = arith.constant 0 : i32
    %dma_start3A_102 = arith.constant 0 : i32
    %dma_start3A_103 = tpu.memref_slice %arg9[%dma_start3A_93, %dma_start3A_101, %dma_start3A_102] : memref<2x8x1024xf32, #tpu.memory_space<vmem>> -> memref<1x8x1024xf32, #tpu.memory_space<vmem>>
    %dma_start3A_104 = tpu.memref_squeeze %dma_start3A_103 : memref<1x8x1024xf32, #tpu.memory_space<vmem>> -> memref<8x1024xf32, #tpu.memory_space<vmem>>
    %dma_start3A_105 = arith.constant 0 : i32
    %dma_start3A_106 = tpu.memref_slice %arg4[%dma_start3A_92, %mul3A_91, %dma_start3A_105] : memref<8x256x1024xf32, #tpu.memory_space<hbm>> -> memref<1x8x1024xf32, #tpu.memory_space<hbm>>
    %dma_start3A_107 = tpu.memref_squeeze %dma_start3A_106 : memref<1x8x1024xf32, #tpu.memory_space<hbm>> -> memref<8x1024xf32, #tpu.memory_space<hbm>>
    tpu.enqueue_dma source(%dma_start3A_107 : memref<8x1024xf32, #tpu.memory_space<hbm>>) target(%dma_start3A_104 : memref<8x1024xf32, #tpu.memory_space<vmem>>) target_semaphore(%arg15 : memref<!tpu.dma_semaphore, #tpu.memory_space<semaphore_mem>>)
    %scan3A = arith.constant 0 : i32
    %scan3A_108 = arith.constant 64 : i32
    %scan3A_109 = arith.addi %scan3A, %scan3A_108 : i32
    %scan3A_110 = arith.constant 1 : i32
    %scan3A_111:8 = scf.for %scan3A_837 = %scan3A to %scan3A_109 step %scan3A_110 iter_args(%scan3A_838 = %broadcast_in_dim3A_1, %scan3A_839 = %broadcast_in_dim3A_3, %scan3A_840 = %broadcast_in_dim3A_5, %scan3A_841 = %broadcast_in_dim3A_7, %scan3A_842 = %broadcast_in_dim3A_9, %scan3A_843 = %broadcast_in_dim3A_11, %scan3A_844 = %broadcast_in_dim3A_13, %scan3A_845 = %broadcast_in_dim3A_15) -> (vector<16xf32>, vector<16xf32>, vector<16xf32>, vector<16xf32>, vector<16xf32>, vector<16xf32>, vector<16xf32>, vector<16xf32>)  : i32 {
      %mul3A_846 = arith.constant 16 : i32
      %mul3A_847 = arith.muli %scan3A_837, %mul3A_846 : i32
      %get3A = arith.constant 0 : i32
      %get3A_848 = arith.index_cast %get3A : i32 to index
      %get3A_849 = arith.index_cast %mul3A_847 : i32 to index
      %get3A_850 = tpu.vector_load %arg8[%get3A_848, %get3A_849] {strides = array<i32>} : memref<2x1024xi32, #tpu.memory_space<vmem>>, vector<16xi32>,
      %add3A_851 = arith.constant 0 : i32
      %add3A_852 = vector.broadcast %add3A_851 : i32 to vector<16xi32>
      %add3A_853 = arith.addi %get3A_850, %add3A_852 : vector<16xi32>
      %gather3A = tpu.vector_load_idx %arg7[%add3A_853] : memref<4096xf32, #tpu.memory_space<vmem>>[vector<16xi32>], vector<16xf32>,
      %mul3A_854 = arith.constant 16 : i32
      %mul3A_855 = arith.muli %scan3A_837, %mul3A_854 : i32
      %swap3A_856 = arith.constant 0 : i32
      %swap3A_857 = arith.constant 0 : i32
      %swap3A_858 = arith.index_cast %swap3A_856 : i32 to index
      %swap3A_859 = arith.index_cast %swap3A_857 : i32 to index
      %swap3A_860 = arith.index_cast %mul3A_855 : i32 to index
      %swap3A_861 = tpu.vector_load %arg10[%swap3A_858, %swap3A_859, %swap3A_860] {strides = array<i32>} : memref<2x8x1024xf32, #tpu.memory_space<vmem>>, vector<16xf32>,
      tpu.vector_store %arg10[%swap3A_858, %swap3A_859, %swap3A_860], %gather3A {strides = array<i32>} : memref<2x8x1024xf32, #tpu.memory_space<vmem>>, vector<16xf32>,
      %mul3A_862 = arith.constant 16 : i32
      %mul3A_863 = arith.muli %scan3A_837, %mul3A_862 : i32
      %get3A_864 = arith.constant 0 : i32
      %get3A_865 = arith.constant 0 : i32
      %get3A_866 = arith.index_cast %get3A_864 : i32 to index
      %get3A_867 = arith.index_cast %get3A_865 : i32 to index
      %get3A_868 = arith.index_cast %mul3A_863 : i32 to index
      %get3A_869 = tpu.vector_load %arg9[%get3A_866, %get3A_867, %get3A_868] {strides = array<i32>} : memref<2x8x1024xf32, #tpu.memory_space<vmem>>, vector<16xf32>,
      %sub3A = arith.subf %get3A_869, %gather3A : vector<16xf32>
      %mul3A_870 = arith.mulf %sub3A, %sub3A : vector<16xf32>
      %add3A_871 = arith.addf %scan3A_838, %mul3A_870 : vector<16xf32>
      %add3A_872 = arith.constant 512 : i32
      %add3A_873 = vector.broadcast %add3A_872 : i32 to vector<16xi32>
      %add3A_874 = arith.addi %get3A_850, %add3A_873 : vector<16xi32>
      %gather3A_875 = tpu.vector_load_idx %arg7[%add3A_874] : memref<4096xf32, #tpu.memory_space<vmem>>[vector<16xi32>], vector<16xf32>,
      %mul3A_876 = arith.constant 16 : i32
      %mul3A_877 = arith.muli %scan3A_837, %mul3A_876 : i32
      %swap3A_878 = arith.constant 0 : i32
      %swap3A_879 = arith.constant 1 : i32
      %swap3A_880 = arith.index_cast %swap3A_878 : i32 to index
      %swap3A_881 = arith.index_cast %swap3A_879 : i32 to index
      %swap3A_882 = arith.index_cast %mul3A_877 : i32 to index
      %swap3A_883 = tpu.vector_load %arg10[%swap3A_880, %swap3A_881, %swap3A_882] {strides = array<i32>} : memref<2x8x1024xf32, #tpu.memory_space<vmem>>, vector<16xf32>,
      tpu.vector_store %arg10[%swap3A_880, %swap3A_881, %swap3A_882], %gather3A_875 {strides = array<i32>} : memref<2x8x1024xf32, #tpu.memory_space<vmem>>, vector<16xf32>,
      %mul3A_884 = arith.constant 16 : i32
      %mul3A_885 = arith.muli %scan3A_837, %mul3A_884 : i32
      %get3A_886 = arith.constant 0 : i32
      %get3A_887 = arith.constant 1 : i32
      %get3A_888 = arith.index_cast %get3A_886 : i32 to index
      %get3A_889 = arith.index_cast %get3A_887 : i32 to index
      %get3A_890 = arith.index_cast %mul3A_885 : i32 to index
      %get3A_891 = tpu.vector_load %arg9[%get3A_888, %get3A_889, %get3A_890] {strides = array<i32>} : memref<2x8x1024xf32, #tpu.memory_space<vmem>>, vector<16xf32>,
      %sub3A_892 = arith.subf %get3A_891, %gather3A_875 : vector<16xf32>
      %mul3A_893 = arith.mulf %sub3A_892, %sub3A_892 : vector<16xf32>
      %add3A_894 = arith.addf %scan3A_839, %mul3A_893 : vector<16xf32>
      %add3A_895 = arith.constant 1024 : i32
      %add3A_896 = vector.broadcast %add3A_895 : i32 to vector<16xi32>
      %add3A_897 = arith.addi %get3A_850, %add3A_896 : vector<16xi32>
      %gather3A_898 = tpu.vector_load_idx %arg7[%add3A_897] : memref<4096xf32, #tpu.memory_space<vmem>>[vector<16xi32>], vector<16xf32>,
      %mul3A_899 = arith.constant 16 : i32
      %mul3A_900 = arith.muli %scan3A_837, %mul3A_899 : i32
      %swap3A_901 = arith.constant 0 : i32
      %swap3A_902 = arith.constant 2 : i32
      %swap3A_903 = arith.index_cast %swap3A_901 : i32 to index
      %swap3A_904 = arith.index_cast %swap3A_902 : i32 to index
      %swap3A_905 = arith.index_cast %mul3A_900 : i32 to index
      %swap3A_906 = tpu.vector_load %arg10[%swap3A_903, %swap3A_904, %swap3A_905] {strides = array<i32>} : memref<2x8x1024xf32, #tpu.memory_space<vmem>>, vector<16xf32>,
      tpu.vector_store %arg10[%swap3A_903, %swap3A_904, %swap3A_905], %gather3A_898 {strides = array<i32>} : memref<2x8x1024xf32, #tpu.memory_space<vmem>>, vector<16xf32>,
      %mul3A_907 = arith.constant 16 : i32
      %mul3A_908 = arith.muli %scan3A_837, %mul3A_907 : i32
      %get3A_909 = arith.constant 0 : i32
      %get3A_910 = arith.constant 2 : i32
      %get3A_911 = arith.index_cast %get3A_909 : i32 to index
      %get3A_912 = arith.index_cast %get3A_910 : i32 to index
      %get3A_913 = arith.index_cast %mul3A_908 : i32 to index
      %get3A_914 = tpu.vector_load %arg9[%get3A_911, %get3A_912, %get3A_913] {strides = array<i32>} : memref<2x8x1024xf32, #tpu.memory_space<vmem>>, vector<16xf32>,
      %sub3A_915 = arith.subf %get3A_914, %gather3A_898 : vector<16xf32>
      %mul3A_916 = arith.mulf %sub3A_915, %sub3A_915 : vector<16xf32>
      %add3A_917 = arith.addf %scan3A_840, %mul3A_916 : vector<16xf32>
      %add3A_918 = arith.constant 1536 : i32
      %add3A_919 = vector.broadcast %add3A_918 : i32 to vector<16xi32>
      %add3A_920 = arith.addi %get3A_850, %add3A_919 : vector<16xi32>
      %gather3A_921 = tpu.vector_load_idx %arg7[%add3A_920] : memref<4096xf32, #tpu.memory_space<vmem>>[vector<16xi32>], vector<16xf32>,
      %mul3A_922 = arith.constant 16 : i32
      %mul3A_923 = arith.muli %scan3A_837, %mul3A_922 : i32
      %swap3A_924 = arith.constant 0 : i32
      %swap3A_925 = arith.constant 3 : i32
      %swap3A_926 = arith.index_cast %swap3A_924 : i32 to index
      %swap3A_927 = arith.index_cast %swap3A_925 : i32 to index
      %swap3A_928 = arith.index_cast %mul3A_923 : i32 to index
      %swap3A_929 = tpu.vector_load %arg10[%swap3A_926, %swap3A_927, %swap3A_928] {strides = array<i32>} : memref<2x8x1024xf32, #tpu.memory_space<vmem>>, vector<16xf32>,
      tpu.vector_store %arg10[%swap3A_926, %swap3A_927, %swap3A_928], %gather3A_921 {strides = array<i32>} : memref<2x8x1024xf32, #tpu.memory_space<vmem>>, vector<16xf32>,
      %mul3A_930 = arith.constant 16 : i32
      %mul3A_931 = arith.muli %scan3A_837, %mul3A_930 : i32
      %get3A_932 = arith.constant 0 : i32
      %get3A_933 = arith.constant 3 : i32
      %get3A_934 = arith.index_cast %get3A_932 : i32 to index
      %get3A_935 = arith.index_cast %get3A_933 : i32 to index
      %get3A_936 = arith.index_cast %mul3A_931 : i32 to index
      %get3A_937 = tpu.vector_load %arg9[%get3A_934, %get3A_935, %get3A_936] {strides = array<i32>} : memref<2x8x1024xf32, #tpu.memory_space<vmem>>, vector<16xf32>,
      %sub3A_938 = arith.subf %get3A_937, %gather3A_921 : vector<16xf32>
      %mul3A_939 = arith.mulf %sub3A_938, %sub3A_938 : vector<16xf32>
      %add3A_940 = arith.addf %scan3A_841, %mul3A_939 : vector<16xf32>
      %add3A_941 = arith.constant 2048 : i32
      %add3A_942 = vector.broadcast %add3A_941 : i32 to vector<16xi32>
      %add3A_943 = arith.addi %get3A_850, %add3A_942 : vector<16xi32>
      %gather3A_944 = tpu.vector_load_idx %arg7[%add3A_943] : memref<4096xf32, #tpu.memory_space<vmem>>[vector<16xi32>], vector<16xf32>,
      %mul3A_945 = arith.constant 16 : i32
      %mul3A_946 = arith.muli %scan3A_837, %mul3A_945 : i32
      %swap3A_947 = arith.constant 0 : i32
      %swap3A_948 = arith.constant 4 : i32
      %swap3A_949 = arith.index_cast %swap3A_947 : i32 to index
      %swap3A_950 = arith.index_cast %swap3A_948 : i32 to index
      %swap3A_951 = arith.index_cast %mul3A_946 : i32 to index
      %swap3A_952 = tpu.vector_load %arg10[%swap3A_949, %swap3A_950, %swap3A_951] {strides = array<i32>} : memref<2x8x1024xf32, #tpu.memory_space<vmem>>, vector<16xf32>,
      tpu.vector_store %arg10[%swap3A_949, %swap3A_950, %swap3A_951], %gather3A_944 {strides = array<i32>} : memref<2x8x1024xf32, #tpu.memory_space<vmem>>, vector<16xf32>,
      %mul3A_953 = arith.constant 16 : i32
      %mul3A_954 = arith.muli %scan3A_837, %mul3A_953 : i32
      %get3A_955 = arith.constant 0 : i32
      %get3A_956 = arith.constant 4 : i32
      %get3A_957 = arith.index_cast %get3A_955 : i32 to index
      %get3A_958 = arith.index_cast %get3A_956 : i32 to index
      %get3A_959 = arith.index_cast %mul3A_954 : i32 to index
      %get3A_960 = tpu.vector_load %arg9[%get3A_957, %get3A_958, %get3A_959] {strides = array<i32>} : memref<2x8x1024xf32, #tpu.memory_space<vmem>>, vector<16xf32>,
      %sub3A_961 = arith.subf %get3A_960, %gather3A_944 : vector<16xf32>
      %mul3A_962 = arith.mulf %sub3A_961, %sub3A_961 : vector<16xf32>
      %add3A_963 = arith.addf %scan3A_842, %mul3A_962 : vector<16xf32>
      %add3A_964 = arith.constant 2560 : i32
      %add3A_965 = vector.broadcast %add3A_964 : i32 to vector<16xi32>
      %add3A_966 = arith.addi %get3A_850, %add3A_965 : vector<16xi32>
      %gather3A_967 = tpu.vector_load_idx %arg7[%add3A_966] : memref<4096xf32, #tpu.memory_space<vmem>>[vector<16xi32>], vector<16xf32>,
      %mul3A_968 = arith.constant 16 : i32
      %mul3A_969 = arith.muli %scan3A_837, %mul3A_968 : i32
      %swap3A_970 = arith.constant 0 : i32
      %swap3A_971 = arith.constant 5 : i32
      %swap3A_972 = arith.index_cast %swap3A_970 : i32 to index
      %swap3A_973 = arith.index_cast %swap3A_971 : i32 to index
      %swap3A_974 = arith.index_cast %mul3A_969 : i32 to index
      %swap3A_975 = tpu.vector_load %arg10[%swap3A_972, %swap3A_973, %swap3A_974] {strides = array<i32>} : memref<2x8x1024xf32, #tpu.memory_space<vmem>>, vector<16xf32>,
      tpu.vector_store %arg10[%swap3A_972, %swap3A_973, %swap3A_974], %gather3A_967 {strides = array<i32>} : memref<2x8x1024xf32, #tpu.memory_space<vmem>>, vector<16xf32>,
      %mul3A_976 = arith.constant 16 : i32
      %mul3A_977 = arith.muli %scan3A_837, %mul3A_976 : i32
      %get3A_978 = arith.constant 0 : i32
      %get3A_979 = arith.constant 5 : i32
      %get3A_980 = arith.index_cast %get3A_978 : i32 to index
      %get3A_981 = arith.index_cast %get3A_979 : i32 to index
      %get3A_982 = arith.index_cast %mul3A_977 : i32 to index
      %get3A_983 = tpu.vector_load %arg9[%get3A_980, %get3A_981, %get3A_982] {strides = array<i32>} : memref<2x8x1024xf32, #tpu.memory_space<vmem>>, vector<16xf32>,
      %sub3A_984 = arith.subf %get3A_983, %gather3A_967 : vector<16xf32>
      %mul3A_985 = arith.mulf %sub3A_984, %sub3A_984 : vector<16xf32>
      %add3A_986 = arith.addf %scan3A_843, %mul3A_985 : vector<16xf32>
      %add3A_987 = arith.constant 3072 : i32
      %add3A_988 = vector.broadcast %add3A_987 : i32 to vector<16xi32>
      %add3A_989 = arith.addi %get3A_850, %add3A_988 : vector<16xi32>
      %gather3A_990 = tpu.vector_load_idx %arg7[%add3A_989] : memref<4096xf32, #tpu.memory_space<vmem>>[vector<16xi32>], vector<16xf32>,
      %mul3A_991 = arith.constant 16 : i32
      %mul3A_992 = arith.muli %scan3A_837, %mul3A_991 : i32
      %swap3A_993 = arith.constant 0 : i32
      %swap3A_994 = arith.constant 6 : i32
      %swap3A_995 = arith.index_cast %swap3A_993 : i32 to index
      %swap3A_996 = arith.index_cast %swap3A_994 : i32 to index
      %swap3A_997 = arith.index_cast %mul3A_992 : i32 to index
      %swap3A_998 = tpu.vector_load %arg10[%swap3A_995, %swap3A_996, %swap3A_997] {strides = array<i32>} : memref<2x8x1024xf32, #tpu.memory_space<vmem>>, vector<16xf32>,
      tpu.vector_store %arg10[%swap3A_995, %swap3A_996, %swap3A_997], %gather3A_990 {strides = array<i32>} : memref<2x8x1024xf32, #tpu.memory_space<vmem>>, vector<16xf32>,
      %mul3A_999 = arith.constant 16 : i32
      %mul3A_1000 = arith.muli %scan3A_837, %mul3A_999 : i32
      %get3A_1001 = arith.constant 0 : i32
      %get3A_1002 = arith.constant 6 : i32
      %get3A_1003 = arith.index_cast %get3A_1001 : i32 to index
      %get3A_1004 = arith.index_cast %get3A_1002 : i32 to index
      %get3A_1005 = arith.index_cast %mul3A_1000 : i32 to index
      %get3A_1006 = tpu.vector_load %arg9[%get3A_1003, %get3A_1004, %get3A_1005] {strides = array<i32>} : memref<2x8x1024xf32, #tpu.memory_space<vmem>>, vector<16xf32>,
      %sub3A_1007 = arith.subf %get3A_1006, %gather3A_990 : vector<16xf32>
      %mul3A_1008 = arith.mulf %sub3A_1007, %sub3A_1007 : vector<16xf32>
      %add3A_1009 = arith.addf %scan3A_844, %mul3A_1008 : vector<16xf32>
      %add3A_1010 = arith.constant 3584 : i32
      %add3A_1011 = vector.broadcast %add3A_1010 : i32 to vector<16xi32>
      %add3A_1012 = arith.addi %get3A_850, %add3A_1011 : vector<16xi32>
      %gather3A_1013 = tpu.vector_load_idx %arg7[%add3A_1012] : memref<4096xf32, #tpu.memory_space<vmem>>[vector<16xi32>], vector<16xf32>,
      %mul3A_1014 = arith.constant 16 : i32
      %mul3A_1015 = arith.muli %scan3A_837, %mul3A_1014 : i32
      %swap3A_1016 = arith.constant 0 : i32
      %swap3A_1017 = arith.constant 7 : i32
      %swap3A_1018 = arith.index_cast %swap3A_1016 : i32 to index
      %swap3A_1019 = arith.index_cast %swap3A_1017 : i32 to index
      %swap3A_1020 = arith.index_cast %mul3A_1015 : i32 to index
      %swap3A_1021 = tpu.vector_load %arg10[%swap3A_1018, %swap3A_1019, %swap3A_1020] {strides = array<i32>} : memref<2x8x1024xf32, #tpu.memory_space<vmem>>, vector<16xf32>,
      tpu.vector_store %arg10[%swap3A_1018, %swap3A_1019, %swap3A_1020], %gather3A_1013 {strides = array<i32>} : memref<2x8x1024xf32, #tpu.memory_space<vmem>>, vector<16xf32>,
      %mul3A_1022 = arith.constant 16 : i32
      %mul3A_1023 = arith.muli %scan3A_837, %mul3A_1022 : i32
      %get3A_1024 = arith.constant 0 : i32
      %get3A_1025 = arith.constant 7 : i32
      %get3A_1026 = arith.index_cast %get3A_1024 : i32 to index
      %get3A_1027 = arith.index_cast %get3A_1025 : i32 to index
      %get3A_1028 = arith.index_cast %mul3A_1023 : i32 to index
      %get3A_1029 = tpu.vector_load %arg9[%get3A_1026, %get3A_1027, %get3A_1028] {strides = array<i32>} : memref<2x8x1024xf32, #tpu.memory_space<vmem>>, vector<16xf32>,
      %sub3A_1030 = arith.subf %get3A_1029, %gather3A_1013 : vector<16xf32>
      %mul3A_1031 = arith.mulf %sub3A_1030, %sub3A_1030 : vector<16xf32>
      %add3A_1032 = arith.addf %scan3A_845, %mul3A_1031 : vector<16xf32>
      scf.yield %add3A_871, %add3A_894, %add3A_917, %add3A_940, %add3A_963, %add3A_986, %add3A_1009, %add3A_1032 : vector<16xf32>, vector<16xf32>, vector<16xf32>, vector<16xf32>, vector<16xf32>, vector<16xf32>, vector<16xf32>, vector<16xf32>
    }
    %scan3A_112 = arith.constant 64 : i32
    %mul3A_113 = arith.constant 8 : i32
    %mul3A_114 = arith.muli %add3A, %mul3A_113 : i32
    %dma_start3A_115 = arith.constant 0 : i32
    %dma_start3A_116 = arith.constant 0 : i32
    %dma_start3A_117 = arith.constant 0 : i32
    %dma_start3A_118 = arith.constant 0 : i32
    %dma_start3A_119 = tpu.memref_slice %arg10[%dma_start3A_115, %dma_start3A_117, %dma_start3A_118] : memref<2x8x1024xf32, #tpu.memory_space<vmem>> -> memref<1x8x1024xf32, #tpu.memory_space<vmem>>
    %dma_start3A_120 = tpu.memref_squeeze %dma_start3A_119 : memref<1x8x1024xf32, #tpu.memory_space<vmem>> -> memref<8x1024xf32, #tpu.memory_space<vmem>>
    %dma_start3A_121 = arith.constant 0 : i32
    %dma_start3A_122 = tpu.memref_slice %arg5[%dma_start3A_116, %mul3A_114, %dma_start3A_121] : memref<8x256x1024xf32, #tpu.memory_space<hbm>> -> memref<1x8x1024xf32, #tpu.memory_space<hbm>>
    %dma_start3A_123 = tpu.memref_squeeze %dma_start3A_122 : memref<1x8x1024xf32, #tpu.memory_space<hbm>> -> memref<8x1024xf32, #tpu.memory_space<hbm>>
    %dma_start3A_124 = arith.constant 0 : i32
    %dma_start3A_125 = tpu.memref_slice %arg5[%dma_start3A_116, %mul3A_114, %dma_start3A_124] : memref<8x256x1024xf32, #tpu.memory_space<hbm>> -> memref<1x8x1024xf32, #tpu.memory_space<hbm>>
    %dma_start3A_126 = tpu.memref_squeeze %dma_start3A_125 : memref<1x8x1024xf32, #tpu.memory_space<hbm>> -> memref<8x1024xf32, #tpu.memory_space<hbm>>
    %dma_start3A_127 = arith.constant 0 : i32
    %dma_start3A_128 = arith.constant 0 : i32
    %dma_start3A_129 = tpu.memref_slice %arg10[%dma_start3A_115, %dma_start3A_127, %dma_start3A_128] : memref<2x8x1024xf32, #tpu.memory_space<vmem>> -> memref<1x8x1024xf32, #tpu.memory_space<vmem>>
    %dma_start3A_130 = tpu.memref_squeeze %dma_start3A_129 : memref<1x8x1024xf32, #tpu.memory_space<vmem>> -> memref<8x1024xf32, #tpu.memory_space<vmem>>
    tpu.enqueue_dma source(%dma_start3A_130 : memref<8x1024xf32, #tpu.memory_space<vmem>>) target(%dma_start3A_126 : memref<8x1024xf32, #tpu.memory_space<hbm>>) target_semaphore(%arg16 : memref<!tpu.dma_semaphore, #tpu.memory_space<semaphore_mem>>)
    %dma_wait3A_131 = arith.constant 1 : i32
    %dma_wait3A_132 = arith.constant 1 : i32
    %dma_wait3A_133 = arith.constant 0 : i32
    %dma_wait3A_134 = tpu.memref_slice %arg8[%dma_wait3A_132, %dma_wait3A_133] : memref<2x1024xi32, #tpu.memory_space<vmem>> -> memref<1x1024xi32, #tpu.memory_space<vmem>>
    %dma_wait3A_135 = tpu.memref_squeeze %dma_wait3A_134 : memref<1x1024xi32, #tpu.memory_space<vmem>> -> memref<1024xi32, #tpu.memory_space<vmem>>
    %dma_wait3A_136 = arith.constant 0 : i32
    %dma_wait3A_137 = tpu.memref_slice %arg3[%dma_wait3A_131, %add3A, %dma_wait3A_136] : memref<8x32x1024xi32, #tpu.memory_space<hbm>> -> memref<1x1x1024xi32, #tpu.memory_space<hbm>>
    %dma_wait3A_138 = tpu.memref_squeeze %dma_wait3A_137 : memref<1x1x1024xi32, #tpu.memory_space<hbm>> -> memref<1024xi32, #tpu.memory_space<hbm>>
    %dma_wait3A_139 = arith.constant 0 : i32
    %dma_wait3A_140 = tpu.memref_slice %arg8[%dma_wait3A_132, %dma_wait3A_139] : memref<2x1024xi32, #tpu.memory_space<vmem>> -> memref<1x1024xi32, #tpu.memory_space<vmem>>
    %dma_wait3A_141 = tpu.memref_squeeze %dma_wait3A_140 : memref<1x1024xi32, #tpu.memory_space<vmem>> -> memref<1024xi32, #tpu.memory_space<vmem>>
    %dma_wait3A_142 = arith.constant 0 : i32
    %dma_wait3A_143 = tpu.memref_slice %arg3[%dma_wait3A_131, %add3A, %dma_wait3A_142] : memref<8x32x1024xi32, #tpu.memory_space<hbm>> -> memref<1x1x1024xi32, #tpu.memory_space<hbm>>
    %dma_wait3A_144 = tpu.memref_squeeze %dma_wait3A_143 : memref<1x1x1024xi32, #tpu.memory_space<hbm>> -> memref<1024xi32, #tpu.memory_space<hbm>>
    tpu.wait_dma2 semaphore(%arg13 : memref<!tpu.dma_semaphore, #tpu.memory_space<semaphore_mem>>) src(%dma_wait3A_144 : memref<1024xi32, #tpu.memory_space<hbm>>) dst(%dma_wait3A_141 : memref<1024xi32, #tpu.memory_space<vmem>>)
    %dma_wait3A_145 = arith.constant 1 : i32
    %dma_wait3A_146 = arith.constant 1 : i32
    %dma_wait3A_147 = arith.constant 0 : i32
    %dma_wait3A_148 = arith.constant 0 : i32
    %dma_wait3A_149 = tpu.memref_slice %arg9[%dma_wait3A_146, %dma_wait3A_147, %dma_wait3A_148] : memref<2x8x1024xf32, #tpu.memory_space<vmem>> -> memref<1x8x1024xf32, #tpu.memory_space<vmem>>
    %dma_wait3A_150 = tpu.memref_squeeze %dma_wait3A_149 : memref<1x8x1024xf32, #tpu.memory_space<vmem>> -> memref<8x1024xf32, #tpu.memory_space<vmem>>
    %dma_wait3A_151 = arith.constant 0 : i32
    %dma_wait3A_152 = tpu.memref_slice %arg4[%dma_wait3A_145, %mul3A_91, %dma_wait3A_151] : memref<8x256x1024xf32, #tpu.memory_space<hbm>> -> memref<1x8x1024xf32, #tpu.memory_space<hbm>>
    %dma_wait3A_153 = tpu.memref_squeeze %dma_wait3A_152 : memref<1x8x1024xf32, #tpu.memory_space<hbm>> -> memref<8x1024xf32, #tpu.memory_space<hbm>>
    %dma_wait3A_154 = arith.constant 0 : i32
    %dma_wait3A_155 = arith.constant 0 : i32
    %dma_wait3A_156 = tpu.memref_slice %arg9[%dma_wait3A_146, %dma_wait3A_154, %dma_wait3A_155] : memref<2x8x1024xf32, #tpu.memory_space<vmem>> -> memref<1x8x1024xf32, #tpu.memory_space<vmem>>
    %dma_wait3A_157 = tpu.memref_squeeze %dma_wait3A_156 : memref<1x8x1024xf32, #tpu.memory_space<vmem>> -> memref<8x1024xf32, #tpu.memory_space<vmem>>
    %dma_wait3A_158 = arith.constant 0 : i32
    %dma_wait3A_159 = tpu.memref_slice %arg4[%dma_wait3A_145, %mul3A_91, %dma_wait3A_158] : memref<8x256x1024xf32, #tpu.memory_space<hbm>> -> memref<1x8x1024xf32, #tpu.memory_space<hbm>>
    %dma_wait3A_160 = tpu.memref_squeeze %dma_wait3A_159 : memref<1x8x1024xf32, #tpu.memory_space<hbm>> -> memref<8x1024xf32, #tpu.memory_space<hbm>>
    tpu.wait_dma2 semaphore(%arg15 : memref<!tpu.dma_semaphore, #tpu.memory_space<semaphore_mem>>) src(%dma_wait3A_160 : memref<8x1024xf32, #tpu.memory_space<hbm>>) dst(%dma_wait3A_157 : memref<8x1024xf32, #tpu.memory_space<vmem>>)
    %dma_start3A_161 = arith.constant 2 : i32
    %dma_start3A_162 = arith.constant 0 : i32
    %dma_start3A_163 = arith.constant 0 : i32
    %dma_start3A_164 = tpu.memref_slice %arg8[%dma_start3A_162, %dma_start3A_163] : memref<2x1024xi32, #tpu.memory_space<vmem>> -> memref<1x1024xi32, #tpu.memory_space<vmem>>
    %dma_start3A_165 = tpu.memref_squeeze %dma_start3A_164 : memref<1x1024xi32, #tpu.memory_space<vmem>> -> memref<1024xi32, #tpu.memory_space<vmem>>
    %dma_start3A_166 = arith.constant 0 : i32
    %dma_start3A_167 = tpu.memref_slice %arg3[%dma_start3A_161, %add3A, %dma_start3A_166] : memref<8x32x1024xi32, #tpu.memory_space<hbm>> -> memref<1x1x1024xi32, #tpu.memory_space<hbm>>
    %dma_start3A_168 = tpu.memref_squeeze %dma_start3A_167 : memref<1x1x1024xi32, #tpu.memory_space<hbm>> -> memref<1024xi32, #tpu.memory_space<hbm>>
    %dma_start3A_169 = arith.constant 0 : i32
    %dma_start3A_170 = tpu.memref_slice %arg8[%dma_start3A_162, %dma_start3A_169] : memref<2x1024xi32, #tpu.memory_space<vmem>> -> memref<1x1024xi32, #tpu.memory_space<vmem>>
    %dma_start3A_171 = tpu.memref_squeeze %dma_start3A_170 : memref<1x1024xi32, #tpu.memory_space<vmem>> -> memref<1024xi32, #tpu.memory_space<vmem>>
    %dma_start3A_172 = arith.constant 0 : i32
    %dma_start3A_173 = tpu.memref_slice %arg3[%dma_start3A_161, %add3A, %dma_start3A_172] : memref<8x32x1024xi32, #tpu.memory_space<hbm>> -> memref<1x1x1024xi32, #tpu.memory_space<hbm>>
    %dma_start3A_174 = tpu.memref_squeeze %dma_start3A_173 : memref<1x1x1024xi32, #tpu.memory_space<hbm>> -> memref<1024xi32, #tpu.memory_space<hbm>>
    tpu.enqueue_dma source(%dma_start3A_174 : memref<1024xi32, #tpu.memory_space<hbm>>) target(%dma_start3A_171 : memref<1024xi32, #tpu.memory_space<vmem>>) target_semaphore(%arg12 : memref<!tpu.dma_semaphore, #tpu.memory_space<semaphore_mem>>)
    %mul3A_175 = arith.constant 8 : i32
    %mul3A_176 = arith.muli %add3A, %mul3A_175 : i32
    %dma_start3A_177 = arith.constant 2 : i32
    %dma_start3A_178 = arith.constant 0 : i32
    %dma_start3A_179 = arith.constant 0 : i32
    %dma_start3A_180 = arith.constant 0 : i32
    %dma_start3A_181 = tpu.memref_slice %arg9[%dma_start3A_178, %dma_start3A_179, %dma_start3A_180] : memref<2x8x1024xf32, #tpu.memory_space<vmem>> -> memref<1x8x1024xf32, #tpu.memory_space<vmem>>
    %dma_start3A_182 = tpu.memref_squeeze %dma_start3A_181 : memref<1x8x1024xf32, #tpu.memory_space<vmem>> -> memref<8x1024xf32, #tpu.memory_space<vmem>>
    %dma_start3A_183 = arith.constant 0 : i32
    %dma_start3A_184 = tpu.memref_slice %arg4[%dma_start3A_177, %mul3A_176, %dma_start3A_183] : memref<8x256x1024xf32, #tpu.memory_space<hbm>> -> memref<1x8x1024xf32, #tpu.memory_space<hbm>>
    %dma_start3A_185 = tpu.memref_squeeze %dma_start3A_184 : memref<1x8x1024xf32, #tpu.memory_space<hbm>> -> memref<8x1024xf32, #tpu.memory_space<hbm>>
    %dma_start3A_186 = arith.constant 0 : i32
    %dma_start3A_187 = arith.constant 0 : i32
    %dma_start3A_188 = tpu.memref_slice %arg9[%dma_start3A_178, %dma_start3A_186, %dma_start3A_187] : memref<2x8x1024xf32, #tpu.memory_space<vmem>> -> memref<1x8x1024xf32, #tpu.memory_space<vmem>>
    %dma_start3A_189 = tpu.memref_squeeze %dma_start3A_188 : memref<1x8x1024xf32, #tpu.memory_space<vmem>> -> memref<8x1024xf32, #tpu.memory_space<vmem>>
    %dma_start3A_190 = arith.constant 0 : i32
    %dma_start3A_191 = tpu.memref_slice %arg4[%dma_start3A_177, %mul3A_176, %dma_start3A_190] : memref<8x256x1024xf32, #tpu.memory_space<hbm>> -> memref<1x8x1024xf32, #tpu.memory_space<hbm>>
    %dma_start3A_192 = tpu.memref_squeeze %dma_start3A_191 : memref<1x8x1024xf32, #tpu.memory_space<hbm>> -> memref<8x1024xf32, #tpu.memory_space<hbm>>
    tpu.enqueue_dma source(%dma_start3A_192 : memref<8x1024xf32, #tpu.memory_space<hbm>>) target(%dma_start3A_189 : memref<8x1024xf32, #tpu.memory_space<vmem>>) target_semaphore(%arg14 : memref<!tpu.dma_semaphore, #tpu.memory_space<semaphore_mem>>)
    %scan3A_193 = arith.constant 0 : i32
    %scan3A_194 = arith.constant 64 : i32
    %scan3A_195 = arith.addi %scan3A_193, %scan3A_194 : i32
    %scan3A_196 = arith.constant 1 : i32
    %scan3A_197:8 = scf.for %scan3A_837 = %scan3A_193 to %scan3A_195 step %scan3A_196 iter_args(%scan3A_838 = %scan3A_111#0, %scan3A_839 = %scan3A_111#1, %scan3A_840 = %scan3A_111#2, %scan3A_841 = %scan3A_111#3, %scan3A_842 = %scan3A_111#4, %scan3A_843 = %scan3A_111#5, %scan3A_844 = %scan3A_111#6, %scan3A_845 = %scan3A_111#7) -> (vector<16xf32>, vector<16xf32>, vector<16xf32>, vector<16xf32>, vector<16xf32>, vector<16xf32>, vector<16xf32>, vector<16xf32>)  : i32 {
      %mul3A_846 = arith.constant 16 : i32
      %mul3A_847 = arith.muli %scan3A_837, %mul3A_846 : i32
      %get3A = arith.constant 1 : i32
      %get3A_848 = arith.index_cast %get3A : i32 to index
      %get3A_849 = arith.index_cast %mul3A_847 : i32 to index
      %get3A_850 = tpu.vector_load %arg8[%get3A_848, %get3A_849] {strides = array<i32>} : memref<2x1024xi32, #tpu.memory_space<vmem>>, vector<16xi32>,
      %add3A_851 = arith.constant 0 : i32
      %add3A_852 = vector.broadcast %add3A_851 : i32 to vector<16xi32>
      %add3A_853 = arith.addi %get3A_850, %add3A_852 : vector<16xi32>
      %gather3A = tpu.vector_load_idx %arg7[%add3A_853] : memref<4096xf32, #tpu.memory_space<vmem>>[vector<16xi32>], vector<16xf32>,
      %mul3A_854 = arith.constant 16 : i32
      %mul3A_855 = arith.muli %scan3A_837, %mul3A_854 : i32
      %swap3A_856 = arith.constant 1 : i32
      %swap3A_857 = arith.constant 0 : i32
      %swap3A_858 = arith.index_cast %swap3A_856 : i32 to index
      %swap3A_859 = arith.index_cast %swap3A_857 : i32 to index
      %swap3A_860 = arith.index_cast %mul3A_855 : i32 to index
      %swap3A_861 = tpu.vector_load %arg10[%swap3A_858, %swap3A_859, %swap3A_860] {strides = array<i32>} : memref<2x8x1024xf32, #tpu.memory_space<vmem>>, vector<16xf32>,
      tpu.vector_store %arg10[%swap3A_858, %swap3A_859, %swap3A_860], %gather3A {strides = array<i32>} : memref<2x8x1024xf32, #tpu.memory_space<vmem>>, vector<16xf32>,
      %mul3A_862 = arith.constant 16 : i32
      %mul3A_863 = arith.muli %scan3A_837, %mul3A_862 : i32
      %get3A_864 = arith.constant 1 : i32
      %get3A_865 = arith.constant 0 : i32
      %get3A_866 = arith.index_cast %get3A_864 : i32 to index
      %get3A_867 = arith.index_cast %get3A_865 : i32 to index
      %get3A_868 = arith.index_cast %mul3A_863 : i32 to index
      %get3A_869 = tpu.vector_load %arg9[%get3A_866, %get3A_867, %get3A_868] {strides = array<i32>} : memref<2x8x1024xf32, #tpu.memory_space<vmem>>, vector<16xf32>,
      %sub3A = arith.subf %get3A_869, %gather3A : vector<16xf32>
      %mul3A_870 = arith.mulf %sub3A, %sub3A : vector<16xf32>
      %add3A_871 = arith.addf %scan3A_838, %mul3A_870 : vector<16xf32>
      %add3A_872 = arith.constant 512 : i32
      %add3A_873 = vector.broadcast %add3A_872 : i32 to vector<16xi32>
      %add3A_874 = arith.addi %get3A_850, %add3A_873 : vector<16xi32>
      %gather3A_875 = tpu.vector_load_idx %arg7[%add3A_874] : memref<4096xf32, #tpu.memory_space<vmem>>[vector<16xi32>], vector<16xf32>,
      %mul3A_876 = arith.constant 16 : i32
      %mul3A_877 = arith.muli %scan3A_837, %mul3A_876 : i32
      %swap3A_878 = arith.constant 1 : i32
      %swap3A_879 = arith.constant 1 : i32
      %swap3A_880 = arith.index_cast %swap3A_878 : i32 to index
      %swap3A_881 = arith.index_cast %swap3A_879 : i32 to index
      %swap3A_882 = arith.index_cast %mul3A_877 : i32 to index
      %swap3A_883 = tpu.vector_load %arg10[%swap3A_880, %swap3A_881, %swap3A_882] {strides = array<i32>} : memref<2x8x1024xf32, #tpu.memory_space<vmem>>, vector<16xf32>,
      tpu.vector_store %arg10[%swap3A_880, %swap3A_881, %swap3A_882], %gather3A_875 {strides = array<i32>} : memref<2x8x1024xf32, #tpu.memory_space<vmem>>, vector<16xf32>,
      %mul3A_884 = arith.constant 16 : i32
      %mul3A_885 = arith.muli %scan3A_837, %mul3A_884 : i32
      %get3A_886 = arith.constant 1 : i32
      %get3A_887 = arith.constant 1 : i32
      %get3A_888 = arith.index_cast %get3A_886 : i32 to index
      %get3A_889 = arith.index_cast %get3A_887 : i32 to index
      %get3A_890 = arith.index_cast %mul3A_885 : i32 to index
      %get3A_891 = tpu.vector_load %arg9[%get3A_888, %get3A_889, %get3A_890] {strides = array<i32>} : memref<2x8x1024xf32, #tpu.memory_space<vmem>>, vector<16xf32>,
      %sub3A_892 = arith.subf %get3A_891, %gather3A_875 : vector<16xf32>
      %mul3A_893 = arith.mulf %sub3A_892, %sub3A_892 : vector<16xf32>
      %add3A_894 = arith.addf %scan3A_839, %mul3A_893 : vector<16xf32>
      %add3A_895 = arith.constant 1024 : i32
      %add3A_896 = vector.broadcast %add3A_895 : i32 to vector<16xi32>
      %add3A_897 = arith.addi %get3A_850, %add3A_896 : vector<16xi32>
      %gather3A_898 = tpu.vector_load_idx %arg7[%add3A_897] : memref<4096xf32, #tpu.memory_space<vmem>>[vector<16xi32>], vector<16xf32>,
      %mul3A_899 = arith.constant 16 : i32
      %mul3A_900 = arith.muli %scan3A_837, %mul3A_899 : i32
      %swap3A_901 = arith.constant 1 : i32
      %swap3A_902 = arith.constant 2 : i32
      %swap3A_903 = arith.index_cast %swap3A_901 : i32 to index
      %swap3A_904 = arith.index_cast %swap3A_902 : i32 to index
      %swap3A_905 = arith.index_cast %mul3A_900 : i32 to index
      %swap3A_906 = tpu.vector_load %arg10[%swap3A_903, %swap3A_904, %swap3A_905] {strides = array<i32>} : memref<2x8x1024xf32, #tpu.memory_space<vmem>>, vector<16xf32>,
      tpu.vector_store %arg10[%swap3A_903, %swap3A_904, %swap3A_905], %gather3A_898 {strides = array<i32>} : memref<2x8x1024xf32, #tpu.memory_space<vmem>>, vector<16xf32>,
      %mul3A_907 = arith.constant 16 : i32
      %mul3A_908 = arith.muli %scan3A_837, %mul3A_907 : i32
      %get3A_909 = arith.constant 1 : i32
      %get3A_910 = arith.constant 2 : i32
      %get3A_911 = arith.index_cast %get3A_909 : i32 to index
      %get3A_912 = arith.index_cast %get3A_910 : i32 to index
      %get3A_913 = arith.index_cast %mul3A_908 : i32 to index
      %get3A_914 = tpu.vector_load %arg9[%get3A_911, %get3A_912, %get3A_913] {strides = array<i32>} : memref<2x8x1024xf32, #tpu.memory_space<vmem>>, vector<16xf32>,
      %sub3A_915 = arith.subf %get3A_914, %gather3A_898 : vector<16xf32>
      %mul3A_916 = arith.mulf %sub3A_915, %sub3A_915 : vector<16xf32>
      %add3A_917 = arith.addf %scan3A_840, %mul3A_916 : vector<16xf32>
      %add3A_918 = arith.constant 1536 : i32
      %add3A_919 = vector.broadcast %add3A_918 : i32 to vector<16xi32>
      %add3A_920 = arith.addi %get3A_850, %add3A_919 : vector<16xi32>
      %gather3A_921 = tpu.vector_load_idx %arg7[%add3A_920] : memref<4096xf32, #tpu.memory_space<vmem>>[vector<16xi32>], vector<16xf32>,
      %mul3A_922 = arith.constant 16 : i32
      %mul3A_923 = arith.muli %scan3A_837, %mul3A_922 : i32
      %swap3A_924 = arith.constant 1 : i32
      %swap3A_925 = arith.constant 3 : i32
      %swap3A_926 = arith.index_cast %swap3A_924 : i32 to index
      %swap3A_927 = arith.index_cast %swap3A_925 : i32 to index
      %swap3A_928 = arith.index_cast %mul3A_923 : i32 to index
      %swap3A_929 = tpu.vector_load %arg10[%swap3A_926, %swap3A_927, %swap3A_928] {strides = array<i32>} : memref<2x8x1024xf32, #tpu.memory_space<vmem>>, vector<16xf32>,
      tpu.vector_store %arg10[%swap3A_926, %swap3A_927, %swap3A_928], %gather3A_921 {strides = array<i32>} : memref<2x8x1024xf32, #tpu.memory_space<vmem>>, vector<16xf32>,
      %mul3A_930 = arith.constant 16 : i32
      %mul3A_931 = arith.muli %scan3A_837, %mul3A_930 : i32
      %get3A_932 = arith.constant 1 : i32
      %get3A_933 = arith.constant 3 : i32
      %get3A_934 = arith.index_cast %get3A_932 : i32 to index
      %get3A_935 = arith.index_cast %get3A_933 : i32 to index
      %get3A_936 = arith.index_cast %mul3A_931 : i32 to index
      %get3A_937 = tpu.vector_load %arg9[%get3A_934, %get3A_935, %get3A_936] {strides = array<i32>} : memref<2x8x1024xf32, #tpu.memory_space<vmem>>, vector<16xf32>,
      %sub3A_938 = arith.subf %get3A_937, %gather3A_921 : vector<16xf32>
      %mul3A_939 = arith.mulf %sub3A_938, %sub3A_938 : vector<16xf32>
      %add3A_940 = arith.addf %scan3A_841, %mul3A_939 : vector<16xf32>
      %add3A_941 = arith.constant 2048 : i32
      %add3A_942 = vector.broadcast %add3A_941 : i32 to vector<16xi32>
      %add3A_943 = arith.addi %get3A_850, %add3A_942 : vector<16xi32>
      %gather3A_944 = tpu.vector_load_idx %arg7[%add3A_943] : memref<4096xf32, #tpu.memory_space<vmem>>[vector<16xi32>], vector<16xf32>,
      %mul3A_945 = arith.constant 16 : i32
      %mul3A_946 = arith.muli %scan3A_837, %mul3A_945 : i32
      %swap3A_947 = arith.constant 1 : i32
      %swap3A_948 = arith.constant 4 : i32
      %swap3A_949 = arith.index_cast %swap3A_947 : i32 to index
      %swap3A_950 = arith.index_cast %swap3A_948 : i32 to index
      %swap3A_951 = arith.index_cast %mul3A_946 : i32 to index
      %swap3A_952 = tpu.vector_load %arg10[%swap3A_949, %swap3A_950, %swap3A_951] {strides = array<i32>} : memref<2x8x1024xf32, #tpu.memory_space<vmem>>, vector<16xf32>,
      tpu.vector_store %arg10[%swap3A_949, %swap3A_950, %swap3A_951], %gather3A_944 {strides = array<i32>} : memref<2x8x1024xf32, #tpu.memory_space<vmem>>, vector<16xf32>,
      %mul3A_953 = arith.constant 16 : i32
      %mul3A_954 = arith.muli %scan3A_837, %mul3A_953 : i32
      %get3A_955 = arith.constant 1 : i32
      %get3A_956 = arith.constant 4 : i32
      %get3A_957 = arith.index_cast %get3A_955 : i32 to index
      %get3A_958 = arith.index_cast %get3A_956 : i32 to index
      %get3A_959 = arith.index_cast %mul3A_954 : i32 to index
      %get3A_960 = tpu.vector_load %arg9[%get3A_957, %get3A_958, %get3A_959] {strides = array<i32>} : memref<2x8x1024xf32, #tpu.memory_space<vmem>>, vector<16xf32>,
      %sub3A_961 = arith.subf %get3A_960, %gather3A_944 : vector<16xf32>
      %mul3A_962 = arith.mulf %sub3A_961, %sub3A_961 : vector<16xf32>
      %add3A_963 = arith.addf %scan3A_842, %mul3A_962 : vector<16xf32>
      %add3A_964 = arith.constant 2560 : i32
      %add3A_965 = vector.broadcast %add3A_964 : i32 to vector<16xi32>
      %add3A_966 = arith.addi %get3A_850, %add3A_965 : vector<16xi32>
      %gather3A_967 = tpu.vector_load_idx %arg7[%add3A_966] : memref<4096xf32, #tpu.memory_space<vmem>>[vector<16xi32>], vector<16xf32>,
      %mul3A_968 = arith.constant 16 : i32
      %mul3A_969 = arith.muli %scan3A_837, %mul3A_968 : i32
      %swap3A_970 = arith.constant 1 : i32
      %swap3A_971 = arith.constant 5 : i32
      %swap3A_972 = arith.index_cast %swap3A_970 : i32 to index
      %swap3A_973 = arith.index_cast %swap3A_971 : i32 to index
      %swap3A_974 = arith.index_cast %mul3A_969 : i32 to index
      %swap3A_975 = tpu.vector_load %arg10[%swap3A_972, %swap3A_973, %swap3A_974] {strides = array<i32>} : memref<2x8x1024xf32, #tpu.memory_space<vmem>>, vector<16xf32>,
      tpu.vector_store %arg10[%swap3A_972, %swap3A_973, %swap3A_974], %gather3A_967 {strides = array<i32>} : memref<2x8x1024xf32, #tpu.memory_space<vmem>>, vector<16xf32>,
      %mul3A_976 = arith.constant 16 : i32
      %mul3A_977 = arith.muli %scan3A_837, %mul3A_976 : i32
      %get3A_978 = arith.constant 1 : i32
      %get3A_979 = arith.constant 5 : i32
      %get3A_980 = arith.index_cast %get3A_978 : i32 to index
      %get3A_981 = arith.index_cast %get3A_979 : i32 to index
      %get3A_982 = arith.index_cast %mul3A_977 : i32 to index
      %get3A_983 = tpu.vector_load %arg9[%get3A_980, %get3A_981, %get3A_982] {strides = array<i32>} : memref<2x8x1024xf32, #tpu.memory_space<vmem>>, vector<16xf32>,
      %sub3A_984 = arith.subf %get3A_983, %gather3A_967 : vector<16xf32>
      %mul3A_985 = arith.mulf %sub3A_984, %sub3A_984 : vector<16xf32>
      %add3A_986 = arith.addf %scan3A_843, %mul3A_985 : vector<16xf32>
      %add3A_987 = arith.constant 3072 : i32
      %add3A_988 = vector.broadcast %add3A_987 : i32 to vector<16xi32>
      %add3A_989 = arith.addi %get3A_850, %add3A_988 : vector<16xi32>
      %gather3A_990 = tpu.vector_load_idx %arg7[%add3A_989] : memref<4096xf32, #tpu.memory_space<vmem>>[vector<16xi32>], vector<16xf32>,
      %mul3A_991 = arith.constant 16 : i32
      %mul3A_992 = arith.muli %scan3A_837, %mul3A_991 : i32
      %swap3A_993 = arith.constant 1 : i32
      %swap3A_994 = arith.constant 6 : i32
      %swap3A_995 = arith.index_cast %swap3A_993 : i32 to index
      %swap3A_996 = arith.index_cast %swap3A_994 : i32 to index
      %swap3A_997 = arith.index_cast %mul3A_992 : i32 to index
      %swap3A_998 = tpu.vector_load %arg10[%swap3A_995, %swap3A_996, %swap3A_997] {strides = array<i32>} : memref<2x8x1024xf32, #tpu.memory_space<vmem>>, vector<16xf32>,
      tpu.vector_store %arg10[%swap3A_995, %swap3A_996, %swap3A_997], %gather3A_990 {strides = array<i32>} : memref<2x8x1024xf32, #tpu.memory_space<vmem>>, vector<16xf32>,
      %mul3A_999 = arith.constant 16 : i32
      %mul3A_1000 = arith.muli %scan3A_837, %mul3A_999 : i32
      %get3A_1001 = arith.constant 1 : i32
      %get3A_1002 = arith.constant 6 : i32
      %get3A_1003 = arith.index_cast %get3A_1001 : i32 to index
      %get3A_1004 = arith.index_cast %get3A_1002 : i32 to index
      %get3A_1005 = arith.index_cast %mul3A_1000 : i32 to index
      %get3A_1006 = tpu.vector_load %arg9[%get3A_1003, %get3A_1004, %get3A_1005] {strides = array<i32>} : memref<2x8x1024xf32, #tpu.memory_space<vmem>>, vector<16xf32>,
      %sub3A_1007 = arith.subf %get3A_1006, %gather3A_990 : vector<16xf32>
      %mul3A_1008 = arith.mulf %sub3A_1007, %sub3A_1007 : vector<16xf32>
      %add3A_1009 = arith.addf %scan3A_844, %mul3A_1008 : vector<16xf32>
      %add3A_1010 = arith.constant 3584 : i32
      %add3A_1011 = vector.broadcast %add3A_1010 : i32 to vector<16xi32>
      %add3A_1012 = arith.addi %get3A_850, %add3A_1011 : vector<16xi32>
      %gather3A_1013 = tpu.vector_load_idx %arg7[%add3A_1012] : memref<4096xf32, #tpu.memory_space<vmem>>[vector<16xi32>], vector<16xf32>,
      %mul3A_1014 = arith.constant 16 : i32
      %mul3A_1015 = arith.muli %scan3A_837, %mul3A_1014 : i32
      %swap3A_1016 = arith.constant 1 : i32
      %swap3A_1017 = arith.constant 7 : i32
      %swap3A_1018 = arith.index_cast %swap3A_1016 : i32 to index
      %swap3A_1019 = arith.index_cast %swap3A_1017 : i32 to index
      %swap3A_1020 = arith.index_cast %mul3A_1015 : i32 to index
      %swap3A_1021 = tpu.vector_load %arg10[%swap3A_1018, %swap3A_1019, %swap3A_1020] {strides = array<i32>} : memref<2x8x1024xf32, #tpu.memory_space<vmem>>, vector<16xf32>,
      tpu.vector_store %arg10[%swap3A_1018, %swap3A_1019, %swap3A_1020], %gather3A_1013 {strides = array<i32>} : memref<2x8x1024xf32, #tpu.memory_space<vmem>>, vector<16xf32>,
      %mul3A_1022 = arith.constant 16 : i32
      %mul3A_1023 = arith.muli %scan3A_837, %mul3A_1022 : i32
      %get3A_1024 = arith.constant 1 : i32
      %get3A_1025 = arith.constant 7 : i32
      %get3A_1026 = arith.index_cast %get3A_1024 : i32 to index
      %get3A_1027 = arith.index_cast %get3A_1025 : i32 to index
      %get3A_1028 = arith.index_cast %mul3A_1023 : i32 to index
      %get3A_1029 = tpu.vector_load %arg9[%get3A_1026, %get3A_1027, %get3A_1028] {strides = array<i32>} : memref<2x8x1024xf32, #tpu.memory_space<vmem>>, vector<16xf32>,
      %sub3A_1030 = arith.subf %get3A_1029, %gather3A_1013 : vector<16xf32>
      %mul3A_1031 = arith.mulf %sub3A_1030, %sub3A_1030 : vector<16xf32>
      %add3A_1032 = arith.addf %scan3A_845, %mul3A_1031 : vector<16xf32>
      scf.yield %add3A_871, %add3A_894, %add3A_917, %add3A_940, %add3A_963, %add3A_986, %add3A_1009, %add3A_1032 : vector<16xf32>, vector<16xf32>, vector<16xf32>, vector<16xf32>, vector<16xf32>, vector<16xf32>, vector<16xf32>, vector<16xf32>
    }
    %scan3A_198 = arith.constant 64 : i32
    %mul3A_199 = arith.constant 8 : i32
    %mul3A_200 = arith.muli %add3A, %mul3A_199 : i32
    %dma_start3A_201 = arith.constant 1 : i32
    %dma_start3A_202 = arith.constant 1 : i32
    %dma_start3A_203 = arith.constant 0 : i32
    %dma_start3A_204 = arith.constant 0 : i32
    %dma_start3A_205 = tpu.memref_slice %arg10[%dma_start3A_201, %dma_start3A_203, %dma_start3A_204] : memref<2x8x1024xf32, #tpu.memory_space<vmem>> -> memref<1x8x1024xf32, #tpu.memory_space<vmem>>
    %dma_start3A_206 = tpu.memref_squeeze %dma_start3A_205 : memref<1x8x1024xf32, #tpu.memory_space<vmem>> -> memref<8x1024xf32, #tpu.memory_space<vmem>>
    %dma_start3A_207 = arith.constant 0 : i32
    %dma_start3A_208 = tpu.memref_slice %arg5[%dma_start3A_202, %mul3A_200, %dma_start3A_207] : memref<8x256x1024xf32, #tpu.memory_space<hbm>> -> memref<1x8x1024xf32, #tpu.memory_space<hbm>>
    %dma_start3A_209 = tpu.memref_squeeze %dma_start3A_208 : memref<1x8x1024xf32, #tpu.memory_space<hbm>> -> memref<8x1024xf32, #tpu.memory_space<hbm>>
    %dma_start3A_210 = arith.constant 0 : i32
    %dma_start3A_211 = tpu.memref_slice %arg5[%dma_start3A_202, %mul3A_200, %dma_start3A_210] : memref<8x256x1024xf32, #tpu.memory_space<hbm>> -> memref<1x8x1024xf32, #tpu.memory_space<hbm>>
    %dma_start3A_212 = tpu.memref_squeeze %dma_start3A_211 : memref<1x8x1024xf32, #tpu.memory_space<hbm>> -> memref<8x1024xf32, #tpu.memory_space<hbm>>
    %dma_start3A_213 = arith.constant 0 : i32
    %dma_start3A_214 = arith.constant 0 : i32
    %dma_start3A_215 = tpu.memref_slice %arg10[%dma_start3A_201, %dma_start3A_213, %dma_start3A_214] : memref<2x8x1024xf32, #tpu.memory_space<vmem>> -> memref<1x8x1024xf32, #tpu.memory_space<vmem>>
    %dma_start3A_216 = tpu.memref_squeeze %dma_start3A_215 : memref<1x8x1024xf32, #tpu.memory_space<vmem>> -> memref<8x1024xf32, #tpu.memory_space<vmem>>
    tpu.enqueue_dma source(%dma_start3A_216 : memref<8x1024xf32, #tpu.memory_space<vmem>>) target(%dma_start3A_212 : memref<8x1024xf32, #tpu.memory_space<hbm>>) target_semaphore(%arg17 : memref<!tpu.dma_semaphore, #tpu.memory_space<semaphore_mem>>)
    %dma_wait3A_217 = arith.constant 2 : i32
    %dma_wait3A_218 = arith.constant 0 : i32
    %dma_wait3A_219 = arith.constant 0 : i32
    %dma_wait3A_220 = tpu.memref_slice %arg8[%dma_wait3A_218, %dma_wait3A_219] : memref<2x1024xi32, #tpu.memory_space<vmem>> -> memref<1x1024xi32, #tpu.memory_space<vmem>>
    %dma_wait3A_221 = tpu.memref_squeeze %dma_wait3A_220 : memref<1x1024xi32, #tpu.memory_space<vmem>> -> memref<1024xi32, #tpu.memory_space<vmem>>
    %dma_wait3A_222 = arith.constant 0 : i32
    %dma_wait3A_223 = tpu.memref_slice %arg3[%dma_wait3A_217, %add3A, %dma_wait3A_222] : memref<8x32x1024xi32, #tpu.memory_space<hbm>> -> memref<1x1x1024xi32, #tpu.memory_space<hbm>>
    %dma_wait3A_224 = tpu.memref_squeeze %dma_wait3A_223 : memref<1x1x1024xi32, #tpu.memory_space<hbm>> -> memref<1024xi32, #tpu.memory_space<hbm>>
    %dma_wait3A_225 = arith.constant 0 : i32
    %dma_wait3A_226 = tpu.memref_slice %arg8[%dma_wait3A_218, %dma_wait3A_225] : memref<2x1024xi32, #tpu.memory_space<vmem>> -> memref<1x1024xi32, #tpu.memory_space<vmem>>
    %dma_wait3A_227 = tpu.memref_squeeze %dma_wait3A_226 : memref<1x1024xi32, #tpu.memory_space<vmem>> -> memref<1024xi32, #tpu.memory_space<vmem>>
    %dma_wait3A_228 = arith.constant 0 : i32
    %dma_wait3A_229 = tpu.memref_slice %arg3[%dma_wait3A_217, %add3A, %dma_wait3A_228] : memref<8x32x1024xi32, #tpu.memory_space<hbm>> -> memref<1x1x1024xi32, #tpu.memory_space<hbm>>
    %dma_wait3A_230 = tpu.memref_squeeze %dma_wait3A_229 : memref<1x1x1024xi32, #tpu.memory_space<hbm>> -> memref<1024xi32, #tpu.memory_space<hbm>>
    tpu.wait_dma2 semaphore(%arg12 : memref<!tpu.dma_semaphore, #tpu.memory_space<semaphore_mem>>) src(%dma_wait3A_230 : memref<1024xi32, #tpu.memory_space<hbm>>) dst(%dma_wait3A_227 : memref<1024xi32, #tpu.memory_space<vmem>>)
    %dma_wait3A_231 = arith.constant 2 : i32
    %dma_wait3A_232 = arith.constant 0 : i32
    %dma_wait3A_233 = arith.constant 0 : i32
    %dma_wait3A_234 = arith.constant 0 : i32
    %dma_wait3A_235 = tpu.memref_slice %arg9[%dma_wait3A_232, %dma_wait3A_233, %dma_wait3A_234] : memref<2x8x1024xf32, #tpu.memory_space<vmem>> -> memref<1x8x1024xf32, #tpu.memory_space<vmem>>
    %dma_wait3A_236 = tpu.memref_squeeze %dma_wait3A_235 : memref<1x8x1024xf32, #tpu.memory_space<vmem>> -> memref<8x1024xf32, #tpu.memory_space<vmem>>
    %dma_wait3A_237 = arith.constant 0 : i32
    %dma_wait3A_238 = tpu.memref_slice %arg4[%dma_wait3A_231, %mul3A_176, %dma_wait3A_237] : memref<8x256x1024xf32, #tpu.memory_space<hbm>> -> memref<1x8x1024xf32, #tpu.memory_space<hbm>>
    %dma_wait3A_239 = tpu.memref_squeeze %dma_wait3A_238 : memref<1x8x1024xf32, #tpu.memory_space<hbm>> -> memref<8x1024xf32, #tpu.memory_space<hbm>>
    %dma_wait3A_240 = arith.constant 0 : i32
    %dma_wait3A_241 = arith.constant 0 : i32
    %dma_wait3A_242 = tpu.memref_slice %arg9[%dma_wait3A_232, %dma_wait3A_240, %dma_wait3A_241] : memref<2x8x1024xf32, #tpu.memory_space<vmem>> -> memref<1x8x1024xf32, #tpu.memory_space<vmem>>
    %dma_wait3A_243 = tpu.memref_squeeze %dma_wait3A_242 : memref<1x8x1024xf32, #tpu.memory_space<vmem>> -> memref<8x1024xf32, #tpu.memory_space<vmem>>
    %dma_wait3A_244 = arith.constant 0 : i32
    %dma_wait3A_245 = tpu.memref_slice %arg4[%dma_wait3A_231, %mul3A_176, %dma_wait3A_244] : memref<8x256x1024xf32, #tpu.memory_space<hbm>> -> memref<1x8x1024xf32, #tpu.memory_space<hbm>>
    %dma_wait3A_246 = tpu.memref_squeeze %dma_wait3A_245 : memref<1x8x1024xf32, #tpu.memory_space<hbm>> -> memref<8x1024xf32, #tpu.memory_space<hbm>>
    tpu.wait_dma2 semaphore(%arg14 : memref<!tpu.dma_semaphore, #tpu.memory_space<semaphore_mem>>) src(%dma_wait3A_246 : memref<8x1024xf32, #tpu.memory_space<hbm>>) dst(%dma_wait3A_243 : memref<8x1024xf32, #tpu.memory_space<vmem>>)
    %dma_start3A_247 = arith.constant 3 : i32
    %dma_start3A_248 = arith.constant 1 : i32
    %dma_start3A_249 = arith.constant 0 : i32
    %dma_start3A_250 = tpu.memref_slice %arg8[%dma_start3A_248, %dma_start3A_249] : memref<2x1024xi32, #tpu.memory_space<vmem>> -> memref<1x1024xi32, #tpu.memory_space<vmem>>
    %dma_start3A_251 = tpu.memref_squeeze %dma_start3A_250 : memref<1x1024xi32, #tpu.memory_space<vmem>> -> memref<1024xi32, #tpu.memory_space<vmem>>
    %dma_start3A_252 = arith.constant 0 : i32
    %dma_start3A_253 = tpu.memref_slice %arg3[%dma_start3A_247, %add3A, %dma_start3A_252] : memref<8x32x1024xi32, #tpu.memory_space<hbm>> -> memref<1x1x1024xi32, #tpu.memory_space<hbm>>
    %dma_start3A_254 = tpu.memref_squeeze %dma_start3A_253 : memref<1x1x1024xi32, #tpu.memory_space<hbm>> -> memref<1024xi32, #tpu.memory_space<hbm>>
    %dma_start3A_255 = arith.constant 0 : i32
    %dma_start3A_256 = tpu.memref_slice %arg8[%dma_start3A_248, %dma_start3A_255] : memref<2x1024xi32, #tpu.memory_space<vmem>> -> memref<1x1024xi32, #tpu.memory_space<vmem>>
    %dma_start3A_257 = tpu.memref_squeeze %dma_start3A_256 : memref<1x1024xi32, #tpu.memory_space<vmem>> -> memref<1024xi32, #tpu.memory_space<vmem>>
    %dma_start3A_258 = arith.constant 0 : i32
    %dma_start3A_259 = tpu.memref_slice %arg3[%dma_start3A_247, %add3A, %dma_start3A_258] : memref<8x32x1024xi32, #tpu.memory_space<hbm>> -> memref<1x1x1024xi32, #tpu.memory_space<hbm>>
    %dma_start3A_260 = tpu.memref_squeeze %dma_start3A_259 : memref<1x1x1024xi32, #tpu.memory_space<hbm>> -> memref<1024xi32, #tpu.memory_space<hbm>>
    tpu.enqueue_dma source(%dma_start3A_260 : memref<1024xi32, #tpu.memory_space<hbm>>) target(%dma_start3A_257 : memref<1024xi32, #tpu.memory_space<vmem>>) target_semaphore(%arg13 : memref<!tpu.dma_semaphore, #tpu.memory_space<semaphore_mem>>)
    %mul3A_261 = arith.constant 8 : i32
    %mul3A_262 = arith.muli %add3A, %mul3A_261 : i32
    %dma_start3A_263 = arith.constant 3 : i32
    %dma_start3A_264 = arith.constant 1 : i32
    %dma_start3A_265 = arith.constant 0 : i32
    %dma_start3A_266 = arith.constant 0 : i32
    %dma_start3A_267 = tpu.memref_slice %arg9[%dma_start3A_264, %dma_start3A_265, %dma_start3A_266] : memref<2x8x1024xf32, #tpu.memory_space<vmem>> -> memref<1x8x1024xf32, #tpu.memory_space<vmem>>
    %dma_start3A_268 = tpu.memref_squeeze %dma_start3A_267 : memref<1x8x1024xf32, #tpu.memory_space<vmem>> -> memref<8x1024xf32, #tpu.memory_space<vmem>>
    %dma_start3A_269 = arith.constant 0 : i32
    %dma_start3A_270 = tpu.memref_slice %arg4[%dma_start3A_263, %mul3A_262, %dma_start3A_269] : memref<8x256x1024xf32, #tpu.memory_space<hbm>> -> memref<1x8x1024xf32, #tpu.memory_space<hbm>>
    %dma_start3A_271 = tpu.memref_squeeze %dma_start3A_270 : memref<1x8x1024xf32, #tpu.memory_space<hbm>> -> memref<8x1024xf32, #tpu.memory_space<hbm>>
    %dma_start3A_272 = arith.constant 0 : i32
    %dma_start3A_273 = arith.constant 0 : i32
    %dma_start3A_274 = tpu.memref_slice %arg9[%dma_start3A_264, %dma_start3A_272, %dma_start3A_273] : memref<2x8x1024xf32, #tpu.memory_space<vmem>> -> memref<1x8x1024xf32, #tpu.memory_space<vmem>>
    %dma_start3A_275 = tpu.memref_squeeze %dma_start3A_274 : memref<1x8x1024xf32, #tpu.memory_space<vmem>> -> memref<8x1024xf32, #tpu.memory_space<vmem>>
    %dma_start3A_276 = arith.constant 0 : i32
    %dma_start3A_277 = tpu.memref_slice %arg4[%dma_start3A_263, %mul3A_262, %dma_start3A_276] : memref<8x256x1024xf32, #tpu.memory_space<hbm>> -> memref<1x8x1024xf32, #tpu.memory_space<hbm>>
    %dma_start3A_278 = tpu.memref_squeeze %dma_start3A_277 : memref<1x8x1024xf32, #tpu.memory_space<hbm>> -> memref<8x1024xf32, #tpu.memory_space<hbm>>
    tpu.enqueue_dma source(%dma_start3A_278 : memref<8x1024xf32, #tpu.memory_space<hbm>>) target(%dma_start3A_275 : memref<8x1024xf32, #tpu.memory_space<vmem>>) target_semaphore(%arg15 : memref<!tpu.dma_semaphore, #tpu.memory_space<semaphore_mem>>)
    %dma_wait3A_279 = arith.constant 0 : i32
    %dma_wait3A_280 = arith.constant 0 : i32
    %dma_wait3A_281 = arith.constant 0 : i32
    %dma_wait3A_282 = arith.constant 0 : i32
    %dma_wait3A_283 = tpu.memref_slice %arg10[%dma_wait3A_279, %dma_wait3A_281, %dma_wait3A_282] : memref<2x8x1024xf32, #tpu.memory_space<vmem>> -> memref<1x8x1024xf32, #tpu.memory_space<vmem>>
    %dma_wait3A_284 = tpu.memref_squeeze %dma_wait3A_283 : memref<1x8x1024xf32, #tpu.memory_space<vmem>> -> memref<8x1024xf32, #tpu.memory_space<vmem>>
    %dma_wait3A_285 = arith.constant 0 : i32
    %dma_wait3A_286 = tpu.memref_slice %arg5[%dma_wait3A_280, %mul3A_114, %dma_wait3A_285] : memref<8x256x1024xf32, #tpu.memory_space<hbm>> -> memref<1x8x1024xf32, #tpu.memory_space<hbm>>
    %dma_wait3A_287 = tpu.memref_squeeze %dma_wait3A_286 : memref<1x8x1024xf32, #tpu.memory_space<hbm>> -> memref<8x1024xf32, #tpu.memory_space<hbm>>
    %dma_wait3A_288 = arith.constant 0 : i32
    %dma_wait3A_289 = tpu.memref_slice %arg5[%dma_wait3A_280, %mul3A_114, %dma_wait3A_288] : memref<8x256x1024xf32, #tpu.memory_space<hbm>> -> memref<1x8x1024xf32, #tpu.memory_space<hbm>>
    %dma_wait3A_290 = tpu.memref_squeeze %dma_wait3A_289 : memref<1x8x1024xf32, #tpu.memory_space<hbm>> -> memref<8x1024xf32, #tpu.memory_space<hbm>>
    %dma_wait3A_291 = arith.constant 0 : i32
    %dma_wait3A_292 = arith.constant 0 : i32
    %dma_wait3A_293 = tpu.memref_slice %arg10[%dma_wait3A_279, %dma_wait3A_291, %dma_wait3A_292] : memref<2x8x1024xf32, #tpu.memory_space<vmem>> -> memref<1x8x1024xf32, #tpu.memory_space<vmem>>
    %dma_wait3A_294 = tpu.memref_squeeze %dma_wait3A_293 : memref<1x8x1024xf32, #tpu.memory_space<vmem>> -> memref<8x1024xf32, #tpu.memory_space<vmem>>
    tpu.wait_dma2 semaphore(%arg16 : memref<!tpu.dma_semaphore, #tpu.memory_space<semaphore_mem>>) src(%dma_wait3A_294 : memref<8x1024xf32, #tpu.memory_space<vmem>>) dst(%dma_wait3A_290 : memref<8x1024xf32, #tpu.memory_space<hbm>>)
    %scan3A_295 = arith.constant 0 : i32
    %scan3A_296 = arith.constant 64 : i32
    %scan3A_297 = arith.addi %scan3A_295, %scan3A_296 : i32
    %scan3A_298 = arith.constant 1 : i32
    %scan3A_299:8 = scf.for %scan3A_837 = %scan3A_295 to %scan3A_297 step %scan3A_298 iter_args(%scan3A_838 = %scan3A_197#0, %scan3A_839 = %scan3A_197#1, %scan3A_840 = %scan3A_197#2, %scan3A_841 = %scan3A_197#3, %scan3A_842 = %scan3A_197#4, %scan3A_843 = %scan3A_197#5, %scan3A_844 = %scan3A_197#6, %scan3A_845 = %scan3A_197#7) -> (vector<16xf32>, vector<16xf32>, vector<16xf32>, vector<16xf32>, vector<16xf32>, vector<16xf32>, vector<16xf32>, vector<16xf32>)  : i32 {
      %mul3A_846 = arith.constant 16 : i32
      %mul3A_847 = arith.muli %scan3A_837, %mul3A_846 : i32
      %get3A = arith.constant 0 : i32
      %get3A_848 = arith.index_cast %get3A : i32 to index
      %get3A_849 = arith.index_cast %mul3A_847 : i32 to index
      %get3A_850 = tpu.vector_load %arg8[%get3A_848, %get3A_849] {strides = array<i32>} : memref<2x1024xi32, #tpu.memory_space<vmem>>, vector<16xi32>,
      %add3A_851 = arith.constant 0 : i32
      %add3A_852 = vector.broadcast %add3A_851 : i32 to vector<16xi32>
      %add3A_853 = arith.addi %get3A_850, %add3A_852 : vector<16xi32>
      %gather3A = tpu.vector_load_idx %arg7[%add3A_853] : memref<4096xf32, #tpu.memory_space<vmem>>[vector<16xi32>], vector<16xf32>,
      %mul3A_854 = arith.constant 16 : i32
      %mul3A_855 = arith.muli %scan3A_837, %mul3A_854 : i32
      %swap3A_856 = arith.constant 0 : i32
      %swap3A_857 = arith.constant 0 : i32
      %swap3A_858 = arith.index_cast %swap3A_856 : i32 to index
      %swap3A_859 = arith.index_cast %swap3A_857 : i32 to index
      %swap3A_860 = arith.index_cast %mul3A_855 : i32 to index
      %swap3A_861 = tpu.vector_load %arg10[%swap3A_858, %swap3A_859, %swap3A_860] {strides = array<i32>} : memref<2x8x1024xf32, #tpu.memory_space<vmem>>, vector<16xf32>,
      tpu.vector_store %arg10[%swap3A_858, %swap3A_859, %swap3A_860], %gather3A {strides = array<i32>} : memref<2x8x1024xf32, #tpu.memory_space<vmem>>, vector<16xf32>,
      %mul3A_862 = arith.constant 16 : i32
      %mul3A_863 = arith.muli %scan3A_837, %mul3A_862 : i32
      %get3A_864 = arith.constant 0 : i32
      %get3A_865 = arith.constant 0 : i32
      %get3A_866 = arith.index_cast %get3A_864 : i32 to index
      %get3A_867 = arith.index_cast %get3A_865 : i32 to index
      %get3A_868 = arith.index_cast %mul3A_863 : i32 to index
      %get3A_869 = tpu.vector_load %arg9[%get3A_866, %get3A_867, %get3A_868] {strides = array<i32>} : memref<2x8x1024xf32, #tpu.memory_space<vmem>>, vector<16xf32>,
      %sub3A = arith.subf %get3A_869, %gather3A : vector<16xf32>
      %mul3A_870 = arith.mulf %sub3A, %sub3A : vector<16xf32>
      %add3A_871 = arith.addf %scan3A_838, %mul3A_870 : vector<16xf32>
      %add3A_872 = arith.constant 512 : i32
      %add3A_873 = vector.broadcast %add3A_872 : i32 to vector<16xi32>
      %add3A_874 = arith.addi %get3A_850, %add3A_873 : vector<16xi32>
      %gather3A_875 = tpu.vector_load_idx %arg7[%add3A_874] : memref<4096xf32, #tpu.memory_space<vmem>>[vector<16xi32>], vector<16xf32>,
      %mul3A_876 = arith.constant 16 : i32
      %mul3A_877 = arith.muli %scan3A_837, %mul3A_876 : i32
      %swap3A_878 = arith.constant 0 : i32
      %swap3A_879 = arith.constant 1 : i32
      %swap3A_880 = arith.index_cast %swap3A_878 : i32 to index
      %swap3A_881 = arith.index_cast %swap3A_879 : i32 to index
      %swap3A_882 = arith.index_cast %mul3A_877 : i32 to index
      %swap3A_883 = tpu.vector_load %arg10[%swap3A_880, %swap3A_881, %swap3A_882] {strides = array<i32>} : memref<2x8x1024xf32, #tpu.memory_space<vmem>>, vector<16xf32>,
      tpu.vector_store %arg10[%swap3A_880, %swap3A_881, %swap3A_882], %gather3A_875 {strides = array<i32>} : memref<2x8x1024xf32, #tpu.memory_space<vmem>>, vector<16xf32>,
      %mul3A_884 = arith.constant 16 : i32
      %mul3A_885 = arith.muli %scan3A_837, %mul3A_884 : i32
      %get3A_886 = arith.constant 0 : i32
      %get3A_887 = arith.constant 1 : i32
      %get3A_888 = arith.index_cast %get3A_886 : i32 to index
      %get3A_889 = arith.index_cast %get3A_887 : i32 to index
      %get3A_890 = arith.index_cast %mul3A_885 : i32 to index
      %get3A_891 = tpu.vector_load %arg9[%get3A_888, %get3A_889, %get3A_890] {strides = array<i32>} : memref<2x8x1024xf32, #tpu.memory_space<vmem>>, vector<16xf32>,
      %sub3A_892 = arith.subf %get3A_891, %gather3A_875 : vector<16xf32>
      %mul3A_893 = arith.mulf %sub3A_892, %sub3A_892 : vector<16xf32>
      %add3A_894 = arith.addf %scan3A_839, %mul3A_893 : vector<16xf32>
      %add3A_895 = arith.constant 1024 : i32
      %add3A_896 = vector.broadcast %add3A_895 : i32 to vector<16xi32>
      %add3A_897 = arith.addi %get3A_850, %add3A_896 : vector<16xi32>
      %gather3A_898 = tpu.vector_load_idx %arg7[%add3A_897] : memref<4096xf32, #tpu.memory_space<vmem>>[vector<16xi32>], vector<16xf32>,
      %mul3A_899 = arith.constant 16 : i32
      %mul3A_900 = arith.muli %scan3A_837, %mul3A_899 : i32
      %swap3A_901 = arith.constant 0 : i32
      %swap3A_902 = arith.constant 2 : i32
      %swap3A_903 = arith.index_cast %swap3A_901 : i32 to index
      %swap3A_904 = arith.index_cast %swap3A_902 : i32 to index
      %swap3A_905 = arith.index_cast %mul3A_900 : i32 to index
      %swap3A_906 = tpu.vector_load %arg10[%swap3A_903, %swap3A_904, %swap3A_905] {strides = array<i32>} : memref<2x8x1024xf32, #tpu.memory_space<vmem>>, vector<16xf32>,
      tpu.vector_store %arg10[%swap3A_903, %swap3A_904, %swap3A_905], %gather3A_898 {strides = array<i32>} : memref<2x8x1024xf32, #tpu.memory_space<vmem>>, vector<16xf32>,
      %mul3A_907 = arith.constant 16 : i32
      %mul3A_908 = arith.muli %scan3A_837, %mul3A_907 : i32
      %get3A_909 = arith.constant 0 : i32
      %get3A_910 = arith.constant 2 : i32
      %get3A_911 = arith.index_cast %get3A_909 : i32 to index
      %get3A_912 = arith.index_cast %get3A_910 : i32 to index
      %get3A_913 = arith.index_cast %mul3A_908 : i32 to index
      %get3A_914 = tpu.vector_load %arg9[%get3A_911, %get3A_912, %get3A_913] {strides = array<i32>} : memref<2x8x1024xf32, #tpu.memory_space<vmem>>, vector<16xf32>,
      %sub3A_915 = arith.subf %get3A_914, %gather3A_898 : vector<16xf32>
      %mul3A_916 = arith.mulf %sub3A_915, %sub3A_915 : vector<16xf32>
      %add3A_917 = arith.addf %scan3A_840, %mul3A_916 : vector<16xf32>
      %add3A_918 = arith.constant 1536 : i32
      %add3A_919 = vector.broadcast %add3A_918 : i32 to vector<16xi32>
      %add3A_920 = arith.addi %get3A_850, %add3A_919 : vector<16xi32>
      %gather3A_921 = tpu.vector_load_idx %arg7[%add3A_920] : memref<4096xf32, #tpu.memory_space<vmem>>[vector<16xi32>], vector<16xf32>,
      %mul3A_922 = arith.constant 16 : i32
      %mul3A_923 = arith.muli %scan3A_837, %mul3A_922 : i32
      %swap3A_924 = arith.constant 0 : i32
      %swap3A_925 = arith.constant 3 : i32
      %swap3A_926 = arith.index_cast %swap3A_924 : i32 to index
      %swap3A_927 = arith.index_cast %swap3A_925 : i32 to index
      %swap3A_928 = arith.index_cast %mul3A_923 : i32 to index
      %swap3A_929 = tpu.vector_load %arg10[%swap3A_926, %swap3A_927, %swap3A_928] {strides = array<i32>} : memref<2x8x1024xf32, #tpu.memory_space<vmem>>, vector<16xf32>,
      tpu.vector_store %arg10[%swap3A_926, %swap3A_927, %swap3A_928], %gather3A_921 {strides = array<i32>} : memref<2x8x1024xf32, #tpu.memory_space<vmem>>, vector<16xf32>,
      %mul3A_930 = arith.constant 16 : i32
      %mul3A_931 = arith.muli %scan3A_837, %mul3A_930 : i32
      %get3A_932 = arith.constant 0 : i32
      %get3A_933 = arith.constant 3 : i32
      %get3A_934 = arith.index_cast %get3A_932 : i32 to index
      %get3A_935 = arith.index_cast %get3A_933 : i32 to index
      %get3A_936 = arith.index_cast %mul3A_931 : i32 to index
      %get3A_937 = tpu.vector_load %arg9[%get3A_934, %get3A_935, %get3A_936] {strides = array<i32>} : memref<2x8x1024xf32, #tpu.memory_space<vmem>>, vector<16xf32>,
      %sub3A_938 = arith.subf %get3A_937, %gather3A_921 : vector<16xf32>
      %mul3A_939 = arith.mulf %sub3A_938, %sub3A_938 : vector<16xf32>
      %add3A_940 = arith.addf %scan3A_841, %mul3A_939 : vector<16xf32>
      %add3A_941 = arith.constant 2048 : i32
      %add3A_942 = vector.broadcast %add3A_941 : i32 to vector<16xi32>
      %add3A_943 = arith.addi %get3A_850, %add3A_942 : vector<16xi32>
      %gather3A_944 = tpu.vector_load_idx %arg7[%add3A_943] : memref<4096xf32, #tpu.memory_space<vmem>>[vector<16xi32>], vector<16xf32>,
      %mul3A_945 = arith.constant 16 : i32
      %mul3A_946 = arith.muli %scan3A_837, %mul3A_945 : i32
      %swap3A_947 = arith.constant 0 : i32
      %swap3A_948 = arith.constant 4 : i32
      %swap3A_949 = arith.index_cast %swap3A_947 : i32 to index
      %swap3A_950 = arith.index_cast %swap3A_948 : i32 to index
      %swap3A_951 = arith.index_cast %mul3A_946 : i32 to index
      %swap3A_952 = tpu.vector_load %arg10[%swap3A_949, %swap3A_950, %swap3A_951] {strides = array<i32>} : memref<2x8x1024xf32, #tpu.memory_space<vmem>>, vector<16xf32>,
      tpu.vector_store %arg10[%swap3A_949, %swap3A_950, %swap3A_951], %gather3A_944 {strides = array<i32>} : memref<2x8x1024xf32, #tpu.memory_space<vmem>>, vector<16xf32>,
      %mul3A_953 = arith.constant 16 : i32
      %mul3A_954 = arith.muli %scan3A_837, %mul3A_953 : i32
      %get3A_955 = arith.constant 0 : i32
      %get3A_956 = arith.constant 4 : i32
      %get3A_957 = arith.index_cast %get3A_955 : i32 to index
      %get3A_958 = arith.index_cast %get3A_956 : i32 to index
      %get3A_959 = arith.index_cast %mul3A_954 : i32 to index
      %get3A_960 = tpu.vector_load %arg9[%get3A_957, %get3A_958, %get3A_959] {strides = array<i32>} : memref<2x8x1024xf32, #tpu.memory_space<vmem>>, vector<16xf32>,
      %sub3A_961 = arith.subf %get3A_960, %gather3A_944 : vector<16xf32>
      %mul3A_962 = arith.mulf %sub3A_961, %sub3A_961 : vector<16xf32>
      %add3A_963 = arith.addf %scan3A_842, %mul3A_962 : vector<16xf32>
      %add3A_964 = arith.constant 2560 : i32
      %add3A_965 = vector.broadcast %add3A_964 : i32 to vector<16xi32>
      %add3A_966 = arith.addi %get3A_850, %add3A_965 : vector<16xi32>
      %gather3A_967 = tpu.vector_load_idx %arg7[%add3A_966] : memref<4096xf32, #tpu.memory_space<vmem>>[vector<16xi32>], vector<16xf32>,
      %mul3A_968 = arith.constant 16 : i32
      %mul3A_969 = arith.muli %scan3A_837, %mul3A_968 : i32
      %swap3A_970 = arith.constant 0 : i32
      %swap3A_971 = arith.constant 5 : i32
      %swap3A_972 = arith.index_cast %swap3A_970 : i32 to index
      %swap3A_973 = arith.index_cast %swap3A_971 : i32 to index
      %swap3A_974 = arith.index_cast %mul3A_969 : i32 to index
      %swap3A_975 = tpu.vector_load %arg10[%swap3A_972, %swap3A_973, %swap3A_974] {strides = array<i32>} : memref<2x8x1024xf32, #tpu.memory_space<vmem>>, vector<16xf32>,
      tpu.vector_store %arg10[%swap3A_972, %swap3A_973, %swap3A_974], %gather3A_967 {strides = array<i32>} : memref<2x8x1024xf32, #tpu.memory_space<vmem>>, vector<16xf32>,
      %mul3A_976 = arith.constant 16 : i32
      %mul3A_977 = arith.muli %scan3A_837, %mul3A_976 : i32
      %get3A_978 = arith.constant 0 : i32
      %get3A_979 = arith.constant 5 : i32
      %get3A_980 = arith.index_cast %get3A_978 : i32 to index
      %get3A_981 = arith.index_cast %get3A_979 : i32 to index
      %get3A_982 = arith.index_cast %mul3A_977 : i32 to index
      %get3A_983 = tpu.vector_load %arg9[%get3A_980, %get3A_981, %get3A_982] {strides = array<i32>} : memref<2x8x1024xf32, #tpu.memory_space<vmem>>, vector<16xf32>,
      %sub3A_984 = arith.subf %get3A_983, %gather3A_967 : vector<16xf32>
      %mul3A_985 = arith.mulf %sub3A_984, %sub3A_984 : vector<16xf32>
      %add3A_986 = arith.addf %scan3A_843, %mul3A_985 : vector<16xf32>
      %add3A_987 = arith.constant 3072 : i32
      %add3A_988 = vector.broadcast %add3A_987 : i32 to vector<16xi32>
      %add3A_989 = arith.addi %get3A_850, %add3A_988 : vector<16xi32>
      %gather3A_990 = tpu.vector_load_idx %arg7[%add3A_989] : memref<4096xf32, #tpu.memory_space<vmem>>[vector<16xi32>], vector<16xf32>,
      %mul3A_991 = arith.constant 16 : i32
      %mul3A_992 = arith.muli %scan3A_837, %mul3A_991 : i32
      %swap3A_993 = arith.constant 0 : i32
      %swap3A_994 = arith.constant 6 : i32
      %swap3A_995 = arith.index_cast %swap3A_993 : i32 to index
      %swap3A_996 = arith.index_cast %swap3A_994 : i32 to index
      %swap3A_997 = arith.index_cast %mul3A_992 : i32 to index
      %swap3A_998 = tpu.vector_load %arg10[%swap3A_995, %swap3A_996, %swap3A_997] {strides = array<i32>} : memref<2x8x1024xf32, #tpu.memory_space<vmem>>, vector<16xf32>,
      tpu.vector_store %arg10[%swap3A_995, %swap3A_996, %swap3A_997], %gather3A_990 {strides = array<i32>} : memref<2x8x1024xf32, #tpu.memory_space<vmem>>, vector<16xf32>,
      %mul3A_999 = arith.constant 16 : i32
      %mul3A_1000 = arith.muli %scan3A_837, %mul3A_999 : i32
      %get3A_1001 = arith.constant 0 : i32
      %get3A_1002 = arith.constant 6 : i32
      %get3A_1003 = arith.index_cast %get3A_1001 : i32 to index
      %get3A_1004 = arith.index_cast %get3A_1002 : i32 to index
      %get3A_1005 = arith.index_cast %mul3A_1000 : i32 to index
      %get3A_1006 = tpu.vector_load %arg9[%get3A_1003, %get3A_1004, %get3A_1005] {strides = array<i32>} : memref<2x8x1024xf32, #tpu.memory_space<vmem>>, vector<16xf32>,
      %sub3A_1007 = arith.subf %get3A_1006, %gather3A_990 : vector<16xf32>
      %mul3A_1008 = arith.mulf %sub3A_1007, %sub3A_1007 : vector<16xf32>
      %add3A_1009 = arith.addf %scan3A_844, %mul3A_1008 : vector<16xf32>
      %add3A_1010 = arith.constant 3584 : i32
      %add3A_1011 = vector.broadcast %add3A_1010 : i32 to vector<16xi32>
      %add3A_1012 = arith.addi %get3A_850, %add3A_1011 : vector<16xi32>
      %gather3A_1013 = tpu.vector_load_idx %arg7[%add3A_1012] : memref<4096xf32, #tpu.memory_space<vmem>>[vector<16xi32>], vector<16xf32>,
      %mul3A_1014 = arith.constant 16 : i32
      %mul3A_1015 = arith.muli %scan3A_837, %mul3A_1014 : i32
      %swap3A_1016 = arith.constant 0 : i32
      %swap3A_1017 = arith.constant 7 : i32
      %swap3A_1018 = arith.index_cast %swap3A_1016 : i32 to index
      %swap3A_1019 = arith.index_cast %swap3A_1017 : i32 to index
      %swap3A_1020 = arith.index_cast %mul3A_1015 : i32 to index
      %swap3A_1021 = tpu.vector_load %arg10[%swap3A_1018, %swap3A_1019, %swap3A_1020] {strides = array<i32>} : memref<2x8x1024xf32, #tpu.memory_space<vmem>>, vector<16xf32>,
      tpu.vector_store %arg10[%swap3A_1018, %swap3A_1019, %swap3A_1020], %gather3A_1013 {strides = array<i32>} : memref<2x8x1024xf32, #tpu.memory_space<vmem>>, vector<16xf32>,
      %mul3A_1022 = arith.constant 16 : i32
      %mul3A_1023 = arith.muli %scan3A_837, %mul3A_1022 : i32
      %get3A_1024 = arith.constant 0 : i32
      %get3A_1025 = arith.constant 7 : i32
      %get3A_1026 = arith.index_cast %get3A_1024 : i32 to index
      %get3A_1027 = arith.index_cast %get3A_1025 : i32 to index
      %get3A_1028 = arith.index_cast %mul3A_1023 : i32 to index
      %get3A_1029 = tpu.vector_load %arg9[%get3A_1026, %get3A_1027, %get3A_1028] {strides = array<i32>} : memref<2x8x1024xf32, #tpu.memory_space<vmem>>, vector<16xf32>,
      %sub3A_1030 = arith.subf %get3A_1029, %gather3A_1013 : vector<16xf32>
      %mul3A_1031 = arith.mulf %sub3A_1030, %sub3A_1030 : vector<16xf32>
      %add3A_1032 = arith.addf %scan3A_845, %mul3A_1031 : vector<16xf32>
      scf.yield %add3A_871, %add3A_894, %add3A_917, %add3A_940, %add3A_963, %add3A_986, %add3A_1009, %add3A_1032 : vector<16xf32>, vector<16xf32>, vector<16xf32>, vector<16xf32>, vector<16xf32>, vector<16xf32>, vector<16xf32>, vector<16xf32>
    }
    %scan3A_300 = arith.constant 64 : i32
    %mul3A_301 = arith.constant 8 : i32
    %mul3A_302 = arith.muli %add3A, %mul3A_301 : i32
    %dma_start3A_303 = arith.constant 0 : i32
    %dma_start3A_304 = arith.constant 2 : i32
    %dma_start3A_305 = arith.constant 0 : i32
    %dma_start3A_306 = arith.constant 0 : i32
    %dma_start3A_307 = tpu.memref_slice %arg10[%dma_start3A_303, %dma_start3A_305, %dma_start3A_306] : memref<2x8x1024xf32, #tpu.memory_space<vmem>> -> memref<1x8x1024xf32, #tpu.memory_space<vmem>>
    %dma_start3A_308 = tpu.memref_squeeze %dma_start3A_307 : memref<1x8x1024xf32, #tpu.memory_space<vmem>> -> memref<8x1024xf32, #tpu.memory_space<vmem>>
    %dma_start3A_309 = arith.constant 0 : i32
    %dma_start3A_310 = tpu.memref_slice %arg5[%dma_start3A_304, %mul3A_302, %dma_start3A_309] : memref<8x256x1024xf32, #tpu.memory_space<hbm>> -> memref<1x8x1024xf32, #tpu.memory_space<hbm>>
    %dma_start3A_311 = tpu.memref_squeeze %dma_start3A_310 : memref<1x8x1024xf32, #tpu.memory_space<hbm>> -> memref<8x1024xf32, #tpu.memory_space<hbm>>
    %dma_start3A_312 = arith.constant 0 : i32
    %dma_start3A_313 = tpu.memref_slice %arg5[%dma_start3A_304, %mul3A_302, %dma_start3A_312] : memref<8x256x1024xf32, #tpu.memory_space<hbm>> -> memref<1x8x1024xf32, #tpu.memory_space<hbm>>
    %dma_start3A_314 = tpu.memref_squeeze %dma_start3A_313 : memref<1x8x1024xf32, #tpu.memory_space<hbm>> -> memref<8x1024xf32, #tpu.memory_space<hbm>>
    %dma_start3A_315 = arith.constant 0 : i32
    %dma_start3A_316 = arith.constant 0 : i32
    %dma_start3A_317 = tpu.memref_slice %arg10[%dma_start3A_303, %dma_start3A_315, %dma_start3A_316] : memref<2x8x1024xf32, #tpu.memory_space<vmem>> -> memref<1x8x1024xf32, #tpu.memory_space<vmem>>
    %dma_start3A_318 = tpu.memref_squeeze %dma_start3A_317 : memref<1x8x1024xf32, #tpu.memory_space<vmem>> -> memref<8x1024xf32, #tpu.memory_space<vmem>>
    tpu.enqueue_dma source(%dma_start3A_318 : memref<8x1024xf32, #tpu.memory_space<vmem>>) target(%dma_start3A_314 : memref<8x1024xf32, #tpu.memory_space<hbm>>) target_semaphore(%arg16 : memref<!tpu.dma_semaphore, #tpu.memory_space<semaphore_mem>>)
    %dma_wait3A_319 = arith.constant 3 : i32
    %dma_wait3A_320 = arith.constant 1 : i32
    %dma_wait3A_321 = arith.constant 0 : i32
    %dma_wait3A_322 = tpu.memref_slice %arg8[%dma_wait3A_320, %dma_wait3A_321] : memref<2x1024xi32, #tpu.memory_space<vmem>> -> memref<1x1024xi32, #tpu.memory_space<vmem>>
    %dma_wait3A_323 = tpu.memref_squeeze %dma_wait3A_322 : memref<1x1024xi32, #tpu.memory_space<vmem>> -> memref<1024xi32, #tpu.memory_space<vmem>>
    %dma_wait3A_324 = arith.constant 0 : i32
    %dma_wait3A_325 = tpu.memref_slice %arg3[%dma_wait3A_319, %add3A, %dma_wait3A_324] : memref<8x32x1024xi32, #tpu.memory_space<hbm>> -> memref<1x1x1024xi32, #tpu.memory_space<hbm>>
    %dma_wait3A_326 = tpu.memref_squeeze %dma_wait3A_325 : memref<1x1x1024xi32, #tpu.memory_space<hbm>> -> memref<1024xi32, #tpu.memory_space<hbm>>
    %dma_wait3A_327 = arith.constant 0 : i32
    %dma_wait3A_328 = tpu.memref_slice %arg8[%dma_wait3A_320, %dma_wait3A_327] : memref<2x1024xi32, #tpu.memory_space<vmem>> -> memref<1x1024xi32, #tpu.memory_space<vmem>>
    %dma_wait3A_329 = tpu.memref_squeeze %dma_wait3A_328 : memref<1x1024xi32, #tpu.memory_space<vmem>> -> memref<1024xi32, #tpu.memory_space<vmem>>
    %dma_wait3A_330 = arith.constant 0 : i32
    %dma_wait3A_331 = tpu.memref_slice %arg3[%dma_wait3A_319, %add3A, %dma_wait3A_330] : memref<8x32x1024xi32, #tpu.memory_space<hbm>> -> memref<1x1x1024xi32, #tpu.memory_space<hbm>>
    %dma_wait3A_332 = tpu.memref_squeeze %dma_wait3A_331 : memref<1x1x1024xi32, #tpu.memory_space<hbm>> -> memref<1024xi32, #tpu.memory_space<hbm>>
    tpu.wait_dma2 semaphore(%arg13 : memref<!tpu.dma_semaphore, #tpu.memory_space<semaphore_mem>>) src(%dma_wait3A_332 : memref<1024xi32, #tpu.memory_space<hbm>>) dst(%dma_wait3A_329 : memref<1024xi32, #tpu.memory_space<vmem>>)
    %dma_wait3A_333 = arith.constant 3 : i32
    %dma_wait3A_334 = arith.constant 1 : i32
    %dma_wait3A_335 = arith.constant 0 : i32
    %dma_wait3A_336 = arith.constant 0 : i32
    %dma_wait3A_337 = tpu.memref_slice %arg9[%dma_wait3A_334, %dma_wait3A_335, %dma_wait3A_336] : memref<2x8x1024xf32, #tpu.memory_space<vmem>> -> memref<1x8x1024xf32, #tpu.memory_space<vmem>>
    %dma_wait3A_338 = tpu.memref_squeeze %dma_wait3A_337 : memref<1x8x1024xf32, #tpu.memory_space<vmem>> -> memref<8x1024xf32, #tpu.memory_space<vmem>>
    %dma_wait3A_339 = arith.constant 0 : i32
    %dma_wait3A_340 = tpu.memref_slice %arg4[%dma_wait3A_333, %mul3A_262, %dma_wait3A_339] : memref<8x256x1024xf32, #tpu.memory_space<hbm>> -> memref<1x8x1024xf32, #tpu.memory_space<hbm>>
    %dma_wait3A_341 = tpu.memref_squeeze %dma_wait3A_340 : memref<1x8x1024xf32, #tpu.memory_space<hbm>> -> memref<8x1024xf32, #tpu.memory_space<hbm>>
    %dma_wait3A_342 = arith.constant 0 : i32
    %dma_wait3A_343 = arith.constant 0 : i32
    %dma_wait3A_344 = tpu.memref_slice %arg9[%dma_wait3A_334, %dma_wait3A_342, %dma_wait3A_343] : memref<2x8x1024xf32, #tpu.memory_space<vmem>> -> memref<1x8x1024xf32, #tpu.memory_space<vmem>>
    %dma_wait3A_345 = tpu.memref_squeeze %dma_wait3A_344 : memref<1x8x1024xf32, #tpu.memory_space<vmem>> -> memref<8x1024xf32, #tpu.memory_space<vmem>>
    %dma_wait3A_346 = arith.constant 0 : i32
    %dma_wait3A_347 = tpu.memref_slice %arg4[%dma_wait3A_333, %mul3A_262, %dma_wait3A_346] : memref<8x256x1024xf32, #tpu.memory_space<hbm>> -> memref<1x8x1024xf32, #tpu.memory_space<hbm>>
    %dma_wait3A_348 = tpu.memref_squeeze %dma_wait3A_347 : memref<1x8x1024xf32, #tpu.memory_space<hbm>> -> memref<8x1024xf32, #tpu.memory_space<hbm>>
    tpu.wait_dma2 semaphore(%arg15 : memref<!tpu.dma_semaphore, #tpu.memory_space<semaphore_mem>>) src(%dma_wait3A_348 : memref<8x1024xf32, #tpu.memory_space<hbm>>) dst(%dma_wait3A_345 : memref<8x1024xf32, #tpu.memory_space<vmem>>)
    %dma_start3A_349 = arith.constant 4 : i32
    %dma_start3A_350 = arith.constant 0 : i32
    %dma_start3A_351 = arith.constant 0 : i32
    %dma_start3A_352 = tpu.memref_slice %arg8[%dma_start3A_350, %dma_start3A_351] : memref<2x1024xi32, #tpu.memory_space<vmem>> -> memref<1x1024xi32, #tpu.memory_space<vmem>>
    %dma_start3A_353 = tpu.memref_squeeze %dma_start3A_352 : memref<1x1024xi32, #tpu.memory_space<vmem>> -> memref<1024xi32, #tpu.memory_space<vmem>>
    %dma_start3A_354 = arith.constant 0 : i32
    %dma_start3A_355 = tpu.memref_slice %arg3[%dma_start3A_349, %add3A, %dma_start3A_354] : memref<8x32x1024xi32, #tpu.memory_space<hbm>> -> memref<1x1x1024xi32, #tpu.memory_space<hbm>>
    %dma_start3A_356 = tpu.memref_squeeze %dma_start3A_355 : memref<1x1x1024xi32, #tpu.memory_space<hbm>> -> memref<1024xi32, #tpu.memory_space<hbm>>
    %dma_start3A_357 = arith.constant 0 : i32
    %dma_start3A_358 = tpu.memref_slice %arg8[%dma_start3A_350, %dma_start3A_357] : memref<2x1024xi32, #tpu.memory_space<vmem>> -> memref<1x1024xi32, #tpu.memory_space<vmem>>
    %dma_start3A_359 = tpu.memref_squeeze %dma_start3A_358 : memref<1x1024xi32, #tpu.memory_space<vmem>> -> memref<1024xi32, #tpu.memory_space<vmem>>
    %dma_start3A_360 = arith.constant 0 : i32
    %dma_start3A_361 = tpu.memref_slice %arg3[%dma_start3A_349, %add3A, %dma_start3A_360] : memref<8x32x1024xi32, #tpu.memory_space<hbm>> -> memref<1x1x1024xi32, #tpu.memory_space<hbm>>
    %dma_start3A_362 = tpu.memref_squeeze %dma_start3A_361 : memref<1x1x1024xi32, #tpu.memory_space<hbm>> -> memref<1024xi32, #tpu.memory_space<hbm>>
    tpu.enqueue_dma source(%dma_start3A_362 : memref<1024xi32, #tpu.memory_space<hbm>>) target(%dma_start3A_359 : memref<1024xi32, #tpu.memory_space<vmem>>) target_semaphore(%arg12 : memref<!tpu.dma_semaphore, #tpu.memory_space<semaphore_mem>>)
    %mul3A_363 = arith.constant 8 : i32
    %mul3A_364 = arith.muli %add3A, %mul3A_363 : i32
    %dma_start3A_365 = arith.constant 4 : i32
    %dma_start3A_366 = arith.constant 0 : i32
    %dma_start3A_367 = arith.constant 0 : i32
    %dma_start3A_368 = arith.constant 0 : i32
    %dma_start3A_369 = tpu.memref_slice %arg9[%dma_start3A_366, %dma_start3A_367, %dma_start3A_368] : memref<2x8x1024xf32, #tpu.memory_space<vmem>> -> memref<1x8x1024xf32, #tpu.memory_space<vmem>>
    %dma_start3A_370 = tpu.memref_squeeze %dma_start3A_369 : memref<1x8x1024xf32, #tpu.memory_space<vmem>> -> memref<8x1024xf32, #tpu.memory_space<vmem>>
    %dma_start3A_371 = arith.constant 0 : i32
    %dma_start3A_372 = tpu.memref_slice %arg4[%dma_start3A_365, %mul3A_364, %dma_start3A_371] : memref<8x256x1024xf32, #tpu.memory_space<hbm>> -> memref<1x8x1024xf32, #tpu.memory_space<hbm>>
    %dma_start3A_373 = tpu.memref_squeeze %dma_start3A_372 : memref<1x8x1024xf32, #tpu.memory_space<hbm>> -> memref<8x1024xf32, #tpu.memory_space<hbm>>
    %dma_start3A_374 = arith.constant 0 : i32
    %dma_start3A_375 = arith.constant 0 : i32
    %dma_start3A_376 = tpu.memref_slice %arg9[%dma_start3A_366, %dma_start3A_374, %dma_start3A_375] : memref<2x8x1024xf32, #tpu.memory_space<vmem>> -> memref<1x8x1024xf32, #tpu.memory_space<vmem>>
    %dma_start3A_377 = tpu.memref_squeeze %dma_start3A_376 : memref<1x8x1024xf32, #tpu.memory_space<vmem>> -> memref<8x1024xf32, #tpu.memory_space<vmem>>
    %dma_start3A_378 = arith.constant 0 : i32
    %dma_start3A_379 = tpu.memref_slice %arg4[%dma_start3A_365, %mul3A_364, %dma_start3A_378] : memref<8x256x1024xf32, #tpu.memory_space<hbm>> -> memref<1x8x1024xf32, #tpu.memory_space<hbm>>
    %dma_start3A_380 = tpu.memref_squeeze %dma_start3A_379 : memref<1x8x1024xf32, #tpu.memory_space<hbm>> -> memref<8x1024xf32, #tpu.memory_space<hbm>>
    tpu.enqueue_dma source(%dma_start3A_380 : memref<8x1024xf32, #tpu.memory_space<hbm>>) target(%dma_start3A_377 : memref<8x1024xf32, #tpu.memory_space<vmem>>) target_semaphore(%arg14 : memref<!tpu.dma_semaphore, #tpu.memory_space<semaphore_mem>>)
    %dma_wait3A_381 = arith.constant 1 : i32
    %dma_wait3A_382 = arith.constant 1 : i32
    %dma_wait3A_383 = arith.constant 0 : i32
    %dma_wait3A_384 = arith.constant 0 : i32
    %dma_wait3A_385 = tpu.memref_slice %arg10[%dma_wait3A_381, %dma_wait3A_383, %dma_wait3A_384] : memref<2x8x1024xf32, #tpu.memory_space<vmem>> -> memref<1x8x1024xf32, #tpu.memory_space<vmem>>
    %dma_wait3A_386 = tpu.memref_squeeze %dma_wait3A_385 : memref<1x8x1024xf32, #tpu.memory_space<vmem>> -> memref<8x1024xf32, #tpu.memory_space<vmem>>
    %dma_wait3A_387 = arith.constant 0 : i32
    %dma_wait3A_388 = tpu.memref_slice %arg5[%dma_wait3A_382, %mul3A_200, %dma_wait3A_387] : memref<8x256x1024xf32, #tpu.memory_space<hbm>> -> memref<1x8x1024xf32, #tpu.memory_space<hbm>>
    %dma_wait3A_389 = tpu.memref_squeeze %dma_wait3A_388 : memref<1x8x1024xf32, #tpu.memory_space<hbm>> -> memref<8x1024xf32, #tpu.memory_space<hbm>>
    %dma_wait3A_390 = arith.constant 0 : i32
    %dma_wait3A_391 = tpu.memref_slice %arg5[%dma_wait3A_382, %mul3A_200, %dma_wait3A_390] : memref<8x256x1024xf32, #tpu.memory_space<hbm>> -> memref<1x8x1024xf32, #tpu.memory_space<hbm>>
    %dma_wait3A_392 = tpu.memref_squeeze %dma_wait3A_391 : memref<1x8x1024xf32, #tpu.memory_space<hbm>> -> memref<8x1024xf32, #tpu.memory_space<hbm>>
    %dma_wait3A_393 = arith.constant 0 : i32
    %dma_wait3A_394 = arith.constant 0 : i32
    %dma_wait3A_395 = tpu.memref_slice %arg10[%dma_wait3A_381, %dma_wait3A_393, %dma_wait3A_394] : memref<2x8x1024xf32, #tpu.memory_space<vmem>> -> memref<1x8x1024xf32, #tpu.memory_space<vmem>>
    %dma_wait3A_396 = tpu.memref_squeeze %dma_wait3A_395 : memref<1x8x1024xf32, #tpu.memory_space<vmem>> -> memref<8x1024xf32, #tpu.memory_space<vmem>>
    tpu.wait_dma2 semaphore(%arg17 : memref<!tpu.dma_semaphore, #tpu.memory_space<semaphore_mem>>) src(%dma_wait3A_396 : memref<8x1024xf32, #tpu.memory_space<vmem>>) dst(%dma_wait3A_392 : memref<8x1024xf32, #tpu.memory_space<hbm>>)
    %scan3A_397 = arith.constant 0 : i32
    %scan3A_398 = arith.constant 64 : i32
    %scan3A_399 = arith.addi %scan3A_397, %scan3A_398 : i32
    %scan3A_400 = arith.constant 1 : i32
    %scan3A_401:8 = scf.for %scan3A_837 = %scan3A_397 to %scan3A_399 step %scan3A_400 iter_args(%scan3A_838 = %scan3A_299#0, %scan3A_839 = %scan3A_299#1, %scan3A_840 = %scan3A_299#2, %scan3A_841 = %scan3A_299#3, %scan3A_842 = %scan3A_299#4, %scan3A_843 = %scan3A_299#5, %scan3A_844 = %scan3A_299#6, %scan3A_845 = %scan3A_299#7) -> (vector<16xf32>, vector<16xf32>, vector<16xf32>, vector<16xf32>, vector<16xf32>, vector<16xf32>, vector<16xf32>, vector<16xf32>)  : i32 {
      %mul3A_846 = arith.constant 16 : i32
      %mul3A_847 = arith.muli %scan3A_837, %mul3A_846 : i32
      %get3A = arith.constant 1 : i32
      %get3A_848 = arith.index_cast %get3A : i32 to index
      %get3A_849 = arith.index_cast %mul3A_847 : i32 to index
      %get3A_850 = tpu.vector_load %arg8[%get3A_848, %get3A_849] {strides = array<i32>} : memref<2x1024xi32, #tpu.memory_space<vmem>>, vector<16xi32>,
      %add3A_851 = arith.constant 0 : i32
      %add3A_852 = vector.broadcast %add3A_851 : i32 to vector<16xi32>
      %add3A_853 = arith.addi %get3A_850, %add3A_852 : vector<16xi32>
      %gather3A = tpu.vector_load_idx %arg7[%add3A_853] : memref<4096xf32, #tpu.memory_space<vmem>>[vector<16xi32>], vector<16xf32>,
      %mul3A_854 = arith.constant 16 : i32
      %mul3A_855 = arith.muli %scan3A_837, %mul3A_854 : i32
      %swap3A_856 = arith.constant 1 : i32
      %swap3A_857 = arith.constant 0 : i32
      %swap3A_858 = arith.index_cast %swap3A_856 : i32 to index
      %swap3A_859 = arith.index_cast %swap3A_857 : i32 to index
      %swap3A_860 = arith.index_cast %mul3A_855 : i32 to index
      %swap3A_861 = tpu.vector_load %arg10[%swap3A_858, %swap3A_859, %swap3A_860] {strides = array<i32>} : memref<2x8x1024xf32, #tpu.memory_space<vmem>>, vector<16xf32>,
      tpu.vector_store %arg10[%swap3A_858, %swap3A_859, %swap3A_860], %gather3A {strides = array<i32>} : memref<2x8x1024xf32, #tpu.memory_space<vmem>>, vector<16xf32>,
      %mul3A_862 = arith.constant 16 : i32
      %mul3A_863 = arith.muli %scan3A_837, %mul3A_862 : i32
      %get3A_864 = arith.constant 1 : i32
      %get3A_865 = arith.constant 0 : i32
      %get3A_866 = arith.index_cast %get3A_864 : i32 to index
      %get3A_867 = arith.index_cast %get3A_865 : i32 to index
      %get3A_868 = arith.index_cast %mul3A_863 : i32 to index
      %get3A_869 = tpu.vector_load %arg9[%get3A_866, %get3A_867, %get3A_868] {strides = array<i32>} : memref<2x8x1024xf32, #tpu.memory_space<vmem>>, vector<16xf32>,
      %sub3A = arith.subf %get3A_869, %gather3A : vector<16xf32>
      %mul3A_870 = arith.mulf %sub3A, %sub3A : vector<16xf32>
      %add3A_871 = arith.addf %scan3A_838, %mul3A_870 : vector<16xf32>
      %add3A_872 = arith.constant 512 : i32
      %add3A_873 = vector.broadcast %add3A_872 : i32 to vector<16xi32>
      %add3A_874 = arith.addi %get3A_850, %add3A_873 : vector<16xi32>
      %gather3A_875 = tpu.vector_load_idx %arg7[%add3A_874] : memref<4096xf32, #tpu.memory_space<vmem>>[vector<16xi32>], vector<16xf32>,
      %mul3A_876 = arith.constant 16 : i32
      %mul3A_877 = arith.muli %scan3A_837, %mul3A_876 : i32
      %swap3A_878 = arith.constant 1 : i32
      %swap3A_879 = arith.constant 1 : i32
      %swap3A_880 = arith.index_cast %swap3A_878 : i32 to index
      %swap3A_881 = arith.index_cast %swap3A_879 : i32 to index
      %swap3A_882 = arith.index_cast %mul3A_877 : i32 to index
      %swap3A_883 = tpu.vector_load %arg10[%swap3A_880, %swap3A_881, %swap3A_882] {strides = array<i32>} : memref<2x8x1024xf32, #tpu.memory_space<vmem>>, vector<16xf32>,
      tpu.vector_store %arg10[%swap3A_880, %swap3A_881, %swap3A_882], %gather3A_875 {strides = array<i32>} : memref<2x8x1024xf32, #tpu.memory_space<vmem>>, vector<16xf32>,
      %mul3A_884 = arith.constant 16 : i32
      %mul3A_885 = arith.muli %scan3A_837, %mul3A_884 : i32
      %get3A_886 = arith.constant 1 : i32
      %get3A_887 = arith.constant 1 : i32
      %get3A_888 = arith.index_cast %get3A_886 : i32 to index
      %get3A_889 = arith.index_cast %get3A_887 : i32 to index
      %get3A_890 = arith.index_cast %mul3A_885 : i32 to index
      %get3A_891 = tpu.vector_load %arg9[%get3A_888, %get3A_889, %get3A_890] {strides = array<i32>} : memref<2x8x1024xf32, #tpu.memory_space<vmem>>, vector<16xf32>,
      %sub3A_892 = arith.subf %get3A_891, %gather3A_875 : vector<16xf32>
      %mul3A_893 = arith.mulf %sub3A_892, %sub3A_892 : vector<16xf32>
      %add3A_894 = arith.addf %scan3A_839, %mul3A_893 : vector<16xf32>
      %add3A_895 = arith.constant 1024 : i32
      %add3A_896 = vector.broadcast %add3A_895 : i32 to vector<16xi32>
      %add3A_897 = arith.addi %get3A_850, %add3A_896 : vector<16xi32>
      %gather3A_898 = tpu.vector_load_idx %arg7[%add3A_897] : memref<4096xf32, #tpu.memory_space<vmem>>[vector<16xi32>], vector<16xf32>,
      %mul3A_899 = arith.constant 16 : i32
      %mul3A_900 = arith.muli %scan3A_837, %mul3A_899 : i32
      %swap3A_901 = arith.constant 1 : i32
      %swap3A_902 = arith.constant 2 : i32
      %swap3A_903 = arith.index_cast %swap3A_901 : i32 to index
      %swap3A_904 = arith.index_cast %swap3A_902 : i32 to index
      %swap3A_905 = arith.index_cast %mul3A_900 : i32 to index
      %swap3A_906 = tpu.vector_load %arg10[%swap3A_903, %swap3A_904, %swap3A_905] {strides = array<i32>} : memref<2x8x1024xf32, #tpu.memory_space<vmem>>, vector<16xf32>,
      tpu.vector_store %arg10[%swap3A_903, %swap3A_904, %swap3A_905], %gather3A_898 {strides = array<i32>} : memref<2x8x1024xf32, #tpu.memory_space<vmem>>, vector<16xf32>,
      %mul3A_907 = arith.constant 16 : i32
      %mul3A_908 = arith.muli %scan3A_837, %mul3A_907 : i32
      %get3A_909 = arith.constant 1 : i32
      %get3A_910 = arith.constant 2 : i32
      %get3A_911 = arith.index_cast %get3A_909 : i32 to index
      %get3A_912 = arith.index_cast %get3A_910 : i32 to index
      %get3A_913 = arith.index_cast %mul3A_908 : i32 to index
      %get3A_914 = tpu.vector_load %arg9[%get3A_911, %get3A_912, %get3A_913] {strides = array<i32>} : memref<2x8x1024xf32, #tpu.memory_space<vmem>>, vector<16xf32>,
      %sub3A_915 = arith.subf %get3A_914, %gather3A_898 : vector<16xf32>
      %mul3A_916 = arith.mulf %sub3A_915, %sub3A_915 : vector<16xf32>
      %add3A_917 = arith.addf %scan3A_840, %mul3A_916 : vector<16xf32>
      %add3A_918 = arith.constant 1536 : i32
      %add3A_919 = vector.broadcast %add3A_918 : i32 to vector<16xi32>
      %add3A_920 = arith.addi %get3A_850, %add3A_919 : vector<16xi32>
      %gather3A_921 = tpu.vector_load_idx %arg7[%add3A_920] : memref<4096xf32, #tpu.memory_space<vmem>>[vector<16xi32>], vector<16xf32>,
      %mul3A_922 = arith.constant 16 : i32
      %mul3A_923 = arith.muli %scan3A_837, %mul3A_922 : i32
      %swap3A_924 = arith.constant 1 : i32
      %swap3A_925 = arith.constant 3 : i32
      %swap3A_926 = arith.index_cast %swap3A_924 : i32 to index
      %swap3A_927 = arith.index_cast %swap3A_925 : i32 to index
      %swap3A_928 = arith.index_cast %mul3A_923 : i32 to index
      %swap3A_929 = tpu.vector_load %arg10[%swap3A_926, %swap3A_927, %swap3A_928] {strides = array<i32>} : memref<2x8x1024xf32, #tpu.memory_space<vmem>>, vector<16xf32>,
      tpu.vector_store %arg10[%swap3A_926, %swap3A_927, %swap3A_928], %gather3A_921 {strides = array<i32>} : memref<2x8x1024xf32, #tpu.memory_space<vmem>>, vector<16xf32>,
      %mul3A_930 = arith.constant 16 : i32
      %mul3A_931 = arith.muli %scan3A_837, %mul3A_930 : i32
      %get3A_932 = arith.constant 1 : i32
      %get3A_933 = arith.constant 3 : i32
      %get3A_934 = arith.index_cast %get3A_932 : i32 to index
      %get3A_935 = arith.index_cast %get3A_933 : i32 to index
      %get3A_936 = arith.index_cast %mul3A_931 : i32 to index
      %get3A_937 = tpu.vector_load %arg9[%get3A_934, %get3A_935, %get3A_936] {strides = array<i32>} : memref<2x8x1024xf32, #tpu.memory_space<vmem>>, vector<16xf32>,
      %sub3A_938 = arith.subf %get3A_937, %gather3A_921 : vector<16xf32>
      %mul3A_939 = arith.mulf %sub3A_938, %sub3A_938 : vector<16xf32>
      %add3A_940 = arith.addf %scan3A_841, %mul3A_939 : vector<16xf32>
      %add3A_941 = arith.constant 2048 : i32
      %add3A_942 = vector.broadcast %add3A_941 : i32 to vector<16xi32>
      %add3A_943 = arith.addi %get3A_850, %add3A_942 : vector<16xi32>
      %gather3A_944 = tpu.vector_load_idx %arg7[%add3A_943] : memref<4096xf32, #tpu.memory_space<vmem>>[vector<16xi32>], vector<16xf32>,
      %mul3A_945 = arith.constant 16 : i32
      %mul3A_946 = arith.muli %scan3A_837, %mul3A_945 : i32
      %swap3A_947 = arith.constant 1 : i32
      %swap3A_948 = arith.constant 4 : i32
      %swap3A_949 = arith.index_cast %swap3A_947 : i32 to index
      %swap3A_950 = arith.index_cast %swap3A_948 : i32 to index
      %swap3A_951 = arith.index_cast %mul3A_946 : i32 to index
      %swap3A_952 = tpu.vector_load %arg10[%swap3A_949, %swap3A_950, %swap3A_951] {strides = array<i32>} : memref<2x8x1024xf32, #tpu.memory_space<vmem>>, vector<16xf32>,
      tpu.vector_store %arg10[%swap3A_949, %swap3A_950, %swap3A_951], %gather3A_944 {strides = array<i32>} : memref<2x8x1024xf32, #tpu.memory_space<vmem>>, vector<16xf32>,
      %mul3A_953 = arith.constant 16 : i32
      %mul3A_954 = arith.muli %scan3A_837, %mul3A_953 : i32
      %get3A_955 = arith.constant 1 : i32
      %get3A_956 = arith.constant 4 : i32
      %get3A_957 = arith.index_cast %get3A_955 : i32 to index
      %get3A_958 = arith.index_cast %get3A_956 : i32 to index
      %get3A_959 = arith.index_cast %mul3A_954 : i32 to index
      %get3A_960 = tpu.vector_load %arg9[%get3A_957, %get3A_958, %get3A_959] {strides = array<i32>} : memref<2x8x1024xf32, #tpu.memory_space<vmem>>, vector<16xf32>,
      %sub3A_961 = arith.subf %get3A_960, %gather3A_944 : vector<16xf32>
      %mul3A_962 = arith.mulf %sub3A_961, %sub3A_961 : vector<16xf32>
      %add3A_963 = arith.addf %scan3A_842, %mul3A_962 : vector<16xf32>
      %add3A_964 = arith.constant 2560 : i32
      %add3A_965 = vector.broadcast %add3A_964 : i32 to vector<16xi32>
      %add3A_966 = arith.addi %get3A_850, %add3A_965 : vector<16xi32>
      %gather3A_967 = tpu.vector_load_idx %arg7[%add3A_966] : memref<4096xf32, #tpu.memory_space<vmem>>[vector<16xi32>], vector<16xf32>,
      %mul3A_968 = arith.constant 16 : i32
      %mul3A_969 = arith.muli %scan3A_837, %mul3A_968 : i32
      %swap3A_970 = arith.constant 1 : i32
      %swap3A_971 = arith.constant 5 : i32
      %swap3A_972 = arith.index_cast %swap3A_970 : i32 to index
      %swap3A_973 = arith.index_cast %swap3A_971 : i32 to index
      %swap3A_974 = arith.index_cast %mul3A_969 : i32 to index
      %swap3A_975 = tpu.vector_load %arg10[%swap3A_972, %swap3A_973, %swap3A_974] {strides = array<i32>} : memref<2x8x1024xf32, #tpu.memory_space<vmem>>, vector<16xf32>,
      tpu.vector_store %arg10[%swap3A_972, %swap3A_973, %swap3A_974], %gather3A_967 {strides = array<i32>} : memref<2x8x1024xf32, #tpu.memory_space<vmem>>, vector<16xf32>,
      %mul3A_976 = arith.constant 16 : i32
      %mul3A_977 = arith.muli %scan3A_837, %mul3A_976 : i32
      %get3A_978 = arith.constant 1 : i32
      %get3A_979 = arith.constant 5 : i32
      %get3A_980 = arith.index_cast %get3A_978 : i32 to index
      %get3A_981 = arith.index_cast %get3A_979 : i32 to index
      %get3A_982 = arith.index_cast %mul3A_977 : i32 to index
      %get3A_983 = tpu.vector_load %arg9[%get3A_980, %get3A_981, %get3A_982] {strides = array<i32>} : memref<2x8x1024xf32, #tpu.memory_space<vmem>>, vector<16xf32>,
      %sub3A_984 = arith.subf %get3A_983, %gather3A_967 : vector<16xf32>
      %mul3A_985 = arith.mulf %sub3A_984, %sub3A_984 : vector<16xf32>
      %add3A_986 = arith.addf %scan3A_843, %mul3A_985 : vector<16xf32>
      %add3A_987 = arith.constant 3072 : i32
      %add3A_988 = vector.broadcast %add3A_987 : i32 to vector<16xi32>
      %add3A_989 = arith.addi %get3A_850, %add3A_988 : vector<16xi32>
      %gather3A_990 = tpu.vector_load_idx %arg7[%add3A_989] : memref<4096xf32, #tpu.memory_space<vmem>>[vector<16xi32>], vector<16xf32>,
      %mul3A_991 = arith.constant 16 : i32
      %mul3A_992 = arith.muli %scan3A_837, %mul3A_991 : i32
      %swap3A_993 = arith.constant 1 : i32
      %swap3A_994 = arith.constant 6 : i32
      %swap3A_995 = arith.index_cast %swap3A_993 : i32 to index
      %swap3A_996 = arith.index_cast %swap3A_994 : i32 to index
      %swap3A_997 = arith.index_cast %mul3A_992 : i32 to index
      %swap3A_998 = tpu.vector_load %arg10[%swap3A_995, %swap3A_996, %swap3A_997] {strides = array<i32>} : memref<2x8x1024xf32, #tpu.memory_space<vmem>>, vector<16xf32>,
      tpu.vector_store %arg10[%swap3A_995, %swap3A_996, %swap3A_997], %gather3A_990 {strides = array<i32>} : memref<2x8x1024xf32, #tpu.memory_space<vmem>>, vector<16xf32>,
      %mul3A_999 = arith.constant 16 : i32
      %mul3A_1000 = arith.muli %scan3A_837, %mul3A_999 : i32
      %get3A_1001 = arith.constant 1 : i32
      %get3A_1002 = arith.constant 6 : i32
      %get3A_1003 = arith.index_cast %get3A_1001 : i32 to index
      %get3A_1004 = arith.index_cast %get3A_1002 : i32 to index
      %get3A_1005 = arith.index_cast %mul3A_1000 : i32 to index
      %get3A_1006 = tpu.vector_load %arg9[%get3A_1003, %get3A_1004, %get3A_1005] {strides = array<i32>} : memref<2x8x1024xf32, #tpu.memory_space<vmem>>, vector<16xf32>,
      %sub3A_1007 = arith.subf %get3A_1006, %gather3A_990 : vector<16xf32>
      %mul3A_1008 = arith.mulf %sub3A_1007, %sub3A_1007 : vector<16xf32>
      %add3A_1009 = arith.addf %scan3A_844, %mul3A_1008 : vector<16xf32>
      %add3A_1010 = arith.constant 3584 : i32
      %add3A_1011 = vector.broadcast %add3A_1010 : i32 to vector<16xi32>
      %add3A_1012 = arith.addi %get3A_850, %add3A_1011 : vector<16xi32>
      %gather3A_1013 = tpu.vector_load_idx %arg7[%add3A_1012] : memref<4096xf32, #tpu.memory_space<vmem>>[vector<16xi32>], vector<16xf32>,
      %mul3A_1014 = arith.constant 16 : i32
      %mul3A_1015 = arith.muli %scan3A_837, %mul3A_1014 : i32
      %swap3A_1016 = arith.constant 1 : i32
      %swap3A_1017 = arith.constant 7 : i32
      %swap3A_1018 = arith.index_cast %swap3A_1016 : i32 to index
      %swap3A_1019 = arith.index_cast %swap3A_1017 : i32 to index
      %swap3A_1020 = arith.index_cast %mul3A_1015 : i32 to index
      %swap3A_1021 = tpu.vector_load %arg10[%swap3A_1018, %swap3A_1019, %swap3A_1020] {strides = array<i32>} : memref<2x8x1024xf32, #tpu.memory_space<vmem>>, vector<16xf32>,
      tpu.vector_store %arg10[%swap3A_1018, %swap3A_1019, %swap3A_1020], %gather3A_1013 {strides = array<i32>} : memref<2x8x1024xf32, #tpu.memory_space<vmem>>, vector<16xf32>,
      %mul3A_1022 = arith.constant 16 : i32
      %mul3A_1023 = arith.muli %scan3A_837, %mul3A_1022 : i32
      %get3A_1024 = arith.constant 1 : i32
      %get3A_1025 = arith.constant 7 : i32
      %get3A_1026 = arith.index_cast %get3A_1024 : i32 to index
      %get3A_1027 = arith.index_cast %get3A_1025 : i32 to index
      %get3A_1028 = arith.index_cast %mul3A_1023 : i32 to index
      %get3A_1029 = tpu.vector_load %arg9[%get3A_1026, %get3A_1027, %get3A_1028] {strides = array<i32>} : memref<2x8x1024xf32, #tpu.memory_space<vmem>>, vector<16xf32>,
      %sub3A_1030 = arith.subf %get3A_1029, %gather3A_1013 : vector<16xf32>
      %mul3A_1031 = arith.mulf %sub3A_1030, %sub3A_1030 : vector<16xf32>
      %add3A_1032 = arith.addf %scan3A_845, %mul3A_1031 : vector<16xf32>
      scf.yield %add3A_871, %add3A_894, %add3A_917, %add3A_940, %add3A_963, %add3A_986, %add3A_1009, %add3A_1032 : vector<16xf32>, vector<16xf32>, vector<16xf32>, vector<16xf32>, vector<16xf32>, vector<16xf32>, vector<16xf32>, vector<16xf32>
    }
    %scan3A_402 = arith.constant 64 : i32
    %mul3A_403 = arith.constant 8 : i32
    %mul3A_404 = arith.muli %add3A, %mul3A_403 : i32
    %dma_start3A_405 = arith.constant 1 : i32
    %dma_start3A_406 = arith.constant 3 : i32
    %dma_start3A_407 = arith.constant 0 : i32
    %dma_start3A_408 = arith.constant 0 : i32
    %dma_start3A_409 = tpu.memref_slice %arg10[%dma_start3A_405, %dma_start3A_407, %dma_start3A_408] : memref<2x8x1024xf32, #tpu.memory_space<vmem>> -> memref<1x8x1024xf32, #tpu.memory_space<vmem>>
    %dma_start3A_410 = tpu.memref_squeeze %dma_start3A_409 : memref<1x8x1024xf32, #tpu.memory_space<vmem>> -> memref<8x1024xf32, #tpu.memory_space<vmem>>
    %dma_start3A_411 = arith.constant 0 : i32
    %dma_start3A_412 = tpu.memref_slice %arg5[%dma_start3A_406, %mul3A_404, %dma_start3A_411] : memref<8x256x1024xf32, #tpu.memory_space<hbm>> -> memref<1x8x1024xf32, #tpu.memory_space<hbm>>
    %dma_start3A_413 = tpu.memref_squeeze %dma_start3A_412 : memref<1x8x1024xf32, #tpu.memory_space<hbm>> -> memref<8x1024xf32, #tpu.memory_space<hbm>>
    %dma_start3A_414 = arith.constant 0 : i32
    %dma_start3A_415 = tpu.memref_slice %arg5[%dma_start3A_406, %mul3A_404, %dma_start3A_414] : memref<8x256x1024xf32, #tpu.memory_space<hbm>> -> memref<1x8x1024xf32, #tpu.memory_space<hbm>>
    %dma_start3A_416 = tpu.memref_squeeze %dma_start3A_415 : memref<1x8x1024xf32, #tpu.memory_space<hbm>> -> memref<8x1024xf32, #tpu.memory_space<hbm>>
    %dma_start3A_417 = arith.constant 0 : i32
    %dma_start3A_418 = arith.constant 0 : i32
    %dma_start3A_419 = tpu.memref_slice %arg10[%dma_start3A_405, %dma_start3A_417, %dma_start3A_418] : memref<2x8x1024xf32, #tpu.memory_space<vmem>> -> memref<1x8x1024xf32, #tpu.memory_space<vmem>>
    %dma_start3A_420 = tpu.memref_squeeze %dma_start3A_419 : memref<1x8x1024xf32, #tpu.memory_space<vmem>> -> memref<8x1024xf32, #tpu.memory_space<vmem>>
    tpu.enqueue_dma source(%dma_start3A_420 : memref<8x1024xf32, #tpu.memory_space<vmem>>) target(%dma_start3A_416 : memref<8x1024xf32, #tpu.memory_space<hbm>>) target_semaphore(%arg17 : memref<!tpu.dma_semaphore, #tpu.memory_space<semaphore_mem>>)
    %dma_wait3A_421 = arith.constant 4 : i32
    %dma_wait3A_422 = arith.constant 0 : i32
    %dma_wait3A_423 = arith.constant 0 : i32
    %dma_wait3A_424 = tpu.memref_slice %arg8[%dma_wait3A_422, %dma_wait3A_423] : memref<2x1024xi32, #tpu.memory_space<vmem>> -> memref<1x1024xi32, #tpu.memory_space<vmem>>
    %dma_wait3A_425 = tpu.memref_squeeze %dma_wait3A_424 : memref<1x1024xi32, #tpu.memory_space<vmem>> -> memref<1024xi32, #tpu.memory_space<vmem>>
    %dma_wait3A_426 = arith.constant 0 : i32
    %dma_wait3A_427 = tpu.memref_slice %arg3[%dma_wait3A_421, %add3A, %dma_wait3A_426] : memref<8x32x1024xi32, #tpu.memory_space<hbm>> -> memref<1x1x1024xi32, #tpu.memory_space<hbm>>
    %dma_wait3A_428 = tpu.memref_squeeze %dma_wait3A_427 : memref<1x1x1024xi32, #tpu.memory_space<hbm>> -> memref<1024xi32, #tpu.memory_space<hbm>>
    %dma_wait3A_429 = arith.constant 0 : i32
    %dma_wait3A_430 = tpu.memref_slice %arg8[%dma_wait3A_422, %dma_wait3A_429] : memref<2x1024xi32, #tpu.memory_space<vmem>> -> memref<1x1024xi32, #tpu.memory_space<vmem>>
    %dma_wait3A_431 = tpu.memref_squeeze %dma_wait3A_430 : memref<1x1024xi32, #tpu.memory_space<vmem>> -> memref<1024xi32, #tpu.memory_space<vmem>>
    %dma_wait3A_432 = arith.constant 0 : i32
    %dma_wait3A_433 = tpu.memref_slice %arg3[%dma_wait3A_421, %add3A, %dma_wait3A_432] : memref<8x32x1024xi32, #tpu.memory_space<hbm>> -> memref<1x1x1024xi32, #tpu.memory_space<hbm>>
    %dma_wait3A_434 = tpu.memref_squeeze %dma_wait3A_433 : memref<1x1x1024xi32, #tpu.memory_space<hbm>> -> memref<1024xi32, #tpu.memory_space<hbm>>
    tpu.wait_dma2 semaphore(%arg12 : memref<!tpu.dma_semaphore, #tpu.memory_space<semaphore_mem>>) src(%dma_wait3A_434 : memref<1024xi32, #tpu.memory_space<hbm>>) dst(%dma_wait3A_431 : memref<1024xi32, #tpu.memory_space<vmem>>)
    %dma_wait3A_435 = arith.constant 4 : i32
    %dma_wait3A_436 = arith.constant 0 : i32
    %dma_wait3A_437 = arith.constant 0 : i32
    %dma_wait3A_438 = arith.constant 0 : i32
    %dma_wait3A_439 = tpu.memref_slice %arg9[%dma_wait3A_436, %dma_wait3A_437, %dma_wait3A_438] : memref<2x8x1024xf32, #tpu.memory_space<vmem>> -> memref<1x8x1024xf32, #tpu.memory_space<vmem>>
    %dma_wait3A_440 = tpu.memref_squeeze %dma_wait3A_439 : memref<1x8x1024xf32, #tpu.memory_space<vmem>> -> memref<8x1024xf32, #tpu.memory_space<vmem>>
    %dma_wait3A_441 = arith.constant 0 : i32
    %dma_wait3A_442 = tpu.memref_slice %arg4[%dma_wait3A_435, %mul3A_364, %dma_wait3A_441] : memref<8x256x1024xf32, #tpu.memory_space<hbm>> -> memref<1x8x1024xf32, #tpu.memory_space<hbm>>
    %dma_wait3A_443 = tpu.memref_squeeze %dma_wait3A_442 : memref<1x8x1024xf32, #tpu.memory_space<hbm>> -> memref<8x1024xf32, #tpu.memory_space<hbm>>
    %dma_wait3A_444 = arith.constant 0 : i32
    %dma_wait3A_445 = arith.constant 0 : i32
    %dma_wait3A_446 = tpu.memref_slice %arg9[%dma_wait3A_436, %dma_wait3A_444, %dma_wait3A_445] : memref<2x8x1024xf32, #tpu.memory_space<vmem>> -> memref<1x8x1024xf32, #tpu.memory_space<vmem>>
    %dma_wait3A_447 = tpu.memref_squeeze %dma_wait3A_446 : memref<1x8x1024xf32, #tpu.memory_space<vmem>> -> memref<8x1024xf32, #tpu.memory_space<vmem>>
    %dma_wait3A_448 = arith.constant 0 : i32
    %dma_wait3A_449 = tpu.memref_slice %arg4[%dma_wait3A_435, %mul3A_364, %dma_wait3A_448] : memref<8x256x1024xf32, #tpu.memory_space<hbm>> -> memref<1x8x1024xf32, #tpu.memory_space<hbm>>
    %dma_wait3A_450 = tpu.memref_squeeze %dma_wait3A_449 : memref<1x8x1024xf32, #tpu.memory_space<hbm>> -> memref<8x1024xf32, #tpu.memory_space<hbm>>
    tpu.wait_dma2 semaphore(%arg14 : memref<!tpu.dma_semaphore, #tpu.memory_space<semaphore_mem>>) src(%dma_wait3A_450 : memref<8x1024xf32, #tpu.memory_space<hbm>>) dst(%dma_wait3A_447 : memref<8x1024xf32, #tpu.memory_space<vmem>>)
    %dma_start3A_451 = arith.constant 5 : i32
    %dma_start3A_452 = arith.constant 1 : i32
    %dma_start3A_453 = arith.constant 0 : i32
    %dma_start3A_454 = tpu.memref_slice %arg8[%dma_start3A_452, %dma_start3A_453] : memref<2x1024xi32, #tpu.memory_space<vmem>> -> memref<1x1024xi32, #tpu.memory_space<vmem>>
    %dma_start3A_455 = tpu.memref_squeeze %dma_start3A_454 : memref<1x1024xi32, #tpu.memory_space<vmem>> -> memref<1024xi32, #tpu.memory_space<vmem>>
    %dma_start3A_456 = arith.constant 0 : i32
    %dma_start3A_457 = tpu.memref_slice %arg3[%dma_start3A_451, %add3A, %dma_start3A_456] : memref<8x32x1024xi32, #tpu.memory_space<hbm>> -> memref<1x1x1024xi32, #tpu.memory_space<hbm>>
    %dma_start3A_458 = tpu.memref_squeeze %dma_start3A_457 : memref<1x1x1024xi32, #tpu.memory_space<hbm>> -> memref<1024xi32, #tpu.memory_space<hbm>>
    %dma_start3A_459 = arith.constant 0 : i32
    %dma_start3A_460 = tpu.memref_slice %arg8[%dma_start3A_452, %dma_start3A_459] : memref<2x1024xi32, #tpu.memory_space<vmem>> -> memref<1x1024xi32, #tpu.memory_space<vmem>>
    %dma_start3A_461 = tpu.memref_squeeze %dma_start3A_460 : memref<1x1024xi32, #tpu.memory_space<vmem>> -> memref<1024xi32, #tpu.memory_space<vmem>>
    %dma_start3A_462 = arith.constant 0 : i32
    %dma_start3A_463 = tpu.memref_slice %arg3[%dma_start3A_451, %add3A, %dma_start3A_462] : memref<8x32x1024xi32, #tpu.memory_space<hbm>> -> memref<1x1x1024xi32, #tpu.memory_space<hbm>>
    %dma_start3A_464 = tpu.memref_squeeze %dma_start3A_463 : memref<1x1x1024xi32, #tpu.memory_space<hbm>> -> memref<1024xi32, #tpu.memory_space<hbm>>
    tpu.enqueue_dma source(%dma_start3A_464 : memref<1024xi32, #tpu.memory_space<hbm>>) target(%dma_start3A_461 : memref<1024xi32, #tpu.memory_space<vmem>>) target_semaphore(%arg13 : memref<!tpu.dma_semaphore, #tpu.memory_space<semaphore_mem>>)
    %mul3A_465 = arith.constant 8 : i32
    %mul3A_466 = arith.muli %add3A, %mul3A_465 : i32
    %dma_start3A_467 = arith.constant 5 : i32
    %dma_start3A_468 = arith.constant 1 : i32
    %dma_start3A_469 = arith.constant 0 : i32
    %dma_start3A_470 = arith.constant 0 : i32
    %dma_start3A_471 = tpu.memref_slice %arg9[%dma_start3A_468, %dma_start3A_469, %dma_start3A_470] : memref<2x8x1024xf32, #tpu.memory_space<vmem>> -> memref<1x8x1024xf32, #tpu.memory_space<vmem>>
    %dma_start3A_472 = tpu.memref_squeeze %dma_start3A_471 : memref<1x8x1024xf32, #tpu.memory_space<vmem>> -> memref<8x1024xf32, #tpu.memory_space<vmem>>
    %dma_start3A_473 = arith.constant 0 : i32
    %dma_start3A_474 = tpu.memref_slice %arg4[%dma_start3A_467, %mul3A_466, %dma_start3A_473] : memref<8x256x1024xf32, #tpu.memory_space<hbm>> -> memref<1x8x1024xf32, #tpu.memory_space<hbm>>
    %dma_start3A_475 = tpu.memref_squeeze %dma_start3A_474 : memref<1x8x1024xf32, #tpu.memory_space<hbm>> -> memref<8x1024xf32, #tpu.memory_space<hbm>>
    %dma_start3A_476 = arith.constant 0 : i32
    %dma_start3A_477 = arith.constant 0 : i32
    %dma_start3A_478 = tpu.memref_slice %arg9[%dma_start3A_468, %dma_start3A_476, %dma_start3A_477] : memref<2x8x1024xf32, #tpu.memory_space<vmem>> -> memref<1x8x1024xf32, #tpu.memory_space<vmem>>
    %dma_start3A_479 = tpu.memref_squeeze %dma_start3A_478 : memref<1x8x1024xf32, #tpu.memory_space<vmem>> -> memref<8x1024xf32, #tpu.memory_space<vmem>>
    %dma_start3A_480 = arith.constant 0 : i32
    %dma_start3A_481 = tpu.memref_slice %arg4[%dma_start3A_467, %mul3A_466, %dma_start3A_480] : memref<8x256x1024xf32, #tpu.memory_space<hbm>> -> memref<1x8x1024xf32, #tpu.memory_space<hbm>>
    %dma_start3A_482 = tpu.memref_squeeze %dma_start3A_481 : memref<1x8x1024xf32, #tpu.memory_space<hbm>> -> memref<8x1024xf32, #tpu.memory_space<hbm>>
    tpu.enqueue_dma source(%dma_start3A_482 : memref<8x1024xf32, #tpu.memory_space<hbm>>) target(%dma_start3A_479 : memref<8x1024xf32, #tpu.memory_space<vmem>>) target_semaphore(%arg15 : memref<!tpu.dma_semaphore, #tpu.memory_space<semaphore_mem>>)
    %dma_wait3A_483 = arith.constant 0 : i32
    %dma_wait3A_484 = arith.constant 2 : i32
    %dma_wait3A_485 = arith.constant 0 : i32
    %dma_wait3A_486 = arith.constant 0 : i32
    %dma_wait3A_487 = tpu.memref_slice %arg10[%dma_wait3A_483, %dma_wait3A_485, %dma_wait3A_486] : memref<2x8x1024xf32, #tpu.memory_space<vmem>> -> memref<1x8x1024xf32, #tpu.memory_space<vmem>>
    %dma_wait3A_488 = tpu.memref_squeeze %dma_wait3A_487 : memref<1x8x1024xf32, #tpu.memory_space<vmem>> -> memref<8x1024xf32, #tpu.memory_space<vmem>>
    %dma_wait3A_489 = arith.constant 0 : i32
    %dma_wait3A_490 = tpu.memref_slice %arg5[%dma_wait3A_484, %mul3A_302, %dma_wait3A_489] : memref<8x256x1024xf32, #tpu.memory_space<hbm>> -> memref<1x8x1024xf32, #tpu.memory_space<hbm>>
    %dma_wait3A_491 = tpu.memref_squeeze %dma_wait3A_490 : memref<1x8x1024xf32, #tpu.memory_space<hbm>> -> memref<8x1024xf32, #tpu.memory_space<hbm>>
    %dma_wait3A_492 = arith.constant 0 : i32
    %dma_wait3A_493 = tpu.memref_slice %arg5[%dma_wait3A_484, %mul3A_302, %dma_wait3A_492] : memref<8x256x1024xf32, #tpu.memory_space<hbm>> -> memref<1x8x1024xf32, #tpu.memory_space<hbm>>
    %dma_wait3A_494 = tpu.memref_squeeze %dma_wait3A_493 : memref<1x8x1024xf32, #tpu.memory_space<hbm>> -> memref<8x1024xf32, #tpu.memory_space<hbm>>
    %dma_wait3A_495 = arith.constant 0 : i32
    %dma_wait3A_496 = arith.constant 0 : i32
    %dma_wait3A_497 = tpu.memref_slice %arg10[%dma_wait3A_483, %dma_wait3A_495, %dma_wait3A_496] : memref<2x8x1024xf32, #tpu.memory_space<vmem>> -> memref<1x8x1024xf32, #tpu.memory_space<vmem>>
    %dma_wait3A_498 = tpu.memref_squeeze %dma_wait3A_497 : memref<1x8x1024xf32, #tpu.memory_space<vmem>> -> memref<8x1024xf32, #tpu.memory_space<vmem>>
    tpu.wait_dma2 semaphore(%arg16 : memref<!tpu.dma_semaphore, #tpu.memory_space<semaphore_mem>>) src(%dma_wait3A_498 : memref<8x1024xf32, #tpu.memory_space<vmem>>) dst(%dma_wait3A_494 : memref<8x1024xf32, #tpu.memory_space<hbm>>)
    %scan3A_499 = arith.constant 0 : i32
    %scan3A_500 = arith.constant 64 : i32
    %scan3A_501 = arith.addi %scan3A_499, %scan3A_500 : i32
    %scan3A_502 = arith.constant 1 : i32
    %scan3A_503:8 = scf.for %scan3A_837 = %scan3A_499 to %scan3A_501 step %scan3A_502 iter_args(%scan3A_838 = %scan3A_401#0, %scan3A_839 = %scan3A_401#1, %scan3A_840 = %scan3A_401#2, %scan3A_841 = %scan3A_401#3, %scan3A_842 = %scan3A_401#4, %scan3A_843 = %scan3A_401#5, %scan3A_844 = %scan3A_401#6, %scan3A_845 = %scan3A_401#7) -> (vector<16xf32>, vector<16xf32>, vector<16xf32>, vector<16xf32>, vector<16xf32>, vector<16xf32>, vector<16xf32>, vector<16xf32>)  : i32 {
      %mul3A_846 = arith.constant 16 : i32
      %mul3A_847 = arith.muli %scan3A_837, %mul3A_846 : i32
      %get3A = arith.constant 0 : i32
      %get3A_848 = arith.index_cast %get3A : i32 to index
      %get3A_849 = arith.index_cast %mul3A_847 : i32 to index
      %get3A_850 = tpu.vector_load %arg8[%get3A_848, %get3A_849] {strides = array<i32>} : memref<2x1024xi32, #tpu.memory_space<vmem>>, vector<16xi32>,
      %add3A_851 = arith.constant 0 : i32
      %add3A_852 = vector.broadcast %add3A_851 : i32 to vector<16xi32>
      %add3A_853 = arith.addi %get3A_850, %add3A_852 : vector<16xi32>
      %gather3A = tpu.vector_load_idx %arg7[%add3A_853] : memref<4096xf32, #tpu.memory_space<vmem>>[vector<16xi32>], vector<16xf32>,
      %mul3A_854 = arith.constant 16 : i32
      %mul3A_855 = arith.muli %scan3A_837, %mul3A_854 : i32
      %swap3A_856 = arith.constant 0 : i32
      %swap3A_857 = arith.constant 0 : i32
      %swap3A_858 = arith.index_cast %swap3A_856 : i32 to index
      %swap3A_859 = arith.index_cast %swap3A_857 : i32 to index
      %swap3A_860 = arith.index_cast %mul3A_855 : i32 to index
      %swap3A_861 = tpu.vector_load %arg10[%swap3A_858, %swap3A_859, %swap3A_860] {strides = array<i32>} : memref<2x8x1024xf32, #tpu.memory_space<vmem>>, vector<16xf32>,
      tpu.vector_store %arg10[%swap3A_858, %swap3A_859, %swap3A_860], %gather3A {strides = array<i32>} : memref<2x8x1024xf32, #tpu.memory_space<vmem>>, vector<16xf32>,
      %mul3A_862 = arith.constant 16 : i32
      %mul3A_863 = arith.muli %scan3A_837, %mul3A_862 : i32
      %get3A_864 = arith.constant 0 : i32
      %get3A_865 = arith.constant 0 : i32
      %get3A_866 = arith.index_cast %get3A_864 : i32 to index
      %get3A_867 = arith.index_cast %get3A_865 : i32 to index
      %get3A_868 = arith.index_cast %mul3A_863 : i32 to index
      %get3A_869 = tpu.vector_load %arg9[%get3A_866, %get3A_867, %get3A_868] {strides = array<i32>} : memref<2x8x1024xf32, #tpu.memory_space<vmem>>, vector<16xf32>,
      %sub3A = arith.subf %get3A_869, %gather3A : vector<16xf32>
      %mul3A_870 = arith.mulf %sub3A, %sub3A : vector<16xf32>
      %add3A_871 = arith.addf %scan3A_838, %mul3A_870 : vector<16xf32>
      %add3A_872 = arith.constant 512 : i32
      %add3A_873 = vector.broadcast %add3A_872 : i32 to vector<16xi32>
      %add3A_874 = arith.addi %get3A_850, %add3A_873 : vector<16xi32>
      %gather3A_875 = tpu.vector_load_idx %arg7[%add3A_874] : memref<4096xf32, #tpu.memory_space<vmem>>[vector<16xi32>], vector<16xf32>,
      %mul3A_876 = arith.constant 16 : i32
      %mul3A_877 = arith.muli %scan3A_837, %mul3A_876 : i32
      %swap3A_878 = arith.constant 0 : i32
      %swap3A_879 = arith.constant 1 : i32
      %swap3A_880 = arith.index_cast %swap3A_878 : i32 to index
      %swap3A_881 = arith.index_cast %swap3A_879 : i32 to index
      %swap3A_882 = arith.index_cast %mul3A_877 : i32 to index
      %swap3A_883 = tpu.vector_load %arg10[%swap3A_880, %swap3A_881, %swap3A_882] {strides = array<i32>} : memref<2x8x1024xf32, #tpu.memory_space<vmem>>, vector<16xf32>,
      tpu.vector_store %arg10[%swap3A_880, %swap3A_881, %swap3A_882], %gather3A_875 {strides = array<i32>} : memref<2x8x1024xf32, #tpu.memory_space<vmem>>, vector<16xf32>,
      %mul3A_884 = arith.constant 16 : i32
      %mul3A_885 = arith.muli %scan3A_837, %mul3A_884 : i32
      %get3A_886 = arith.constant 0 : i32
      %get3A_887 = arith.constant 1 : i32
      %get3A_888 = arith.index_cast %get3A_886 : i32 to index
      %get3A_889 = arith.index_cast %get3A_887 : i32 to index
      %get3A_890 = arith.index_cast %mul3A_885 : i32 to index
      %get3A_891 = tpu.vector_load %arg9[%get3A_888, %get3A_889, %get3A_890] {strides = array<i32>} : memref<2x8x1024xf32, #tpu.memory_space<vmem>>, vector<16xf32>,
      %sub3A_892 = arith.subf %get3A_891, %gather3A_875 : vector<16xf32>
      %mul3A_893 = arith.mulf %sub3A_892, %sub3A_892 : vector<16xf32>
      %add3A_894 = arith.addf %scan3A_839, %mul3A_893 : vector<16xf32>
      %add3A_895 = arith.constant 1024 : i32
      %add3A_896 = vector.broadcast %add3A_895 : i32 to vector<16xi32>
      %add3A_897 = arith.addi %get3A_850, %add3A_896 : vector<16xi32>
      %gather3A_898 = tpu.vector_load_idx %arg7[%add3A_897] : memref<4096xf32, #tpu.memory_space<vmem>>[vector<16xi32>], vector<16xf32>,
      %mul3A_899 = arith.constant 16 : i32
      %mul3A_900 = arith.muli %scan3A_837, %mul3A_899 : i32
      %swap3A_901 = arith.constant 0 : i32
      %swap3A_902 = arith.constant 2 : i32
      %swap3A_903 = arith.index_cast %swap3A_901 : i32 to index
      %swap3A_904 = arith.index_cast %swap3A_902 : i32 to index
      %swap3A_905 = arith.index_cast %mul3A_900 : i32 to index
      %swap3A_906 = tpu.vector_load %arg10[%swap3A_903, %swap3A_904, %swap3A_905] {strides = array<i32>} : memref<2x8x1024xf32, #tpu.memory_space<vmem>>, vector<16xf32>,
      tpu.vector_store %arg10[%swap3A_903, %swap3A_904, %swap3A_905], %gather3A_898 {strides = array<i32>} : memref<2x8x1024xf32, #tpu.memory_space<vmem>>, vector<16xf32>,
      %mul3A_907 = arith.constant 16 : i32
      %mul3A_908 = arith.muli %scan3A_837, %mul3A_907 : i32
      %get3A_909 = arith.constant 0 : i32
      %get3A_910 = arith.constant 2 : i32
      %get3A_911 = arith.index_cast %get3A_909 : i32 to index
      %get3A_912 = arith.index_cast %get3A_910 : i32 to index
      %get3A_913 = arith.index_cast %mul3A_908 : i32 to index
      %get3A_914 = tpu.vector_load %arg9[%get3A_911, %get3A_912, %get3A_913] {strides = array<i32>} : memref<2x8x1024xf32, #tpu.memory_space<vmem>>, vector<16xf32>,
      %sub3A_915 = arith.subf %get3A_914, %gather3A_898 : vector<16xf32>
      %mul3A_916 = arith.mulf %sub3A_915, %sub3A_915 : vector<16xf32>
      %add3A_917 = arith.addf %scan3A_840, %mul3A_916 : vector<16xf32>
      %add3A_918 = arith.constant 1536 : i32
      %add3A_919 = vector.broadcast %add3A_918 : i32 to vector<16xi32>
      %add3A_920 = arith.addi %get3A_850, %add3A_919 : vector<16xi32>
      %gather3A_921 = tpu.vector_load_idx %arg7[%add3A_920] : memref<4096xf32, #tpu.memory_space<vmem>>[vector<16xi32>], vector<16xf32>,
      %mul3A_922 = arith.constant 16 : i32
      %mul3A_923 = arith.muli %scan3A_837, %mul3A_922 : i32
      %swap3A_924 = arith.constant 0 : i32
      %swap3A_925 = arith.constant 3 : i32
      %swap3A_926 = arith.index_cast %swap3A_924 : i32 to index
      %swap3A_927 = arith.index_cast %swap3A_925 : i32 to index
      %swap3A_928 = arith.index_cast %mul3A_923 : i32 to index
      %swap3A_929 = tpu.vector_load %arg10[%swap3A_926, %swap3A_927, %swap3A_928] {strides = array<i32>} : memref<2x8x1024xf32, #tpu.memory_space<vmem>>, vector<16xf32>,
      tpu.vector_store %arg10[%swap3A_926, %swap3A_927, %swap3A_928], %gather3A_921 {strides = array<i32>} : memref<2x8x1024xf32, #tpu.memory_space<vmem>>, vector<16xf32>,
      %mul3A_930 = arith.constant 16 : i32
      %mul3A_931 = arith.muli %scan3A_837, %mul3A_930 : i32
      %get3A_932 = arith.constant 0 : i32
      %get3A_933 = arith.constant 3 : i32
      %get3A_934 = arith.index_cast %get3A_932 : i32 to index
      %get3A_935 = arith.index_cast %get3A_933 : i32 to index
      %get3A_936 = arith.index_cast %mul3A_931 : i32 to index
      %get3A_937 = tpu.vector_load %arg9[%get3A_934, %get3A_935, %get3A_936] {strides = array<i32>} : memref<2x8x1024xf32, #tpu.memory_space<vmem>>, vector<16xf32>,
      %sub3A_938 = arith.subf %get3A_937, %gather3A_921 : vector<16xf32>
      %mul3A_939 = arith.mulf %sub3A_938, %sub3A_938 : vector<16xf32>
      %add3A_940 = arith.addf %scan3A_841, %mul3A_939 : vector<16xf32>
      %add3A_941 = arith.constant 2048 : i32
      %add3A_942 = vector.broadcast %add3A_941 : i32 to vector<16xi32>
      %add3A_943 = arith.addi %get3A_850, %add3A_942 : vector<16xi32>
      %gather3A_944 = tpu.vector_load_idx %arg7[%add3A_943] : memref<4096xf32, #tpu.memory_space<vmem>>[vector<16xi32>], vector<16xf32>,
      %mul3A_945 = arith.constant 16 : i32
      %mul3A_946 = arith.muli %scan3A_837, %mul3A_945 : i32
      %swap3A_947 = arith.constant 0 : i32
      %swap3A_948 = arith.constant 4 : i32
      %swap3A_949 = arith.index_cast %swap3A_947 : i32 to index
      %swap3A_950 = arith.index_cast %swap3A_948 : i32 to index
      %swap3A_951 = arith.index_cast %mul3A_946 : i32 to index
      %swap3A_952 = tpu.vector_load %arg10[%swap3A_949, %swap3A_950, %swap3A_951] {strides = array<i32>} : memref<2x8x1024xf32, #tpu.memory_space<vmem>>, vector<16xf32>,
      tpu.vector_store %arg10[%swap3A_949, %swap3A_950, %swap3A_951], %gather3A_944 {strides = array<i32>} : memref<2x8x1024xf32, #tpu.memory_space<vmem>>, vector<16xf32>,
      %mul3A_953 = arith.constant 16 : i32
      %mul3A_954 = arith.muli %scan3A_837, %mul3A_953 : i32
      %get3A_955 = arith.constant 0 : i32
      %get3A_956 = arith.constant 4 : i32
      %get3A_957 = arith.index_cast %get3A_955 : i32 to index
      %get3A_958 = arith.index_cast %get3A_956 : i32 to index
      %get3A_959 = arith.index_cast %mul3A_954 : i32 to index
      %get3A_960 = tpu.vector_load %arg9[%get3A_957, %get3A_958, %get3A_959] {strides = array<i32>} : memref<2x8x1024xf32, #tpu.memory_space<vmem>>, vector<16xf32>,
      %sub3A_961 = arith.subf %get3A_960, %gather3A_944 : vector<16xf32>
      %mul3A_962 = arith.mulf %sub3A_961, %sub3A_961 : vector<16xf32>
      %add3A_963 = arith.addf %scan3A_842, %mul3A_962 : vector<16xf32>
      %add3A_964 = arith.constant 2560 : i32
      %add3A_965 = vector.broadcast %add3A_964 : i32 to vector<16xi32>
      %add3A_966 = arith.addi %get3A_850, %add3A_965 : vector<16xi32>
      %gather3A_967 = tpu.vector_load_idx %arg7[%add3A_966] : memref<4096xf32, #tpu.memory_space<vmem>>[vector<16xi32>], vector<16xf32>,
      %mul3A_968 = arith.constant 16 : i32
      %mul3A_969 = arith.muli %scan3A_837, %mul3A_968 : i32
      %swap3A_970 = arith.constant 0 : i32
      %swap3A_971 = arith.constant 5 : i32
      %swap3A_972 = arith.index_cast %swap3A_970 : i32 to index
      %swap3A_973 = arith.index_cast %swap3A_971 : i32 to index
      %swap3A_974 = arith.index_cast %mul3A_969 : i32 to index
      %swap3A_975 = tpu.vector_load %arg10[%swap3A_972, %swap3A_973, %swap3A_974] {strides = array<i32>} : memref<2x8x1024xf32, #tpu.memory_space<vmem>>, vector<16xf32>,
      tpu.vector_store %arg10[%swap3A_972, %swap3A_973, %swap3A_974], %gather3A_967 {strides = array<i32>} : memref<2x8x1024xf32, #tpu.memory_space<vmem>>, vector<16xf32>,
      %mul3A_976 = arith.constant 16 : i32
      %mul3A_977 = arith.muli %scan3A_837, %mul3A_976 : i32
      %get3A_978 = arith.constant 0 : i32
      %get3A_979 = arith.constant 5 : i32
      %get3A_980 = arith.index_cast %get3A_978 : i32 to index
      %get3A_981 = arith.index_cast %get3A_979 : i32 to index
      %get3A_982 = arith.index_cast %mul3A_977 : i32 to index
      %get3A_983 = tpu.vector_load %arg9[%get3A_980, %get3A_981, %get3A_982] {strides = array<i32>} : memref<2x8x1024xf32, #tpu.memory_space<vmem>>, vector<16xf32>,
      %sub3A_984 = arith.subf %get3A_983, %gather3A_967 : vector<16xf32>
      %mul3A_985 = arith.mulf %sub3A_984, %sub3A_984 : vector<16xf32>
      %add3A_986 = arith.addf %scan3A_843, %mul3A_985 : vector<16xf32>
      %add3A_987 = arith.constant 3072 : i32
      %add3A_988 = vector.broadcast %add3A_987 : i32 to vector<16xi32>
      %add3A_989 = arith.addi %get3A_850, %add3A_988 : vector<16xi32>
      %gather3A_990 = tpu.vector_load_idx %arg7[%add3A_989] : memref<4096xf32, #tpu.memory_space<vmem>>[vector<16xi32>], vector<16xf32>,
      %mul3A_991 = arith.constant 16 : i32
      %mul3A_992 = arith.muli %scan3A_837, %mul3A_991 : i32
      %swap3A_993 = arith.constant 0 : i32
      %swap3A_994 = arith.constant 6 : i32
      %swap3A_995 = arith.index_cast %swap3A_993 : i32 to index
      %swap3A_996 = arith.index_cast %swap3A_994 : i32 to index
      %swap3A_997 = arith.index_cast %mul3A_992 : i32 to index
      %swap3A_998 = tpu.vector_load %arg10[%swap3A_995, %swap3A_996, %swap3A_997] {strides = array<i32>} : memref<2x8x1024xf32, #tpu.memory_space<vmem>>, vector<16xf32>,
      tpu.vector_store %arg10[%swap3A_995, %swap3A_996, %swap3A_997], %gather3A_990 {strides = array<i32>} : memref<2x8x1024xf32, #tpu.memory_space<vmem>>, vector<16xf32>,
      %mul3A_999 = arith.constant 16 : i32
      %mul3A_1000 = arith.muli %scan3A_837, %mul3A_999 : i32
      %get3A_1001 = arith.constant 0 : i32
      %get3A_1002 = arith.constant 6 : i32
      %get3A_1003 = arith.index_cast %get3A_1001 : i32 to index
      %get3A_1004 = arith.index_cast %get3A_1002 : i32 to index
      %get3A_1005 = arith.index_cast %mul3A_1000 : i32 to index
      %get3A_1006 = tpu.vector_load %arg9[%get3A_1003, %get3A_1004, %get3A_1005] {strides = array<i32>} : memref<2x8x1024xf32, #tpu.memory_space<vmem>>, vector<16xf32>,
      %sub3A_1007 = arith.subf %get3A_1006, %gather3A_990 : vector<16xf32>
      %mul3A_1008 = arith.mulf %sub3A_1007, %sub3A_1007 : vector<16xf32>
      %add3A_1009 = arith.addf %scan3A_844, %mul3A_1008 : vector<16xf32>
      %add3A_1010 = arith.constant 3584 : i32
      %add3A_1011 = vector.broadcast %add3A_1010 : i32 to vector<16xi32>
      %add3A_1012 = arith.addi %get3A_850, %add3A_1011 : vector<16xi32>
      %gather3A_1013 = tpu.vector_load_idx %arg7[%add3A_1012] : memref<4096xf32, #tpu.memory_space<vmem>>[vector<16xi32>], vector<16xf32>,
      %mul3A_1014 = arith.constant 16 : i32
      %mul3A_1015 = arith.muli %scan3A_837, %mul3A_1014 : i32
      %swap3A_1016 = arith.constant 0 : i32
      %swap3A_1017 = arith.constant 7 : i32
      %swap3A_1018 = arith.index_cast %swap3A_1016 : i32 to index
      %swap3A_1019 = arith.index_cast %swap3A_1017 : i32 to index
      %swap3A_1020 = arith.index_cast %mul3A_1015 : i32 to index
      %swap3A_1021 = tpu.vector_load %arg10[%swap3A_1018, %swap3A_1019, %swap3A_1020] {strides = array<i32>} : memref<2x8x1024xf32, #tpu.memory_space<vmem>>, vector<16xf32>,
      tpu.vector_store %arg10[%swap3A_1018, %swap3A_1019, %swap3A_1020], %gather3A_1013 {strides = array<i32>} : memref<2x8x1024xf32, #tpu.memory_space<vmem>>, vector<16xf32>,
      %mul3A_1022 = arith.constant 16 : i32
      %mul3A_1023 = arith.muli %scan3A_837, %mul3A_1022 : i32
      %get3A_1024 = arith.constant 0 : i32
      %get3A_1025 = arith.constant 7 : i32
      %get3A_1026 = arith.index_cast %get3A_1024 : i32 to index
      %get3A_1027 = arith.index_cast %get3A_1025 : i32 to index
      %get3A_1028 = arith.index_cast %mul3A_1023 : i32 to index
      %get3A_1029 = tpu.vector_load %arg9[%get3A_1026, %get3A_1027, %get3A_1028] {strides = array<i32>} : memref<2x8x1024xf32, #tpu.memory_space<vmem>>, vector<16xf32>,
      %sub3A_1030 = arith.subf %get3A_1029, %gather3A_1013 : vector<16xf32>
      %mul3A_1031 = arith.mulf %sub3A_1030, %sub3A_1030 : vector<16xf32>
      %add3A_1032 = arith.addf %scan3A_845, %mul3A_1031 : vector<16xf32>
      scf.yield %add3A_871, %add3A_894, %add3A_917, %add3A_940, %add3A_963, %add3A_986, %add3A_1009, %add3A_1032 : vector<16xf32>, vector<16xf32>, vector<16xf32>, vector<16xf32>, vector<16xf32>, vector<16xf32>, vector<16xf32>, vector<16xf32>
    }
    %scan3A_504 = arith.constant 64 : i32
    %mul3A_505 = arith.constant 8 : i32
    %mul3A_506 = arith.muli %add3A, %mul3A_505 : i32
    %dma_start3A_507 = arith.constant 0 : i32
    %dma_start3A_508 = arith.constant 4 : i32
    %dma_start3A_509 = arith.constant 0 : i32
    %dma_start3A_510 = arith.constant 0 : i32
    %dma_start3A_511 = tpu.memref_slice %arg10[%dma_start3A_507, %dma_start3A_509, %dma_start3A_510] : memref<2x8x1024xf32, #tpu.memory_space<vmem>> -> memref<1x8x1024xf32, #tpu.memory_space<vmem>>
    %dma_start3A_512 = tpu.memref_squeeze %dma_start3A_511 : memref<1x8x1024xf32, #tpu.memory_space<vmem>> -> memref<8x1024xf32, #tpu.memory_space<vmem>>
    %dma_start3A_513 = arith.constant 0 : i32
    %dma_start3A_514 = tpu.memref_slice %arg5[%dma_start3A_508, %mul3A_506, %dma_start3A_513] : memref<8x256x1024xf32, #tpu.memory_space<hbm>> -> memref<1x8x1024xf32, #tpu.memory_space<hbm>>
    %dma_start3A_515 = tpu.memref_squeeze %dma_start3A_514 : memref<1x8x1024xf32, #tpu.memory_space<hbm>> -> memref<8x1024xf32, #tpu.memory_space<hbm>>
    %dma_start3A_516 = arith.constant 0 : i32
    %dma_start3A_517 = tpu.memref_slice %arg5[%dma_start3A_508, %mul3A_506, %dma_start3A_516] : memref<8x256x1024xf32, #tpu.memory_space<hbm>> -> memref<1x8x1024xf32, #tpu.memory_space<hbm>>
    %dma_start3A_518 = tpu.memref_squeeze %dma_start3A_517 : memref<1x8x1024xf32, #tpu.memory_space<hbm>> -> memref<8x1024xf32, #tpu.memory_space<hbm>>
    %dma_start3A_519 = arith.constant 0 : i32
    %dma_start3A_520 = arith.constant 0 : i32
    %dma_start3A_521 = tpu.memref_slice %arg10[%dma_start3A_507, %dma_start3A_519, %dma_start3A_520] : memref<2x8x1024xf32, #tpu.memory_space<vmem>> -> memref<1x8x1024xf32, #tpu.memory_space<vmem>>
    %dma_start3A_522 = tpu.memref_squeeze %dma_start3A_521 : memref<1x8x1024xf32, #tpu.memory_space<vmem>> -> memref<8x1024xf32, #tpu.memory_space<vmem>>
    tpu.enqueue_dma source(%dma_start3A_522 : memref<8x1024xf32, #tpu.memory_space<vmem>>) target(%dma_start3A_518 : memref<8x1024xf32, #tpu.memory_space<hbm>>) target_semaphore(%arg16 : memref<!tpu.dma_semaphore, #tpu.memory_space<semaphore_mem>>)
    %dma_wait3A_523 = arith.constant 5 : i32
    %dma_wait3A_524 = arith.constant 1 : i32
    %dma_wait3A_525 = arith.constant 0 : i32
    %dma_wait3A_526 = tpu.memref_slice %arg8[%dma_wait3A_524, %dma_wait3A_525] : memref<2x1024xi32, #tpu.memory_space<vmem>> -> memref<1x1024xi32, #tpu.memory_space<vmem>>
    %dma_wait3A_527 = tpu.memref_squeeze %dma_wait3A_526 : memref<1x1024xi32, #tpu.memory_space<vmem>> -> memref<1024xi32, #tpu.memory_space<vmem>>
    %dma_wait3A_528 = arith.constant 0 : i32
    %dma_wait3A_529 = tpu.memref_slice %arg3[%dma_wait3A_523, %add3A, %dma_wait3A_528] : memref<8x32x1024xi32, #tpu.memory_space<hbm>> -> memref<1x1x1024xi32, #tpu.memory_space<hbm>>
    %dma_wait3A_530 = tpu.memref_squeeze %dma_wait3A_529 : memref<1x1x1024xi32, #tpu.memory_space<hbm>> -> memref<1024xi32, #tpu.memory_space<hbm>>
    %dma_wait3A_531 = arith.constant 0 : i32
    %dma_wait3A_532 = tpu.memref_slice %arg8[%dma_wait3A_524, %dma_wait3A_531] : memref<2x1024xi32, #tpu.memory_space<vmem>> -> memref<1x1024xi32, #tpu.memory_space<vmem>>
    %dma_wait3A_533 = tpu.memref_squeeze %dma_wait3A_532 : memref<1x1024xi32, #tpu.memory_space<vmem>> -> memref<1024xi32, #tpu.memory_space<vmem>>
    %dma_wait3A_534 = arith.constant 0 : i32
    %dma_wait3A_535 = tpu.memref_slice %arg3[%dma_wait3A_523, %add3A, %dma_wait3A_534] : memref<8x32x1024xi32, #tpu.memory_space<hbm>> -> memref<1x1x1024xi32, #tpu.memory_space<hbm>>
    %dma_wait3A_536 = tpu.memref_squeeze %dma_wait3A_535 : memref<1x1x1024xi32, #tpu.memory_space<hbm>> -> memref<1024xi32, #tpu.memory_space<hbm>>
    tpu.wait_dma2 semaphore(%arg13 : memref<!tpu.dma_semaphore, #tpu.memory_space<semaphore_mem>>) src(%dma_wait3A_536 : memref<1024xi32, #tpu.memory_space<hbm>>) dst(%dma_wait3A_533 : memref<1024xi32, #tpu.memory_space<vmem>>)
    %dma_wait3A_537 = arith.constant 5 : i32
    %dma_wait3A_538 = arith.constant 1 : i32
    %dma_wait3A_539 = arith.constant 0 : i32
    %dma_wait3A_540 = arith.constant 0 : i32
    %dma_wait3A_541 = tpu.memref_slice %arg9[%dma_wait3A_538, %dma_wait3A_539, %dma_wait3A_540] : memref<2x8x1024xf32, #tpu.memory_space<vmem>> -> memref<1x8x1024xf32, #tpu.memory_space<vmem>>
    %dma_wait3A_542 = tpu.memref_squeeze %dma_wait3A_541 : memref<1x8x1024xf32, #tpu.memory_space<vmem>> -> memref<8x1024xf32, #tpu.memory_space<vmem>>
    %dma_wait3A_543 = arith.constant 0 : i32
    %dma_wait3A_544 = tpu.memref_slice %arg4[%dma_wait3A_537, %mul3A_466, %dma_wait3A_543] : memref<8x256x1024xf32, #tpu.memory_space<hbm>> -> memref<1x8x1024xf32, #tpu.memory_space<hbm>>
    %dma_wait3A_545 = tpu.memref_squeeze %dma_wait3A_544 : memref<1x8x1024xf32, #tpu.memory_space<hbm>> -> memref<8x1024xf32, #tpu.memory_space<hbm>>
    %dma_wait3A_546 = arith.constant 0 : i32
    %dma_wait3A_547 = arith.constant 0 : i32
    %dma_wait3A_548 = tpu.memref_slice %arg9[%dma_wait3A_538, %dma_wait3A_546, %dma_wait3A_547] : memref<2x8x1024xf32, #tpu.memory_space<vmem>> -> memref<1x8x1024xf32, #tpu.memory_space<vmem>>
    %dma_wait3A_549 = tpu.memref_squeeze %dma_wait3A_548 : memref<1x8x1024xf32, #tpu.memory_space<vmem>> -> memref<8x1024xf32, #tpu.memory_space<vmem>>
    %dma_wait3A_550 = arith.constant 0 : i32
    %dma_wait3A_551 = tpu.memref_slice %arg4[%dma_wait3A_537, %mul3A_466, %dma_wait3A_550] : memref<8x256x1024xf32, #tpu.memory_space<hbm>> -> memref<1x8x1024xf32, #tpu.memory_space<hbm>>
    %dma_wait3A_552 = tpu.memref_squeeze %dma_wait3A_551 : memref<1x8x1024xf32, #tpu.memory_space<hbm>> -> memref<8x1024xf32, #tpu.memory_space<hbm>>
    tpu.wait_dma2 semaphore(%arg15 : memref<!tpu.dma_semaphore, #tpu.memory_space<semaphore_mem>>) src(%dma_wait3A_552 : memref<8x1024xf32, #tpu.memory_space<hbm>>) dst(%dma_wait3A_549 : memref<8x1024xf32, #tpu.memory_space<vmem>>)
    %dma_start3A_553 = arith.constant 6 : i32
    %dma_start3A_554 = arith.constant 0 : i32
    %dma_start3A_555 = arith.constant 0 : i32
    %dma_start3A_556 = tpu.memref_slice %arg8[%dma_start3A_554, %dma_start3A_555] : memref<2x1024xi32, #tpu.memory_space<vmem>> -> memref<1x1024xi32, #tpu.memory_space<vmem>>
    %dma_start3A_557 = tpu.memref_squeeze %dma_start3A_556 : memref<1x1024xi32, #tpu.memory_space<vmem>> -> memref<1024xi32, #tpu.memory_space<vmem>>
    %dma_start3A_558 = arith.constant 0 : i32
    %dma_start3A_559 = tpu.memref_slice %arg3[%dma_start3A_553, %add3A, %dma_start3A_558] : memref<8x32x1024xi32, #tpu.memory_space<hbm>> -> memref<1x1x1024xi32, #tpu.memory_space<hbm>>
    %dma_start3A_560 = tpu.memref_squeeze %dma_start3A_559 : memref<1x1x1024xi32, #tpu.memory_space<hbm>> -> memref<1024xi32, #tpu.memory_space<hbm>>
    %dma_start3A_561 = arith.constant 0 : i32
    %dma_start3A_562 = tpu.memref_slice %arg8[%dma_start3A_554, %dma_start3A_561] : memref<2x1024xi32, #tpu.memory_space<vmem>> -> memref<1x1024xi32, #tpu.memory_space<vmem>>
    %dma_start3A_563 = tpu.memref_squeeze %dma_start3A_562 : memref<1x1024xi32, #tpu.memory_space<vmem>> -> memref<1024xi32, #tpu.memory_space<vmem>>
    %dma_start3A_564 = arith.constant 0 : i32
    %dma_start3A_565 = tpu.memref_slice %arg3[%dma_start3A_553, %add3A, %dma_start3A_564] : memref<8x32x1024xi32, #tpu.memory_space<hbm>> -> memref<1x1x1024xi32, #tpu.memory_space<hbm>>
    %dma_start3A_566 = tpu.memref_squeeze %dma_start3A_565 : memref<1x1x1024xi32, #tpu.memory_space<hbm>> -> memref<1024xi32, #tpu.memory_space<hbm>>
    tpu.enqueue_dma source(%dma_start3A_566 : memref<1024xi32, #tpu.memory_space<hbm>>) target(%dma_start3A_563 : memref<1024xi32, #tpu.memory_space<vmem>>) target_semaphore(%arg12 : memref<!tpu.dma_semaphore, #tpu.memory_space<semaphore_mem>>)
    %mul3A_567 = arith.constant 8 : i32
    %mul3A_568 = arith.muli %add3A, %mul3A_567 : i32
    %dma_start3A_569 = arith.constant 6 : i32
    %dma_start3A_570 = arith.constant 0 : i32
    %dma_start3A_571 = arith.constant 0 : i32
    %dma_start3A_572 = arith.constant 0 : i32
    %dma_start3A_573 = tpu.memref_slice %arg9[%dma_start3A_570, %dma_start3A_571, %dma_start3A_572] : memref<2x8x1024xf32, #tpu.memory_space<vmem>> -> memref<1x8x1024xf32, #tpu.memory_space<vmem>>
    %dma_start3A_574 = tpu.memref_squeeze %dma_start3A_573 : memref<1x8x1024xf32, #tpu.memory_space<vmem>> -> memref<8x1024xf32, #tpu.memory_space<vmem>>
    %dma_start3A_575 = arith.constant 0 : i32
    %dma_start3A_576 = tpu.memref_slice %arg4[%dma_start3A_569, %mul3A_568, %dma_start3A_575] : memref<8x256x1024xf32, #tpu.memory_space<hbm>> -> memref<1x8x1024xf32, #tpu.memory_space<hbm>>
    %dma_start3A_577 = tpu.memref_squeeze %dma_start3A_576 : memref<1x8x1024xf32, #tpu.memory_space<hbm>> -> memref<8x1024xf32, #tpu.memory_space<hbm>>
    %dma_start3A_578 = arith.constant 0 : i32
    %dma_start3A_579 = arith.constant 0 : i32
    %dma_start3A_580 = tpu.memref_slice %arg9[%dma_start3A_570, %dma_start3A_578, %dma_start3A_579] : memref<2x8x1024xf32, #tpu.memory_space<vmem>> -> memref<1x8x1024xf32, #tpu.memory_space<vmem>>
    %dma_start3A_581 = tpu.memref_squeeze %dma_start3A_580 : memref<1x8x1024xf32, #tpu.memory_space<vmem>> -> memref<8x1024xf32, #tpu.memory_space<vmem>>
    %dma_start3A_582 = arith.constant 0 : i32
    %dma_start3A_583 = tpu.memref_slice %arg4[%dma_start3A_569, %mul3A_568, %dma_start3A_582] : memref<8x256x1024xf32, #tpu.memory_space<hbm>> -> memref<1x8x1024xf32, #tpu.memory_space<hbm>>
    %dma_start3A_584 = tpu.memref_squeeze %dma_start3A_583 : memref<1x8x1024xf32, #tpu.memory_space<hbm>> -> memref<8x1024xf32, #tpu.memory_space<hbm>>
    tpu.enqueue_dma source(%dma_start3A_584 : memref<8x1024xf32, #tpu.memory_space<hbm>>) target(%dma_start3A_581 : memref<8x1024xf32, #tpu.memory_space<vmem>>) target_semaphore(%arg14 : memref<!tpu.dma_semaphore, #tpu.memory_space<semaphore_mem>>)
    %dma_wait3A_585 = arith.constant 1 : i32
    %dma_wait3A_586 = arith.constant 3 : i32
    %dma_wait3A_587 = arith.constant 0 : i32
    %dma_wait3A_588 = arith.constant 0 : i32
    %dma_wait3A_589 = tpu.memref_slice %arg10[%dma_wait3A_585, %dma_wait3A_587, %dma_wait3A_588] : memref<2x8x1024xf32, #tpu.memory_space<vmem>> -> memref<1x8x1024xf32, #tpu.memory_space<vmem>>
    %dma_wait3A_590 = tpu.memref_squeeze %dma_wait3A_589 : memref<1x8x1024xf32, #tpu.memory_space<vmem>> -> memref<8x1024xf32, #tpu.memory_space<vmem>>
    %dma_wait3A_591 = arith.constant 0 : i32
    %dma_wait3A_592 = tpu.memref_slice %arg5[%dma_wait3A_586, %mul3A_404, %dma_wait3A_591] : memref<8x256x1024xf32, #tpu.memory_space<hbm>> -> memref<1x8x1024xf32, #tpu.memory_space<hbm>>
    %dma_wait3A_593 = tpu.memref_squeeze %dma_wait3A_592 : memref<1x8x1024xf32, #tpu.memory_space<hbm>> -> memref<8x1024xf32, #tpu.memory_space<hbm>>
    %dma_wait3A_594 = arith.constant 0 : i32
    %dma_wait3A_595 = tpu.memref_slice %arg5[%dma_wait3A_586, %mul3A_404, %dma_wait3A_594] : memref<8x256x1024xf32, #tpu.memory_space<hbm>> -> memref<1x8x1024xf32, #tpu.memory_space<hbm>>
    %dma_wait3A_596 = tpu.memref_squeeze %dma_wait3A_595 : memref<1x8x1024xf32, #tpu.memory_space<hbm>> -> memref<8x1024xf32, #tpu.memory_space<hbm>>
    %dma_wait3A_597 = arith.constant 0 : i32
    %dma_wait3A_598 = arith.constant 0 : i32
    %dma_wait3A_599 = tpu.memref_slice %arg10[%dma_wait3A_585, %dma_wait3A_597, %dma_wait3A_598] : memref<2x8x1024xf32, #tpu.memory_space<vmem>> -> memref<1x8x1024xf32, #tpu.memory_space<vmem>>
    %dma_wait3A_600 = tpu.memref_squeeze %dma_wait3A_599 : memref<1x8x1024xf32, #tpu.memory_space<vmem>> -> memref<8x1024xf32, #tpu.memory_space<vmem>>
    tpu.wait_dma2 semaphore(%arg17 : memref<!tpu.dma_semaphore, #tpu.memory_space<semaphore_mem>>) src(%dma_wait3A_600 : memref<8x1024xf32, #tpu.memory_space<vmem>>) dst(%dma_wait3A_596 : memref<8x1024xf32, #tpu.memory_space<hbm>>)
    %scan3A_601 = arith.constant 0 : i32
    %scan3A_602 = arith.constant 64 : i32
    %scan3A_603 = arith.addi %scan3A_601, %scan3A_602 : i32
    %scan3A_604 = arith.constant 1 : i32
    %scan3A_605:8 = scf.for %scan3A_837 = %scan3A_601 to %scan3A_603 step %scan3A_604 iter_args(%scan3A_838 = %scan3A_503#0, %scan3A_839 = %scan3A_503#1, %scan3A_840 = %scan3A_503#2, %scan3A_841 = %scan3A_503#3, %scan3A_842 = %scan3A_503#4, %scan3A_843 = %scan3A_503#5, %scan3A_844 = %scan3A_503#6, %scan3A_845 = %scan3A_503#7) -> (vector<16xf32>, vector<16xf32>, vector<16xf32>, vector<16xf32>, vector<16xf32>, vector<16xf32>, vector<16xf32>, vector<16xf32>)  : i32 {
      %mul3A_846 = arith.constant 16 : i32
      %mul3A_847 = arith.muli %scan3A_837, %mul3A_846 : i32
      %get3A = arith.constant 1 : i32
      %get3A_848 = arith.index_cast %get3A : i32 to index
      %get3A_849 = arith.index_cast %mul3A_847 : i32 to index
      %get3A_850 = tpu.vector_load %arg8[%get3A_848, %get3A_849] {strides = array<i32>} : memref<2x1024xi32, #tpu.memory_space<vmem>>, vector<16xi32>,
      %add3A_851 = arith.constant 0 : i32
      %add3A_852 = vector.broadcast %add3A_851 : i32 to vector<16xi32>
      %add3A_853 = arith.addi %get3A_850, %add3A_852 : vector<16xi32>
      %gather3A = tpu.vector_load_idx %arg7[%add3A_853] : memref<4096xf32, #tpu.memory_space<vmem>>[vector<16xi32>], vector<16xf32>,
      %mul3A_854 = arith.constant 16 : i32
      %mul3A_855 = arith.muli %scan3A_837, %mul3A_854 : i32
      %swap3A_856 = arith.constant 1 : i32
      %swap3A_857 = arith.constant 0 : i32
      %swap3A_858 = arith.index_cast %swap3A_856 : i32 to index
      %swap3A_859 = arith.index_cast %swap3A_857 : i32 to index
      %swap3A_860 = arith.index_cast %mul3A_855 : i32 to index
      %swap3A_861 = tpu.vector_load %arg10[%swap3A_858, %swap3A_859, %swap3A_860] {strides = array<i32>} : memref<2x8x1024xf32, #tpu.memory_space<vmem>>, vector<16xf32>,
      tpu.vector_store %arg10[%swap3A_858, %swap3A_859, %swap3A_860], %gather3A {strides = array<i32>} : memref<2x8x1024xf32, #tpu.memory_space<vmem>>, vector<16xf32>,
      %mul3A_862 = arith.constant 16 : i32
      %mul3A_863 = arith.muli %scan3A_837, %mul3A_862 : i32
      %get3A_864 = arith.constant 1 : i32
      %get3A_865 = arith.constant 0 : i32
      %get3A_866 = arith.index_cast %get3A_864 : i32 to index
      %get3A_867 = arith.index_cast %get3A_865 : i32 to index
      %get3A_868 = arith.index_cast %mul3A_863 : i32 to index
      %get3A_869 = tpu.vector_load %arg9[%get3A_866, %get3A_867, %get3A_868] {strides = array<i32>} : memref<2x8x1024xf32, #tpu.memory_space<vmem>>, vector<16xf32>,
      %sub3A = arith.subf %get3A_869, %gather3A : vector<16xf32>
      %mul3A_870 = arith.mulf %sub3A, %sub3A : vector<16xf32>
      %add3A_871 = arith.addf %scan3A_838, %mul3A_870 : vector<16xf32>
      %add3A_872 = arith.constant 512 : i32
      %add3A_873 = vector.broadcast %add3A_872 : i32 to vector<16xi32>
      %add3A_874 = arith.addi %get3A_850, %add3A_873 : vector<16xi32>
      %gather3A_875 = tpu.vector_load_idx %arg7[%add3A_874] : memref<4096xf32, #tpu.memory_space<vmem>>[vector<16xi32>], vector<16xf32>,
      %mul3A_876 = arith.constant 16 : i32
      %mul3A_877 = arith.muli %scan3A_837, %mul3A_876 : i32
      %swap3A_878 = arith.constant 1 : i32
      %swap3A_879 = arith.constant 1 : i32
      %swap3A_880 = arith.index_cast %swap3A_878 : i32 to index
      %swap3A_881 = arith.index_cast %swap3A_879 : i32 to index
      %swap3A_882 = arith.index_cast %mul3A_877 : i32 to index
      %swap3A_883 = tpu.vector_load %arg10[%swap3A_880, %swap3A_881, %swap3A_882] {strides = array<i32>} : memref<2x8x1024xf32, #tpu.memory_space<vmem>>, vector<16xf32>,
      tpu.vector_store %arg10[%swap3A_880, %swap3A_881, %swap3A_882], %gather3A_875 {strides = array<i32>} : memref<2x8x1024xf32, #tpu.memory_space<vmem>>, vector<16xf32>,
      %mul3A_884 = arith.constant 16 : i32
      %mul3A_885 = arith.muli %scan3A_837, %mul3A_884 : i32
      %get3A_886 = arith.constant 1 : i32
      %get3A_887 = arith.constant 1 : i32
      %get3A_888 = arith.index_cast %get3A_886 : i32 to index
      %get3A_889 = arith.index_cast %get3A_887 : i32 to index
      %get3A_890 = arith.index_cast %mul3A_885 : i32 to index
      %get3A_891 = tpu.vector_load %arg9[%get3A_888, %get3A_889, %get3A_890] {strides = array<i32>} : memref<2x8x1024xf32, #tpu.memory_space<vmem>>, vector<16xf32>,
      %sub3A_892 = arith.subf %get3A_891, %gather3A_875 : vector<16xf32>
      %mul3A_893 = arith.mulf %sub3A_892, %sub3A_892 : vector<16xf32>
      %add3A_894 = arith.addf %scan3A_839, %mul3A_893 : vector<16xf32>
      %add3A_895 = arith.constant 1024 : i32
      %add3A_896 = vector.broadcast %add3A_895 : i32 to vector<16xi32>
      %add3A_897 = arith.addi %get3A_850, %add3A_896 : vector<16xi32>
      %gather3A_898 = tpu.vector_load_idx %arg7[%add3A_897] : memref<4096xf32, #tpu.memory_space<vmem>>[vector<16xi32>], vector<16xf32>,
      %mul3A_899 = arith.constant 16 : i32
      %mul3A_900 = arith.muli %scan3A_837, %mul3A_899 : i32
      %swap3A_901 = arith.constant 1 : i32
      %swap3A_902 = arith.constant 2 : i32
      %swap3A_903 = arith.index_cast %swap3A_901 : i32 to index
      %swap3A_904 = arith.index_cast %swap3A_902 : i32 to index
      %swap3A_905 = arith.index_cast %mul3A_900 : i32 to index
      %swap3A_906 = tpu.vector_load %arg10[%swap3A_903, %swap3A_904, %swap3A_905] {strides = array<i32>} : memref<2x8x1024xf32, #tpu.memory_space<vmem>>, vector<16xf32>,
      tpu.vector_store %arg10[%swap3A_903, %swap3A_904, %swap3A_905], %gather3A_898 {strides = array<i32>} : memref<2x8x1024xf32, #tpu.memory_space<vmem>>, vector<16xf32>,
      %mul3A_907 = arith.constant 16 : i32
      %mul3A_908 = arith.muli %scan3A_837, %mul3A_907 : i32
      %get3A_909 = arith.constant 1 : i32
      %get3A_910 = arith.constant 2 : i32
      %get3A_911 = arith.index_cast %get3A_909 : i32 to index
      %get3A_912 = arith.index_cast %get3A_910 : i32 to index
      %get3A_913 = arith.index_cast %mul3A_908 : i32 to index
      %get3A_914 = tpu.vector_load %arg9[%get3A_911, %get3A_912, %get3A_913] {strides = array<i32>} : memref<2x8x1024xf32, #tpu.memory_space<vmem>>, vector<16xf32>,
      %sub3A_915 = arith.subf %get3A_914, %gather3A_898 : vector<16xf32>
      %mul3A_916 = arith.mulf %sub3A_915, %sub3A_915 : vector<16xf32>
      %add3A_917 = arith.addf %scan3A_840, %mul3A_916 : vector<16xf32>
      %add3A_918 = arith.constant 1536 : i32
      %add3A_919 = vector.broadcast %add3A_918 : i32 to vector<16xi32>
      %add3A_920 = arith.addi %get3A_850, %add3A_919 : vector<16xi32>
      %gather3A_921 = tpu.vector_load_idx %arg7[%add3A_920] : memref<4096xf32, #tpu.memory_space<vmem>>[vector<16xi32>], vector<16xf32>,
      %mul3A_922 = arith.constant 16 : i32
      %mul3A_923 = arith.muli %scan3A_837, %mul3A_922 : i32
      %swap3A_924 = arith.constant 1 : i32
      %swap3A_925 = arith.constant 3 : i32
      %swap3A_926 = arith.index_cast %swap3A_924 : i32 to index
      %swap3A_927 = arith.index_cast %swap3A_925 : i32 to index
      %swap3A_928 = arith.index_cast %mul3A_923 : i32 to index
      %swap3A_929 = tpu.vector_load %arg10[%swap3A_926, %swap3A_927, %swap3A_928] {strides = array<i32>} : memref<2x8x1024xf32, #tpu.memory_space<vmem>>, vector<16xf32>,
      tpu.vector_store %arg10[%swap3A_926, %swap3A_927, %swap3A_928], %gather3A_921 {strides = array<i32>} : memref<2x8x1024xf32, #tpu.memory_space<vmem>>, vector<16xf32>,
      %mul3A_930 = arith.constant 16 : i32
      %mul3A_931 = arith.muli %scan3A_837, %mul3A_930 : i32
      %get3A_932 = arith.constant 1 : i32
      %get3A_933 = arith.constant 3 : i32
      %get3A_934 = arith.index_cast %get3A_932 : i32 to index
      %get3A_935 = arith.index_cast %get3A_933 : i32 to index
      %get3A_936 = arith.index_cast %mul3A_931 : i32 to index
      %get3A_937 = tpu.vector_load %arg9[%get3A_934, %get3A_935, %get3A_936] {strides = array<i32>} : memref<2x8x1024xf32, #tpu.memory_space<vmem>>, vector<16xf32>,
      %sub3A_938 = arith.subf %get3A_937, %gather3A_921 : vector<16xf32>
      %mul3A_939 = arith.mulf %sub3A_938, %sub3A_938 : vector<16xf32>
      %add3A_940 = arith.addf %scan3A_841, %mul3A_939 : vector<16xf32>
      %add3A_941 = arith.constant 2048 : i32
      %add3A_942 = vector.broadcast %add3A_941 : i32 to vector<16xi32>
      %add3A_943 = arith.addi %get3A_850, %add3A_942 : vector<16xi32>
      %gather3A_944 = tpu.vector_load_idx %arg7[%add3A_943] : memref<4096xf32, #tpu.memory_space<vmem>>[vector<16xi32>], vector<16xf32>,
      %mul3A_945 = arith.constant 16 : i32
      %mul3A_946 = arith.muli %scan3A_837, %mul3A_945 : i32
      %swap3A_947 = arith.constant 1 : i32
      %swap3A_948 = arith.constant 4 : i32
      %swap3A_949 = arith.index_cast %swap3A_947 : i32 to index
      %swap3A_950 = arith.index_cast %swap3A_948 : i32 to index
      %swap3A_951 = arith.index_cast %mul3A_946 : i32 to index
      %swap3A_952 = tpu.vector_load %arg10[%swap3A_949, %swap3A_950, %swap3A_951] {strides = array<i32>} : memref<2x8x1024xf32, #tpu.memory_space<vmem>>, vector<16xf32>,
      tpu.vector_store %arg10[%swap3A_949, %swap3A_950, %swap3A_951], %gather3A_944 {strides = array<i32>} : memref<2x8x1024xf32, #tpu.memory_space<vmem>>, vector<16xf32>,
      %mul3A_953 = arith.constant 16 : i32
      %mul3A_954 = arith.muli %scan3A_837, %mul3A_953 : i32
      %get3A_955 = arith.constant 1 : i32
      %get3A_956 = arith.constant 4 : i32
      %get3A_957 = arith.index_cast %get3A_955 : i32 to index
      %get3A_958 = arith.index_cast %get3A_956 : i32 to index
      %get3A_959 = arith.index_cast %mul3A_954 : i32 to index
      %get3A_960 = tpu.vector_load %arg9[%get3A_957, %get3A_958, %get3A_959] {strides = array<i32>} : memref<2x8x1024xf32, #tpu.memory_space<vmem>>, vector<16xf32>,
      %sub3A_961 = arith.subf %get3A_960, %gather3A_944 : vector<16xf32>
      %mul3A_962 = arith.mulf %sub3A_961, %sub3A_961 : vector<16xf32>
      %add3A_963 = arith.addf %scan3A_842, %mul3A_962 : vector<16xf32>
      %add3A_964 = arith.constant 2560 : i32
      %add3A_965 = vector.broadcast %add3A_964 : i32 to vector<16xi32>
      %add3A_966 = arith.addi %get3A_850, %add3A_965 : vector<16xi32>
      %gather3A_967 = tpu.vector_load_idx %arg7[%add3A_966] : memref<4096xf32, #tpu.memory_space<vmem>>[vector<16xi32>], vector<16xf32>,
      %mul3A_968 = arith.constant 16 : i32
      %mul3A_969 = arith.muli %scan3A_837, %mul3A_968 : i32
      %swap3A_970 = arith.constant 1 : i32
      %swap3A_971 = arith.constant 5 : i32
      %swap3A_972 = arith.index_cast %swap3A_970 : i32 to index
      %swap3A_973 = arith.index_cast %swap3A_971 : i32 to index
      %swap3A_974 = arith.index_cast %mul3A_969 : i32 to index
      %swap3A_975 = tpu.vector_load %arg10[%swap3A_972, %swap3A_973, %swap3A_974] {strides = array<i32>} : memref<2x8x1024xf32, #tpu.memory_space<vmem>>, vector<16xf32>,
      tpu.vector_store %arg10[%swap3A_972, %swap3A_973, %swap3A_974], %gather3A_967 {strides = array<i32>} : memref<2x8x1024xf32, #tpu.memory_space<vmem>>, vector<16xf32>,
      %mul3A_976 = arith.constant 16 : i32
      %mul3A_977 = arith.muli %scan3A_837, %mul3A_976 : i32
      %get3A_978 = arith.constant 1 : i32
      %get3A_979 = arith.constant 5 : i32
      %get3A_980 = arith.index_cast %get3A_978 : i32 to index
      %get3A_981 = arith.index_cast %get3A_979 : i32 to index
      %get3A_982 = arith.index_cast %mul3A_977 : i32 to index
      %get3A_983 = tpu.vector_load %arg9[%get3A_980, %get3A_981, %get3A_982] {strides = array<i32>} : memref<2x8x1024xf32, #tpu.memory_space<vmem>>, vector<16xf32>,
      %sub3A_984 = arith.subf %get3A_983, %gather3A_967 : vector<16xf32>
      %mul3A_985 = arith.mulf %sub3A_984, %sub3A_984 : vector<16xf32>
      %add3A_986 = arith.addf %scan3A_843, %mul3A_985 : vector<16xf32>
      %add3A_987 = arith.constant 3072 : i32
      %add3A_988 = vector.broadcast %add3A_987 : i32 to vector<16xi32>
      %add3A_989 = arith.addi %get3A_850, %add3A_988 : vector<16xi32>
      %gather3A_990 = tpu.vector_load_idx %arg7[%add3A_989] : memref<4096xf32, #tpu.memory_space<vmem>>[vector<16xi32>], vector<16xf32>,
      %mul3A_991 = arith.constant 16 : i32
      %mul3A_992 = arith.muli %scan3A_837, %mul3A_991 : i32
      %swap3A_993 = arith.constant 1 : i32
      %swap3A_994 = arith.constant 6 : i32
      %swap3A_995 = arith.index_cast %swap3A_993 : i32 to index
      %swap3A_996 = arith.index_cast %swap3A_994 : i32 to index
      %swap3A_997 = arith.index_cast %mul3A_992 : i32 to index
      %swap3A_998 = tpu.vector_load %arg10[%swap3A_995, %swap3A_996, %swap3A_997] {strides = array<i32>} : memref<2x8x1024xf32, #tpu.memory_space<vmem>>, vector<16xf32>,
      tpu.vector_store %arg10[%swap3A_995, %swap3A_996, %swap3A_997], %gather3A_990 {strides = array<i32>} : memref<2x8x1024xf32, #tpu.memory_space<vmem>>, vector<16xf32>,
      %mul3A_999 = arith.constant 16 : i32
      %mul3A_1000 = arith.muli %scan3A_837, %mul3A_999 : i32
      %get3A_1001 = arith.constant 1 : i32
      %get3A_1002 = arith.constant 6 : i32
      %get3A_1003 = arith.index_cast %get3A_1001 : i32 to index
      %get3A_1004 = arith.index_cast %get3A_1002 : i32 to index
      %get3A_1005 = arith.index_cast %mul3A_1000 : i32 to index
      %get3A_1006 = tpu.vector_load %arg9[%get3A_1003, %get3A_1004, %get3A_1005] {strides = array<i32>} : memref<2x8x1024xf32, #tpu.memory_space<vmem>>, vector<16xf32>,
      %sub3A_1007 = arith.subf %get3A_1006, %gather3A_990 : vector<16xf32>
      %mul3A_1008 = arith.mulf %sub3A_1007, %sub3A_1007 : vector<16xf32>
      %add3A_1009 = arith.addf %scan3A_844, %mul3A_1008 : vector<16xf32>
      %add3A_1010 = arith.constant 3584 : i32
      %add3A_1011 = vector.broadcast %add3A_1010 : i32 to vector<16xi32>
      %add3A_1012 = arith.addi %get3A_850, %add3A_1011 : vector<16xi32>
      %gather3A_1013 = tpu.vector_load_idx %arg7[%add3A_1012] : memref<4096xf32, #tpu.memory_space<vmem>>[vector<16xi32>], vector<16xf32>,
      %mul3A_1014 = arith.constant 16 : i32
      %mul3A_1015 = arith.muli %scan3A_837, %mul3A_1014 : i32
      %swap3A_1016 = arith.constant 1 : i32
      %swap3A_1017 = arith.constant 7 : i32
      %swap3A_1018 = arith.index_cast %swap3A_1016 : i32 to index
      %swap3A_1019 = arith.index_cast %swap3A_1017 : i32 to index
      %swap3A_1020 = arith.index_cast %mul3A_1015 : i32 to index
      %swap3A_1021 = tpu.vector_load %arg10[%swap3A_1018, %swap3A_1019, %swap3A_1020] {strides = array<i32>} : memref<2x8x1024xf32, #tpu.memory_space<vmem>>, vector<16xf32>,
      tpu.vector_store %arg10[%swap3A_1018, %swap3A_1019, %swap3A_1020], %gather3A_1013 {strides = array<i32>} : memref<2x8x1024xf32, #tpu.memory_space<vmem>>, vector<16xf32>,
      %mul3A_1022 = arith.constant 16 : i32
      %mul3A_1023 = arith.muli %scan3A_837, %mul3A_1022 : i32
      %get3A_1024 = arith.constant 1 : i32
      %get3A_1025 = arith.constant 7 : i32
      %get3A_1026 = arith.index_cast %get3A_1024 : i32 to index
      %get3A_1027 = arith.index_cast %get3A_1025 : i32 to index
      %get3A_1028 = arith.index_cast %mul3A_1023 : i32 to index
      %get3A_1029 = tpu.vector_load %arg9[%get3A_1026, %get3A_1027, %get3A_1028] {strides = array<i32>} : memref<2x8x1024xf32, #tpu.memory_space<vmem>>, vector<16xf32>,
      %sub3A_1030 = arith.subf %get3A_1029, %gather3A_1013 : vector<16xf32>
      %mul3A_1031 = arith.mulf %sub3A_1030, %sub3A_1030 : vector<16xf32>
      %add3A_1032 = arith.addf %scan3A_845, %mul3A_1031 : vector<16xf32>
      scf.yield %add3A_871, %add3A_894, %add3A_917, %add3A_940, %add3A_963, %add3A_986, %add3A_1009, %add3A_1032 : vector<16xf32>, vector<16xf32>, vector<16xf32>, vector<16xf32>, vector<16xf32>, vector<16xf32>, vector<16xf32>, vector<16xf32>
    }
    %scan3A_606 = arith.constant 64 : i32
    %mul3A_607 = arith.constant 8 : i32
    %mul3A_608 = arith.muli %add3A, %mul3A_607 : i32
    %dma_start3A_609 = arith.constant 1 : i32
    %dma_start3A_610 = arith.constant 5 : i32
    %dma_start3A_611 = arith.constant 0 : i32
    %dma_start3A_612 = arith.constant 0 : i32
    %dma_start3A_613 = tpu.memref_slice %arg10[%dma_start3A_609, %dma_start3A_611, %dma_start3A_612] : memref<2x8x1024xf32, #tpu.memory_space<vmem>> -> memref<1x8x1024xf32, #tpu.memory_space<vmem>>
    %dma_start3A_614 = tpu.memref_squeeze %dma_start3A_613 : memref<1x8x1024xf32, #tpu.memory_space<vmem>> -> memref<8x1024xf32, #tpu.memory_space<vmem>>
    %dma_start3A_615 = arith.constant 0 : i32
    %dma_start3A_616 = tpu.memref_slice %arg5[%dma_start3A_610, %mul3A_608, %dma_start3A_615] : memref<8x256x1024xf32, #tpu.memory_space<hbm>> -> memref<1x8x1024xf32, #tpu.memory_space<hbm>>
    %dma_start3A_617 = tpu.memref_squeeze %dma_start3A_616 : memref<1x8x1024xf32, #tpu.memory_space<hbm>> -> memref<8x1024xf32, #tpu.memory_space<hbm>>
    %dma_start3A_618 = arith.constant 0 : i32
    %dma_start3A_619 = tpu.memref_slice %arg5[%dma_start3A_610, %mul3A_608, %dma_start3A_618] : memref<8x256x1024xf32, #tpu.memory_space<hbm>> -> memref<1x8x1024xf32, #tpu.memory_space<hbm>>
    %dma_start3A_620 = tpu.memref_squeeze %dma_start3A_619 : memref<1x8x1024xf32, #tpu.memory_space<hbm>> -> memref<8x1024xf32, #tpu.memory_space<hbm>>
    %dma_start3A_621 = arith.constant 0 : i32
    %dma_start3A_622 = arith.constant 0 : i32
    %dma_start3A_623 = tpu.memref_slice %arg10[%dma_start3A_609, %dma_start3A_621, %dma_start3A_622] : memref<2x8x1024xf32, #tpu.memory_space<vmem>> -> memref<1x8x1024xf32, #tpu.memory_space<vmem>>
    %dma_start3A_624 = tpu.memref_squeeze %dma_start3A_623 : memref<1x8x1024xf32, #tpu.memory_space<vmem>> -> memref<8x1024xf32, #tpu.memory_space<vmem>>
    tpu.enqueue_dma source(%dma_start3A_624 : memref<8x1024xf32, #tpu.memory_space<vmem>>) target(%dma_start3A_620 : memref<8x1024xf32, #tpu.memory_space<hbm>>) target_semaphore(%arg17 : memref<!tpu.dma_semaphore, #tpu.memory_space<semaphore_mem>>)
    %dma_wait3A_625 = arith.constant 6 : i32
    %dma_wait3A_626 = arith.constant 0 : i32
    %dma_wait3A_627 = arith.constant 0 : i32
    %dma_wait3A_628 = tpu.memref_slice %arg8[%dma_wait3A_626, %dma_wait3A_627] : memref<2x1024xi32, #tpu.memory_space<vmem>> -> memref<1x1024xi32, #tpu.memory_space<vmem>>
    %dma_wait3A_629 = tpu.memref_squeeze %dma_wait3A_628 : memref<1x1024xi32, #tpu.memory_space<vmem>> -> memref<1024xi32, #tpu.memory_space<vmem>>
    %dma_wait3A_630 = arith.constant 0 : i32
    %dma_wait3A_631 = tpu.memref_slice %arg3[%dma_wait3A_625, %add3A, %dma_wait3A_630] : memref<8x32x1024xi32, #tpu.memory_space<hbm>> -> memref<1x1x1024xi32, #tpu.memory_space<hbm>>
    %dma_wait3A_632 = tpu.memref_squeeze %dma_wait3A_631 : memref<1x1x1024xi32, #tpu.memory_space<hbm>> -> memref<1024xi32, #tpu.memory_space<hbm>>
    %dma_wait3A_633 = arith.constant 0 : i32
    %dma_wait3A_634 = tpu.memref_slice %arg8[%dma_wait3A_626, %dma_wait3A_633] : memref<2x1024xi32, #tpu.memory_space<vmem>> -> memref<1x1024xi32, #tpu.memory_space<vmem>>
    %dma_wait3A_635 = tpu.memref_squeeze %dma_wait3A_634 : memref<1x1024xi32, #tpu.memory_space<vmem>> -> memref<1024xi32, #tpu.memory_space<vmem>>
    %dma_wait3A_636 = arith.constant 0 : i32
    %dma_wait3A_637 = tpu.memref_slice %arg3[%dma_wait3A_625, %add3A, %dma_wait3A_636] : memref<8x32x1024xi32, #tpu.memory_space<hbm>> -> memref<1x1x1024xi32, #tpu.memory_space<hbm>>
    %dma_wait3A_638 = tpu.memref_squeeze %dma_wait3A_637 : memref<1x1x1024xi32, #tpu.memory_space<hbm>> -> memref<1024xi32, #tpu.memory_space<hbm>>
    tpu.wait_dma2 semaphore(%arg12 : memref<!tpu.dma_semaphore, #tpu.memory_space<semaphore_mem>>) src(%dma_wait3A_638 : memref<1024xi32, #tpu.memory_space<hbm>>) dst(%dma_wait3A_635 : memref<1024xi32, #tpu.memory_space<vmem>>)
    %dma_wait3A_639 = arith.constant 6 : i32
    %dma_wait3A_640 = arith.constant 0 : i32
    %dma_wait3A_641 = arith.constant 0 : i32
    %dma_wait3A_642 = arith.constant 0 : i32
    %dma_wait3A_643 = tpu.memref_slice %arg9[%dma_wait3A_640, %dma_wait3A_641, %dma_wait3A_642] : memref<2x8x1024xf32, #tpu.memory_space<vmem>> -> memref<1x8x1024xf32, #tpu.memory_space<vmem>>
    %dma_wait3A_644 = tpu.memref_squeeze %dma_wait3A_643 : memref<1x8x1024xf32, #tpu.memory_space<vmem>> -> memref<8x1024xf32, #tpu.memory_space<vmem>>
    %dma_wait3A_645 = arith.constant 0 : i32
    %dma_wait3A_646 = tpu.memref_slice %arg4[%dma_wait3A_639, %mul3A_568, %dma_wait3A_645] : memref<8x256x1024xf32, #tpu.memory_space<hbm>> -> memref<1x8x1024xf32, #tpu.memory_space<hbm>>
    %dma_wait3A_647 = tpu.memref_squeeze %dma_wait3A_646 : memref<1x8x1024xf32, #tpu.memory_space<hbm>> -> memref<8x1024xf32, #tpu.memory_space<hbm>>
    %dma_wait3A_648 = arith.constant 0 : i32
    %dma_wait3A_649 = arith.constant 0 : i32
    %dma_wait3A_650 = tpu.memref_slice %arg9[%dma_wait3A_640, %dma_wait3A_648, %dma_wait3A_649] : memref<2x8x1024xf32, #tpu.memory_space<vmem>> -> memref<1x8x1024xf32, #tpu.memory_space<vmem>>
    %dma_wait3A_651 = tpu.memref_squeeze %dma_wait3A_650 : memref<1x8x1024xf32, #tpu.memory_space<vmem>> -> memref<8x1024xf32, #tpu.memory_space<vmem>>
    %dma_wait3A_652 = arith.constant 0 : i32
    %dma_wait3A_653 = tpu.memref_slice %arg4[%dma_wait3A_639, %mul3A_568, %dma_wait3A_652] : memref<8x256x1024xf32, #tpu.memory_space<hbm>> -> memref<1x8x1024xf32, #tpu.memory_space<hbm>>
    %dma_wait3A_654 = tpu.memref_squeeze %dma_wait3A_653 : memref<1x8x1024xf32, #tpu.memory_space<hbm>> -> memref<8x1024xf32, #tpu.memory_space<hbm>>
    tpu.wait_dma2 semaphore(%arg14 : memref<!tpu.dma_semaphore, #tpu.memory_space<semaphore_mem>>) src(%dma_wait3A_654 : memref<8x1024xf32, #tpu.memory_space<hbm>>) dst(%dma_wait3A_651 : memref<8x1024xf32, #tpu.memory_space<vmem>>)
    %dma_start3A_655 = arith.constant 7 : i32
    %dma_start3A_656 = arith.constant 1 : i32
    %dma_start3A_657 = arith.constant 0 : i32
    %dma_start3A_658 = tpu.memref_slice %arg8[%dma_start3A_656, %dma_start3A_657] : memref<2x1024xi32, #tpu.memory_space<vmem>> -> memref<1x1024xi32, #tpu.memory_space<vmem>>
    %dma_start3A_659 = tpu.memref_squeeze %dma_start3A_658 : memref<1x1024xi32, #tpu.memory_space<vmem>> -> memref<1024xi32, #tpu.memory_space<vmem>>
    %dma_start3A_660 = arith.constant 0 : i32
    %dma_start3A_661 = tpu.memref_slice %arg3[%dma_start3A_655, %add3A, %dma_start3A_660] : memref<8x32x1024xi32, #tpu.memory_space<hbm>> -> memref<1x1x1024xi32, #tpu.memory_space<hbm>>
    %dma_start3A_662 = tpu.memref_squeeze %dma_start3A_661 : memref<1x1x1024xi32, #tpu.memory_space<hbm>> -> memref<1024xi32, #tpu.memory_space<hbm>>
    %dma_start3A_663 = arith.constant 0 : i32
    %dma_start3A_664 = tpu.memref_slice %arg8[%dma_start3A_656, %dma_start3A_663] : memref<2x1024xi32, #tpu.memory_space<vmem>> -> memref<1x1024xi32, #tpu.memory_space<vmem>>
    %dma_start3A_665 = tpu.memref_squeeze %dma_start3A_664 : memref<1x1024xi32, #tpu.memory_space<vmem>> -> memref<1024xi32, #tpu.memory_space<vmem>>
    %dma_start3A_666 = arith.constant 0 : i32
    %dma_start3A_667 = tpu.memref_slice %arg3[%dma_start3A_655, %add3A, %dma_start3A_666] : memref<8x32x1024xi32, #tpu.memory_space<hbm>> -> memref<1x1x1024xi32, #tpu.memory_space<hbm>>
    %dma_start3A_668 = tpu.memref_squeeze %dma_start3A_667 : memref<1x1x1024xi32, #tpu.memory_space<hbm>> -> memref<1024xi32, #tpu.memory_space<hbm>>
    tpu.enqueue_dma source(%dma_start3A_668 : memref<1024xi32, #tpu.memory_space<hbm>>) target(%dma_start3A_665 : memref<1024xi32, #tpu.memory_space<vmem>>) target_semaphore(%arg13 : memref<!tpu.dma_semaphore, #tpu.memory_space<semaphore_mem>>)
    %mul3A_669 = arith.constant 8 : i32
    %mul3A_670 = arith.muli %add3A, %mul3A_669 : i32
    %dma_start3A_671 = arith.constant 7 : i32
    %dma_start3A_672 = arith.constant 1 : i32
    %dma_start3A_673 = arith.constant 0 : i32
    %dma_start3A_674 = arith.constant 0 : i32
    %dma_start3A_675 = tpu.memref_slice %arg9[%dma_start3A_672, %dma_start3A_673, %dma_start3A_674] : memref<2x8x1024xf32, #tpu.memory_space<vmem>> -> memref<1x8x1024xf32, #tpu.memory_space<vmem>>
    %dma_start3A_676 = tpu.memref_squeeze %dma_start3A_675 : memref<1x8x1024xf32, #tpu.memory_space<vmem>> -> memref<8x1024xf32, #tpu.memory_space<vmem>>
    %dma_start3A_677 = arith.constant 0 : i32
    %dma_start3A_678 = tpu.memref_slice %arg4[%dma_start3A_671, %mul3A_670, %dma_start3A_677] : memref<8x256x1024xf32, #tpu.memory_space<hbm>> -> memref<1x8x1024xf32, #tpu.memory_space<hbm>>
    %dma_start3A_679 = tpu.memref_squeeze %dma_start3A_678 : memref<1x8x1024xf32, #tpu.memory_space<hbm>> -> memref<8x1024xf32, #tpu.memory_space<hbm>>
    %dma_start3A_680 = arith.constant 0 : i32
    %dma_start3A_681 = arith.constant 0 : i32
    %dma_start3A_682 = tpu.memref_slice %arg9[%dma_start3A_672, %dma_start3A_680, %dma_start3A_681] : memref<2x8x1024xf32, #tpu.memory_space<vmem>> -> memref<1x8x1024xf32, #tpu.memory_space<vmem>>
    %dma_start3A_683 = tpu.memref_squeeze %dma_start3A_682 : memref<1x8x1024xf32, #tpu.memory_space<vmem>> -> memref<8x1024xf32, #tpu.memory_space<vmem>>
    %dma_start3A_684 = arith.constant 0 : i32
    %dma_start3A_685 = tpu.memref_slice %arg4[%dma_start3A_671, %mul3A_670, %dma_start3A_684] : memref<8x256x1024xf32, #tpu.memory_space<hbm>> -> memref<1x8x1024xf32, #tpu.memory_space<hbm>>
    %dma_start3A_686 = tpu.memref_squeeze %dma_start3A_685 : memref<1x8x1024xf32, #tpu.memory_space<hbm>> -> memref<8x1024xf32, #tpu.memory_space<hbm>>
    tpu.enqueue_dma source(%dma_start3A_686 : memref<8x1024xf32, #tpu.memory_space<hbm>>) target(%dma_start3A_683 : memref<8x1024xf32, #tpu.memory_space<vmem>>) target_semaphore(%arg15 : memref<!tpu.dma_semaphore, #tpu.memory_space<semaphore_mem>>)
    %dma_wait3A_687 = arith.constant 0 : i32
    %dma_wait3A_688 = arith.constant 4 : i32
    %dma_wait3A_689 = arith.constant 0 : i32
    %dma_wait3A_690 = arith.constant 0 : i32
    %dma_wait3A_691 = tpu.memref_slice %arg10[%dma_wait3A_687, %dma_wait3A_689, %dma_wait3A_690] : memref<2x8x1024xf32, #tpu.memory_space<vmem>> -> memref<1x8x1024xf32, #tpu.memory_space<vmem>>
    %dma_wait3A_692 = tpu.memref_squeeze %dma_wait3A_691 : memref<1x8x1024xf32, #tpu.memory_space<vmem>> -> memref<8x1024xf32, #tpu.memory_space<vmem>>
    %dma_wait3A_693 = arith.constant 0 : i32
    %dma_wait3A_694 = tpu.memref_slice %arg5[%dma_wait3A_688, %mul3A_506, %dma_wait3A_693] : memref<8x256x1024xf32, #tpu.memory_space<hbm>> -> memref<1x8x1024xf32, #tpu.memory_space<hbm>>
    %dma_wait3A_695 = tpu.memref_squeeze %dma_wait3A_694 : memref<1x8x1024xf32, #tpu.memory_space<hbm>> -> memref<8x1024xf32, #tpu.memory_space<hbm>>
    %dma_wait3A_696 = arith.constant 0 : i32
    %dma_wait3A_697 = tpu.memref_slice %arg5[%dma_wait3A_688, %mul3A_506, %dma_wait3A_696] : memref<8x256x1024xf32, #tpu.memory_space<hbm>> -> memref<1x8x1024xf32, #tpu.memory_space<hbm>>
    %dma_wait3A_698 = tpu.memref_squeeze %dma_wait3A_697 : memref<1x8x1024xf32, #tpu.memory_space<hbm>> -> memref<8x1024xf32, #tpu.memory_space<hbm>>
    %dma_wait3A_699 = arith.constant 0 : i32
    %dma_wait3A_700 = arith.constant 0 : i32
    %dma_wait3A_701 = tpu.memref_slice %arg10[%dma_wait3A_687, %dma_wait3A_699, %dma_wait3A_700] : memref<2x8x1024xf32, #tpu.memory_space<vmem>> -> memref<1x8x1024xf32, #tpu.memory_space<vmem>>
    %dma_wait3A_702 = tpu.memref_squeeze %dma_wait3A_701 : memref<1x8x1024xf32, #tpu.memory_space<vmem>> -> memref<8x1024xf32, #tpu.memory_space<vmem>>
    tpu.wait_dma2 semaphore(%arg16 : memref<!tpu.dma_semaphore, #tpu.memory_space<semaphore_mem>>) src(%dma_wait3A_702 : memref<8x1024xf32, #tpu.memory_space<vmem>>) dst(%dma_wait3A_698 : memref<8x1024xf32, #tpu.memory_space<hbm>>)
    %scan3A_703 = arith.constant 0 : i32
    %scan3A_704 = arith.constant 64 : i32
    %scan3A_705 = arith.addi %scan3A_703, %scan3A_704 : i32
    %scan3A_706 = arith.constant 1 : i32
    %scan3A_707:8 = scf.for %scan3A_837 = %scan3A_703 to %scan3A_705 step %scan3A_706 iter_args(%scan3A_838 = %scan3A_605#0, %scan3A_839 = %scan3A_605#1, %scan3A_840 = %scan3A_605#2, %scan3A_841 = %scan3A_605#3, %scan3A_842 = %scan3A_605#4, %scan3A_843 = %scan3A_605#5, %scan3A_844 = %scan3A_605#6, %scan3A_845 = %scan3A_605#7) -> (vector<16xf32>, vector<16xf32>, vector<16xf32>, vector<16xf32>, vector<16xf32>, vector<16xf32>, vector<16xf32>, vector<16xf32>)  : i32 {
      %mul3A_846 = arith.constant 16 : i32
      %mul3A_847 = arith.muli %scan3A_837, %mul3A_846 : i32
      %get3A = arith.constant 0 : i32
      %get3A_848 = arith.index_cast %get3A : i32 to index
      %get3A_849 = arith.index_cast %mul3A_847 : i32 to index
      %get3A_850 = tpu.vector_load %arg8[%get3A_848, %get3A_849] {strides = array<i32>} : memref<2x1024xi32, #tpu.memory_space<vmem>>, vector<16xi32>,
      %add3A_851 = arith.constant 0 : i32
      %add3A_852 = vector.broadcast %add3A_851 : i32 to vector<16xi32>
      %add3A_853 = arith.addi %get3A_850, %add3A_852 : vector<16xi32>
      %gather3A = tpu.vector_load_idx %arg7[%add3A_853] : memref<4096xf32, #tpu.memory_space<vmem>>[vector<16xi32>], vector<16xf32>,
      %mul3A_854 = arith.constant 16 : i32
      %mul3A_855 = arith.muli %scan3A_837, %mul3A_854 : i32
      %swap3A_856 = arith.constant 0 : i32
      %swap3A_857 = arith.constant 0 : i32
      %swap3A_858 = arith.index_cast %swap3A_856 : i32 to index
      %swap3A_859 = arith.index_cast %swap3A_857 : i32 to index
      %swap3A_860 = arith.index_cast %mul3A_855 : i32 to index
      %swap3A_861 = tpu.vector_load %arg10[%swap3A_858, %swap3A_859, %swap3A_860] {strides = array<i32>} : memref<2x8x1024xf32, #tpu.memory_space<vmem>>, vector<16xf32>,
      tpu.vector_store %arg10[%swap3A_858, %swap3A_859, %swap3A_860], %gather3A {strides = array<i32>} : memref<2x8x1024xf32, #tpu.memory_space<vmem>>, vector<16xf32>,
      %mul3A_862 = arith.constant 16 : i32
      %mul3A_863 = arith.muli %scan3A_837, %mul3A_862 : i32
      %get3A_864 = arith.constant 0 : i32
      %get3A_865 = arith.constant 0 : i32
      %get3A_866 = arith.index_cast %get3A_864 : i32 to index
      %get3A_867 = arith.index_cast %get3A_865 : i32 to index
      %get3A_868 = arith.index_cast %mul3A_863 : i32 to index
      %get3A_869 = tpu.vector_load %arg9[%get3A_866, %get3A_867, %get3A_868] {strides = array<i32>} : memref<2x8x1024xf32, #tpu.memory_space<vmem>>, vector<16xf32>,
      %sub3A = arith.subf %get3A_869, %gather3A : vector<16xf32>
      %mul3A_870 = arith.mulf %sub3A, %sub3A : vector<16xf32>
      %add3A_871 = arith.addf %scan3A_838, %mul3A_870 : vector<16xf32>
      %add3A_872 = arith.constant 512 : i32
      %add3A_873 = vector.broadcast %add3A_872 : i32 to vector<16xi32>
      %add3A_874 = arith.addi %get3A_850, %add3A_873 : vector<16xi32>
      %gather3A_875 = tpu.vector_load_idx %arg7[%add3A_874] : memref<4096xf32, #tpu.memory_space<vmem>>[vector<16xi32>], vector<16xf32>,
      %mul3A_876 = arith.constant 16 : i32
      %mul3A_877 = arith.muli %scan3A_837, %mul3A_876 : i32
      %swap3A_878 = arith.constant 0 : i32
      %swap3A_879 = arith.constant 1 : i32
      %swap3A_880 = arith.index_cast %swap3A_878 : i32 to index
      %swap3A_881 = arith.index_cast %swap3A_879 : i32 to index
      %swap3A_882 = arith.index_cast %mul3A_877 : i32 to index
      %swap3A_883 = tpu.vector_load %arg10[%swap3A_880, %swap3A_881, %swap3A_882] {strides = array<i32>} : memref<2x8x1024xf32, #tpu.memory_space<vmem>>, vector<16xf32>,
      tpu.vector_store %arg10[%swap3A_880, %swap3A_881, %swap3A_882], %gather3A_875 {strides = array<i32>} : memref<2x8x1024xf32, #tpu.memory_space<vmem>>, vector<16xf32>,
      %mul3A_884 = arith.constant 16 : i32
      %mul3A_885 = arith.muli %scan3A_837, %mul3A_884 : i32
      %get3A_886 = arith.constant 0 : i32
      %get3A_887 = arith.constant 1 : i32
      %get3A_888 = arith.index_cast %get3A_886 : i32 to index
      %get3A_889 = arith.index_cast %get3A_887 : i32 to index
      %get3A_890 = arith.index_cast %mul3A_885 : i32 to index
      %get3A_891 = tpu.vector_load %arg9[%get3A_888, %get3A_889, %get3A_890] {strides = array<i32>} : memref<2x8x1024xf32, #tpu.memory_space<vmem>>, vector<16xf32>,
      %sub3A_892 = arith.subf %get3A_891, %gather3A_875 : vector<16xf32>
      %mul3A_893 = arith.mulf %sub3A_892, %sub3A_892 : vector<16xf32>
      %add3A_894 = arith.addf %scan3A_839, %mul3A_893 : vector<16xf32>
      %add3A_895 = arith.constant 1024 : i32
      %add3A_896 = vector.broadcast %add3A_895 : i32 to vector<16xi32>
      %add3A_897 = arith.addi %get3A_850, %add3A_896 : vector<16xi32>
      %gather3A_898 = tpu.vector_load_idx %arg7[%add3A_897] : memref<4096xf32, #tpu.memory_space<vmem>>[vector<16xi32>], vector<16xf32>,
      %mul3A_899 = arith.constant 16 : i32
      %mul3A_900 = arith.muli %scan3A_837, %mul3A_899 : i32
      %swap3A_901 = arith.constant 0 : i32
      %swap3A_902 = arith.constant 2 : i32
      %swap3A_903 = arith.index_cast %swap3A_901 : i32 to index
      %swap3A_904 = arith.index_cast %swap3A_902 : i32 to index
      %swap3A_905 = arith.index_cast %mul3A_900 : i32 to index
      %swap3A_906 = tpu.vector_load %arg10[%swap3A_903, %swap3A_904, %swap3A_905] {strides = array<i32>} : memref<2x8x1024xf32, #tpu.memory_space<vmem>>, vector<16xf32>,
      tpu.vector_store %arg10[%swap3A_903, %swap3A_904, %swap3A_905], %gather3A_898 {strides = array<i32>} : memref<2x8x1024xf32, #tpu.memory_space<vmem>>, vector<16xf32>,
      %mul3A_907 = arith.constant 16 : i32
      %mul3A_908 = arith.muli %scan3A_837, %mul3A_907 : i32
      %get3A_909 = arith.constant 0 : i32
      %get3A_910 = arith.constant 2 : i32
      %get3A_911 = arith.index_cast %get3A_909 : i32 to index
      %get3A_912 = arith.index_cast %get3A_910 : i32 to index
      %get3A_913 = arith.index_cast %mul3A_908 : i32 to index
      %get3A_914 = tpu.vector_load %arg9[%get3A_911, %get3A_912, %get3A_913] {strides = array<i32>} : memref<2x8x1024xf32, #tpu.memory_space<vmem>>, vector<16xf32>,
      %sub3A_915 = arith.subf %get3A_914, %gather3A_898 : vector<16xf32>
      %mul3A_916 = arith.mulf %sub3A_915, %sub3A_915 : vector<16xf32>
      %add3A_917 = arith.addf %scan3A_840, %mul3A_916 : vector<16xf32>
      %add3A_918 = arith.constant 1536 : i32
      %add3A_919 = vector.broadcast %add3A_918 : i32 to vector<16xi32>
      %add3A_920 = arith.addi %get3A_850, %add3A_919 : vector<16xi32>
      %gather3A_921 = tpu.vector_load_idx %arg7[%add3A_920] : memref<4096xf32, #tpu.memory_space<vmem>>[vector<16xi32>], vector<16xf32>,
      %mul3A_922 = arith.constant 16 : i32
      %mul3A_923 = arith.muli %scan3A_837, %mul3A_922 : i32
      %swap3A_924 = arith.constant 0 : i32
      %swap3A_925 = arith.constant 3 : i32
      %swap3A_926 = arith.index_cast %swap3A_924 : i32 to index
      %swap3A_927 = arith.index_cast %swap3A_925 : i32 to index
      %swap3A_928 = arith.index_cast %mul3A_923 : i32 to index
      %swap3A_929 = tpu.vector_load %arg10[%swap3A_926, %swap3A_927, %swap3A_928] {strides = array<i32>} : memref<2x8x1024xf32, #tpu.memory_space<vmem>>, vector<16xf32>,
      tpu.vector_store %arg10[%swap3A_926, %swap3A_927, %swap3A_928], %gather3A_921 {strides = array<i32>} : memref<2x8x1024xf32, #tpu.memory_space<vmem>>, vector<16xf32>,
      %mul3A_930 = arith.constant 16 : i32
      %mul3A_931 = arith.muli %scan3A_837, %mul3A_930 : i32
      %get3A_932 = arith.constant 0 : i32
      %get3A_933 = arith.constant 3 : i32
      %get3A_934 = arith.index_cast %get3A_932 : i32 to index
      %get3A_935 = arith.index_cast %get3A_933 : i32 to index
      %get3A_936 = arith.index_cast %mul3A_931 : i32 to index
      %get3A_937 = tpu.vector_load %arg9[%get3A_934, %get3A_935, %get3A_936] {strides = array<i32>} : memref<2x8x1024xf32, #tpu.memory_space<vmem>>, vector<16xf32>,
      %sub3A_938 = arith.subf %get3A_937, %gather3A_921 : vector<16xf32>
      %mul3A_939 = arith.mulf %sub3A_938, %sub3A_938 : vector<16xf32>
      %add3A_940 = arith.addf %scan3A_841, %mul3A_939 : vector<16xf32>
      %add3A_941 = arith.constant 2048 : i32
      %add3A_942 = vector.broadcast %add3A_941 : i32 to vector<16xi32>
      %add3A_943 = arith.addi %get3A_850, %add3A_942 : vector<16xi32>
      %gather3A_944 = tpu.vector_load_idx %arg7[%add3A_943] : memref<4096xf32, #tpu.memory_space<vmem>>[vector<16xi32>], vector<16xf32>,
      %mul3A_945 = arith.constant 16 : i32
      %mul3A_946 = arith.muli %scan3A_837, %mul3A_945 : i32
      %swap3A_947 = arith.constant 0 : i32
      %swap3A_948 = arith.constant 4 : i32
      %swap3A_949 = arith.index_cast %swap3A_947 : i32 to index
      %swap3A_950 = arith.index_cast %swap3A_948 : i32 to index
      %swap3A_951 = arith.index_cast %mul3A_946 : i32 to index
      %swap3A_952 = tpu.vector_load %arg10[%swap3A_949, %swap3A_950, %swap3A_951] {strides = array<i32>} : memref<2x8x1024xf32, #tpu.memory_space<vmem>>, vector<16xf32>,
      tpu.vector_store %arg10[%swap3A_949, %swap3A_950, %swap3A_951], %gather3A_944 {strides = array<i32>} : memref<2x8x1024xf32, #tpu.memory_space<vmem>>, vector<16xf32>,
      %mul3A_953 = arith.constant 16 : i32
      %mul3A_954 = arith.muli %scan3A_837, %mul3A_953 : i32
      %get3A_955 = arith.constant 0 : i32
      %get3A_956 = arith.constant 4 : i32
      %get3A_957 = arith.index_cast %get3A_955 : i32 to index
      %get3A_958 = arith.index_cast %get3A_956 : i32 to index
      %get3A_959 = arith.index_cast %mul3A_954 : i32 to index
      %get3A_960 = tpu.vector_load %arg9[%get3A_957, %get3A_958, %get3A_959] {strides = array<i32>} : memref<2x8x1024xf32, #tpu.memory_space<vmem>>, vector<16xf32>,
      %sub3A_961 = arith.subf %get3A_960, %gather3A_944 : vector<16xf32>
      %mul3A_962 = arith.mulf %sub3A_961, %sub3A_961 : vector<16xf32>
      %add3A_963 = arith.addf %scan3A_842, %mul3A_962 : vector<16xf32>
      %add3A_964 = arith.constant 2560 : i32
      %add3A_965 = vector.broadcast %add3A_964 : i32 to vector<16xi32>
      %add3A_966 = arith.addi %get3A_850, %add3A_965 : vector<16xi32>
      %gather3A_967 = tpu.vector_load_idx %arg7[%add3A_966] : memref<4096xf32, #tpu.memory_space<vmem>>[vector<16xi32>], vector<16xf32>,
      %mul3A_968 = arith.constant 16 : i32
      %mul3A_969 = arith.muli %scan3A_837, %mul3A_968 : i32
      %swap3A_970 = arith.constant 0 : i32
      %swap3A_971 = arith.constant 5 : i32
      %swap3A_972 = arith.index_cast %swap3A_970 : i32 to index
      %swap3A_973 = arith.index_cast %swap3A_971 : i32 to index
      %swap3A_974 = arith.index_cast %mul3A_969 : i32 to index
      %swap3A_975 = tpu.vector_load %arg10[%swap3A_972, %swap3A_973, %swap3A_974] {strides = array<i32>} : memref<2x8x1024xf32, #tpu.memory_space<vmem>>, vector<16xf32>,
      tpu.vector_store %arg10[%swap3A_972, %swap3A_973, %swap3A_974], %gather3A_967 {strides = array<i32>} : memref<2x8x1024xf32, #tpu.memory_space<vmem>>, vector<16xf32>,
      %mul3A_976 = arith.constant 16 : i32
      %mul3A_977 = arith.muli %scan3A_837, %mul3A_976 : i32
      %get3A_978 = arith.constant 0 : i32
      %get3A_979 = arith.constant 5 : i32
      %get3A_980 = arith.index_cast %get3A_978 : i32 to index
      %get3A_981 = arith.index_cast %get3A_979 : i32 to index
      %get3A_982 = arith.index_cast %mul3A_977 : i32 to index
      %get3A_983 = tpu.vector_load %arg9[%get3A_980, %get3A_981, %get3A_982] {strides = array<i32>} : memref<2x8x1024xf32, #tpu.memory_space<vmem>>, vector<16xf32>,
      %sub3A_984 = arith.subf %get3A_983, %gather3A_967 : vector<16xf32>
      %mul3A_985 = arith.mulf %sub3A_984, %sub3A_984 : vector<16xf32>
      %add3A_986 = arith.addf %scan3A_843, %mul3A_985 : vector<16xf32>
      %add3A_987 = arith.constant 3072 : i32
      %add3A_988 = vector.broadcast %add3A_987 : i32 to vector<16xi32>
      %add3A_989 = arith.addi %get3A_850, %add3A_988 : vector<16xi32>
      %gather3A_990 = tpu.vector_load_idx %arg7[%add3A_989] : memref<4096xf32, #tpu.memory_space<vmem>>[vector<16xi32>], vector<16xf32>,
      %mul3A_991 = arith.constant 16 : i32
      %mul3A_992 = arith.muli %scan3A_837, %mul3A_991 : i32
      %swap3A_993 = arith.constant 0 : i32
      %swap3A_994 = arith.constant 6 : i32
      %swap3A_995 = arith.index_cast %swap3A_993 : i32 to index
      %swap3A_996 = arith.index_cast %swap3A_994 : i32 to index
      %swap3A_997 = arith.index_cast %mul3A_992 : i32 to index
      %swap3A_998 = tpu.vector_load %arg10[%swap3A_995, %swap3A_996, %swap3A_997] {strides = array<i32>} : memref<2x8x1024xf32, #tpu.memory_space<vmem>>, vector<16xf32>,
      tpu.vector_store %arg10[%swap3A_995, %swap3A_996, %swap3A_997], %gather3A_990 {strides = array<i32>} : memref<2x8x1024xf32, #tpu.memory_space<vmem>>, vector<16xf32>,
      %mul3A_999 = arith.constant 16 : i32
      %mul3A_1000 = arith.muli %scan3A_837, %mul3A_999 : i32
      %get3A_1001 = arith.constant 0 : i32
      %get3A_1002 = arith.constant 6 : i32
      %get3A_1003 = arith.index_cast %get3A_1001 : i32 to index
      %get3A_1004 = arith.index_cast %get3A_1002 : i32 to index
      %get3A_1005 = arith.index_cast %mul3A_1000 : i32 to index
      %get3A_1006 = tpu.vector_load %arg9[%get3A_1003, %get3A_1004, %get3A_1005] {strides = array<i32>} : memref<2x8x1024xf32, #tpu.memory_space<vmem>>, vector<16xf32>,
      %sub3A_1007 = arith.subf %get3A_1006, %gather3A_990 : vector<16xf32>
      %mul3A_1008 = arith.mulf %sub3A_1007, %sub3A_1007 : vector<16xf32>
      %add3A_1009 = arith.addf %scan3A_844, %mul3A_1008 : vector<16xf32>
      %add3A_1010 = arith.constant 3584 : i32
      %add3A_1011 = vector.broadcast %add3A_1010 : i32 to vector<16xi32>
      %add3A_1012 = arith.addi %get3A_850, %add3A_1011 : vector<16xi32>
      %gather3A_1013 = tpu.vector_load_idx %arg7[%add3A_1012] : memref<4096xf32, #tpu.memory_space<vmem>>[vector<16xi32>], vector<16xf32>,
      %mul3A_1014 = arith.constant 16 : i32
      %mul3A_1015 = arith.muli %scan3A_837, %mul3A_1014 : i32
      %swap3A_1016 = arith.constant 0 : i32
      %swap3A_1017 = arith.constant 7 : i32
      %swap3A_1018 = arith.index_cast %swap3A_1016 : i32 to index
      %swap3A_1019 = arith.index_cast %swap3A_1017 : i32 to index
      %swap3A_1020 = arith.index_cast %mul3A_1015 : i32 to index
      %swap3A_1021 = tpu.vector_load %arg10[%swap3A_1018, %swap3A_1019, %swap3A_1020] {strides = array<i32>} : memref<2x8x1024xf32, #tpu.memory_space<vmem>>, vector<16xf32>,
      tpu.vector_store %arg10[%swap3A_1018, %swap3A_1019, %swap3A_1020], %gather3A_1013 {strides = array<i32>} : memref<2x8x1024xf32, #tpu.memory_space<vmem>>, vector<16xf32>,
      %mul3A_1022 = arith.constant 16 : i32
      %mul3A_1023 = arith.muli %scan3A_837, %mul3A_1022 : i32
      %get3A_1024 = arith.constant 0 : i32
      %get3A_1025 = arith.constant 7 : i32
      %get3A_1026 = arith.index_cast %get3A_1024 : i32 to index
      %get3A_1027 = arith.index_cast %get3A_1025 : i32 to index
      %get3A_1028 = arith.index_cast %mul3A_1023 : i32 to index
      %get3A_1029 = tpu.vector_load %arg9[%get3A_1026, %get3A_1027, %get3A_1028] {strides = array<i32>} : memref<2x8x1024xf32, #tpu.memory_space<vmem>>, vector<16xf32>,
      %sub3A_1030 = arith.subf %get3A_1029, %gather3A_1013 : vector<16xf32>
      %mul3A_1031 = arith.mulf %sub3A_1030, %sub3A_1030 : vector<16xf32>
      %add3A_1032 = arith.addf %scan3A_845, %mul3A_1031 : vector<16xf32>
      scf.yield %add3A_871, %add3A_894, %add3A_917, %add3A_940, %add3A_963, %add3A_986, %add3A_1009, %add3A_1032 : vector<16xf32>, vector<16xf32>, vector<16xf32>, vector<16xf32>, vector<16xf32>, vector<16xf32>, vector<16xf32>, vector<16xf32>
    }
    %scan3A_708 = arith.constant 64 : i32
    %mul3A_709 = arith.constant 8 : i32
    %mul3A_710 = arith.muli %add3A, %mul3A_709 : i32
    %dma_start3A_711 = arith.constant 0 : i32
    %dma_start3A_712 = arith.constant 6 : i32
    %dma_start3A_713 = arith.constant 0 : i32
    %dma_start3A_714 = arith.constant 0 : i32
    %dma_start3A_715 = tpu.memref_slice %arg10[%dma_start3A_711, %dma_start3A_713, %dma_start3A_714] : memref<2x8x1024xf32, #tpu.memory_space<vmem>> -> memref<1x8x1024xf32, #tpu.memory_space<vmem>>
    %dma_start3A_716 = tpu.memref_squeeze %dma_start3A_715 : memref<1x8x1024xf32, #tpu.memory_space<vmem>> -> memref<8x1024xf32, #tpu.memory_space<vmem>>
    %dma_start3A_717 = arith.constant 0 : i32
    %dma_start3A_718 = tpu.memref_slice %arg5[%dma_start3A_712, %mul3A_710, %dma_start3A_717] : memref<8x256x1024xf32, #tpu.memory_space<hbm>> -> memref<1x8x1024xf32, #tpu.memory_space<hbm>>
    %dma_start3A_719 = tpu.memref_squeeze %dma_start3A_718 : memref<1x8x1024xf32, #tpu.memory_space<hbm>> -> memref<8x1024xf32, #tpu.memory_space<hbm>>
    %dma_start3A_720 = arith.constant 0 : i32
    %dma_start3A_721 = tpu.memref_slice %arg5[%dma_start3A_712, %mul3A_710, %dma_start3A_720] : memref<8x256x1024xf32, #tpu.memory_space<hbm>> -> memref<1x8x1024xf32, #tpu.memory_space<hbm>>
    %dma_start3A_722 = tpu.memref_squeeze %dma_start3A_721 : memref<1x8x1024xf32, #tpu.memory_space<hbm>> -> memref<8x1024xf32, #tpu.memory_space<hbm>>
    %dma_start3A_723 = arith.constant 0 : i32
    %dma_start3A_724 = arith.constant 0 : i32
    %dma_start3A_725 = tpu.memref_slice %arg10[%dma_start3A_711, %dma_start3A_723, %dma_start3A_724] : memref<2x8x1024xf32, #tpu.memory_space<vmem>> -> memref<1x8x1024xf32, #tpu.memory_space<vmem>>
    %dma_start3A_726 = tpu.memref_squeeze %dma_start3A_725 : memref<1x8x1024xf32, #tpu.memory_space<vmem>> -> memref<8x1024xf32, #tpu.memory_space<vmem>>
    tpu.enqueue_dma source(%dma_start3A_726 : memref<8x1024xf32, #tpu.memory_space<vmem>>) target(%dma_start3A_722 : memref<8x1024xf32, #tpu.memory_space<hbm>>) target_semaphore(%arg16 : memref<!tpu.dma_semaphore, #tpu.memory_space<semaphore_mem>>)
    %dma_wait3A_727 = arith.constant 7 : i32
    %dma_wait3A_728 = arith.constant 1 : i32
    %dma_wait3A_729 = arith.constant 0 : i32
    %dma_wait3A_730 = tpu.memref_slice %arg8[%dma_wait3A_728, %dma_wait3A_729] : memref<2x1024xi32, #tpu.memory_space<vmem>> -> memref<1x1024xi32, #tpu.memory_space<vmem>>
    %dma_wait3A_731 = tpu.memref_squeeze %dma_wait3A_730 : memref<1x1024xi32, #tpu.memory_space<vmem>> -> memref<1024xi32, #tpu.memory_space<vmem>>
    %dma_wait3A_732 = arith.constant 0 : i32
    %dma_wait3A_733 = tpu.memref_slice %arg3[%dma_wait3A_727, %add3A, %dma_wait3A_732] : memref<8x32x1024xi32, #tpu.memory_space<hbm>> -> memref<1x1x1024xi32, #tpu.memory_space<hbm>>
    %dma_wait3A_734 = tpu.memref_squeeze %dma_wait3A_733 : memref<1x1x1024xi32, #tpu.memory_space<hbm>> -> memref<1024xi32, #tpu.memory_space<hbm>>
    %dma_wait3A_735 = arith.constant 0 : i32
    %dma_wait3A_736 = tpu.memref_slice %arg8[%dma_wait3A_728, %dma_wait3A_735] : memref<2x1024xi32, #tpu.memory_space<vmem>> -> memref<1x1024xi32, #tpu.memory_space<vmem>>
    %dma_wait3A_737 = tpu.memref_squeeze %dma_wait3A_736 : memref<1x1024xi32, #tpu.memory_space<vmem>> -> memref<1024xi32, #tpu.memory_space<vmem>>
    %dma_wait3A_738 = arith.constant 0 : i32
    %dma_wait3A_739 = tpu.memref_slice %arg3[%dma_wait3A_727, %add3A, %dma_wait3A_738] : memref<8x32x1024xi32, #tpu.memory_space<hbm>> -> memref<1x1x1024xi32, #tpu.memory_space<hbm>>
    %dma_wait3A_740 = tpu.memref_squeeze %dma_wait3A_739 : memref<1x1x1024xi32, #tpu.memory_space<hbm>> -> memref<1024xi32, #tpu.memory_space<hbm>>
    tpu.wait_dma2 semaphore(%arg13 : memref<!tpu.dma_semaphore, #tpu.memory_space<semaphore_mem>>) src(%dma_wait3A_740 : memref<1024xi32, #tpu.memory_space<hbm>>) dst(%dma_wait3A_737 : memref<1024xi32, #tpu.memory_space<vmem>>)
    %dma_wait3A_741 = arith.constant 7 : i32
    %dma_wait3A_742 = arith.constant 1 : i32
    %dma_wait3A_743 = arith.constant 0 : i32
    %dma_wait3A_744 = arith.constant 0 : i32
    %dma_wait3A_745 = tpu.memref_slice %arg9[%dma_wait3A_742, %dma_wait3A_743, %dma_wait3A_744] : memref<2x8x1024xf32, #tpu.memory_space<vmem>> -> memref<1x8x1024xf32, #tpu.memory_space<vmem>>
    %dma_wait3A_746 = tpu.memref_squeeze %dma_wait3A_745 : memref<1x8x1024xf32, #tpu.memory_space<vmem>> -> memref<8x1024xf32, #tpu.memory_space<vmem>>
    %dma_wait3A_747 = arith.constant 0 : i32
    %dma_wait3A_748 = tpu.memref_slice %arg4[%dma_wait3A_741, %mul3A_670, %dma_wait3A_747] : memref<8x256x1024xf32, #tpu.memory_space<hbm>> -> memref<1x8x1024xf32, #tpu.memory_space<hbm>>
    %dma_wait3A_749 = tpu.memref_squeeze %dma_wait3A_748 : memref<1x8x1024xf32, #tpu.memory_space<hbm>> -> memref<8x1024xf32, #tpu.memory_space<hbm>>
    %dma_wait3A_750 = arith.constant 0 : i32
    %dma_wait3A_751 = arith.constant 0 : i32
    %dma_wait3A_752 = tpu.memref_slice %arg9[%dma_wait3A_742, %dma_wait3A_750, %dma_wait3A_751] : memref<2x8x1024xf32, #tpu.memory_space<vmem>> -> memref<1x8x1024xf32, #tpu.memory_space<vmem>>
    %dma_wait3A_753 = tpu.memref_squeeze %dma_wait3A_752 : memref<1x8x1024xf32, #tpu.memory_space<vmem>> -> memref<8x1024xf32, #tpu.memory_space<vmem>>
    %dma_wait3A_754 = arith.constant 0 : i32
    %dma_wait3A_755 = tpu.memref_slice %arg4[%dma_wait3A_741, %mul3A_670, %dma_wait3A_754] : memref<8x256x1024xf32, #tpu.memory_space<hbm>> -> memref<1x8x1024xf32, #tpu.memory_space<hbm>>
    %dma_wait3A_756 = tpu.memref_squeeze %dma_wait3A_755 : memref<1x8x1024xf32, #tpu.memory_space<hbm>> -> memref<8x1024xf32, #tpu.memory_space<hbm>>
    tpu.wait_dma2 semaphore(%arg15 : memref<!tpu.dma_semaphore, #tpu.memory_space<semaphore_mem>>) src(%dma_wait3A_756 : memref<8x1024xf32, #tpu.memory_space<hbm>>) dst(%dma_wait3A_753 : memref<8x1024xf32, #tpu.memory_space<vmem>>)
    %dma_wait3A_757 = arith.constant 1 : i32
    %dma_wait3A_758 = arith.constant 5 : i32
    %dma_wait3A_759 = arith.constant 0 : i32
    %dma_wait3A_760 = arith.constant 0 : i32
    %dma_wait3A_761 = tpu.memref_slice %arg10[%dma_wait3A_757, %dma_wait3A_759, %dma_wait3A_760] : memref<2x8x1024xf32, #tpu.memory_space<vmem>> -> memref<1x8x1024xf32, #tpu.memory_space<vmem>>
    %dma_wait3A_762 = tpu.memref_squeeze %dma_wait3A_761 : memref<1x8x1024xf32, #tpu.memory_space<vmem>> -> memref<8x1024xf32, #tpu.memory_space<vmem>>
    %dma_wait3A_763 = arith.constant 0 : i32
    %dma_wait3A_764 = tpu.memref_slice %arg5[%dma_wait3A_758, %mul3A_608, %dma_wait3A_763] : memref<8x256x1024xf32, #tpu.memory_space<hbm>> -> memref<1x8x1024xf32, #tpu.memory_space<hbm>>
    %dma_wait3A_765 = tpu.memref_squeeze %dma_wait3A_764 : memref<1x8x1024xf32, #tpu.memory_space<hbm>> -> memref<8x1024xf32, #tpu.memory_space<hbm>>
    %dma_wait3A_766 = arith.constant 0 : i32
    %dma_wait3A_767 = tpu.memref_slice %arg5[%dma_wait3A_758, %mul3A_608, %dma_wait3A_766] : memref<8x256x1024xf32, #tpu.memory_space<hbm>> -> memref<1x8x1024xf32, #tpu.memory_space<hbm>>
    %dma_wait3A_768 = tpu.memref_squeeze %dma_wait3A_767 : memref<1x8x1024xf32, #tpu.memory_space<hbm>> -> memref<8x1024xf32, #tpu.memory_space<hbm>>
    %dma_wait3A_769 = arith.constant 0 : i32
    %dma_wait3A_770 = arith.constant 0 : i32
    %dma_wait3A_771 = tpu.memref_slice %arg10[%dma_wait3A_757, %dma_wait3A_769, %dma_wait3A_770] : memref<2x8x1024xf32, #tpu.memory_space<vmem>> -> memref<1x8x1024xf32, #tpu.memory_space<vmem>>
    %dma_wait3A_772 = tpu.memref_squeeze %dma_wait3A_771 : memref<1x8x1024xf32, #tpu.memory_space<vmem>> -> memref<8x1024xf32, #tpu.memory_space<vmem>>
    tpu.wait_dma2 semaphore(%arg17 : memref<!tpu.dma_semaphore, #tpu.memory_space<semaphore_mem>>) src(%dma_wait3A_772 : memref<8x1024xf32, #tpu.memory_space<vmem>>) dst(%dma_wait3A_768 : memref<8x1024xf32, #tpu.memory_space<hbm>>)
    %scan3A_773 = arith.constant 0 : i32
    %scan3A_774 = arith.constant 64 : i32
    %scan3A_775 = arith.addi %scan3A_773, %scan3A_774 : i32
    %scan3A_776 = arith.constant 1 : i32
    %scan3A_777:8 = scf.for %scan3A_837 = %scan3A_773 to %scan3A_775 step %scan3A_776 iter_args(%scan3A_838 = %scan3A_707#0, %scan3A_839 = %scan3A_707#1, %scan3A_840 = %scan3A_707#2, %scan3A_841 = %scan3A_707#3, %scan3A_842 = %scan3A_707#4, %scan3A_843 = %scan3A_707#5, %scan3A_844 = %scan3A_707#6, %scan3A_845 = %scan3A_707#7) -> (vector<16xf32>, vector<16xf32>, vector<16xf32>, vector<16xf32>, vector<16xf32>, vector<16xf32>, vector<16xf32>, vector<16xf32>)  : i32 {
      %mul3A_846 = arith.constant 16 : i32
      %mul3A_847 = arith.muli %scan3A_837, %mul3A_846 : i32
      %get3A = arith.constant 1 : i32
      %get3A_848 = arith.index_cast %get3A : i32 to index
      %get3A_849 = arith.index_cast %mul3A_847 : i32 to index
      %get3A_850 = tpu.vector_load %arg8[%get3A_848, %get3A_849] {strides = array<i32>} : memref<2x1024xi32, #tpu.memory_space<vmem>>, vector<16xi32>,
      %add3A_851 = arith.constant 0 : i32
      %add3A_852 = vector.broadcast %add3A_851 : i32 to vector<16xi32>
      %add3A_853 = arith.addi %get3A_850, %add3A_852 : vector<16xi32>
      %gather3A = tpu.vector_load_idx %arg7[%add3A_853] : memref<4096xf32, #tpu.memory_space<vmem>>[vector<16xi32>], vector<16xf32>,
      %mul3A_854 = arith.constant 16 : i32
      %mul3A_855 = arith.muli %scan3A_837, %mul3A_854 : i32
      %swap3A_856 = arith.constant 1 : i32
      %swap3A_857 = arith.constant 0 : i32
      %swap3A_858 = arith.index_cast %swap3A_856 : i32 to index
      %swap3A_859 = arith.index_cast %swap3A_857 : i32 to index
      %swap3A_860 = arith.index_cast %mul3A_855 : i32 to index
      %swap3A_861 = tpu.vector_load %arg10[%swap3A_858, %swap3A_859, %swap3A_860] {strides = array<i32>} : memref<2x8x1024xf32, #tpu.memory_space<vmem>>, vector<16xf32>,
      tpu.vector_store %arg10[%swap3A_858, %swap3A_859, %swap3A_860], %gather3A {strides = array<i32>} : memref<2x8x1024xf32, #tpu.memory_space<vmem>>, vector<16xf32>,
      %mul3A_862 = arith.constant 16 : i32
      %mul3A_863 = arith.muli %scan3A_837, %mul3A_862 : i32
      %get3A_864 = arith.constant 1 : i32
      %get3A_865 = arith.constant 0 : i32
      %get3A_866 = arith.index_cast %get3A_864 : i32 to index
      %get3A_867 = arith.index_cast %get3A_865 : i32 to index
      %get3A_868 = arith.index_cast %mul3A_863 : i32 to index
      %get3A_869 = tpu.vector_load %arg9[%get3A_866, %get3A_867, %get3A_868] {strides = array<i32>} : memref<2x8x1024xf32, #tpu.memory_space<vmem>>, vector<16xf32>,
      %sub3A = arith.subf %get3A_869, %gather3A : vector<16xf32>
      %mul3A_870 = arith.mulf %sub3A, %sub3A : vector<16xf32>
      %add3A_871 = arith.addf %scan3A_838, %mul3A_870 : vector<16xf32>
      %add3A_872 = arith.constant 512 : i32
      %add3A_873 = vector.broadcast %add3A_872 : i32 to vector<16xi32>
      %add3A_874 = arith.addi %get3A_850, %add3A_873 : vector<16xi32>
      %gather3A_875 = tpu.vector_load_idx %arg7[%add3A_874] : memref<4096xf32, #tpu.memory_space<vmem>>[vector<16xi32>], vector<16xf32>,
      %mul3A_876 = arith.constant 16 : i32
      %mul3A_877 = arith.muli %scan3A_837, %mul3A_876 : i32
      %swap3A_878 = arith.constant 1 : i32
      %swap3A_879 = arith.constant 1 : i32
      %swap3A_880 = arith.index_cast %swap3A_878 : i32 to index
      %swap3A_881 = arith.index_cast %swap3A_879 : i32 to index
      %swap3A_882 = arith.index_cast %mul3A_877 : i32 to index
      %swap3A_883 = tpu.vector_load %arg10[%swap3A_880, %swap3A_881, %swap3A_882] {strides = array<i32>} : memref<2x8x1024xf32, #tpu.memory_space<vmem>>, vector<16xf32>,
      tpu.vector_store %arg10[%swap3A_880, %swap3A_881, %swap3A_882], %gather3A_875 {strides = array<i32>} : memref<2x8x1024xf32, #tpu.memory_space<vmem>>, vector<16xf32>,
      %mul3A_884 = arith.constant 16 : i32
      %mul3A_885 = arith.muli %scan3A_837, %mul3A_884 : i32
      %get3A_886 = arith.constant 1 : i32
      %get3A_887 = arith.constant 1 : i32
      %get3A_888 = arith.index_cast %get3A_886 : i32 to index
      %get3A_889 = arith.index_cast %get3A_887 : i32 to index
      %get3A_890 = arith.index_cast %mul3A_885 : i32 to index
      %get3A_891 = tpu.vector_load %arg9[%get3A_888, %get3A_889, %get3A_890] {strides = array<i32>} : memref<2x8x1024xf32, #tpu.memory_space<vmem>>, vector<16xf32>,
      %sub3A_892 = arith.subf %get3A_891, %gather3A_875 : vector<16xf32>
      %mul3A_893 = arith.mulf %sub3A_892, %sub3A_892 : vector<16xf32>
      %add3A_894 = arith.addf %scan3A_839, %mul3A_893 : vector<16xf32>
      %add3A_895 = arith.constant 1024 : i32
      %add3A_896 = vector.broadcast %add3A_895 : i32 to vector<16xi32>
      %add3A_897 = arith.addi %get3A_850, %add3A_896 : vector<16xi32>
      %gather3A_898 = tpu.vector_load_idx %arg7[%add3A_897] : memref<4096xf32, #tpu.memory_space<vmem>>[vector<16xi32>], vector<16xf32>,
      %mul3A_899 = arith.constant 16 : i32
      %mul3A_900 = arith.muli %scan3A_837, %mul3A_899 : i32
      %swap3A_901 = arith.constant 1 : i32
      %swap3A_902 = arith.constant 2 : i32
      %swap3A_903 = arith.index_cast %swap3A_901 : i32 to index
      %swap3A_904 = arith.index_cast %swap3A_902 : i32 to index
      %swap3A_905 = arith.index_cast %mul3A_900 : i32 to index
      %swap3A_906 = tpu.vector_load %arg10[%swap3A_903, %swap3A_904, %swap3A_905] {strides = array<i32>} : memref<2x8x1024xf32, #tpu.memory_space<vmem>>, vector<16xf32>,
      tpu.vector_store %arg10[%swap3A_903, %swap3A_904, %swap3A_905], %gather3A_898 {strides = array<i32>} : memref<2x8x1024xf32, #tpu.memory_space<vmem>>, vector<16xf32>,
      %mul3A_907 = arith.constant 16 : i32
      %mul3A_908 = arith.muli %scan3A_837, %mul3A_907 : i32
      %get3A_909 = arith.constant 1 : i32
      %get3A_910 = arith.constant 2 : i32
      %get3A_911 = arith.index_cast %get3A_909 : i32 to index
      %get3A_912 = arith.index_cast %get3A_910 : i32 to index
      %get3A_913 = arith.index_cast %mul3A_908 : i32 to index
      %get3A_914 = tpu.vector_load %arg9[%get3A_911, %get3A_912, %get3A_913] {strides = array<i32>} : memref<2x8x1024xf32, #tpu.memory_space<vmem>>, vector<16xf32>,
      %sub3A_915 = arith.subf %get3A_914, %gather3A_898 : vector<16xf32>
      %mul3A_916 = arith.mulf %sub3A_915, %sub3A_915 : vector<16xf32>
      %add3A_917 = arith.addf %scan3A_840, %mul3A_916 : vector<16xf32>
      %add3A_918 = arith.constant 1536 : i32
      %add3A_919 = vector.broadcast %add3A_918 : i32 to vector<16xi32>
      %add3A_920 = arith.addi %get3A_850, %add3A_919 : vector<16xi32>
      %gather3A_921 = tpu.vector_load_idx %arg7[%add3A_920] : memref<4096xf32, #tpu.memory_space<vmem>>[vector<16xi32>], vector<16xf32>,
      %mul3A_922 = arith.constant 16 : i32
      %mul3A_923 = arith.muli %scan3A_837, %mul3A_922 : i32
      %swap3A_924 = arith.constant 1 : i32
      %swap3A_925 = arith.constant 3 : i32
      %swap3A_926 = arith.index_cast %swap3A_924 : i32 to index
      %swap3A_927 = arith.index_cast %swap3A_925 : i32 to index
      %swap3A_928 = arith.index_cast %mul3A_923 : i32 to index
      %swap3A_929 = tpu.vector_load %arg10[%swap3A_926, %swap3A_927, %swap3A_928] {strides = array<i32>} : memref<2x8x1024xf32, #tpu.memory_space<vmem>>, vector<16xf32>,
      tpu.vector_store %arg10[%swap3A_926, %swap3A_927, %swap3A_928], %gather3A_921 {strides = array<i32>} : memref<2x8x1024xf32, #tpu.memory_space<vmem>>, vector<16xf32>,
      %mul3A_930 = arith.constant 16 : i32
      %mul3A_931 = arith.muli %scan3A_837, %mul3A_930 : i32
      %get3A_932 = arith.constant 1 : i32
      %get3A_933 = arith.constant 3 : i32
      %get3A_934 = arith.index_cast %get3A_932 : i32 to index
      %get3A_935 = arith.index_cast %get3A_933 : i32 to index
      %get3A_936 = arith.index_cast %mul3A_931 : i32 to index
      %get3A_937 = tpu.vector_load %arg9[%get3A_934, %get3A_935, %get3A_936] {strides = array<i32>} : memref<2x8x1024xf32, #tpu.memory_space<vmem>>, vector<16xf32>,
      %sub3A_938 = arith.subf %get3A_937, %gather3A_921 : vector<16xf32>
      %mul3A_939 = arith.mulf %sub3A_938, %sub3A_938 : vector<16xf32>
      %add3A_940 = arith.addf %scan3A_841, %mul3A_939 : vector<16xf32>
      %add3A_941 = arith.constant 2048 : i32
      %add3A_942 = vector.broadcast %add3A_941 : i32 to vector<16xi32>
      %add3A_943 = arith.addi %get3A_850, %add3A_942 : vector<16xi32>
      %gather3A_944 = tpu.vector_load_idx %arg7[%add3A_943] : memref<4096xf32, #tpu.memory_space<vmem>>[vector<16xi32>], vector<16xf32>,
      %mul3A_945 = arith.constant 16 : i32
      %mul3A_946 = arith.muli %scan3A_837, %mul3A_945 : i32
      %swap3A_947 = arith.constant 1 : i32
      %swap3A_948 = arith.constant 4 : i32
      %swap3A_949 = arith.index_cast %swap3A_947 : i32 to index
      %swap3A_950 = arith.index_cast %swap3A_948 : i32 to index
      %swap3A_951 = arith.index_cast %mul3A_946 : i32 to index
      %swap3A_952 = tpu.vector_load %arg10[%swap3A_949, %swap3A_950, %swap3A_951] {strides = array<i32>} : memref<2x8x1024xf32, #tpu.memory_space<vmem>>, vector<16xf32>,
      tpu.vector_store %arg10[%swap3A_949, %swap3A_950, %swap3A_951], %gather3A_944 {strides = array<i32>} : memref<2x8x1024xf32, #tpu.memory_space<vmem>>, vector<16xf32>,
      %mul3A_953 = arith.constant 16 : i32
      %mul3A_954 = arith.muli %scan3A_837, %mul3A_953 : i32
      %get3A_955 = arith.constant 1 : i32
      %get3A_956 = arith.constant 4 : i32
      %get3A_957 = arith.index_cast %get3A_955 : i32 to index
      %get3A_958 = arith.index_cast %get3A_956 : i32 to index
      %get3A_959 = arith.index_cast %mul3A_954 : i32 to index
      %get3A_960 = tpu.vector_load %arg9[%get3A_957, %get3A_958, %get3A_959] {strides = array<i32>} : memref<2x8x1024xf32, #tpu.memory_space<vmem>>, vector<16xf32>,
      %sub3A_961 = arith.subf %get3A_960, %gather3A_944 : vector<16xf32>
      %mul3A_962 = arith.mulf %sub3A_961, %sub3A_961 : vector<16xf32>
      %add3A_963 = arith.addf %scan3A_842, %mul3A_962 : vector<16xf32>
      %add3A_964 = arith.constant 2560 : i32
      %add3A_965 = vector.broadcast %add3A_964 : i32 to vector<16xi32>
      %add3A_966 = arith.addi %get3A_850, %add3A_965 : vector<16xi32>
      %gather3A_967 = tpu.vector_load_idx %arg7[%add3A_966] : memref<4096xf32, #tpu.memory_space<vmem>>[vector<16xi32>], vector<16xf32>,
      %mul3A_968 = arith.constant 16 : i32
      %mul3A_969 = arith.muli %scan3A_837, %mul3A_968 : i32
      %swap3A_970 = arith.constant 1 : i32
      %swap3A_971 = arith.constant 5 : i32
      %swap3A_972 = arith.index_cast %swap3A_970 : i32 to index
      %swap3A_973 = arith.index_cast %swap3A_971 : i32 to index
      %swap3A_974 = arith.index_cast %mul3A_969 : i32 to index
      %swap3A_975 = tpu.vector_load %arg10[%swap3A_972, %swap3A_973, %swap3A_974] {strides = array<i32>} : memref<2x8x1024xf32, #tpu.memory_space<vmem>>, vector<16xf32>,
      tpu.vector_store %arg10[%swap3A_972, %swap3A_973, %swap3A_974], %gather3A_967 {strides = array<i32>} : memref<2x8x1024xf32, #tpu.memory_space<vmem>>, vector<16xf32>,
      %mul3A_976 = arith.constant 16 : i32
      %mul3A_977 = arith.muli %scan3A_837, %mul3A_976 : i32
      %get3A_978 = arith.constant 1 : i32
      %get3A_979 = arith.constant 5 : i32
      %get3A_980 = arith.index_cast %get3A_978 : i32 to index
      %get3A_981 = arith.index_cast %get3A_979 : i32 to index
      %get3A_982 = arith.index_cast %mul3A_977 : i32 to index
      %get3A_983 = tpu.vector_load %arg9[%get3A_980, %get3A_981, %get3A_982] {strides = array<i32>} : memref<2x8x1024xf32, #tpu.memory_space<vmem>>, vector<16xf32>,
      %sub3A_984 = arith.subf %get3A_983, %gather3A_967 : vector<16xf32>
      %mul3A_985 = arith.mulf %sub3A_984, %sub3A_984 : vector<16xf32>
      %add3A_986 = arith.addf %scan3A_843, %mul3A_985 : vector<16xf32>
      %add3A_987 = arith.constant 3072 : i32
      %add3A_988 = vector.broadcast %add3A_987 : i32 to vector<16xi32>
      %add3A_989 = arith.addi %get3A_850, %add3A_988 : vector<16xi32>
      %gather3A_990 = tpu.vector_load_idx %arg7[%add3A_989] : memref<4096xf32, #tpu.memory_space<vmem>>[vector<16xi32>], vector<16xf32>,
      %mul3A_991 = arith.constant 16 : i32
      %mul3A_992 = arith.muli %scan3A_837, %mul3A_991 : i32
      %swap3A_993 = arith.constant 1 : i32
      %swap3A_994 = arith.constant 6 : i32
      %swap3A_995 = arith.index_cast %swap3A_993 : i32 to index
      %swap3A_996 = arith.index_cast %swap3A_994 : i32 to index
      %swap3A_997 = arith.index_cast %mul3A_992 : i32 to index
      %swap3A_998 = tpu.vector_load %arg10[%swap3A_995, %swap3A_996, %swap3A_997] {strides = array<i32>} : memref<2x8x1024xf32, #tpu.memory_space<vmem>>, vector<16xf32>,
      tpu.vector_store %arg10[%swap3A_995, %swap3A_996, %swap3A_997], %gather3A_990 {strides = array<i32>} : memref<2x8x1024xf32, #tpu.memory_space<vmem>>, vector<16xf32>,
      %mul3A_999 = arith.constant 16 : i32
      %mul3A_1000 = arith.muli %scan3A_837, %mul3A_999 : i32
      %get3A_1001 = arith.constant 1 : i32
      %get3A_1002 = arith.constant 6 : i32
      %get3A_1003 = arith.index_cast %get3A_1001 : i32 to index
      %get3A_1004 = arith.index_cast %get3A_1002 : i32 to index
      %get3A_1005 = arith.index_cast %mul3A_1000 : i32 to index
      %get3A_1006 = tpu.vector_load %arg9[%get3A_1003, %get3A_1004, %get3A_1005] {strides = array<i32>} : memref<2x8x1024xf32, #tpu.memory_space<vmem>>, vector<16xf32>,
      %sub3A_1007 = arith.subf %get3A_1006, %gather3A_990 : vector<16xf32>
      %mul3A_1008 = arith.mulf %sub3A_1007, %sub3A_1007 : vector<16xf32>
      %add3A_1009 = arith.addf %scan3A_844, %mul3A_1008 : vector<16xf32>
      %add3A_1010 = arith.constant 3584 : i32
      %add3A_1011 = vector.broadcast %add3A_1010 : i32 to vector<16xi32>
      %add3A_1012 = arith.addi %get3A_850, %add3A_1011 : vector<16xi32>
      %gather3A_1013 = tpu.vector_load_idx %arg7[%add3A_1012] : memref<4096xf32, #tpu.memory_space<vmem>>[vector<16xi32>], vector<16xf32>,
      %mul3A_1014 = arith.constant 16 : i32
      %mul3A_1015 = arith.muli %scan3A_837, %mul3A_1014 : i32
      %swap3A_1016 = arith.constant 1 : i32
      %swap3A_1017 = arith.constant 7 : i32
      %swap3A_1018 = arith.index_cast %swap3A_1016 : i32 to index
      %swap3A_1019 = arith.index_cast %swap3A_1017 : i32 to index
      %swap3A_1020 = arith.index_cast %mul3A_1015 : i32 to index
      %swap3A_1021 = tpu.vector_load %arg10[%swap3A_1018, %swap3A_1019, %swap3A_1020] {strides = array<i32>} : memref<2x8x1024xf32, #tpu.memory_space<vmem>>, vector<16xf32>,
      tpu.vector_store %arg10[%swap3A_1018, %swap3A_1019, %swap3A_1020], %gather3A_1013 {strides = array<i32>} : memref<2x8x1024xf32, #tpu.memory_space<vmem>>, vector<16xf32>,
      %mul3A_1022 = arith.constant 16 : i32
      %mul3A_1023 = arith.muli %scan3A_837, %mul3A_1022 : i32
      %get3A_1024 = arith.constant 1 : i32
      %get3A_1025 = arith.constant 7 : i32
      %get3A_1026 = arith.index_cast %get3A_1024 : i32 to index
      %get3A_1027 = arith.index_cast %get3A_1025 : i32 to index
      %get3A_1028 = arith.index_cast %mul3A_1023 : i32 to index
      %get3A_1029 = tpu.vector_load %arg9[%get3A_1026, %get3A_1027, %get3A_1028] {strides = array<i32>} : memref<2x8x1024xf32, #tpu.memory_space<vmem>>, vector<16xf32>,
      %sub3A_1030 = arith.subf %get3A_1029, %gather3A_1013 : vector<16xf32>
      %mul3A_1031 = arith.mulf %sub3A_1030, %sub3A_1030 : vector<16xf32>
      %add3A_1032 = arith.addf %scan3A_845, %mul3A_1031 : vector<16xf32>
      scf.yield %add3A_871, %add3A_894, %add3A_917, %add3A_940, %add3A_963, %add3A_986, %add3A_1009, %add3A_1032 : vector<16xf32>, vector<16xf32>, vector<16xf32>, vector<16xf32>, vector<16xf32>, vector<16xf32>, vector<16xf32>, vector<16xf32>
    }
    %scan3A_778 = arith.constant 64 : i32
    %mul3A_779 = arith.constant 8 : i32
    %mul3A_780 = arith.muli %add3A, %mul3A_779 : i32
    %dma_start3A_781 = arith.constant 1 : i32
    %dma_start3A_782 = arith.constant 7 : i32
    %dma_start3A_783 = arith.constant 0 : i32
    %dma_start3A_784 = arith.constant 0 : i32
    %dma_start3A_785 = tpu.memref_slice %arg10[%dma_start3A_781, %dma_start3A_783, %dma_start3A_784] : memref<2x8x1024xf32, #tpu.memory_space<vmem>> -> memref<1x8x1024xf32, #tpu.memory_space<vmem>>
    %dma_start3A_786 = tpu.memref_squeeze %dma_start3A_785 : memref<1x8x1024xf32, #tpu.memory_space<vmem>> -> memref<8x1024xf32, #tpu.memory_space<vmem>>
    %dma_start3A_787 = arith.constant 0 : i32
    %dma_start3A_788 = tpu.memref_slice %arg5[%dma_start3A_782, %mul3A_780, %dma_start3A_787] : memref<8x256x1024xf32, #tpu.memory_space<hbm>> -> memref<1x8x1024xf32, #tpu.memory_space<hbm>>
    %dma_start3A_789 = tpu.memref_squeeze %dma_start3A_788 : memref<1x8x1024xf32, #tpu.memory_space<hbm>> -> memref<8x1024xf32, #tpu.memory_space<hbm>>
    %dma_start3A_790 = arith.constant 0 : i32
    %dma_start3A_791 = tpu.memref_slice %arg5[%dma_start3A_782, %mul3A_780, %dma_start3A_790] : memref<8x256x1024xf32, #tpu.memory_space<hbm>> -> memref<1x8x1024xf32, #tpu.memory_space<hbm>>
    %dma_start3A_792 = tpu.memref_squeeze %dma_start3A_791 : memref<1x8x1024xf32, #tpu.memory_space<hbm>> -> memref<8x1024xf32, #tpu.memory_space<hbm>>
    %dma_start3A_793 = arith.constant 0 : i32
    %dma_start3A_794 = arith.constant 0 : i32
    %dma_start3A_795 = tpu.memref_slice %arg10[%dma_start3A_781, %dma_start3A_793, %dma_start3A_794] : memref<2x8x1024xf32, #tpu.memory_space<vmem>> -> memref<1x8x1024xf32, #tpu.memory_space<vmem>>
    %dma_start3A_796 = tpu.memref_squeeze %dma_start3A_795 : memref<1x8x1024xf32, #tpu.memory_space<vmem>> -> memref<8x1024xf32, #tpu.memory_space<vmem>>
    tpu.enqueue_dma source(%dma_start3A_796 : memref<8x1024xf32, #tpu.memory_space<vmem>>) target(%dma_start3A_792 : memref<8x1024xf32, #tpu.memory_space<hbm>>) target_semaphore(%arg17 : memref<!tpu.dma_semaphore, #tpu.memory_space<semaphore_mem>>)
    %add3A_797 = arith.addf %scan3A_777#0, %scan3A_777#1 : vector<16xf32>
    %add3A_798 = arith.addf %add3A_797, %scan3A_777#2 : vector<16xf32>
    %add3A_799 = arith.addf %add3A_798, %scan3A_777#3 : vector<16xf32>
    %add3A_800 = arith.addf %add3A_799, %scan3A_777#4 : vector<16xf32>
    %add3A_801 = arith.addf %add3A_800, %scan3A_777#5 : vector<16xf32>
    %add3A_802 = arith.addf %add3A_801, %scan3A_777#6 : vector<16xf32>
    %add3A_803 = arith.addf %add3A_802, %scan3A_777#7 : vector<16xf32>
    %swap3A = arith.constant 0 : index
    %swap3A_804 = tpu.vector_load %arg11[%swap3A] {strides = array<i32>} : memref<16xf32, #tpu.memory_space<vmem>>, vector<16xf32>,
    tpu.vector_store %arg11[%swap3A], %add3A_803 {strides = array<i32>} : memref<16xf32, #tpu.memory_space<vmem>>, vector<16xf32>,
    %dma_wait3A_805 = arith.constant 0 : i32
    %dma_wait3A_806 = arith.constant 6 : i32
    %dma_wait3A_807 = arith.constant 0 : i32
    %dma_wait3A_808 = arith.constant 0 : i32
    %dma_wait3A_809 = tpu.memref_slice %arg10[%dma_wait3A_805, %dma_wait3A_807, %dma_wait3A_808] : memref<2x8x1024xf32, #tpu.memory_space<vmem>> -> memref<1x8x1024xf32, #tpu.memory_space<vmem>>
    %dma_wait3A_810 = tpu.memref_squeeze %dma_wait3A_809 : memref<1x8x1024xf32, #tpu.memory_space<vmem>> -> memref<8x1024xf32, #tpu.memory_space<vmem>>
    %dma_wait3A_811 = arith.constant 0 : i32
    %dma_wait3A_812 = tpu.memref_slice %arg5[%dma_wait3A_806, %mul3A_710, %dma_wait3A_811] : memref<8x256x1024xf32, #tpu.memory_space<hbm>> -> memref<1x8x1024xf32, #tpu.memory_space<hbm>>
    %dma_wait3A_813 = tpu.memref_squeeze %dma_wait3A_812 : memref<1x8x1024xf32, #tpu.memory_space<hbm>> -> memref<8x1024xf32, #tpu.memory_space<hbm>>
    %dma_wait3A_814 = arith.constant 0 : i32
    %dma_wait3A_815 = tpu.memref_slice %arg5[%dma_wait3A_806, %mul3A_710, %dma_wait3A_814] : memref<8x256x1024xf32, #tpu.memory_space<hbm>> -> memref<1x8x1024xf32, #tpu.memory_space<hbm>>
    %dma_wait3A_816 = tpu.memref_squeeze %dma_wait3A_815 : memref<1x8x1024xf32, #tpu.memory_space<hbm>> -> memref<8x1024xf32, #tpu.memory_space<hbm>>
    %dma_wait3A_817 = arith.constant 0 : i32
    %dma_wait3A_818 = arith.constant 0 : i32
    %dma_wait3A_819 = tpu.memref_slice %arg10[%dma_wait3A_805, %dma_wait3A_817, %dma_wait3A_818] : memref<2x8x1024xf32, #tpu.memory_space<vmem>> -> memref<1x8x1024xf32, #tpu.memory_space<vmem>>
    %dma_wait3A_820 = tpu.memref_squeeze %dma_wait3A_819 : memref<1x8x1024xf32, #tpu.memory_space<vmem>> -> memref<8x1024xf32, #tpu.memory_space<vmem>>
    tpu.wait_dma2 semaphore(%arg16 : memref<!tpu.dma_semaphore, #tpu.memory_space<semaphore_mem>>) src(%dma_wait3A_820 : memref<8x1024xf32, #tpu.memory_space<vmem>>) dst(%dma_wait3A_816 : memref<8x1024xf32, #tpu.memory_space<hbm>>)
    %dma_wait3A_821 = arith.constant 1 : i32
    %dma_wait3A_822 = arith.constant 7 : i32
    %dma_wait3A_823 = arith.constant 0 : i32
    %dma_wait3A_824 = arith.constant 0 : i32
    %dma_wait3A_825 = tpu.memref_slice %arg10[%dma_wait3A_821, %dma_wait3A_823, %dma_wait3A_824] : memref<2x8x1024xf32, #tpu.memory_space<vmem>> -> memref<1x8x1024xf32, #tpu.memory_space<vmem>>
    %dma_wait3A_826 = tpu.memref_squeeze %dma_wait3A_825 : memref<1x8x1024xf32, #tpu.memory_space<vmem>> -> memref<8x1024xf32, #tpu.memory_space<vmem>>
    %dma_wait3A_827 = arith.constant 0 : i32
    %dma_wait3A_828 = tpu.memref_slice %arg5[%dma_wait3A_822, %mul3A_780, %dma_wait3A_827] : memref<8x256x1024xf32, #tpu.memory_space<hbm>> -> memref<1x8x1024xf32, #tpu.memory_space<hbm>>
    %dma_wait3A_829 = tpu.memref_squeeze %dma_wait3A_828 : memref<1x8x1024xf32, #tpu.memory_space<hbm>> -> memref<8x1024xf32, #tpu.memory_space<hbm>>
    %dma_wait3A_830 = arith.constant 0 : i32
    %dma_wait3A_831 = tpu.memref_slice %arg5[%dma_wait3A_822, %mul3A_780, %dma_wait3A_830] : memref<8x256x1024xf32, #tpu.memory_space<hbm>> -> memref<1x8x1024xf32, #tpu.memory_space<hbm>>
    %dma_wait3A_832 = tpu.memref_squeeze %dma_wait3A_831 : memref<1x8x1024xf32, #tpu.memory_space<hbm>> -> memref<8x1024xf32, #tpu.memory_space<hbm>>
    %dma_wait3A_833 = arith.constant 0 : i32
    %dma_wait3A_834 = arith.constant 0 : i32
    %dma_wait3A_835 = tpu.memref_slice %arg10[%dma_wait3A_821, %dma_wait3A_833, %dma_wait3A_834] : memref<2x8x1024xf32, #tpu.memory_space<vmem>> -> memref<1x8x1024xf32, #tpu.memory_space<vmem>>
    %dma_wait3A_836 = tpu.memref_squeeze %dma_wait3A_835 : memref<1x8x1024xf32, #tpu.memory_space<vmem>> -> memref<8x1024xf32, #tpu.memory_space<vmem>>
    tpu.wait_dma2 semaphore(%arg17 : memref<!tpu.dma_semaphore, #tpu.memory_space<semaphore_mem>>) src(%dma_wait3A_836 : memref<8x1024xf32, #tpu.memory_space<vmem>>) dst(%dma_wait3A_832 : memref<8x1024xf32, #tpu.memory_space<hbm>>)
    "tpu.region"() ({
      %run_scoped3A = tpu.sem_alloc : memref<!tpu.dma_semaphore, #tpu.memory_space<semaphore_mem>>
      %dma_start3A_837 = arith.constant 0 : i32
      %dma_start3A_838 = tpu.memref_slice %arg6[%add3A, %dma_start3A_837] : memref<32x16xf32, #tpu.memory_space<hbm>> -> memref<1x16xf32, #tpu.memory_space<hbm>>
      %dma_start3A_839 = tpu.memref_squeeze %dma_start3A_838 : memref<1x16xf32, #tpu.memory_space<hbm>> -> memref<16xf32, #tpu.memory_space<hbm>>
      %dma_start3A_840 = arith.constant 0 : i32
      %dma_start3A_841 = tpu.memref_slice %arg6[%add3A, %dma_start3A_840] : memref<32x16xf32, #tpu.memory_space<hbm>> -> memref<1x16xf32, #tpu.memory_space<hbm>>
      %dma_start3A_842 = tpu.memref_squeeze %dma_start3A_841 : memref<1x16xf32, #tpu.memory_space<hbm>> -> memref<16xf32, #tpu.memory_space<hbm>>
      tpu.enqueue_dma source(%arg11 : memref<16xf32, #tpu.memory_space<vmem>>) target(%dma_start3A_842 : memref<16xf32, #tpu.memory_space<hbm>>) target_semaphore(%run_scoped3A : memref<!tpu.dma_semaphore, #tpu.memory_space<semaphore_mem>>)
      %dma_wait3A_843 = arith.constant 0 : i32
      %dma_wait3A_844 = tpu.memref_slice %arg6[%add3A, %dma_wait3A_843] : memref<32x16xf32, #tpu.memory_space<hbm>> -> memref<1x16xf32, #tpu.memory_space<hbm>>
      %dma_wait3A_845 = tpu.memref_squeeze %dma_wait3A_844 : memref<1x16xf32, #tpu.memory_space<hbm>> -> memref<16xf32, #tpu.memory_space<hbm>>
      %dma_wait3A_846 = arith.constant 0 : i32
      %dma_wait3A_847 = tpu.memref_slice %arg6[%add3A, %dma_wait3A_846] : memref<32x16xf32, #tpu.memory_space<hbm>> -> memref<1x16xf32, #tpu.memory_space<hbm>>
      %dma_wait3A_848 = tpu.memref_squeeze %dma_wait3A_847 : memref<1x16xf32, #tpu.memory_space<hbm>> -> memref<16xf32, #tpu.memory_space<hbm>>
      tpu.wait_dma2 semaphore(%run_scoped3A : memref<!tpu.dma_semaphore, #tpu.memory_space<semaphore_mem>>) src(%arg11 : memref<16xf32, #tpu.memory_space<vmem>>) dst(%dma_wait3A_848 : memref<16xf32, #tpu.memory_space<hbm>>)
      tpu.yield
    }) : () -> ()
    return
  }
}

module attributes {stable_mosaic.version = 14 : i64} {
  func.func @_tc_body(%arg0: i32, %arg1: memref<1x256x1024xf32, #tpu.memory_space<vmem>>, %arg2: memref<32x512x8xf32, #tpu.memory_space<vmem>>, %arg3: memref<1x32x1024xi32, #tpu.memory_space<vmem>>, %arg4: memref<32x8x512xf32, #tpu.memory_space<vmem>>) attributes {dimension_semantics = [#tpu.dimension_semantics<arbitrary>], iteration_bounds = array<i64: 8>, scalar_prefetch = 0 : i64, scratch_operands = 0 : i64, tpu.core_type = #tpu.core_type<tc>, window_params = [{transform_indices = @transform_0, window_bounds = array<i64: 1, 256, 1024>}, {pipeline_mode = #tpu.pipeline_mode<synchronous>, transform_indices = @transform_1, window_bounds = array<i64: 32, 512, 8>}, {transform_indices = @transform_2, window_bounds = array<i64: 1, 32, 1024>}, {pipeline_mode = #tpu.pipeline_mode<synchronous>, transform_indices = @transform_3, window_bounds = array<i64: 32, 8, 512>}]} {
    %get3A = arith.constant 0 : index
    %get3A_0 = arith.constant 0 : index
    %get3A_1 = arith.constant 0 : index
    %get3A_2 = vector.load %arg1[%get3A, %get3A_0, %get3A_1] : memref<1x256x1024xf32, #tpu.memory_space<vmem>>, vector<1x256x1024xf32>
    %get3A_3 = vector.shape_cast %get3A_2 : vector<1x256x1024xf32> to vector<256x1024xf32>
    %slice3A = vector.extract_strided_slice %get3A_3 {offsets = [0, 0], sizes = [8, 1024], strides = [1, 1]} : vector<256x1024xf32> to vector<8x1024xf32>
    %get3A_4 = arith.constant 0 : index
    %get3A_5 = arith.constant 0 : index
    %get3A_6 = arith.constant 0 : index
    %get3A_7 = vector.load %arg2[%get3A_4, %get3A_5, %get3A_6] : memref<32x512x8xf32, #tpu.memory_space<vmem>>, vector<1x512x8xf32>
    %get3A_8 = vector.shape_cast %get3A_7 : vector<1x512x8xf32> to vector<512x8xf32>
    %add3A = arith.addf %get3A_8, %get3A_8 : vector<512x8xf32>
    %dot_general3A = arith.constant dense<0.000000e+00> : vector<512x1024xf32>
    %dot_general3A_9 = tpu.matmul %add3A, %slice3A, %dot_general3A {dimension_numbers = #tpu.dot_dimension_numbers<[1], [0], [0], [1], [0, 0, 1, 1], [], []>, transpose_lhs_hint = false} : vector<512x8xf32>, vector<8x1024xf32>, vector<512x1024xf32> -> vector<512x1024xf32>
    %mul3A = arith.mulf %get3A_8, %get3A_8 : vector<512x8xf32>
    %reduce_sum3A = arith.constant dense<0.000000e+00> : vector<512xf32>
    %reduce_sum3A_10 = vector.multi_reduction <add>, %mul3A, %reduce_sum3A [1] : vector<512x8xf32> to vector<512xf32>
    %broadcast_in_dim3A = vector.shape_cast %reduce_sum3A_10 : vector<512xf32> to vector<512x1xf32>
    %mul3A_11 = arith.mulf %slice3A, %slice3A : vector<8x1024xf32>
    %reduce_sum3A_12 = arith.constant dense<0.000000e+00> : vector<1024xf32>
    %reduce_sum3A_13 = vector.multi_reduction <add>, %mul3A_11, %reduce_sum3A_12 [0] : vector<8x1024xf32> to vector<1024xf32>
    %broadcast_in_dim3A_14 = vector.shape_cast %reduce_sum3A_13 : vector<1024xf32> to vector<1x1024xf32>
    %add3A_15 = vector.broadcast %broadcast_in_dim3A_14 : vector<1x1024xf32> to vector<512x1024xf32>
    %add3A_16 = vector.broadcast %broadcast_in_dim3A : vector<512x1xf32> to vector<512x1024xf32>
    %add3A_17 = arith.addf %add3A_15, %add3A_16 : vector<512x1024xf32>
    %sub3A = arith.subf %add3A_17, %dot_general3A_9 : vector<512x1024xf32>
    %argmin3A = tpu.reduce_index %sub3A {axis = 0 : i32, kind = #tpu.reduction_kind<arg_min>} : vector<512x1024xf32> -> vector<1024xi32>
    %swap3A = arith.constant 0 : index
    %swap3A_18 = arith.constant 0 : index
    %swap3A_19 = arith.constant 0 : index
    %swap3A_20 = vector.load %arg3[%swap3A, %swap3A_18, %swap3A_19] : memref<1x32x1024xi32, #tpu.memory_space<vmem>>, vector<1x1x1024xi32>
    %swap3A_21 = vector.shape_cast %swap3A_20 : vector<1x1x1024xi32> to vector<1024xi32>
    %swap3A_22 = vector.shape_cast %argmin3A : vector<1024xi32> to vector<1x1x1024xi32>
    tpu.vector_store %arg3[%swap3A, %swap3A_18, %swap3A_19], %swap3A_22 {strides = array<i32>} : memref<1x32x1024xi32, #tpu.memory_space<vmem>>, vector<1x1x1024xi32>,
    %slice3A_23 = vector.extract_strided_slice %get3A_3 {offsets = [8, 0], sizes = [8, 1024], strides = [1, 1]} : vector<256x1024xf32> to vector<8x1024xf32>
    %get3A_24 = arith.constant 1 : index
    %get3A_25 = arith.constant 0 : index
    %get3A_26 = arith.constant 0 : index
    %get3A_27 = vector.load %arg2[%get3A_24, %get3A_25, %get3A_26] : memref<32x512x8xf32, #tpu.memory_space<vmem>>, vector<1x512x8xf32>
    %get3A_28 = vector.shape_cast %get3A_27 : vector<1x512x8xf32> to vector<512x8xf32>
    %add3A_29 = arith.addf %get3A_28, %get3A_28 : vector<512x8xf32>
    %dot_general3A_30 = arith.constant dense<0.000000e+00> : vector<512x1024xf32>
    %dot_general3A_31 = tpu.matmul %add3A_29, %slice3A_23, %dot_general3A_30 {dimension_numbers = #tpu.dot_dimension_numbers<[1], [0], [0], [1], [0, 0, 1, 1], [], []>, transpose_lhs_hint = false} : vector<512x8xf32>, vector<8x1024xf32>, vector<512x1024xf32> -> vector<512x1024xf32>
    %mul3A_32 = arith.mulf %get3A_28, %get3A_28 : vector<512x8xf32>
    %reduce_sum3A_33 = arith.constant dense<0.000000e+00> : vector<512xf32>
    %reduce_sum3A_34 = vector.multi_reduction <add>, %mul3A_32, %reduce_sum3A_33 [1] : vector<512x8xf32> to vector<512xf32>
    %broadcast_in_dim3A_35 = vector.shape_cast %reduce_sum3A_34 : vector<512xf32> to vector<512x1xf32>
    %mul3A_36 = arith.mulf %slice3A_23, %slice3A_23 : vector<8x1024xf32>
    %reduce_sum3A_37 = arith.constant dense<0.000000e+00> : vector<1024xf32>
    %reduce_sum3A_38 = vector.multi_reduction <add>, %mul3A_36, %reduce_sum3A_37 [0] : vector<8x1024xf32> to vector<1024xf32>
    %broadcast_in_dim3A_39 = vector.shape_cast %reduce_sum3A_38 : vector<1024xf32> to vector<1x1024xf32>
    %add3A_40 = vector.broadcast %broadcast_in_dim3A_39 : vector<1x1024xf32> to vector<512x1024xf32>
    %add3A_41 = vector.broadcast %broadcast_in_dim3A_35 : vector<512x1xf32> to vector<512x1024xf32>
    %add3A_42 = arith.addf %add3A_40, %add3A_41 : vector<512x1024xf32>
    %sub3A_43 = arith.subf %add3A_42, %dot_general3A_31 : vector<512x1024xf32>
    %argmin3A_44 = tpu.reduce_index %sub3A_43 {axis = 0 : i32, kind = #tpu.reduction_kind<arg_min>} : vector<512x1024xf32> -> vector<1024xi32>
    %swap3A_45 = arith.constant 0 : index
    %swap3A_46 = arith.constant 1 : index
    %swap3A_47 = arith.constant 0 : index
    %swap3A_48 = vector.load %arg3[%swap3A_45, %swap3A_46, %swap3A_47] : memref<1x32x1024xi32, #tpu.memory_space<vmem>>, vector<1x1x1024xi32>
    %swap3A_49 = vector.shape_cast %swap3A_48 : vector<1x1x1024xi32> to vector<1024xi32>
    %swap3A_50 = vector.shape_cast %argmin3A_44 : vector<1024xi32> to vector<1x1x1024xi32>
    tpu.vector_store %arg3[%swap3A_45, %swap3A_46, %swap3A_47], %swap3A_50 {strides = array<i32>} : memref<1x32x1024xi32, #tpu.memory_space<vmem>>, vector<1x1x1024xi32>,
    %slice3A_51 = vector.extract_strided_slice %get3A_3 {offsets = [16, 0], sizes = [8, 1024], strides = [1, 1]} : vector<256x1024xf32> to vector<8x1024xf32>
    %get3A_52 = arith.constant 2 : index
    %get3A_53 = arith.constant 0 : index
    %get3A_54 = arith.constant 0 : index
    %get3A_55 = vector.load %arg2[%get3A_52, %get3A_53, %get3A_54] : memref<32x512x8xf32, #tpu.memory_space<vmem>>, vector<1x512x8xf32>
    %get3A_56 = vector.shape_cast %get3A_55 : vector<1x512x8xf32> to vector<512x8xf32>
    %add3A_57 = arith.addf %get3A_56, %get3A_56 : vector<512x8xf32>
    %dot_general3A_58 = arith.constant dense<0.000000e+00> : vector<512x1024xf32>
    %dot_general3A_59 = tpu.matmul %add3A_57, %slice3A_51, %dot_general3A_58 {dimension_numbers = #tpu.dot_dimension_numbers<[1], [0], [0], [1], [0, 0, 1, 1], [], []>, transpose_lhs_hint = false} : vector<512x8xf32>, vector<8x1024xf32>, vector<512x1024xf32> -> vector<512x1024xf32>
    %mul3A_60 = arith.mulf %get3A_56, %get3A_56 : vector<512x8xf32>
    %reduce_sum3A_61 = arith.constant dense<0.000000e+00> : vector<512xf32>
    %reduce_sum3A_62 = vector.multi_reduction <add>, %mul3A_60, %reduce_sum3A_61 [1] : vector<512x8xf32> to vector<512xf32>
    %broadcast_in_dim3A_63 = vector.shape_cast %reduce_sum3A_62 : vector<512xf32> to vector<512x1xf32>
    %mul3A_64 = arith.mulf %slice3A_51, %slice3A_51 : vector<8x1024xf32>
    %reduce_sum3A_65 = arith.constant dense<0.000000e+00> : vector<1024xf32>
    %reduce_sum3A_66 = vector.multi_reduction <add>, %mul3A_64, %reduce_sum3A_65 [0] : vector<8x1024xf32> to vector<1024xf32>
    %broadcast_in_dim3A_67 = vector.shape_cast %reduce_sum3A_66 : vector<1024xf32> to vector<1x1024xf32>
    %add3A_68 = vector.broadcast %broadcast_in_dim3A_67 : vector<1x1024xf32> to vector<512x1024xf32>
    %add3A_69 = vector.broadcast %broadcast_in_dim3A_63 : vector<512x1xf32> to vector<512x1024xf32>
    %add3A_70 = arith.addf %add3A_68, %add3A_69 : vector<512x1024xf32>
    %sub3A_71 = arith.subf %add3A_70, %dot_general3A_59 : vector<512x1024xf32>
    %argmin3A_72 = tpu.reduce_index %sub3A_71 {axis = 0 : i32, kind = #tpu.reduction_kind<arg_min>} : vector<512x1024xf32> -> vector<1024xi32>
    %swap3A_73 = arith.constant 0 : index
    %swap3A_74 = arith.constant 2 : index
    %swap3A_75 = arith.constant 0 : index
    %swap3A_76 = vector.load %arg3[%swap3A_73, %swap3A_74, %swap3A_75] : memref<1x32x1024xi32, #tpu.memory_space<vmem>>, vector<1x1x1024xi32>
    %swap3A_77 = vector.shape_cast %swap3A_76 : vector<1x1x1024xi32> to vector<1024xi32>
    %swap3A_78 = vector.shape_cast %argmin3A_72 : vector<1024xi32> to vector<1x1x1024xi32>
    tpu.vector_store %arg3[%swap3A_73, %swap3A_74, %swap3A_75], %swap3A_78 {strides = array<i32>} : memref<1x32x1024xi32, #tpu.memory_space<vmem>>, vector<1x1x1024xi32>,
    %slice3A_79 = vector.extract_strided_slice %get3A_3 {offsets = [24, 0], sizes = [8, 1024], strides = [1, 1]} : vector<256x1024xf32> to vector<8x1024xf32>
    %get3A_80 = arith.constant 3 : index
    %get3A_81 = arith.constant 0 : index
    %get3A_82 = arith.constant 0 : index
    %get3A_83 = vector.load %arg2[%get3A_80, %get3A_81, %get3A_82] : memref<32x512x8xf32, #tpu.memory_space<vmem>>, vector<1x512x8xf32>
    %get3A_84 = vector.shape_cast %get3A_83 : vector<1x512x8xf32> to vector<512x8xf32>
    %add3A_85 = arith.addf %get3A_84, %get3A_84 : vector<512x8xf32>
    %dot_general3A_86 = arith.constant dense<0.000000e+00> : vector<512x1024xf32>
    %dot_general3A_87 = tpu.matmul %add3A_85, %slice3A_79, %dot_general3A_86 {dimension_numbers = #tpu.dot_dimension_numbers<[1], [0], [0], [1], [0, 0, 1, 1], [], []>, transpose_lhs_hint = false} : vector<512x8xf32>, vector<8x1024xf32>, vector<512x1024xf32> -> vector<512x1024xf32>
    %mul3A_88 = arith.mulf %get3A_84, %get3A_84 : vector<512x8xf32>
    %reduce_sum3A_89 = arith.constant dense<0.000000e+00> : vector<512xf32>
    %reduce_sum3A_90 = vector.multi_reduction <add>, %mul3A_88, %reduce_sum3A_89 [1] : vector<512x8xf32> to vector<512xf32>
    %broadcast_in_dim3A_91 = vector.shape_cast %reduce_sum3A_90 : vector<512xf32> to vector<512x1xf32>
    %mul3A_92 = arith.mulf %slice3A_79, %slice3A_79 : vector<8x1024xf32>
    %reduce_sum3A_93 = arith.constant dense<0.000000e+00> : vector<1024xf32>
    %reduce_sum3A_94 = vector.multi_reduction <add>, %mul3A_92, %reduce_sum3A_93 [0] : vector<8x1024xf32> to vector<1024xf32>
    %broadcast_in_dim3A_95 = vector.shape_cast %reduce_sum3A_94 : vector<1024xf32> to vector<1x1024xf32>
    %add3A_96 = vector.broadcast %broadcast_in_dim3A_95 : vector<1x1024xf32> to vector<512x1024xf32>
    %add3A_97 = vector.broadcast %broadcast_in_dim3A_91 : vector<512x1xf32> to vector<512x1024xf32>
    %add3A_98 = arith.addf %add3A_96, %add3A_97 : vector<512x1024xf32>
    %sub3A_99 = arith.subf %add3A_98, %dot_general3A_87 : vector<512x1024xf32>
    %argmin3A_100 = tpu.reduce_index %sub3A_99 {axis = 0 : i32, kind = #tpu.reduction_kind<arg_min>} : vector<512x1024xf32> -> vector<1024xi32>
    %swap3A_101 = arith.constant 0 : index
    %swap3A_102 = arith.constant 3 : index
    %swap3A_103 = arith.constant 0 : index
    %swap3A_104 = vector.load %arg3[%swap3A_101, %swap3A_102, %swap3A_103] : memref<1x32x1024xi32, #tpu.memory_space<vmem>>, vector<1x1x1024xi32>
    %swap3A_105 = vector.shape_cast %swap3A_104 : vector<1x1x1024xi32> to vector<1024xi32>
    %swap3A_106 = vector.shape_cast %argmin3A_100 : vector<1024xi32> to vector<1x1x1024xi32>
    tpu.vector_store %arg3[%swap3A_101, %swap3A_102, %swap3A_103], %swap3A_106 {strides = array<i32>} : memref<1x32x1024xi32, #tpu.memory_space<vmem>>, vector<1x1x1024xi32>,
    %slice3A_107 = vector.extract_strided_slice %get3A_3 {offsets = [32, 0], sizes = [8, 1024], strides = [1, 1]} : vector<256x1024xf32> to vector<8x1024xf32>
    %get3A_108 = arith.constant 4 : index
    %get3A_109 = arith.constant 0 : index
    %get3A_110 = arith.constant 0 : index
    %get3A_111 = vector.load %arg2[%get3A_108, %get3A_109, %get3A_110] : memref<32x512x8xf32, #tpu.memory_space<vmem>>, vector<1x512x8xf32>
    %get3A_112 = vector.shape_cast %get3A_111 : vector<1x512x8xf32> to vector<512x8xf32>
    %add3A_113 = arith.addf %get3A_112, %get3A_112 : vector<512x8xf32>
    %dot_general3A_114 = arith.constant dense<0.000000e+00> : vector<512x1024xf32>
    %dot_general3A_115 = tpu.matmul %add3A_113, %slice3A_107, %dot_general3A_114 {dimension_numbers = #tpu.dot_dimension_numbers<[1], [0], [0], [1], [0, 0, 1, 1], [], []>, transpose_lhs_hint = false} : vector<512x8xf32>, vector<8x1024xf32>, vector<512x1024xf32> -> vector<512x1024xf32>
    %mul3A_116 = arith.mulf %get3A_112, %get3A_112 : vector<512x8xf32>
    %reduce_sum3A_117 = arith.constant dense<0.000000e+00> : vector<512xf32>
    %reduce_sum3A_118 = vector.multi_reduction <add>, %mul3A_116, %reduce_sum3A_117 [1] : vector<512x8xf32> to vector<512xf32>
    %broadcast_in_dim3A_119 = vector.shape_cast %reduce_sum3A_118 : vector<512xf32> to vector<512x1xf32>
    %mul3A_120 = arith.mulf %slice3A_107, %slice3A_107 : vector<8x1024xf32>
    %reduce_sum3A_121 = arith.constant dense<0.000000e+00> : vector<1024xf32>
    %reduce_sum3A_122 = vector.multi_reduction <add>, %mul3A_120, %reduce_sum3A_121 [0] : vector<8x1024xf32> to vector<1024xf32>
    %broadcast_in_dim3A_123 = vector.shape_cast %reduce_sum3A_122 : vector<1024xf32> to vector<1x1024xf32>
    %add3A_124 = vector.broadcast %broadcast_in_dim3A_123 : vector<1x1024xf32> to vector<512x1024xf32>
    %add3A_125 = vector.broadcast %broadcast_in_dim3A_119 : vector<512x1xf32> to vector<512x1024xf32>
    %add3A_126 = arith.addf %add3A_124, %add3A_125 : vector<512x1024xf32>
    %sub3A_127 = arith.subf %add3A_126, %dot_general3A_115 : vector<512x1024xf32>
    %argmin3A_128 = tpu.reduce_index %sub3A_127 {axis = 0 : i32, kind = #tpu.reduction_kind<arg_min>} : vector<512x1024xf32> -> vector<1024xi32>
    %swap3A_129 = arith.constant 0 : index
    %swap3A_130 = arith.constant 4 : index
    %swap3A_131 = arith.constant 0 : index
    %swap3A_132 = vector.load %arg3[%swap3A_129, %swap3A_130, %swap3A_131] : memref<1x32x1024xi32, #tpu.memory_space<vmem>>, vector<1x1x1024xi32>
    %swap3A_133 = vector.shape_cast %swap3A_132 : vector<1x1x1024xi32> to vector<1024xi32>
    %swap3A_134 = vector.shape_cast %argmin3A_128 : vector<1024xi32> to vector<1x1x1024xi32>
    tpu.vector_store %arg3[%swap3A_129, %swap3A_130, %swap3A_131], %swap3A_134 {strides = array<i32>} : memref<1x32x1024xi32, #tpu.memory_space<vmem>>, vector<1x1x1024xi32>,
    %slice3A_135 = vector.extract_strided_slice %get3A_3 {offsets = [40, 0], sizes = [8, 1024], strides = [1, 1]} : vector<256x1024xf32> to vector<8x1024xf32>
    %get3A_136 = arith.constant 5 : index
    %get3A_137 = arith.constant 0 : index
    %get3A_138 = arith.constant 0 : index
    %get3A_139 = vector.load %arg2[%get3A_136, %get3A_137, %get3A_138] : memref<32x512x8xf32, #tpu.memory_space<vmem>>, vector<1x512x8xf32>
    %get3A_140 = vector.shape_cast %get3A_139 : vector<1x512x8xf32> to vector<512x8xf32>
    %add3A_141 = arith.addf %get3A_140, %get3A_140 : vector<512x8xf32>
    %dot_general3A_142 = arith.constant dense<0.000000e+00> : vector<512x1024xf32>
    %dot_general3A_143 = tpu.matmul %add3A_141, %slice3A_135, %dot_general3A_142 {dimension_numbers = #tpu.dot_dimension_numbers<[1], [0], [0], [1], [0, 0, 1, 1], [], []>, transpose_lhs_hint = false} : vector<512x8xf32>, vector<8x1024xf32>, vector<512x1024xf32> -> vector<512x1024xf32>
    %mul3A_144 = arith.mulf %get3A_140, %get3A_140 : vector<512x8xf32>
    %reduce_sum3A_145 = arith.constant dense<0.000000e+00> : vector<512xf32>
    %reduce_sum3A_146 = vector.multi_reduction <add>, %mul3A_144, %reduce_sum3A_145 [1] : vector<512x8xf32> to vector<512xf32>
    %broadcast_in_dim3A_147 = vector.shape_cast %reduce_sum3A_146 : vector<512xf32> to vector<512x1xf32>
    %mul3A_148 = arith.mulf %slice3A_135, %slice3A_135 : vector<8x1024xf32>
    %reduce_sum3A_149 = arith.constant dense<0.000000e+00> : vector<1024xf32>
    %reduce_sum3A_150 = vector.multi_reduction <add>, %mul3A_148, %reduce_sum3A_149 [0] : vector<8x1024xf32> to vector<1024xf32>
    %broadcast_in_dim3A_151 = vector.shape_cast %reduce_sum3A_150 : vector<1024xf32> to vector<1x1024xf32>
    %add3A_152 = vector.broadcast %broadcast_in_dim3A_151 : vector<1x1024xf32> to vector<512x1024xf32>
    %add3A_153 = vector.broadcast %broadcast_in_dim3A_147 : vector<512x1xf32> to vector<512x1024xf32>
    %add3A_154 = arith.addf %add3A_152, %add3A_153 : vector<512x1024xf32>
    %sub3A_155 = arith.subf %add3A_154, %dot_general3A_143 : vector<512x1024xf32>
    %argmin3A_156 = tpu.reduce_index %sub3A_155 {axis = 0 : i32, kind = #tpu.reduction_kind<arg_min>} : vector<512x1024xf32> -> vector<1024xi32>
    %swap3A_157 = arith.constant 0 : index
    %swap3A_158 = arith.constant 5 : index
    %swap3A_159 = arith.constant 0 : index
    %swap3A_160 = vector.load %arg3[%swap3A_157, %swap3A_158, %swap3A_159] : memref<1x32x1024xi32, #tpu.memory_space<vmem>>, vector<1x1x1024xi32>
    %swap3A_161 = vector.shape_cast %swap3A_160 : vector<1x1x1024xi32> to vector<1024xi32>
    %swap3A_162 = vector.shape_cast %argmin3A_156 : vector<1024xi32> to vector<1x1x1024xi32>
    tpu.vector_store %arg3[%swap3A_157, %swap3A_158, %swap3A_159], %swap3A_162 {strides = array<i32>} : memref<1x32x1024xi32, #tpu.memory_space<vmem>>, vector<1x1x1024xi32>,
    %slice3A_163 = vector.extract_strided_slice %get3A_3 {offsets = [48, 0], sizes = [8, 1024], strides = [1, 1]} : vector<256x1024xf32> to vector<8x1024xf32>
    %get3A_164 = arith.constant 6 : index
    %get3A_165 = arith.constant 0 : index
    %get3A_166 = arith.constant 0 : index
    %get3A_167 = vector.load %arg2[%get3A_164, %get3A_165, %get3A_166] : memref<32x512x8xf32, #tpu.memory_space<vmem>>, vector<1x512x8xf32>
    %get3A_168 = vector.shape_cast %get3A_167 : vector<1x512x8xf32> to vector<512x8xf32>
    %add3A_169 = arith.addf %get3A_168, %get3A_168 : vector<512x8xf32>
    %dot_general3A_170 = arith.constant dense<0.000000e+00> : vector<512x1024xf32>
    %dot_general3A_171 = tpu.matmul %add3A_169, %slice3A_163, %dot_general3A_170 {dimension_numbers = #tpu.dot_dimension_numbers<[1], [0], [0], [1], [0, 0, 1, 1], [], []>, transpose_lhs_hint = false} : vector<512x8xf32>, vector<8x1024xf32>, vector<512x1024xf32> -> vector<512x1024xf32>
    %mul3A_172 = arith.mulf %get3A_168, %get3A_168 : vector<512x8xf32>
    %reduce_sum3A_173 = arith.constant dense<0.000000e+00> : vector<512xf32>
    %reduce_sum3A_174 = vector.multi_reduction <add>, %mul3A_172, %reduce_sum3A_173 [1] : vector<512x8xf32> to vector<512xf32>
    %broadcast_in_dim3A_175 = vector.shape_cast %reduce_sum3A_174 : vector<512xf32> to vector<512x1xf32>
    %mul3A_176 = arith.mulf %slice3A_163, %slice3A_163 : vector<8x1024xf32>
    %reduce_sum3A_177 = arith.constant dense<0.000000e+00> : vector<1024xf32>
    %reduce_sum3A_178 = vector.multi_reduction <add>, %mul3A_176, %reduce_sum3A_177 [0] : vector<8x1024xf32> to vector<1024xf32>
    %broadcast_in_dim3A_179 = vector.shape_cast %reduce_sum3A_178 : vector<1024xf32> to vector<1x1024xf32>
    %add3A_180 = vector.broadcast %broadcast_in_dim3A_179 : vector<1x1024xf32> to vector<512x1024xf32>
    %add3A_181 = vector.broadcast %broadcast_in_dim3A_175 : vector<512x1xf32> to vector<512x1024xf32>
    %add3A_182 = arith.addf %add3A_180, %add3A_181 : vector<512x1024xf32>
    %sub3A_183 = arith.subf %add3A_182, %dot_general3A_171 : vector<512x1024xf32>
    %argmin3A_184 = tpu.reduce_index %sub3A_183 {axis = 0 : i32, kind = #tpu.reduction_kind<arg_min>} : vector<512x1024xf32> -> vector<1024xi32>
    %swap3A_185 = arith.constant 0 : index
    %swap3A_186 = arith.constant 6 : index
    %swap3A_187 = arith.constant 0 : index
    %swap3A_188 = vector.load %arg3[%swap3A_185, %swap3A_186, %swap3A_187] : memref<1x32x1024xi32, #tpu.memory_space<vmem>>, vector<1x1x1024xi32>
    %swap3A_189 = vector.shape_cast %swap3A_188 : vector<1x1x1024xi32> to vector<1024xi32>
    %swap3A_190 = vector.shape_cast %argmin3A_184 : vector<1024xi32> to vector<1x1x1024xi32>
    tpu.vector_store %arg3[%swap3A_185, %swap3A_186, %swap3A_187], %swap3A_190 {strides = array<i32>} : memref<1x32x1024xi32, #tpu.memory_space<vmem>>, vector<1x1x1024xi32>,
    %slice3A_191 = vector.extract_strided_slice %get3A_3 {offsets = [56, 0], sizes = [8, 1024], strides = [1, 1]} : vector<256x1024xf32> to vector<8x1024xf32>
    %get3A_192 = arith.constant 7 : index
    %get3A_193 = arith.constant 0 : index
    %get3A_194 = arith.constant 0 : index
    %get3A_195 = vector.load %arg2[%get3A_192, %get3A_193, %get3A_194] : memref<32x512x8xf32, #tpu.memory_space<vmem>>, vector<1x512x8xf32>
    %get3A_196 = vector.shape_cast %get3A_195 : vector<1x512x8xf32> to vector<512x8xf32>
    %add3A_197 = arith.addf %get3A_196, %get3A_196 : vector<512x8xf32>
    %dot_general3A_198 = arith.constant dense<0.000000e+00> : vector<512x1024xf32>
    %dot_general3A_199 = tpu.matmul %add3A_197, %slice3A_191, %dot_general3A_198 {dimension_numbers = #tpu.dot_dimension_numbers<[1], [0], [0], [1], [0, 0, 1, 1], [], []>, transpose_lhs_hint = false} : vector<512x8xf32>, vector<8x1024xf32>, vector<512x1024xf32> -> vector<512x1024xf32>
    %mul3A_200 = arith.mulf %get3A_196, %get3A_196 : vector<512x8xf32>
    %reduce_sum3A_201 = arith.constant dense<0.000000e+00> : vector<512xf32>
    %reduce_sum3A_202 = vector.multi_reduction <add>, %mul3A_200, %reduce_sum3A_201 [1] : vector<512x8xf32> to vector<512xf32>
    %broadcast_in_dim3A_203 = vector.shape_cast %reduce_sum3A_202 : vector<512xf32> to vector<512x1xf32>
    %mul3A_204 = arith.mulf %slice3A_191, %slice3A_191 : vector<8x1024xf32>
    %reduce_sum3A_205 = arith.constant dense<0.000000e+00> : vector<1024xf32>
    %reduce_sum3A_206 = vector.multi_reduction <add>, %mul3A_204, %reduce_sum3A_205 [0] : vector<8x1024xf32> to vector<1024xf32>
    %broadcast_in_dim3A_207 = vector.shape_cast %reduce_sum3A_206 : vector<1024xf32> to vector<1x1024xf32>
    %add3A_208 = vector.broadcast %broadcast_in_dim3A_207 : vector<1x1024xf32> to vector<512x1024xf32>
    %add3A_209 = vector.broadcast %broadcast_in_dim3A_203 : vector<512x1xf32> to vector<512x1024xf32>
    %add3A_210 = arith.addf %add3A_208, %add3A_209 : vector<512x1024xf32>
    %sub3A_211 = arith.subf %add3A_210, %dot_general3A_199 : vector<512x1024xf32>
    %argmin3A_212 = tpu.reduce_index %sub3A_211 {axis = 0 : i32, kind = #tpu.reduction_kind<arg_min>} : vector<512x1024xf32> -> vector<1024xi32>
    %swap3A_213 = arith.constant 0 : index
    %swap3A_214 = arith.constant 7 : index
    %swap3A_215 = arith.constant 0 : index
    %swap3A_216 = vector.load %arg3[%swap3A_213, %swap3A_214, %swap3A_215] : memref<1x32x1024xi32, #tpu.memory_space<vmem>>, vector<1x1x1024xi32>
    %swap3A_217 = vector.shape_cast %swap3A_216 : vector<1x1x1024xi32> to vector<1024xi32>
    %swap3A_218 = vector.shape_cast %argmin3A_212 : vector<1024xi32> to vector<1x1x1024xi32>
    tpu.vector_store %arg3[%swap3A_213, %swap3A_214, %swap3A_215], %swap3A_218 {strides = array<i32>} : memref<1x32x1024xi32, #tpu.memory_space<vmem>>, vector<1x1x1024xi32>,
    %slice3A_219 = vector.extract_strided_slice %get3A_3 {offsets = [64, 0], sizes = [8, 1024], strides = [1, 1]} : vector<256x1024xf32> to vector<8x1024xf32>
    %get3A_220 = arith.constant 8 : index
    %get3A_221 = arith.constant 0 : index
    %get3A_222 = arith.constant 0 : index
    %get3A_223 = vector.load %arg2[%get3A_220, %get3A_221, %get3A_222] : memref<32x512x8xf32, #tpu.memory_space<vmem>>, vector<1x512x8xf32>
    %get3A_224 = vector.shape_cast %get3A_223 : vector<1x512x8xf32> to vector<512x8xf32>
    %add3A_225 = arith.addf %get3A_224, %get3A_224 : vector<512x8xf32>
    %dot_general3A_226 = arith.constant dense<0.000000e+00> : vector<512x1024xf32>
    %dot_general3A_227 = tpu.matmul %add3A_225, %slice3A_219, %dot_general3A_226 {dimension_numbers = #tpu.dot_dimension_numbers<[1], [0], [0], [1], [0, 0, 1, 1], [], []>, transpose_lhs_hint = false} : vector<512x8xf32>, vector<8x1024xf32>, vector<512x1024xf32> -> vector<512x1024xf32>
    %mul3A_228 = arith.mulf %get3A_224, %get3A_224 : vector<512x8xf32>
    %reduce_sum3A_229 = arith.constant dense<0.000000e+00> : vector<512xf32>
    %reduce_sum3A_230 = vector.multi_reduction <add>, %mul3A_228, %reduce_sum3A_229 [1] : vector<512x8xf32> to vector<512xf32>
    %broadcast_in_dim3A_231 = vector.shape_cast %reduce_sum3A_230 : vector<512xf32> to vector<512x1xf32>
    %mul3A_232 = arith.mulf %slice3A_219, %slice3A_219 : vector<8x1024xf32>
    %reduce_sum3A_233 = arith.constant dense<0.000000e+00> : vector<1024xf32>
    %reduce_sum3A_234 = vector.multi_reduction <add>, %mul3A_232, %reduce_sum3A_233 [0] : vector<8x1024xf32> to vector<1024xf32>
    %broadcast_in_dim3A_235 = vector.shape_cast %reduce_sum3A_234 : vector<1024xf32> to vector<1x1024xf32>
    %add3A_236 = vector.broadcast %broadcast_in_dim3A_235 : vector<1x1024xf32> to vector<512x1024xf32>
    %add3A_237 = vector.broadcast %broadcast_in_dim3A_231 : vector<512x1xf32> to vector<512x1024xf32>
    %add3A_238 = arith.addf %add3A_236, %add3A_237 : vector<512x1024xf32>
    %sub3A_239 = arith.subf %add3A_238, %dot_general3A_227 : vector<512x1024xf32>
    %argmin3A_240 = tpu.reduce_index %sub3A_239 {axis = 0 : i32, kind = #tpu.reduction_kind<arg_min>} : vector<512x1024xf32> -> vector<1024xi32>
    %swap3A_241 = arith.constant 0 : index
    %swap3A_242 = arith.constant 8 : index
    %swap3A_243 = arith.constant 0 : index
    %swap3A_244 = vector.load %arg3[%swap3A_241, %swap3A_242, %swap3A_243] : memref<1x32x1024xi32, #tpu.memory_space<vmem>>, vector<1x1x1024xi32>
    %swap3A_245 = vector.shape_cast %swap3A_244 : vector<1x1x1024xi32> to vector<1024xi32>
    %swap3A_246 = vector.shape_cast %argmin3A_240 : vector<1024xi32> to vector<1x1x1024xi32>
    tpu.vector_store %arg3[%swap3A_241, %swap3A_242, %swap3A_243], %swap3A_246 {strides = array<i32>} : memref<1x32x1024xi32, #tpu.memory_space<vmem>>, vector<1x1x1024xi32>,
    %slice3A_247 = vector.extract_strided_slice %get3A_3 {offsets = [72, 0], sizes = [8, 1024], strides = [1, 1]} : vector<256x1024xf32> to vector<8x1024xf32>
    %get3A_248 = arith.constant 9 : index
    %get3A_249 = arith.constant 0 : index
    %get3A_250 = arith.constant 0 : index
    %get3A_251 = vector.load %arg2[%get3A_248, %get3A_249, %get3A_250] : memref<32x512x8xf32, #tpu.memory_space<vmem>>, vector<1x512x8xf32>
    %get3A_252 = vector.shape_cast %get3A_251 : vector<1x512x8xf32> to vector<512x8xf32>
    %add3A_253 = arith.addf %get3A_252, %get3A_252 : vector<512x8xf32>
    %dot_general3A_254 = arith.constant dense<0.000000e+00> : vector<512x1024xf32>
    %dot_general3A_255 = tpu.matmul %add3A_253, %slice3A_247, %dot_general3A_254 {dimension_numbers = #tpu.dot_dimension_numbers<[1], [0], [0], [1], [0, 0, 1, 1], [], []>, transpose_lhs_hint = false} : vector<512x8xf32>, vector<8x1024xf32>, vector<512x1024xf32> -> vector<512x1024xf32>
    %mul3A_256 = arith.mulf %get3A_252, %get3A_252 : vector<512x8xf32>
    %reduce_sum3A_257 = arith.constant dense<0.000000e+00> : vector<512xf32>
    %reduce_sum3A_258 = vector.multi_reduction <add>, %mul3A_256, %reduce_sum3A_257 [1] : vector<512x8xf32> to vector<512xf32>
    %broadcast_in_dim3A_259 = vector.shape_cast %reduce_sum3A_258 : vector<512xf32> to vector<512x1xf32>
    %mul3A_260 = arith.mulf %slice3A_247, %slice3A_247 : vector<8x1024xf32>
    %reduce_sum3A_261 = arith.constant dense<0.000000e+00> : vector<1024xf32>
    %reduce_sum3A_262 = vector.multi_reduction <add>, %mul3A_260, %reduce_sum3A_261 [0] : vector<8x1024xf32> to vector<1024xf32>
    %broadcast_in_dim3A_263 = vector.shape_cast %reduce_sum3A_262 : vector<1024xf32> to vector<1x1024xf32>
    %add3A_264 = vector.broadcast %broadcast_in_dim3A_263 : vector<1x1024xf32> to vector<512x1024xf32>
    %add3A_265 = vector.broadcast %broadcast_in_dim3A_259 : vector<512x1xf32> to vector<512x1024xf32>
    %add3A_266 = arith.addf %add3A_264, %add3A_265 : vector<512x1024xf32>
    %sub3A_267 = arith.subf %add3A_266, %dot_general3A_255 : vector<512x1024xf32>
    %argmin3A_268 = tpu.reduce_index %sub3A_267 {axis = 0 : i32, kind = #tpu.reduction_kind<arg_min>} : vector<512x1024xf32> -> vector<1024xi32>
    %swap3A_269 = arith.constant 0 : index
    %swap3A_270 = arith.constant 9 : index
    %swap3A_271 = arith.constant 0 : index
    %swap3A_272 = vector.load %arg3[%swap3A_269, %swap3A_270, %swap3A_271] : memref<1x32x1024xi32, #tpu.memory_space<vmem>>, vector<1x1x1024xi32>
    %swap3A_273 = vector.shape_cast %swap3A_272 : vector<1x1x1024xi32> to vector<1024xi32>
    %swap3A_274 = vector.shape_cast %argmin3A_268 : vector<1024xi32> to vector<1x1x1024xi32>
    tpu.vector_store %arg3[%swap3A_269, %swap3A_270, %swap3A_271], %swap3A_274 {strides = array<i32>} : memref<1x32x1024xi32, #tpu.memory_space<vmem>>, vector<1x1x1024xi32>,
    %slice3A_275 = vector.extract_strided_slice %get3A_3 {offsets = [80, 0], sizes = [8, 1024], strides = [1, 1]} : vector<256x1024xf32> to vector<8x1024xf32>
    %get3A_276 = arith.constant 10 : index
    %get3A_277 = arith.constant 0 : index
    %get3A_278 = arith.constant 0 : index
    %get3A_279 = vector.load %arg2[%get3A_276, %get3A_277, %get3A_278] : memref<32x512x8xf32, #tpu.memory_space<vmem>>, vector<1x512x8xf32>
    %get3A_280 = vector.shape_cast %get3A_279 : vector<1x512x8xf32> to vector<512x8xf32>
    %add3A_281 = arith.addf %get3A_280, %get3A_280 : vector<512x8xf32>
    %dot_general3A_282 = arith.constant dense<0.000000e+00> : vector<512x1024xf32>
    %dot_general3A_283 = tpu.matmul %add3A_281, %slice3A_275, %dot_general3A_282 {dimension_numbers = #tpu.dot_dimension_numbers<[1], [0], [0], [1], [0, 0, 1, 1], [], []>, transpose_lhs_hint = false} : vector<512x8xf32>, vector<8x1024xf32>, vector<512x1024xf32> -> vector<512x1024xf32>
    %mul3A_284 = arith.mulf %get3A_280, %get3A_280 : vector<512x8xf32>
    %reduce_sum3A_285 = arith.constant dense<0.000000e+00> : vector<512xf32>
    %reduce_sum3A_286 = vector.multi_reduction <add>, %mul3A_284, %reduce_sum3A_285 [1] : vector<512x8xf32> to vector<512xf32>
    %broadcast_in_dim3A_287 = vector.shape_cast %reduce_sum3A_286 : vector<512xf32> to vector<512x1xf32>
    %mul3A_288 = arith.mulf %slice3A_275, %slice3A_275 : vector<8x1024xf32>
    %reduce_sum3A_289 = arith.constant dense<0.000000e+00> : vector<1024xf32>
    %reduce_sum3A_290 = vector.multi_reduction <add>, %mul3A_288, %reduce_sum3A_289 [0] : vector<8x1024xf32> to vector<1024xf32>
    %broadcast_in_dim3A_291 = vector.shape_cast %reduce_sum3A_290 : vector<1024xf32> to vector<1x1024xf32>
    %add3A_292 = vector.broadcast %broadcast_in_dim3A_291 : vector<1x1024xf32> to vector<512x1024xf32>
    %add3A_293 = vector.broadcast %broadcast_in_dim3A_287 : vector<512x1xf32> to vector<512x1024xf32>
    %add3A_294 = arith.addf %add3A_292, %add3A_293 : vector<512x1024xf32>
    %sub3A_295 = arith.subf %add3A_294, %dot_general3A_283 : vector<512x1024xf32>
    %argmin3A_296 = tpu.reduce_index %sub3A_295 {axis = 0 : i32, kind = #tpu.reduction_kind<arg_min>} : vector<512x1024xf32> -> vector<1024xi32>
    %swap3A_297 = arith.constant 0 : index
    %swap3A_298 = arith.constant 10 : index
    %swap3A_299 = arith.constant 0 : index
    %swap3A_300 = vector.load %arg3[%swap3A_297, %swap3A_298, %swap3A_299] : memref<1x32x1024xi32, #tpu.memory_space<vmem>>, vector<1x1x1024xi32>
    %swap3A_301 = vector.shape_cast %swap3A_300 : vector<1x1x1024xi32> to vector<1024xi32>
    %swap3A_302 = vector.shape_cast %argmin3A_296 : vector<1024xi32> to vector<1x1x1024xi32>
    tpu.vector_store %arg3[%swap3A_297, %swap3A_298, %swap3A_299], %swap3A_302 {strides = array<i32>} : memref<1x32x1024xi32, #tpu.memory_space<vmem>>, vector<1x1x1024xi32>,
    %slice3A_303 = vector.extract_strided_slice %get3A_3 {offsets = [88, 0], sizes = [8, 1024], strides = [1, 1]} : vector<256x1024xf32> to vector<8x1024xf32>
    %get3A_304 = arith.constant 11 : index
    %get3A_305 = arith.constant 0 : index
    %get3A_306 = arith.constant 0 : index
    %get3A_307 = vector.load %arg2[%get3A_304, %get3A_305, %get3A_306] : memref<32x512x8xf32, #tpu.memory_space<vmem>>, vector<1x512x8xf32>
    %get3A_308 = vector.shape_cast %get3A_307 : vector<1x512x8xf32> to vector<512x8xf32>
    %add3A_309 = arith.addf %get3A_308, %get3A_308 : vector<512x8xf32>
    %dot_general3A_310 = arith.constant dense<0.000000e+00> : vector<512x1024xf32>
    %dot_general3A_311 = tpu.matmul %add3A_309, %slice3A_303, %dot_general3A_310 {dimension_numbers = #tpu.dot_dimension_numbers<[1], [0], [0], [1], [0, 0, 1, 1], [], []>, transpose_lhs_hint = false} : vector<512x8xf32>, vector<8x1024xf32>, vector<512x1024xf32> -> vector<512x1024xf32>
    %mul3A_312 = arith.mulf %get3A_308, %get3A_308 : vector<512x8xf32>
    %reduce_sum3A_313 = arith.constant dense<0.000000e+00> : vector<512xf32>
    %reduce_sum3A_314 = vector.multi_reduction <add>, %mul3A_312, %reduce_sum3A_313 [1] : vector<512x8xf32> to vector<512xf32>
    %broadcast_in_dim3A_315 = vector.shape_cast %reduce_sum3A_314 : vector<512xf32> to vector<512x1xf32>
    %mul3A_316 = arith.mulf %slice3A_303, %slice3A_303 : vector<8x1024xf32>
    %reduce_sum3A_317 = arith.constant dense<0.000000e+00> : vector<1024xf32>
    %reduce_sum3A_318 = vector.multi_reduction <add>, %mul3A_316, %reduce_sum3A_317 [0] : vector<8x1024xf32> to vector<1024xf32>
    %broadcast_in_dim3A_319 = vector.shape_cast %reduce_sum3A_318 : vector<1024xf32> to vector<1x1024xf32>
    %add3A_320 = vector.broadcast %broadcast_in_dim3A_319 : vector<1x1024xf32> to vector<512x1024xf32>
    %add3A_321 = vector.broadcast %broadcast_in_dim3A_315 : vector<512x1xf32> to vector<512x1024xf32>
    %add3A_322 = arith.addf %add3A_320, %add3A_321 : vector<512x1024xf32>
    %sub3A_323 = arith.subf %add3A_322, %dot_general3A_311 : vector<512x1024xf32>
    %argmin3A_324 = tpu.reduce_index %sub3A_323 {axis = 0 : i32, kind = #tpu.reduction_kind<arg_min>} : vector<512x1024xf32> -> vector<1024xi32>
    %swap3A_325 = arith.constant 0 : index
    %swap3A_326 = arith.constant 11 : index
    %swap3A_327 = arith.constant 0 : index
    %swap3A_328 = vector.load %arg3[%swap3A_325, %swap3A_326, %swap3A_327] : memref<1x32x1024xi32, #tpu.memory_space<vmem>>, vector<1x1x1024xi32>
    %swap3A_329 = vector.shape_cast %swap3A_328 : vector<1x1x1024xi32> to vector<1024xi32>
    %swap3A_330 = vector.shape_cast %argmin3A_324 : vector<1024xi32> to vector<1x1x1024xi32>
    tpu.vector_store %arg3[%swap3A_325, %swap3A_326, %swap3A_327], %swap3A_330 {strides = array<i32>} : memref<1x32x1024xi32, #tpu.memory_space<vmem>>, vector<1x1x1024xi32>,
    %slice3A_331 = vector.extract_strided_slice %get3A_3 {offsets = [96, 0], sizes = [8, 1024], strides = [1, 1]} : vector<256x1024xf32> to vector<8x1024xf32>
    %get3A_332 = arith.constant 12 : index
    %get3A_333 = arith.constant 0 : index
    %get3A_334 = arith.constant 0 : index
    %get3A_335 = vector.load %arg2[%get3A_332, %get3A_333, %get3A_334] : memref<32x512x8xf32, #tpu.memory_space<vmem>>, vector<1x512x8xf32>
    %get3A_336 = vector.shape_cast %get3A_335 : vector<1x512x8xf32> to vector<512x8xf32>
    %add3A_337 = arith.addf %get3A_336, %get3A_336 : vector<512x8xf32>
    %dot_general3A_338 = arith.constant dense<0.000000e+00> : vector<512x1024xf32>
    %dot_general3A_339 = tpu.matmul %add3A_337, %slice3A_331, %dot_general3A_338 {dimension_numbers = #tpu.dot_dimension_numbers<[1], [0], [0], [1], [0, 0, 1, 1], [], []>, transpose_lhs_hint = false} : vector<512x8xf32>, vector<8x1024xf32>, vector<512x1024xf32> -> vector<512x1024xf32>
    %mul3A_340 = arith.mulf %get3A_336, %get3A_336 : vector<512x8xf32>
    %reduce_sum3A_341 = arith.constant dense<0.000000e+00> : vector<512xf32>
    %reduce_sum3A_342 = vector.multi_reduction <add>, %mul3A_340, %reduce_sum3A_341 [1] : vector<512x8xf32> to vector<512xf32>
    %broadcast_in_dim3A_343 = vector.shape_cast %reduce_sum3A_342 : vector<512xf32> to vector<512x1xf32>
    %mul3A_344 = arith.mulf %slice3A_331, %slice3A_331 : vector<8x1024xf32>
    %reduce_sum3A_345 = arith.constant dense<0.000000e+00> : vector<1024xf32>
    %reduce_sum3A_346 = vector.multi_reduction <add>, %mul3A_344, %reduce_sum3A_345 [0] : vector<8x1024xf32> to vector<1024xf32>
    %broadcast_in_dim3A_347 = vector.shape_cast %reduce_sum3A_346 : vector<1024xf32> to vector<1x1024xf32>
    %add3A_348 = vector.broadcast %broadcast_in_dim3A_347 : vector<1x1024xf32> to vector<512x1024xf32>
    %add3A_349 = vector.broadcast %broadcast_in_dim3A_343 : vector<512x1xf32> to vector<512x1024xf32>
    %add3A_350 = arith.addf %add3A_348, %add3A_349 : vector<512x1024xf32>
    %sub3A_351 = arith.subf %add3A_350, %dot_general3A_339 : vector<512x1024xf32>
    %argmin3A_352 = tpu.reduce_index %sub3A_351 {axis = 0 : i32, kind = #tpu.reduction_kind<arg_min>} : vector<512x1024xf32> -> vector<1024xi32>
    %swap3A_353 = arith.constant 0 : index
    %swap3A_354 = arith.constant 12 : index
    %swap3A_355 = arith.constant 0 : index
    %swap3A_356 = vector.load %arg3[%swap3A_353, %swap3A_354, %swap3A_355] : memref<1x32x1024xi32, #tpu.memory_space<vmem>>, vector<1x1x1024xi32>
    %swap3A_357 = vector.shape_cast %swap3A_356 : vector<1x1x1024xi32> to vector<1024xi32>
    %swap3A_358 = vector.shape_cast %argmin3A_352 : vector<1024xi32> to vector<1x1x1024xi32>
    tpu.vector_store %arg3[%swap3A_353, %swap3A_354, %swap3A_355], %swap3A_358 {strides = array<i32>} : memref<1x32x1024xi32, #tpu.memory_space<vmem>>, vector<1x1x1024xi32>,
    %slice3A_359 = vector.extract_strided_slice %get3A_3 {offsets = [104, 0], sizes = [8, 1024], strides = [1, 1]} : vector<256x1024xf32> to vector<8x1024xf32>
    %get3A_360 = arith.constant 13 : index
    %get3A_361 = arith.constant 0 : index
    %get3A_362 = arith.constant 0 : index
    %get3A_363 = vector.load %arg2[%get3A_360, %get3A_361, %get3A_362] : memref<32x512x8xf32, #tpu.memory_space<vmem>>, vector<1x512x8xf32>
    %get3A_364 = vector.shape_cast %get3A_363 : vector<1x512x8xf32> to vector<512x8xf32>
    %add3A_365 = arith.addf %get3A_364, %get3A_364 : vector<512x8xf32>
    %dot_general3A_366 = arith.constant dense<0.000000e+00> : vector<512x1024xf32>
    %dot_general3A_367 = tpu.matmul %add3A_365, %slice3A_359, %dot_general3A_366 {dimension_numbers = #tpu.dot_dimension_numbers<[1], [0], [0], [1], [0, 0, 1, 1], [], []>, transpose_lhs_hint = false} : vector<512x8xf32>, vector<8x1024xf32>, vector<512x1024xf32> -> vector<512x1024xf32>
    %mul3A_368 = arith.mulf %get3A_364, %get3A_364 : vector<512x8xf32>
    %reduce_sum3A_369 = arith.constant dense<0.000000e+00> : vector<512xf32>
    %reduce_sum3A_370 = vector.multi_reduction <add>, %mul3A_368, %reduce_sum3A_369 [1] : vector<512x8xf32> to vector<512xf32>
    %broadcast_in_dim3A_371 = vector.shape_cast %reduce_sum3A_370 : vector<512xf32> to vector<512x1xf32>
    %mul3A_372 = arith.mulf %slice3A_359, %slice3A_359 : vector<8x1024xf32>
    %reduce_sum3A_373 = arith.constant dense<0.000000e+00> : vector<1024xf32>
    %reduce_sum3A_374 = vector.multi_reduction <add>, %mul3A_372, %reduce_sum3A_373 [0] : vector<8x1024xf32> to vector<1024xf32>
    %broadcast_in_dim3A_375 = vector.shape_cast %reduce_sum3A_374 : vector<1024xf32> to vector<1x1024xf32>
    %add3A_376 = vector.broadcast %broadcast_in_dim3A_375 : vector<1x1024xf32> to vector<512x1024xf32>
    %add3A_377 = vector.broadcast %broadcast_in_dim3A_371 : vector<512x1xf32> to vector<512x1024xf32>
    %add3A_378 = arith.addf %add3A_376, %add3A_377 : vector<512x1024xf32>
    %sub3A_379 = arith.subf %add3A_378, %dot_general3A_367 : vector<512x1024xf32>
    %argmin3A_380 = tpu.reduce_index %sub3A_379 {axis = 0 : i32, kind = #tpu.reduction_kind<arg_min>} : vector<512x1024xf32> -> vector<1024xi32>
    %swap3A_381 = arith.constant 0 : index
    %swap3A_382 = arith.constant 13 : index
    %swap3A_383 = arith.constant 0 : index
    %swap3A_384 = vector.load %arg3[%swap3A_381, %swap3A_382, %swap3A_383] : memref<1x32x1024xi32, #tpu.memory_space<vmem>>, vector<1x1x1024xi32>
    %swap3A_385 = vector.shape_cast %swap3A_384 : vector<1x1x1024xi32> to vector<1024xi32>
    %swap3A_386 = vector.shape_cast %argmin3A_380 : vector<1024xi32> to vector<1x1x1024xi32>
    tpu.vector_store %arg3[%swap3A_381, %swap3A_382, %swap3A_383], %swap3A_386 {strides = array<i32>} : memref<1x32x1024xi32, #tpu.memory_space<vmem>>, vector<1x1x1024xi32>,
    %slice3A_387 = vector.extract_strided_slice %get3A_3 {offsets = [112, 0], sizes = [8, 1024], strides = [1, 1]} : vector<256x1024xf32> to vector<8x1024xf32>
    %get3A_388 = arith.constant 14 : index
    %get3A_389 = arith.constant 0 : index
    %get3A_390 = arith.constant 0 : index
    %get3A_391 = vector.load %arg2[%get3A_388, %get3A_389, %get3A_390] : memref<32x512x8xf32, #tpu.memory_space<vmem>>, vector<1x512x8xf32>
    %get3A_392 = vector.shape_cast %get3A_391 : vector<1x512x8xf32> to vector<512x8xf32>
    %add3A_393 = arith.addf %get3A_392, %get3A_392 : vector<512x8xf32>
    %dot_general3A_394 = arith.constant dense<0.000000e+00> : vector<512x1024xf32>
    %dot_general3A_395 = tpu.matmul %add3A_393, %slice3A_387, %dot_general3A_394 {dimension_numbers = #tpu.dot_dimension_numbers<[1], [0], [0], [1], [0, 0, 1, 1], [], []>, transpose_lhs_hint = false} : vector<512x8xf32>, vector<8x1024xf32>, vector<512x1024xf32> -> vector<512x1024xf32>
    %mul3A_396 = arith.mulf %get3A_392, %get3A_392 : vector<512x8xf32>
    %reduce_sum3A_397 = arith.constant dense<0.000000e+00> : vector<512xf32>
    %reduce_sum3A_398 = vector.multi_reduction <add>, %mul3A_396, %reduce_sum3A_397 [1] : vector<512x8xf32> to vector<512xf32>
    %broadcast_in_dim3A_399 = vector.shape_cast %reduce_sum3A_398 : vector<512xf32> to vector<512x1xf32>
    %mul3A_400 = arith.mulf %slice3A_387, %slice3A_387 : vector<8x1024xf32>
    %reduce_sum3A_401 = arith.constant dense<0.000000e+00> : vector<1024xf32>
    %reduce_sum3A_402 = vector.multi_reduction <add>, %mul3A_400, %reduce_sum3A_401 [0] : vector<8x1024xf32> to vector<1024xf32>
    %broadcast_in_dim3A_403 = vector.shape_cast %reduce_sum3A_402 : vector<1024xf32> to vector<1x1024xf32>
    %add3A_404 = vector.broadcast %broadcast_in_dim3A_403 : vector<1x1024xf32> to vector<512x1024xf32>
    %add3A_405 = vector.broadcast %broadcast_in_dim3A_399 : vector<512x1xf32> to vector<512x1024xf32>
    %add3A_406 = arith.addf %add3A_404, %add3A_405 : vector<512x1024xf32>
    %sub3A_407 = arith.subf %add3A_406, %dot_general3A_395 : vector<512x1024xf32>
    %argmin3A_408 = tpu.reduce_index %sub3A_407 {axis = 0 : i32, kind = #tpu.reduction_kind<arg_min>} : vector<512x1024xf32> -> vector<1024xi32>
    %swap3A_409 = arith.constant 0 : index
    %swap3A_410 = arith.constant 14 : index
    %swap3A_411 = arith.constant 0 : index
    %swap3A_412 = vector.load %arg3[%swap3A_409, %swap3A_410, %swap3A_411] : memref<1x32x1024xi32, #tpu.memory_space<vmem>>, vector<1x1x1024xi32>
    %swap3A_413 = vector.shape_cast %swap3A_412 : vector<1x1x1024xi32> to vector<1024xi32>
    %swap3A_414 = vector.shape_cast %argmin3A_408 : vector<1024xi32> to vector<1x1x1024xi32>
    tpu.vector_store %arg3[%swap3A_409, %swap3A_410, %swap3A_411], %swap3A_414 {strides = array<i32>} : memref<1x32x1024xi32, #tpu.memory_space<vmem>>, vector<1x1x1024xi32>,
    %slice3A_415 = vector.extract_strided_slice %get3A_3 {offsets = [120, 0], sizes = [8, 1024], strides = [1, 1]} : vector<256x1024xf32> to vector<8x1024xf32>
    %get3A_416 = arith.constant 15 : index
    %get3A_417 = arith.constant 0 : index
    %get3A_418 = arith.constant 0 : index
    %get3A_419 = vector.load %arg2[%get3A_416, %get3A_417, %get3A_418] : memref<32x512x8xf32, #tpu.memory_space<vmem>>, vector<1x512x8xf32>
    %get3A_420 = vector.shape_cast %get3A_419 : vector<1x512x8xf32> to vector<512x8xf32>
    %add3A_421 = arith.addf %get3A_420, %get3A_420 : vector<512x8xf32>
    %dot_general3A_422 = arith.constant dense<0.000000e+00> : vector<512x1024xf32>
    %dot_general3A_423 = tpu.matmul %add3A_421, %slice3A_415, %dot_general3A_422 {dimension_numbers = #tpu.dot_dimension_numbers<[1], [0], [0], [1], [0, 0, 1, 1], [], []>, transpose_lhs_hint = false} : vector<512x8xf32>, vector<8x1024xf32>, vector<512x1024xf32> -> vector<512x1024xf32>
    %mul3A_424 = arith.mulf %get3A_420, %get3A_420 : vector<512x8xf32>
    %reduce_sum3A_425 = arith.constant dense<0.000000e+00> : vector<512xf32>
    %reduce_sum3A_426 = vector.multi_reduction <add>, %mul3A_424, %reduce_sum3A_425 [1] : vector<512x8xf32> to vector<512xf32>
    %broadcast_in_dim3A_427 = vector.shape_cast %reduce_sum3A_426 : vector<512xf32> to vector<512x1xf32>
    %mul3A_428 = arith.mulf %slice3A_415, %slice3A_415 : vector<8x1024xf32>
    %reduce_sum3A_429 = arith.constant dense<0.000000e+00> : vector<1024xf32>
    %reduce_sum3A_430 = vector.multi_reduction <add>, %mul3A_428, %reduce_sum3A_429 [0] : vector<8x1024xf32> to vector<1024xf32>
    %broadcast_in_dim3A_431 = vector.shape_cast %reduce_sum3A_430 : vector<1024xf32> to vector<1x1024xf32>
    %add3A_432 = vector.broadcast %broadcast_in_dim3A_431 : vector<1x1024xf32> to vector<512x1024xf32>
    %add3A_433 = vector.broadcast %broadcast_in_dim3A_427 : vector<512x1xf32> to vector<512x1024xf32>
    %add3A_434 = arith.addf %add3A_432, %add3A_433 : vector<512x1024xf32>
    %sub3A_435 = arith.subf %add3A_434, %dot_general3A_423 : vector<512x1024xf32>
    %argmin3A_436 = tpu.reduce_index %sub3A_435 {axis = 0 : i32, kind = #tpu.reduction_kind<arg_min>} : vector<512x1024xf32> -> vector<1024xi32>
    %swap3A_437 = arith.constant 0 : index
    %swap3A_438 = arith.constant 15 : index
    %swap3A_439 = arith.constant 0 : index
    %swap3A_440 = vector.load %arg3[%swap3A_437, %swap3A_438, %swap3A_439] : memref<1x32x1024xi32, #tpu.memory_space<vmem>>, vector<1x1x1024xi32>
    %swap3A_441 = vector.shape_cast %swap3A_440 : vector<1x1x1024xi32> to vector<1024xi32>
    %swap3A_442 = vector.shape_cast %argmin3A_436 : vector<1024xi32> to vector<1x1x1024xi32>
    tpu.vector_store %arg3[%swap3A_437, %swap3A_438, %swap3A_439], %swap3A_442 {strides = array<i32>} : memref<1x32x1024xi32, #tpu.memory_space<vmem>>, vector<1x1x1024xi32>,
    %slice3A_443 = vector.extract_strided_slice %get3A_3 {offsets = [128, 0], sizes = [8, 1024], strides = [1, 1]} : vector<256x1024xf32> to vector<8x1024xf32>
    %get3A_444 = arith.constant 16 : index
    %get3A_445 = arith.constant 0 : index
    %get3A_446 = arith.constant 0 : index
    %get3A_447 = vector.load %arg2[%get3A_444, %get3A_445, %get3A_446] : memref<32x512x8xf32, #tpu.memory_space<vmem>>, vector<1x512x8xf32>
    %get3A_448 = vector.shape_cast %get3A_447 : vector<1x512x8xf32> to vector<512x8xf32>
    %add3A_449 = arith.addf %get3A_448, %get3A_448 : vector<512x8xf32>
    %dot_general3A_450 = arith.constant dense<0.000000e+00> : vector<512x1024xf32>
    %dot_general3A_451 = tpu.matmul %add3A_449, %slice3A_443, %dot_general3A_450 {dimension_numbers = #tpu.dot_dimension_numbers<[1], [0], [0], [1], [0, 0, 1, 1], [], []>, transpose_lhs_hint = false} : vector<512x8xf32>, vector<8x1024xf32>, vector<512x1024xf32> -> vector<512x1024xf32>
    %mul3A_452 = arith.mulf %get3A_448, %get3A_448 : vector<512x8xf32>
    %reduce_sum3A_453 = arith.constant dense<0.000000e+00> : vector<512xf32>
    %reduce_sum3A_454 = vector.multi_reduction <add>, %mul3A_452, %reduce_sum3A_453 [1] : vector<512x8xf32> to vector<512xf32>
    %broadcast_in_dim3A_455 = vector.shape_cast %reduce_sum3A_454 : vector<512xf32> to vector<512x1xf32>
    %mul3A_456 = arith.mulf %slice3A_443, %slice3A_443 : vector<8x1024xf32>
    %reduce_sum3A_457 = arith.constant dense<0.000000e+00> : vector<1024xf32>
    %reduce_sum3A_458 = vector.multi_reduction <add>, %mul3A_456, %reduce_sum3A_457 [0] : vector<8x1024xf32> to vector<1024xf32>
    %broadcast_in_dim3A_459 = vector.shape_cast %reduce_sum3A_458 : vector<1024xf32> to vector<1x1024xf32>
    %add3A_460 = vector.broadcast %broadcast_in_dim3A_459 : vector<1x1024xf32> to vector<512x1024xf32>
    %add3A_461 = vector.broadcast %broadcast_in_dim3A_455 : vector<512x1xf32> to vector<512x1024xf32>
    %add3A_462 = arith.addf %add3A_460, %add3A_461 : vector<512x1024xf32>
    %sub3A_463 = arith.subf %add3A_462, %dot_general3A_451 : vector<512x1024xf32>
    %argmin3A_464 = tpu.reduce_index %sub3A_463 {axis = 0 : i32, kind = #tpu.reduction_kind<arg_min>} : vector<512x1024xf32> -> vector<1024xi32>
    %swap3A_465 = arith.constant 0 : index
    %swap3A_466 = arith.constant 16 : index
    %swap3A_467 = arith.constant 0 : index
    %swap3A_468 = vector.load %arg3[%swap3A_465, %swap3A_466, %swap3A_467] : memref<1x32x1024xi32, #tpu.memory_space<vmem>>, vector<1x1x1024xi32>
    %swap3A_469 = vector.shape_cast %swap3A_468 : vector<1x1x1024xi32> to vector<1024xi32>
    %swap3A_470 = vector.shape_cast %argmin3A_464 : vector<1024xi32> to vector<1x1x1024xi32>
    tpu.vector_store %arg3[%swap3A_465, %swap3A_466, %swap3A_467], %swap3A_470 {strides = array<i32>} : memref<1x32x1024xi32, #tpu.memory_space<vmem>>, vector<1x1x1024xi32>,
    %slice3A_471 = vector.extract_strided_slice %get3A_3 {offsets = [136, 0], sizes = [8, 1024], strides = [1, 1]} : vector<256x1024xf32> to vector<8x1024xf32>
    %get3A_472 = arith.constant 17 : index
    %get3A_473 = arith.constant 0 : index
    %get3A_474 = arith.constant 0 : index
    %get3A_475 = vector.load %arg2[%get3A_472, %get3A_473, %get3A_474] : memref<32x512x8xf32, #tpu.memory_space<vmem>>, vector<1x512x8xf32>
    %get3A_476 = vector.shape_cast %get3A_475 : vector<1x512x8xf32> to vector<512x8xf32>
    %add3A_477 = arith.addf %get3A_476, %get3A_476 : vector<512x8xf32>
    %dot_general3A_478 = arith.constant dense<0.000000e+00> : vector<512x1024xf32>
    %dot_general3A_479 = tpu.matmul %add3A_477, %slice3A_471, %dot_general3A_478 {dimension_numbers = #tpu.dot_dimension_numbers<[1], [0], [0], [1], [0, 0, 1, 1], [], []>, transpose_lhs_hint = false} : vector<512x8xf32>, vector<8x1024xf32>, vector<512x1024xf32> -> vector<512x1024xf32>
    %mul3A_480 = arith.mulf %get3A_476, %get3A_476 : vector<512x8xf32>
    %reduce_sum3A_481 = arith.constant dense<0.000000e+00> : vector<512xf32>
    %reduce_sum3A_482 = vector.multi_reduction <add>, %mul3A_480, %reduce_sum3A_481 [1] : vector<512x8xf32> to vector<512xf32>
    %broadcast_in_dim3A_483 = vector.shape_cast %reduce_sum3A_482 : vector<512xf32> to vector<512x1xf32>
    %mul3A_484 = arith.mulf %slice3A_471, %slice3A_471 : vector<8x1024xf32>
    %reduce_sum3A_485 = arith.constant dense<0.000000e+00> : vector<1024xf32>
    %reduce_sum3A_486 = vector.multi_reduction <add>, %mul3A_484, %reduce_sum3A_485 [0] : vector<8x1024xf32> to vector<1024xf32>
    %broadcast_in_dim3A_487 = vector.shape_cast %reduce_sum3A_486 : vector<1024xf32> to vector<1x1024xf32>
    %add3A_488 = vector.broadcast %broadcast_in_dim3A_487 : vector<1x1024xf32> to vector<512x1024xf32>
    %add3A_489 = vector.broadcast %broadcast_in_dim3A_483 : vector<512x1xf32> to vector<512x1024xf32>
    %add3A_490 = arith.addf %add3A_488, %add3A_489 : vector<512x1024xf32>
    %sub3A_491 = arith.subf %add3A_490, %dot_general3A_479 : vector<512x1024xf32>
    %argmin3A_492 = tpu.reduce_index %sub3A_491 {axis = 0 : i32, kind = #tpu.reduction_kind<arg_min>} : vector<512x1024xf32> -> vector<1024xi32>
    %swap3A_493 = arith.constant 0 : index
    %swap3A_494 = arith.constant 17 : index
    %swap3A_495 = arith.constant 0 : index
    %swap3A_496 = vector.load %arg3[%swap3A_493, %swap3A_494, %swap3A_495] : memref<1x32x1024xi32, #tpu.memory_space<vmem>>, vector<1x1x1024xi32>
    %swap3A_497 = vector.shape_cast %swap3A_496 : vector<1x1x1024xi32> to vector<1024xi32>
    %swap3A_498 = vector.shape_cast %argmin3A_492 : vector<1024xi32> to vector<1x1x1024xi32>
    tpu.vector_store %arg3[%swap3A_493, %swap3A_494, %swap3A_495], %swap3A_498 {strides = array<i32>} : memref<1x32x1024xi32, #tpu.memory_space<vmem>>, vector<1x1x1024xi32>,
    %slice3A_499 = vector.extract_strided_slice %get3A_3 {offsets = [144, 0], sizes = [8, 1024], strides = [1, 1]} : vector<256x1024xf32> to vector<8x1024xf32>
    %get3A_500 = arith.constant 18 : index
    %get3A_501 = arith.constant 0 : index
    %get3A_502 = arith.constant 0 : index
    %get3A_503 = vector.load %arg2[%get3A_500, %get3A_501, %get3A_502] : memref<32x512x8xf32, #tpu.memory_space<vmem>>, vector<1x512x8xf32>
    %get3A_504 = vector.shape_cast %get3A_503 : vector<1x512x8xf32> to vector<512x8xf32>
    %add3A_505 = arith.addf %get3A_504, %get3A_504 : vector<512x8xf32>
    %dot_general3A_506 = arith.constant dense<0.000000e+00> : vector<512x1024xf32>
    %dot_general3A_507 = tpu.matmul %add3A_505, %slice3A_499, %dot_general3A_506 {dimension_numbers = #tpu.dot_dimension_numbers<[1], [0], [0], [1], [0, 0, 1, 1], [], []>, transpose_lhs_hint = false} : vector<512x8xf32>, vector<8x1024xf32>, vector<512x1024xf32> -> vector<512x1024xf32>
    %mul3A_508 = arith.mulf %get3A_504, %get3A_504 : vector<512x8xf32>
    %reduce_sum3A_509 = arith.constant dense<0.000000e+00> : vector<512xf32>
    %reduce_sum3A_510 = vector.multi_reduction <add>, %mul3A_508, %reduce_sum3A_509 [1] : vector<512x8xf32> to vector<512xf32>
    %broadcast_in_dim3A_511 = vector.shape_cast %reduce_sum3A_510 : vector<512xf32> to vector<512x1xf32>
    %mul3A_512 = arith.mulf %slice3A_499, %slice3A_499 : vector<8x1024xf32>
    %reduce_sum3A_513 = arith.constant dense<0.000000e+00> : vector<1024xf32>
    %reduce_sum3A_514 = vector.multi_reduction <add>, %mul3A_512, %reduce_sum3A_513 [0] : vector<8x1024xf32> to vector<1024xf32>
    %broadcast_in_dim3A_515 = vector.shape_cast %reduce_sum3A_514 : vector<1024xf32> to vector<1x1024xf32>
    %add3A_516 = vector.broadcast %broadcast_in_dim3A_515 : vector<1x1024xf32> to vector<512x1024xf32>
    %add3A_517 = vector.broadcast %broadcast_in_dim3A_511 : vector<512x1xf32> to vector<512x1024xf32>
    %add3A_518 = arith.addf %add3A_516, %add3A_517 : vector<512x1024xf32>
    %sub3A_519 = arith.subf %add3A_518, %dot_general3A_507 : vector<512x1024xf32>
    %argmin3A_520 = tpu.reduce_index %sub3A_519 {axis = 0 : i32, kind = #tpu.reduction_kind<arg_min>} : vector<512x1024xf32> -> vector<1024xi32>
    %swap3A_521 = arith.constant 0 : index
    %swap3A_522 = arith.constant 18 : index
    %swap3A_523 = arith.constant 0 : index
    %swap3A_524 = vector.load %arg3[%swap3A_521, %swap3A_522, %swap3A_523] : memref<1x32x1024xi32, #tpu.memory_space<vmem>>, vector<1x1x1024xi32>
    %swap3A_525 = vector.shape_cast %swap3A_524 : vector<1x1x1024xi32> to vector<1024xi32>
    %swap3A_526 = vector.shape_cast %argmin3A_520 : vector<1024xi32> to vector<1x1x1024xi32>
    tpu.vector_store %arg3[%swap3A_521, %swap3A_522, %swap3A_523], %swap3A_526 {strides = array<i32>} : memref<1x32x1024xi32, #tpu.memory_space<vmem>>, vector<1x1x1024xi32>,
    %slice3A_527 = vector.extract_strided_slice %get3A_3 {offsets = [152, 0], sizes = [8, 1024], strides = [1, 1]} : vector<256x1024xf32> to vector<8x1024xf32>
    %get3A_528 = arith.constant 19 : index
    %get3A_529 = arith.constant 0 : index
    %get3A_530 = arith.constant 0 : index
    %get3A_531 = vector.load %arg2[%get3A_528, %get3A_529, %get3A_530] : memref<32x512x8xf32, #tpu.memory_space<vmem>>, vector<1x512x8xf32>
    %get3A_532 = vector.shape_cast %get3A_531 : vector<1x512x8xf32> to vector<512x8xf32>
    %add3A_533 = arith.addf %get3A_532, %get3A_532 : vector<512x8xf32>
    %dot_general3A_534 = arith.constant dense<0.000000e+00> : vector<512x1024xf32>
    %dot_general3A_535 = tpu.matmul %add3A_533, %slice3A_527, %dot_general3A_534 {dimension_numbers = #tpu.dot_dimension_numbers<[1], [0], [0], [1], [0, 0, 1, 1], [], []>, transpose_lhs_hint = false} : vector<512x8xf32>, vector<8x1024xf32>, vector<512x1024xf32> -> vector<512x1024xf32>
    %mul3A_536 = arith.mulf %get3A_532, %get3A_532 : vector<512x8xf32>
    %reduce_sum3A_537 = arith.constant dense<0.000000e+00> : vector<512xf32>
    %reduce_sum3A_538 = vector.multi_reduction <add>, %mul3A_536, %reduce_sum3A_537 [1] : vector<512x8xf32> to vector<512xf32>
    %broadcast_in_dim3A_539 = vector.shape_cast %reduce_sum3A_538 : vector<512xf32> to vector<512x1xf32>
    %mul3A_540 = arith.mulf %slice3A_527, %slice3A_527 : vector<8x1024xf32>
    %reduce_sum3A_541 = arith.constant dense<0.000000e+00> : vector<1024xf32>
    %reduce_sum3A_542 = vector.multi_reduction <add>, %mul3A_540, %reduce_sum3A_541 [0] : vector<8x1024xf32> to vector<1024xf32>
    %broadcast_in_dim3A_543 = vector.shape_cast %reduce_sum3A_542 : vector<1024xf32> to vector<1x1024xf32>
    %add3A_544 = vector.broadcast %broadcast_in_dim3A_543 : vector<1x1024xf32> to vector<512x1024xf32>
    %add3A_545 = vector.broadcast %broadcast_in_dim3A_539 : vector<512x1xf32> to vector<512x1024xf32>
    %add3A_546 = arith.addf %add3A_544, %add3A_545 : vector<512x1024xf32>
    %sub3A_547 = arith.subf %add3A_546, %dot_general3A_535 : vector<512x1024xf32>
    %argmin3A_548 = tpu.reduce_index %sub3A_547 {axis = 0 : i32, kind = #tpu.reduction_kind<arg_min>} : vector<512x1024xf32> -> vector<1024xi32>
    %swap3A_549 = arith.constant 0 : index
    %swap3A_550 = arith.constant 19 : index
    %swap3A_551 = arith.constant 0 : index
    %swap3A_552 = vector.load %arg3[%swap3A_549, %swap3A_550, %swap3A_551] : memref<1x32x1024xi32, #tpu.memory_space<vmem>>, vector<1x1x1024xi32>
    %swap3A_553 = vector.shape_cast %swap3A_552 : vector<1x1x1024xi32> to vector<1024xi32>
    %swap3A_554 = vector.shape_cast %argmin3A_548 : vector<1024xi32> to vector<1x1x1024xi32>
    tpu.vector_store %arg3[%swap3A_549, %swap3A_550, %swap3A_551], %swap3A_554 {strides = array<i32>} : memref<1x32x1024xi32, #tpu.memory_space<vmem>>, vector<1x1x1024xi32>,
    %slice3A_555 = vector.extract_strided_slice %get3A_3 {offsets = [160, 0], sizes = [8, 1024], strides = [1, 1]} : vector<256x1024xf32> to vector<8x1024xf32>
    %get3A_556 = arith.constant 20 : index
    %get3A_557 = arith.constant 0 : index
    %get3A_558 = arith.constant 0 : index
    %get3A_559 = vector.load %arg2[%get3A_556, %get3A_557, %get3A_558] : memref<32x512x8xf32, #tpu.memory_space<vmem>>, vector<1x512x8xf32>
    %get3A_560 = vector.shape_cast %get3A_559 : vector<1x512x8xf32> to vector<512x8xf32>
    %add3A_561 = arith.addf %get3A_560, %get3A_560 : vector<512x8xf32>
    %dot_general3A_562 = arith.constant dense<0.000000e+00> : vector<512x1024xf32>
    %dot_general3A_563 = tpu.matmul %add3A_561, %slice3A_555, %dot_general3A_562 {dimension_numbers = #tpu.dot_dimension_numbers<[1], [0], [0], [1], [0, 0, 1, 1], [], []>, transpose_lhs_hint = false} : vector<512x8xf32>, vector<8x1024xf32>, vector<512x1024xf32> -> vector<512x1024xf32>
    %mul3A_564 = arith.mulf %get3A_560, %get3A_560 : vector<512x8xf32>
    %reduce_sum3A_565 = arith.constant dense<0.000000e+00> : vector<512xf32>
    %reduce_sum3A_566 = vector.multi_reduction <add>, %mul3A_564, %reduce_sum3A_565 [1] : vector<512x8xf32> to vector<512xf32>
    %broadcast_in_dim3A_567 = vector.shape_cast %reduce_sum3A_566 : vector<512xf32> to vector<512x1xf32>
    %mul3A_568 = arith.mulf %slice3A_555, %slice3A_555 : vector<8x1024xf32>
    %reduce_sum3A_569 = arith.constant dense<0.000000e+00> : vector<1024xf32>
    %reduce_sum3A_570 = vector.multi_reduction <add>, %mul3A_568, %reduce_sum3A_569 [0] : vector<8x1024xf32> to vector<1024xf32>
    %broadcast_in_dim3A_571 = vector.shape_cast %reduce_sum3A_570 : vector<1024xf32> to vector<1x1024xf32>
    %add3A_572 = vector.broadcast %broadcast_in_dim3A_571 : vector<1x1024xf32> to vector<512x1024xf32>
    %add3A_573 = vector.broadcast %broadcast_in_dim3A_567 : vector<512x1xf32> to vector<512x1024xf32>
    %add3A_574 = arith.addf %add3A_572, %add3A_573 : vector<512x1024xf32>
    %sub3A_575 = arith.subf %add3A_574, %dot_general3A_563 : vector<512x1024xf32>
    %argmin3A_576 = tpu.reduce_index %sub3A_575 {axis = 0 : i32, kind = #tpu.reduction_kind<arg_min>} : vector<512x1024xf32> -> vector<1024xi32>
    %swap3A_577 = arith.constant 0 : index
    %swap3A_578 = arith.constant 20 : index
    %swap3A_579 = arith.constant 0 : index
    %swap3A_580 = vector.load %arg3[%swap3A_577, %swap3A_578, %swap3A_579] : memref<1x32x1024xi32, #tpu.memory_space<vmem>>, vector<1x1x1024xi32>
    %swap3A_581 = vector.shape_cast %swap3A_580 : vector<1x1x1024xi32> to vector<1024xi32>
    %swap3A_582 = vector.shape_cast %argmin3A_576 : vector<1024xi32> to vector<1x1x1024xi32>
    tpu.vector_store %arg3[%swap3A_577, %swap3A_578, %swap3A_579], %swap3A_582 {strides = array<i32>} : memref<1x32x1024xi32, #tpu.memory_space<vmem>>, vector<1x1x1024xi32>,
    %slice3A_583 = vector.extract_strided_slice %get3A_3 {offsets = [168, 0], sizes = [8, 1024], strides = [1, 1]} : vector<256x1024xf32> to vector<8x1024xf32>
    %get3A_584 = arith.constant 21 : index
    %get3A_585 = arith.constant 0 : index
    %get3A_586 = arith.constant 0 : index
    %get3A_587 = vector.load %arg2[%get3A_584, %get3A_585, %get3A_586] : memref<32x512x8xf32, #tpu.memory_space<vmem>>, vector<1x512x8xf32>
    %get3A_588 = vector.shape_cast %get3A_587 : vector<1x512x8xf32> to vector<512x8xf32>
    %add3A_589 = arith.addf %get3A_588, %get3A_588 : vector<512x8xf32>
    %dot_general3A_590 = arith.constant dense<0.000000e+00> : vector<512x1024xf32>
    %dot_general3A_591 = tpu.matmul %add3A_589, %slice3A_583, %dot_general3A_590 {dimension_numbers = #tpu.dot_dimension_numbers<[1], [0], [0], [1], [0, 0, 1, 1], [], []>, transpose_lhs_hint = false} : vector<512x8xf32>, vector<8x1024xf32>, vector<512x1024xf32> -> vector<512x1024xf32>
    %mul3A_592 = arith.mulf %get3A_588, %get3A_588 : vector<512x8xf32>
    %reduce_sum3A_593 = arith.constant dense<0.000000e+00> : vector<512xf32>
    %reduce_sum3A_594 = vector.multi_reduction <add>, %mul3A_592, %reduce_sum3A_593 [1] : vector<512x8xf32> to vector<512xf32>
    %broadcast_in_dim3A_595 = vector.shape_cast %reduce_sum3A_594 : vector<512xf32> to vector<512x1xf32>
    %mul3A_596 = arith.mulf %slice3A_583, %slice3A_583 : vector<8x1024xf32>
    %reduce_sum3A_597 = arith.constant dense<0.000000e+00> : vector<1024xf32>
    %reduce_sum3A_598 = vector.multi_reduction <add>, %mul3A_596, %reduce_sum3A_597 [0] : vector<8x1024xf32> to vector<1024xf32>
    %broadcast_in_dim3A_599 = vector.shape_cast %reduce_sum3A_598 : vector<1024xf32> to vector<1x1024xf32>
    %add3A_600 = vector.broadcast %broadcast_in_dim3A_599 : vector<1x1024xf32> to vector<512x1024xf32>
    %add3A_601 = vector.broadcast %broadcast_in_dim3A_595 : vector<512x1xf32> to vector<512x1024xf32>
    %add3A_602 = arith.addf %add3A_600, %add3A_601 : vector<512x1024xf32>
    %sub3A_603 = arith.subf %add3A_602, %dot_general3A_591 : vector<512x1024xf32>
    %argmin3A_604 = tpu.reduce_index %sub3A_603 {axis = 0 : i32, kind = #tpu.reduction_kind<arg_min>} : vector<512x1024xf32> -> vector<1024xi32>
    %swap3A_605 = arith.constant 0 : index
    %swap3A_606 = arith.constant 21 : index
    %swap3A_607 = arith.constant 0 : index
    %swap3A_608 = vector.load %arg3[%swap3A_605, %swap3A_606, %swap3A_607] : memref<1x32x1024xi32, #tpu.memory_space<vmem>>, vector<1x1x1024xi32>
    %swap3A_609 = vector.shape_cast %swap3A_608 : vector<1x1x1024xi32> to vector<1024xi32>
    %swap3A_610 = vector.shape_cast %argmin3A_604 : vector<1024xi32> to vector<1x1x1024xi32>
    tpu.vector_store %arg3[%swap3A_605, %swap3A_606, %swap3A_607], %swap3A_610 {strides = array<i32>} : memref<1x32x1024xi32, #tpu.memory_space<vmem>>, vector<1x1x1024xi32>,
    %slice3A_611 = vector.extract_strided_slice %get3A_3 {offsets = [176, 0], sizes = [8, 1024], strides = [1, 1]} : vector<256x1024xf32> to vector<8x1024xf32>
    %get3A_612 = arith.constant 22 : index
    %get3A_613 = arith.constant 0 : index
    %get3A_614 = arith.constant 0 : index
    %get3A_615 = vector.load %arg2[%get3A_612, %get3A_613, %get3A_614] : memref<32x512x8xf32, #tpu.memory_space<vmem>>, vector<1x512x8xf32>
    %get3A_616 = vector.shape_cast %get3A_615 : vector<1x512x8xf32> to vector<512x8xf32>
    %add3A_617 = arith.addf %get3A_616, %get3A_616 : vector<512x8xf32>
    %dot_general3A_618 = arith.constant dense<0.000000e+00> : vector<512x1024xf32>
    %dot_general3A_619 = tpu.matmul %add3A_617, %slice3A_611, %dot_general3A_618 {dimension_numbers = #tpu.dot_dimension_numbers<[1], [0], [0], [1], [0, 0, 1, 1], [], []>, transpose_lhs_hint = false} : vector<512x8xf32>, vector<8x1024xf32>, vector<512x1024xf32> -> vector<512x1024xf32>
    %mul3A_620 = arith.mulf %get3A_616, %get3A_616 : vector<512x8xf32>
    %reduce_sum3A_621 = arith.constant dense<0.000000e+00> : vector<512xf32>
    %reduce_sum3A_622 = vector.multi_reduction <add>, %mul3A_620, %reduce_sum3A_621 [1] : vector<512x8xf32> to vector<512xf32>
    %broadcast_in_dim3A_623 = vector.shape_cast %reduce_sum3A_622 : vector<512xf32> to vector<512x1xf32>
    %mul3A_624 = arith.mulf %slice3A_611, %slice3A_611 : vector<8x1024xf32>
    %reduce_sum3A_625 = arith.constant dense<0.000000e+00> : vector<1024xf32>
    %reduce_sum3A_626 = vector.multi_reduction <add>, %mul3A_624, %reduce_sum3A_625 [0] : vector<8x1024xf32> to vector<1024xf32>
    %broadcast_in_dim3A_627 = vector.shape_cast %reduce_sum3A_626 : vector<1024xf32> to vector<1x1024xf32>
    %add3A_628 = vector.broadcast %broadcast_in_dim3A_627 : vector<1x1024xf32> to vector<512x1024xf32>
    %add3A_629 = vector.broadcast %broadcast_in_dim3A_623 : vector<512x1xf32> to vector<512x1024xf32>
    %add3A_630 = arith.addf %add3A_628, %add3A_629 : vector<512x1024xf32>
    %sub3A_631 = arith.subf %add3A_630, %dot_general3A_619 : vector<512x1024xf32>
    %argmin3A_632 = tpu.reduce_index %sub3A_631 {axis = 0 : i32, kind = #tpu.reduction_kind<arg_min>} : vector<512x1024xf32> -> vector<1024xi32>
    %swap3A_633 = arith.constant 0 : index
    %swap3A_634 = arith.constant 22 : index
    %swap3A_635 = arith.constant 0 : index
    %swap3A_636 = vector.load %arg3[%swap3A_633, %swap3A_634, %swap3A_635] : memref<1x32x1024xi32, #tpu.memory_space<vmem>>, vector<1x1x1024xi32>
    %swap3A_637 = vector.shape_cast %swap3A_636 : vector<1x1x1024xi32> to vector<1024xi32>
    %swap3A_638 = vector.shape_cast %argmin3A_632 : vector<1024xi32> to vector<1x1x1024xi32>
    tpu.vector_store %arg3[%swap3A_633, %swap3A_634, %swap3A_635], %swap3A_638 {strides = array<i32>} : memref<1x32x1024xi32, #tpu.memory_space<vmem>>, vector<1x1x1024xi32>,
    %slice3A_639 = vector.extract_strided_slice %get3A_3 {offsets = [184, 0], sizes = [8, 1024], strides = [1, 1]} : vector<256x1024xf32> to vector<8x1024xf32>
    %get3A_640 = arith.constant 23 : index
    %get3A_641 = arith.constant 0 : index
    %get3A_642 = arith.constant 0 : index
    %get3A_643 = vector.load %arg2[%get3A_640, %get3A_641, %get3A_642] : memref<32x512x8xf32, #tpu.memory_space<vmem>>, vector<1x512x8xf32>
    %get3A_644 = vector.shape_cast %get3A_643 : vector<1x512x8xf32> to vector<512x8xf32>
    %add3A_645 = arith.addf %get3A_644, %get3A_644 : vector<512x8xf32>
    %dot_general3A_646 = arith.constant dense<0.000000e+00> : vector<512x1024xf32>
    %dot_general3A_647 = tpu.matmul %add3A_645, %slice3A_639, %dot_general3A_646 {dimension_numbers = #tpu.dot_dimension_numbers<[1], [0], [0], [1], [0, 0, 1, 1], [], []>, transpose_lhs_hint = false} : vector<512x8xf32>, vector<8x1024xf32>, vector<512x1024xf32> -> vector<512x1024xf32>
    %mul3A_648 = arith.mulf %get3A_644, %get3A_644 : vector<512x8xf32>
    %reduce_sum3A_649 = arith.constant dense<0.000000e+00> : vector<512xf32>
    %reduce_sum3A_650 = vector.multi_reduction <add>, %mul3A_648, %reduce_sum3A_649 [1] : vector<512x8xf32> to vector<512xf32>
    %broadcast_in_dim3A_651 = vector.shape_cast %reduce_sum3A_650 : vector<512xf32> to vector<512x1xf32>
    %mul3A_652 = arith.mulf %slice3A_639, %slice3A_639 : vector<8x1024xf32>
    %reduce_sum3A_653 = arith.constant dense<0.000000e+00> : vector<1024xf32>
    %reduce_sum3A_654 = vector.multi_reduction <add>, %mul3A_652, %reduce_sum3A_653 [0] : vector<8x1024xf32> to vector<1024xf32>
    %broadcast_in_dim3A_655 = vector.shape_cast %reduce_sum3A_654 : vector<1024xf32> to vector<1x1024xf32>
    %add3A_656 = vector.broadcast %broadcast_in_dim3A_655 : vector<1x1024xf32> to vector<512x1024xf32>
    %add3A_657 = vector.broadcast %broadcast_in_dim3A_651 : vector<512x1xf32> to vector<512x1024xf32>
    %add3A_658 = arith.addf %add3A_656, %add3A_657 : vector<512x1024xf32>
    %sub3A_659 = arith.subf %add3A_658, %dot_general3A_647 : vector<512x1024xf32>
    %argmin3A_660 = tpu.reduce_index %sub3A_659 {axis = 0 : i32, kind = #tpu.reduction_kind<arg_min>} : vector<512x1024xf32> -> vector<1024xi32>
    %swap3A_661 = arith.constant 0 : index
    %swap3A_662 = arith.constant 23 : index
    %swap3A_663 = arith.constant 0 : index
    %swap3A_664 = vector.load %arg3[%swap3A_661, %swap3A_662, %swap3A_663] : memref<1x32x1024xi32, #tpu.memory_space<vmem>>, vector<1x1x1024xi32>
    %swap3A_665 = vector.shape_cast %swap3A_664 : vector<1x1x1024xi32> to vector<1024xi32>
    %swap3A_666 = vector.shape_cast %argmin3A_660 : vector<1024xi32> to vector<1x1x1024xi32>
    tpu.vector_store %arg3[%swap3A_661, %swap3A_662, %swap3A_663], %swap3A_666 {strides = array<i32>} : memref<1x32x1024xi32, #tpu.memory_space<vmem>>, vector<1x1x1024xi32>,
    %slice3A_667 = vector.extract_strided_slice %get3A_3 {offsets = [192, 0], sizes = [8, 1024], strides = [1, 1]} : vector<256x1024xf32> to vector<8x1024xf32>
    %get3A_668 = arith.constant 24 : index
    %get3A_669 = arith.constant 0 : index
    %get3A_670 = arith.constant 0 : index
    %get3A_671 = vector.load %arg2[%get3A_668, %get3A_669, %get3A_670] : memref<32x512x8xf32, #tpu.memory_space<vmem>>, vector<1x512x8xf32>
    %get3A_672 = vector.shape_cast %get3A_671 : vector<1x512x8xf32> to vector<512x8xf32>
    %add3A_673 = arith.addf %get3A_672, %get3A_672 : vector<512x8xf32>
    %dot_general3A_674 = arith.constant dense<0.000000e+00> : vector<512x1024xf32>
    %dot_general3A_675 = tpu.matmul %add3A_673, %slice3A_667, %dot_general3A_674 {dimension_numbers = #tpu.dot_dimension_numbers<[1], [0], [0], [1], [0, 0, 1, 1], [], []>, transpose_lhs_hint = false} : vector<512x8xf32>, vector<8x1024xf32>, vector<512x1024xf32> -> vector<512x1024xf32>
    %mul3A_676 = arith.mulf %get3A_672, %get3A_672 : vector<512x8xf32>
    %reduce_sum3A_677 = arith.constant dense<0.000000e+00> : vector<512xf32>
    %reduce_sum3A_678 = vector.multi_reduction <add>, %mul3A_676, %reduce_sum3A_677 [1] : vector<512x8xf32> to vector<512xf32>
    %broadcast_in_dim3A_679 = vector.shape_cast %reduce_sum3A_678 : vector<512xf32> to vector<512x1xf32>
    %mul3A_680 = arith.mulf %slice3A_667, %slice3A_667 : vector<8x1024xf32>
    %reduce_sum3A_681 = arith.constant dense<0.000000e+00> : vector<1024xf32>
    %reduce_sum3A_682 = vector.multi_reduction <add>, %mul3A_680, %reduce_sum3A_681 [0] : vector<8x1024xf32> to vector<1024xf32>
    %broadcast_in_dim3A_683 = vector.shape_cast %reduce_sum3A_682 : vector<1024xf32> to vector<1x1024xf32>
    %add3A_684 = vector.broadcast %broadcast_in_dim3A_683 : vector<1x1024xf32> to vector<512x1024xf32>
    %add3A_685 = vector.broadcast %broadcast_in_dim3A_679 : vector<512x1xf32> to vector<512x1024xf32>
    %add3A_686 = arith.addf %add3A_684, %add3A_685 : vector<512x1024xf32>
    %sub3A_687 = arith.subf %add3A_686, %dot_general3A_675 : vector<512x1024xf32>
    %argmin3A_688 = tpu.reduce_index %sub3A_687 {axis = 0 : i32, kind = #tpu.reduction_kind<arg_min>} : vector<512x1024xf32> -> vector<1024xi32>
    %swap3A_689 = arith.constant 0 : index
    %swap3A_690 = arith.constant 24 : index
    %swap3A_691 = arith.constant 0 : index
    %swap3A_692 = vector.load %arg3[%swap3A_689, %swap3A_690, %swap3A_691] : memref<1x32x1024xi32, #tpu.memory_space<vmem>>, vector<1x1x1024xi32>
    %swap3A_693 = vector.shape_cast %swap3A_692 : vector<1x1x1024xi32> to vector<1024xi32>
    %swap3A_694 = vector.shape_cast %argmin3A_688 : vector<1024xi32> to vector<1x1x1024xi32>
    tpu.vector_store %arg3[%swap3A_689, %swap3A_690, %swap3A_691], %swap3A_694 {strides = array<i32>} : memref<1x32x1024xi32, #tpu.memory_space<vmem>>, vector<1x1x1024xi32>,
    %slice3A_695 = vector.extract_strided_slice %get3A_3 {offsets = [200, 0], sizes = [8, 1024], strides = [1, 1]} : vector<256x1024xf32> to vector<8x1024xf32>
    %get3A_696 = arith.constant 25 : index
    %get3A_697 = arith.constant 0 : index
    %get3A_698 = arith.constant 0 : index
    %get3A_699 = vector.load %arg2[%get3A_696, %get3A_697, %get3A_698] : memref<32x512x8xf32, #tpu.memory_space<vmem>>, vector<1x512x8xf32>
    %get3A_700 = vector.shape_cast %get3A_699 : vector<1x512x8xf32> to vector<512x8xf32>
    %add3A_701 = arith.addf %get3A_700, %get3A_700 : vector<512x8xf32>
    %dot_general3A_702 = arith.constant dense<0.000000e+00> : vector<512x1024xf32>
    %dot_general3A_703 = tpu.matmul %add3A_701, %slice3A_695, %dot_general3A_702 {dimension_numbers = #tpu.dot_dimension_numbers<[1], [0], [0], [1], [0, 0, 1, 1], [], []>, transpose_lhs_hint = false} : vector<512x8xf32>, vector<8x1024xf32>, vector<512x1024xf32> -> vector<512x1024xf32>
    %mul3A_704 = arith.mulf %get3A_700, %get3A_700 : vector<512x8xf32>
    %reduce_sum3A_705 = arith.constant dense<0.000000e+00> : vector<512xf32>
    %reduce_sum3A_706 = vector.multi_reduction <add>, %mul3A_704, %reduce_sum3A_705 [1] : vector<512x8xf32> to vector<512xf32>
    %broadcast_in_dim3A_707 = vector.shape_cast %reduce_sum3A_706 : vector<512xf32> to vector<512x1xf32>
    %mul3A_708 = arith.mulf %slice3A_695, %slice3A_695 : vector<8x1024xf32>
    %reduce_sum3A_709 = arith.constant dense<0.000000e+00> : vector<1024xf32>
    %reduce_sum3A_710 = vector.multi_reduction <add>, %mul3A_708, %reduce_sum3A_709 [0] : vector<8x1024xf32> to vector<1024xf32>
    %broadcast_in_dim3A_711 = vector.shape_cast %reduce_sum3A_710 : vector<1024xf32> to vector<1x1024xf32>
    %add3A_712 = vector.broadcast %broadcast_in_dim3A_711 : vector<1x1024xf32> to vector<512x1024xf32>
    %add3A_713 = vector.broadcast %broadcast_in_dim3A_707 : vector<512x1xf32> to vector<512x1024xf32>
    %add3A_714 = arith.addf %add3A_712, %add3A_713 : vector<512x1024xf32>
    %sub3A_715 = arith.subf %add3A_714, %dot_general3A_703 : vector<512x1024xf32>
    %argmin3A_716 = tpu.reduce_index %sub3A_715 {axis = 0 : i32, kind = #tpu.reduction_kind<arg_min>} : vector<512x1024xf32> -> vector<1024xi32>
    %swap3A_717 = arith.constant 0 : index
    %swap3A_718 = arith.constant 25 : index
    %swap3A_719 = arith.constant 0 : index
    %swap3A_720 = vector.load %arg3[%swap3A_717, %swap3A_718, %swap3A_719] : memref<1x32x1024xi32, #tpu.memory_space<vmem>>, vector<1x1x1024xi32>
    %swap3A_721 = vector.shape_cast %swap3A_720 : vector<1x1x1024xi32> to vector<1024xi32>
    %swap3A_722 = vector.shape_cast %argmin3A_716 : vector<1024xi32> to vector<1x1x1024xi32>
    tpu.vector_store %arg3[%swap3A_717, %swap3A_718, %swap3A_719], %swap3A_722 {strides = array<i32>} : memref<1x32x1024xi32, #tpu.memory_space<vmem>>, vector<1x1x1024xi32>,
    %slice3A_723 = vector.extract_strided_slice %get3A_3 {offsets = [208, 0], sizes = [8, 1024], strides = [1, 1]} : vector<256x1024xf32> to vector<8x1024xf32>
    %get3A_724 = arith.constant 26 : index
    %get3A_725 = arith.constant 0 : index
    %get3A_726 = arith.constant 0 : index
    %get3A_727 = vector.load %arg2[%get3A_724, %get3A_725, %get3A_726] : memref<32x512x8xf32, #tpu.memory_space<vmem>>, vector<1x512x8xf32>
    %get3A_728 = vector.shape_cast %get3A_727 : vector<1x512x8xf32> to vector<512x8xf32>
    %add3A_729 = arith.addf %get3A_728, %get3A_728 : vector<512x8xf32>
    %dot_general3A_730 = arith.constant dense<0.000000e+00> : vector<512x1024xf32>
    %dot_general3A_731 = tpu.matmul %add3A_729, %slice3A_723, %dot_general3A_730 {dimension_numbers = #tpu.dot_dimension_numbers<[1], [0], [0], [1], [0, 0, 1, 1], [], []>, transpose_lhs_hint = false} : vector<512x8xf32>, vector<8x1024xf32>, vector<512x1024xf32> -> vector<512x1024xf32>
    %mul3A_732 = arith.mulf %get3A_728, %get3A_728 : vector<512x8xf32>
    %reduce_sum3A_733 = arith.constant dense<0.000000e+00> : vector<512xf32>
    %reduce_sum3A_734 = vector.multi_reduction <add>, %mul3A_732, %reduce_sum3A_733 [1] : vector<512x8xf32> to vector<512xf32>
    %broadcast_in_dim3A_735 = vector.shape_cast %reduce_sum3A_734 : vector<512xf32> to vector<512x1xf32>
    %mul3A_736 = arith.mulf %slice3A_723, %slice3A_723 : vector<8x1024xf32>
    %reduce_sum3A_737 = arith.constant dense<0.000000e+00> : vector<1024xf32>
    %reduce_sum3A_738 = vector.multi_reduction <add>, %mul3A_736, %reduce_sum3A_737 [0] : vector<8x1024xf32> to vector<1024xf32>
    %broadcast_in_dim3A_739 = vector.shape_cast %reduce_sum3A_738 : vector<1024xf32> to vector<1x1024xf32>
    %add3A_740 = vector.broadcast %broadcast_in_dim3A_739 : vector<1x1024xf32> to vector<512x1024xf32>
    %add3A_741 = vector.broadcast %broadcast_in_dim3A_735 : vector<512x1xf32> to vector<512x1024xf32>
    %add3A_742 = arith.addf %add3A_740, %add3A_741 : vector<512x1024xf32>
    %sub3A_743 = arith.subf %add3A_742, %dot_general3A_731 : vector<512x1024xf32>
    %argmin3A_744 = tpu.reduce_index %sub3A_743 {axis = 0 : i32, kind = #tpu.reduction_kind<arg_min>} : vector<512x1024xf32> -> vector<1024xi32>
    %swap3A_745 = arith.constant 0 : index
    %swap3A_746 = arith.constant 26 : index
    %swap3A_747 = arith.constant 0 : index
    %swap3A_748 = vector.load %arg3[%swap3A_745, %swap3A_746, %swap3A_747] : memref<1x32x1024xi32, #tpu.memory_space<vmem>>, vector<1x1x1024xi32>
    %swap3A_749 = vector.shape_cast %swap3A_748 : vector<1x1x1024xi32> to vector<1024xi32>
    %swap3A_750 = vector.shape_cast %argmin3A_744 : vector<1024xi32> to vector<1x1x1024xi32>
    tpu.vector_store %arg3[%swap3A_745, %swap3A_746, %swap3A_747], %swap3A_750 {strides = array<i32>} : memref<1x32x1024xi32, #tpu.memory_space<vmem>>, vector<1x1x1024xi32>,
    %slice3A_751 = vector.extract_strided_slice %get3A_3 {offsets = [216, 0], sizes = [8, 1024], strides = [1, 1]} : vector<256x1024xf32> to vector<8x1024xf32>
    %get3A_752 = arith.constant 27 : index
    %get3A_753 = arith.constant 0 : index
    %get3A_754 = arith.constant 0 : index
    %get3A_755 = vector.load %arg2[%get3A_752, %get3A_753, %get3A_754] : memref<32x512x8xf32, #tpu.memory_space<vmem>>, vector<1x512x8xf32>
    %get3A_756 = vector.shape_cast %get3A_755 : vector<1x512x8xf32> to vector<512x8xf32>
    %add3A_757 = arith.addf %get3A_756, %get3A_756 : vector<512x8xf32>
    %dot_general3A_758 = arith.constant dense<0.000000e+00> : vector<512x1024xf32>
    %dot_general3A_759 = tpu.matmul %add3A_757, %slice3A_751, %dot_general3A_758 {dimension_numbers = #tpu.dot_dimension_numbers<[1], [0], [0], [1], [0, 0, 1, 1], [], []>, transpose_lhs_hint = false} : vector<512x8xf32>, vector<8x1024xf32>, vector<512x1024xf32> -> vector<512x1024xf32>
    %mul3A_760 = arith.mulf %get3A_756, %get3A_756 : vector<512x8xf32>
    %reduce_sum3A_761 = arith.constant dense<0.000000e+00> : vector<512xf32>
    %reduce_sum3A_762 = vector.multi_reduction <add>, %mul3A_760, %reduce_sum3A_761 [1] : vector<512x8xf32> to vector<512xf32>
    %broadcast_in_dim3A_763 = vector.shape_cast %reduce_sum3A_762 : vector<512xf32> to vector<512x1xf32>
    %mul3A_764 = arith.mulf %slice3A_751, %slice3A_751 : vector<8x1024xf32>
    %reduce_sum3A_765 = arith.constant dense<0.000000e+00> : vector<1024xf32>
    %reduce_sum3A_766 = vector.multi_reduction <add>, %mul3A_764, %reduce_sum3A_765 [0] : vector<8x1024xf32> to vector<1024xf32>
    %broadcast_in_dim3A_767 = vector.shape_cast %reduce_sum3A_766 : vector<1024xf32> to vector<1x1024xf32>
    %add3A_768 = vector.broadcast %broadcast_in_dim3A_767 : vector<1x1024xf32> to vector<512x1024xf32>
    %add3A_769 = vector.broadcast %broadcast_in_dim3A_763 : vector<512x1xf32> to vector<512x1024xf32>
    %add3A_770 = arith.addf %add3A_768, %add3A_769 : vector<512x1024xf32>
    %sub3A_771 = arith.subf %add3A_770, %dot_general3A_759 : vector<512x1024xf32>
    %argmin3A_772 = tpu.reduce_index %sub3A_771 {axis = 0 : i32, kind = #tpu.reduction_kind<arg_min>} : vector<512x1024xf32> -> vector<1024xi32>
    %swap3A_773 = arith.constant 0 : index
    %swap3A_774 = arith.constant 27 : index
    %swap3A_775 = arith.constant 0 : index
    %swap3A_776 = vector.load %arg3[%swap3A_773, %swap3A_774, %swap3A_775] : memref<1x32x1024xi32, #tpu.memory_space<vmem>>, vector<1x1x1024xi32>
    %swap3A_777 = vector.shape_cast %swap3A_776 : vector<1x1x1024xi32> to vector<1024xi32>
    %swap3A_778 = vector.shape_cast %argmin3A_772 : vector<1024xi32> to vector<1x1x1024xi32>
    tpu.vector_store %arg3[%swap3A_773, %swap3A_774, %swap3A_775], %swap3A_778 {strides = array<i32>} : memref<1x32x1024xi32, #tpu.memory_space<vmem>>, vector<1x1x1024xi32>,
    %slice3A_779 = vector.extract_strided_slice %get3A_3 {offsets = [224, 0], sizes = [8, 1024], strides = [1, 1]} : vector<256x1024xf32> to vector<8x1024xf32>
    %get3A_780 = arith.constant 28 : index
    %get3A_781 = arith.constant 0 : index
    %get3A_782 = arith.constant 0 : index
    %get3A_783 = vector.load %arg2[%get3A_780, %get3A_781, %get3A_782] : memref<32x512x8xf32, #tpu.memory_space<vmem>>, vector<1x512x8xf32>
    %get3A_784 = vector.shape_cast %get3A_783 : vector<1x512x8xf32> to vector<512x8xf32>
    %add3A_785 = arith.addf %get3A_784, %get3A_784 : vector<512x8xf32>
    %dot_general3A_786 = arith.constant dense<0.000000e+00> : vector<512x1024xf32>
    %dot_general3A_787 = tpu.matmul %add3A_785, %slice3A_779, %dot_general3A_786 {dimension_numbers = #tpu.dot_dimension_numbers<[1], [0], [0], [1], [0, 0, 1, 1], [], []>, transpose_lhs_hint = false} : vector<512x8xf32>, vector<8x1024xf32>, vector<512x1024xf32> -> vector<512x1024xf32>
    %mul3A_788 = arith.mulf %get3A_784, %get3A_784 : vector<512x8xf32>
    %reduce_sum3A_789 = arith.constant dense<0.000000e+00> : vector<512xf32>
    %reduce_sum3A_790 = vector.multi_reduction <add>, %mul3A_788, %reduce_sum3A_789 [1] : vector<512x8xf32> to vector<512xf32>
    %broadcast_in_dim3A_791 = vector.shape_cast %reduce_sum3A_790 : vector<512xf32> to vector<512x1xf32>
    %mul3A_792 = arith.mulf %slice3A_779, %slice3A_779 : vector<8x1024xf32>
    %reduce_sum3A_793 = arith.constant dense<0.000000e+00> : vector<1024xf32>
    %reduce_sum3A_794 = vector.multi_reduction <add>, %mul3A_792, %reduce_sum3A_793 [0] : vector<8x1024xf32> to vector<1024xf32>
    %broadcast_in_dim3A_795 = vector.shape_cast %reduce_sum3A_794 : vector<1024xf32> to vector<1x1024xf32>
    %add3A_796 = vector.broadcast %broadcast_in_dim3A_795 : vector<1x1024xf32> to vector<512x1024xf32>
    %add3A_797 = vector.broadcast %broadcast_in_dim3A_791 : vector<512x1xf32> to vector<512x1024xf32>
    %add3A_798 = arith.addf %add3A_796, %add3A_797 : vector<512x1024xf32>
    %sub3A_799 = arith.subf %add3A_798, %dot_general3A_787 : vector<512x1024xf32>
    %argmin3A_800 = tpu.reduce_index %sub3A_799 {axis = 0 : i32, kind = #tpu.reduction_kind<arg_min>} : vector<512x1024xf32> -> vector<1024xi32>
    %swap3A_801 = arith.constant 0 : index
    %swap3A_802 = arith.constant 28 : index
    %swap3A_803 = arith.constant 0 : index
    %swap3A_804 = vector.load %arg3[%swap3A_801, %swap3A_802, %swap3A_803] : memref<1x32x1024xi32, #tpu.memory_space<vmem>>, vector<1x1x1024xi32>
    %swap3A_805 = vector.shape_cast %swap3A_804 : vector<1x1x1024xi32> to vector<1024xi32>
    %swap3A_806 = vector.shape_cast %argmin3A_800 : vector<1024xi32> to vector<1x1x1024xi32>
    tpu.vector_store %arg3[%swap3A_801, %swap3A_802, %swap3A_803], %swap3A_806 {strides = array<i32>} : memref<1x32x1024xi32, #tpu.memory_space<vmem>>, vector<1x1x1024xi32>,
    %slice3A_807 = vector.extract_strided_slice %get3A_3 {offsets = [232, 0], sizes = [8, 1024], strides = [1, 1]} : vector<256x1024xf32> to vector<8x1024xf32>
    %get3A_808 = arith.constant 29 : index
    %get3A_809 = arith.constant 0 : index
    %get3A_810 = arith.constant 0 : index
    %get3A_811 = vector.load %arg2[%get3A_808, %get3A_809, %get3A_810] : memref<32x512x8xf32, #tpu.memory_space<vmem>>, vector<1x512x8xf32>
    %get3A_812 = vector.shape_cast %get3A_811 : vector<1x512x8xf32> to vector<512x8xf32>
    %add3A_813 = arith.addf %get3A_812, %get3A_812 : vector<512x8xf32>
    %dot_general3A_814 = arith.constant dense<0.000000e+00> : vector<512x1024xf32>
    %dot_general3A_815 = tpu.matmul %add3A_813, %slice3A_807, %dot_general3A_814 {dimension_numbers = #tpu.dot_dimension_numbers<[1], [0], [0], [1], [0, 0, 1, 1], [], []>, transpose_lhs_hint = false} : vector<512x8xf32>, vector<8x1024xf32>, vector<512x1024xf32> -> vector<512x1024xf32>
    %mul3A_816 = arith.mulf %get3A_812, %get3A_812 : vector<512x8xf32>
    %reduce_sum3A_817 = arith.constant dense<0.000000e+00> : vector<512xf32>
    %reduce_sum3A_818 = vector.multi_reduction <add>, %mul3A_816, %reduce_sum3A_817 [1] : vector<512x8xf32> to vector<512xf32>
    %broadcast_in_dim3A_819 = vector.shape_cast %reduce_sum3A_818 : vector<512xf32> to vector<512x1xf32>
    %mul3A_820 = arith.mulf %slice3A_807, %slice3A_807 : vector<8x1024xf32>
    %reduce_sum3A_821 = arith.constant dense<0.000000e+00> : vector<1024xf32>
    %reduce_sum3A_822 = vector.multi_reduction <add>, %mul3A_820, %reduce_sum3A_821 [0] : vector<8x1024xf32> to vector<1024xf32>
    %broadcast_in_dim3A_823 = vector.shape_cast %reduce_sum3A_822 : vector<1024xf32> to vector<1x1024xf32>
    %add3A_824 = vector.broadcast %broadcast_in_dim3A_823 : vector<1x1024xf32> to vector<512x1024xf32>
    %add3A_825 = vector.broadcast %broadcast_in_dim3A_819 : vector<512x1xf32> to vector<512x1024xf32>
    %add3A_826 = arith.addf %add3A_824, %add3A_825 : vector<512x1024xf32>
    %sub3A_827 = arith.subf %add3A_826, %dot_general3A_815 : vector<512x1024xf32>
    %argmin3A_828 = tpu.reduce_index %sub3A_827 {axis = 0 : i32, kind = #tpu.reduction_kind<arg_min>} : vector<512x1024xf32> -> vector<1024xi32>
    %swap3A_829 = arith.constant 0 : index
    %swap3A_830 = arith.constant 29 : index
    %swap3A_831 = arith.constant 0 : index
    %swap3A_832 = vector.load %arg3[%swap3A_829, %swap3A_830, %swap3A_831] : memref<1x32x1024xi32, #tpu.memory_space<vmem>>, vector<1x1x1024xi32>
    %swap3A_833 = vector.shape_cast %swap3A_832 : vector<1x1x1024xi32> to vector<1024xi32>
    %swap3A_834 = vector.shape_cast %argmin3A_828 : vector<1024xi32> to vector<1x1x1024xi32>
    tpu.vector_store %arg3[%swap3A_829, %swap3A_830, %swap3A_831], %swap3A_834 {strides = array<i32>} : memref<1x32x1024xi32, #tpu.memory_space<vmem>>, vector<1x1x1024xi32>,
    %slice3A_835 = vector.extract_strided_slice %get3A_3 {offsets = [240, 0], sizes = [8, 1024], strides = [1, 1]} : vector<256x1024xf32> to vector<8x1024xf32>
    %get3A_836 = arith.constant 30 : index
    %get3A_837 = arith.constant 0 : index
    %get3A_838 = arith.constant 0 : index
    %get3A_839 = vector.load %arg2[%get3A_836, %get3A_837, %get3A_838] : memref<32x512x8xf32, #tpu.memory_space<vmem>>, vector<1x512x8xf32>
    %get3A_840 = vector.shape_cast %get3A_839 : vector<1x512x8xf32> to vector<512x8xf32>
    %add3A_841 = arith.addf %get3A_840, %get3A_840 : vector<512x8xf32>
    %dot_general3A_842 = arith.constant dense<0.000000e+00> : vector<512x1024xf32>
    %dot_general3A_843 = tpu.matmul %add3A_841, %slice3A_835, %dot_general3A_842 {dimension_numbers = #tpu.dot_dimension_numbers<[1], [0], [0], [1], [0, 0, 1, 1], [], []>, transpose_lhs_hint = false} : vector<512x8xf32>, vector<8x1024xf32>, vector<512x1024xf32> -> vector<512x1024xf32>
    %mul3A_844 = arith.mulf %get3A_840, %get3A_840 : vector<512x8xf32>
    %reduce_sum3A_845 = arith.constant dense<0.000000e+00> : vector<512xf32>
    %reduce_sum3A_846 = vector.multi_reduction <add>, %mul3A_844, %reduce_sum3A_845 [1] : vector<512x8xf32> to vector<512xf32>
    %broadcast_in_dim3A_847 = vector.shape_cast %reduce_sum3A_846 : vector<512xf32> to vector<512x1xf32>
    %mul3A_848 = arith.mulf %slice3A_835, %slice3A_835 : vector<8x1024xf32>
    %reduce_sum3A_849 = arith.constant dense<0.000000e+00> : vector<1024xf32>
    %reduce_sum3A_850 = vector.multi_reduction <add>, %mul3A_848, %reduce_sum3A_849 [0] : vector<8x1024xf32> to vector<1024xf32>
    %broadcast_in_dim3A_851 = vector.shape_cast %reduce_sum3A_850 : vector<1024xf32> to vector<1x1024xf32>
    %add3A_852 = vector.broadcast %broadcast_in_dim3A_851 : vector<1x1024xf32> to vector<512x1024xf32>
    %add3A_853 = vector.broadcast %broadcast_in_dim3A_847 : vector<512x1xf32> to vector<512x1024xf32>
    %add3A_854 = arith.addf %add3A_852, %add3A_853 : vector<512x1024xf32>
    %sub3A_855 = arith.subf %add3A_854, %dot_general3A_843 : vector<512x1024xf32>
    %argmin3A_856 = tpu.reduce_index %sub3A_855 {axis = 0 : i32, kind = #tpu.reduction_kind<arg_min>} : vector<512x1024xf32> -> vector<1024xi32>
    %swap3A_857 = arith.constant 0 : index
    %swap3A_858 = arith.constant 30 : index
    %swap3A_859 = arith.constant 0 : index
    %swap3A_860 = vector.load %arg3[%swap3A_857, %swap3A_858, %swap3A_859] : memref<1x32x1024xi32, #tpu.memory_space<vmem>>, vector<1x1x1024xi32>
    %swap3A_861 = vector.shape_cast %swap3A_860 : vector<1x1x1024xi32> to vector<1024xi32>
    %swap3A_862 = vector.shape_cast %argmin3A_856 : vector<1024xi32> to vector<1x1x1024xi32>
    tpu.vector_store %arg3[%swap3A_857, %swap3A_858, %swap3A_859], %swap3A_862 {strides = array<i32>} : memref<1x32x1024xi32, #tpu.memory_space<vmem>>, vector<1x1x1024xi32>,
    %slice3A_863 = vector.extract_strided_slice %get3A_3 {offsets = [248, 0], sizes = [8, 1024], strides = [1, 1]} : vector<256x1024xf32> to vector<8x1024xf32>
    %get3A_864 = arith.constant 31 : index
    %get3A_865 = arith.constant 0 : index
    %get3A_866 = arith.constant 0 : index
    %get3A_867 = vector.load %arg2[%get3A_864, %get3A_865, %get3A_866] : memref<32x512x8xf32, #tpu.memory_space<vmem>>, vector<1x512x8xf32>
    %get3A_868 = vector.shape_cast %get3A_867 : vector<1x512x8xf32> to vector<512x8xf32>
    %add3A_869 = arith.addf %get3A_868, %get3A_868 : vector<512x8xf32>
    %dot_general3A_870 = arith.constant dense<0.000000e+00> : vector<512x1024xf32>
    %dot_general3A_871 = tpu.matmul %add3A_869, %slice3A_863, %dot_general3A_870 {dimension_numbers = #tpu.dot_dimension_numbers<[1], [0], [0], [1], [0, 0, 1, 1], [], []>, transpose_lhs_hint = false} : vector<512x8xf32>, vector<8x1024xf32>, vector<512x1024xf32> -> vector<512x1024xf32>
    %mul3A_872 = arith.mulf %get3A_868, %get3A_868 : vector<512x8xf32>
    %reduce_sum3A_873 = arith.constant dense<0.000000e+00> : vector<512xf32>
    %reduce_sum3A_874 = vector.multi_reduction <add>, %mul3A_872, %reduce_sum3A_873 [1] : vector<512x8xf32> to vector<512xf32>
    %broadcast_in_dim3A_875 = vector.shape_cast %reduce_sum3A_874 : vector<512xf32> to vector<512x1xf32>
    %mul3A_876 = arith.mulf %slice3A_863, %slice3A_863 : vector<8x1024xf32>
    %reduce_sum3A_877 = arith.constant dense<0.000000e+00> : vector<1024xf32>
    %reduce_sum3A_878 = vector.multi_reduction <add>, %mul3A_876, %reduce_sum3A_877 [0] : vector<8x1024xf32> to vector<1024xf32>
    %broadcast_in_dim3A_879 = vector.shape_cast %reduce_sum3A_878 : vector<1024xf32> to vector<1x1024xf32>
    %add3A_880 = vector.broadcast %broadcast_in_dim3A_879 : vector<1x1024xf32> to vector<512x1024xf32>
    %add3A_881 = vector.broadcast %broadcast_in_dim3A_875 : vector<512x1xf32> to vector<512x1024xf32>
    %add3A_882 = arith.addf %add3A_880, %add3A_881 : vector<512x1024xf32>
    %sub3A_883 = arith.subf %add3A_882, %dot_general3A_871 : vector<512x1024xf32>
    %argmin3A_884 = tpu.reduce_index %sub3A_883 {axis = 0 : i32, kind = #tpu.reduction_kind<arg_min>} : vector<512x1024xf32> -> vector<1024xi32>
    %swap3A_885 = arith.constant 0 : index
    %swap3A_886 = arith.constant 31 : index
    %swap3A_887 = arith.constant 0 : index
    %swap3A_888 = vector.load %arg3[%swap3A_885, %swap3A_886, %swap3A_887] : memref<1x32x1024xi32, #tpu.memory_space<vmem>>, vector<1x1x1024xi32>
    %swap3A_889 = vector.shape_cast %swap3A_888 : vector<1x1x1024xi32> to vector<1024xi32>
    %swap3A_890 = vector.shape_cast %argmin3A_884 : vector<1024xi32> to vector<1x1x1024xi32>
    tpu.vector_store %arg3[%swap3A_885, %swap3A_886, %swap3A_887], %swap3A_890 {strides = array<i32>} : memref<1x32x1024xi32, #tpu.memory_space<vmem>>, vector<1x1x1024xi32>,
    %eq3A = arith.constant 0 : i32
    %eq3A_891 = arith.cmpi eq, %arg0, %eq3A : i32
    %convert_element_type3A = arith.extui %eq3A_891 : i1 to i32
    %cond3A = arith.constant 0 : i32
    %cond3A_892 = arith.cmpi ne, %convert_element_type3A, %cond3A : i32
    scf.if %cond3A_892 {
      %get3A_893 = arith.constant 0 : index
      %get3A_894 = arith.constant 0 : index
      %get3A_895 = arith.constant 0 : index
      %get3A_896 = vector.load %arg2[%get3A_893, %get3A_894, %get3A_895] : memref<32x512x8xf32, #tpu.memory_space<vmem>>, vector<1x512x8xf32>
      %get3A_897 = vector.shape_cast %get3A_896 : vector<1x512x8xf32> to vector<512x8xf32>
      %transpose3A = tpu.transpose %get3A_897, [1, 0] : vector<512x8xf32> -> vector<8x512xf32>
      %swap3A_898 = arith.constant 0 : index
      %swap3A_899 = arith.constant 0 : index
      %swap3A_900 = arith.constant 0 : index
      %swap3A_901 = vector.load %arg4[%swap3A_898, %swap3A_899, %swap3A_900] : memref<32x8x512xf32, #tpu.memory_space<vmem>>, vector<1x8x512xf32>
      %swap3A_902 = vector.shape_cast %swap3A_901 : vector<1x8x512xf32> to vector<8x512xf32>
      %swap3A_903 = vector.shape_cast %transpose3A : vector<8x512xf32> to vector<1x8x512xf32>
      tpu.vector_store %arg4[%swap3A_898, %swap3A_899, %swap3A_900], %swap3A_903 {strides = array<i32>} : memref<32x8x512xf32, #tpu.memory_space<vmem>>, vector<1x8x512xf32>,
      %get3A_904 = arith.constant 1 : index
      %get3A_905 = arith.constant 0 : index
      %get3A_906 = arith.constant 0 : index
      %get3A_907 = vector.load %arg2[%get3A_904, %get3A_905, %get3A_906] : memref<32x512x8xf32, #tpu.memory_space<vmem>>, vector<1x512x8xf32>
      %get3A_908 = vector.shape_cast %get3A_907 : vector<1x512x8xf32> to vector<512x8xf32>
      %transpose3A_909 = tpu.transpose %get3A_908, [1, 0] : vector<512x8xf32> -> vector<8x512xf32>
      %swap3A_910 = arith.constant 1 : index
      %swap3A_911 = arith.constant 0 : index
      %swap3A_912 = arith.constant 0 : index
      %swap3A_913 = vector.load %arg4[%swap3A_910, %swap3A_911, %swap3A_912] : memref<32x8x512xf32, #tpu.memory_space<vmem>>, vector<1x8x512xf32>
      %swap3A_914 = vector.shape_cast %swap3A_913 : vector<1x8x512xf32> to vector<8x512xf32>
      %swap3A_915 = vector.shape_cast %transpose3A_909 : vector<8x512xf32> to vector<1x8x512xf32>
      tpu.vector_store %arg4[%swap3A_910, %swap3A_911, %swap3A_912], %swap3A_915 {strides = array<i32>} : memref<32x8x512xf32, #tpu.memory_space<vmem>>, vector<1x8x512xf32>,
      %get3A_916 = arith.constant 2 : index
      %get3A_917 = arith.constant 0 : index
      %get3A_918 = arith.constant 0 : index
      %get3A_919 = vector.load %arg2[%get3A_916, %get3A_917, %get3A_918] : memref<32x512x8xf32, #tpu.memory_space<vmem>>, vector<1x512x8xf32>
      %get3A_920 = vector.shape_cast %get3A_919 : vector<1x512x8xf32> to vector<512x8xf32>
      %transpose3A_921 = tpu.transpose %get3A_920, [1, 0] : vector<512x8xf32> -> vector<8x512xf32>
      %swap3A_922 = arith.constant 2 : index
      %swap3A_923 = arith.constant 0 : index
      %swap3A_924 = arith.constant 0 : index
      %swap3A_925 = vector.load %arg4[%swap3A_922, %swap3A_923, %swap3A_924] : memref<32x8x512xf32, #tpu.memory_space<vmem>>, vector<1x8x512xf32>
      %swap3A_926 = vector.shape_cast %swap3A_925 : vector<1x8x512xf32> to vector<8x512xf32>
      %swap3A_927 = vector.shape_cast %transpose3A_921 : vector<8x512xf32> to vector<1x8x512xf32>
      tpu.vector_store %arg4[%swap3A_922, %swap3A_923, %swap3A_924], %swap3A_927 {strides = array<i32>} : memref<32x8x512xf32, #tpu.memory_space<vmem>>, vector<1x8x512xf32>,
      %get3A_928 = arith.constant 3 : index
      %get3A_929 = arith.constant 0 : index
      %get3A_930 = arith.constant 0 : index
      %get3A_931 = vector.load %arg2[%get3A_928, %get3A_929, %get3A_930] : memref<32x512x8xf32, #tpu.memory_space<vmem>>, vector<1x512x8xf32>
      %get3A_932 = vector.shape_cast %get3A_931 : vector<1x512x8xf32> to vector<512x8xf32>
      %transpose3A_933 = tpu.transpose %get3A_932, [1, 0] : vector<512x8xf32> -> vector<8x512xf32>
      %swap3A_934 = arith.constant 3 : index
      %swap3A_935 = arith.constant 0 : index
      %swap3A_936 = arith.constant 0 : index
      %swap3A_937 = vector.load %arg4[%swap3A_934, %swap3A_935, %swap3A_936] : memref<32x8x512xf32, #tpu.memory_space<vmem>>, vector<1x8x512xf32>
      %swap3A_938 = vector.shape_cast %swap3A_937 : vector<1x8x512xf32> to vector<8x512xf32>
      %swap3A_939 = vector.shape_cast %transpose3A_933 : vector<8x512xf32> to vector<1x8x512xf32>
      tpu.vector_store %arg4[%swap3A_934, %swap3A_935, %swap3A_936], %swap3A_939 {strides = array<i32>} : memref<32x8x512xf32, #tpu.memory_space<vmem>>, vector<1x8x512xf32>,
      %get3A_940 = arith.constant 4 : index
      %get3A_941 = arith.constant 0 : index
      %get3A_942 = arith.constant 0 : index
      %get3A_943 = vector.load %arg2[%get3A_940, %get3A_941, %get3A_942] : memref<32x512x8xf32, #tpu.memory_space<vmem>>, vector<1x512x8xf32>
      %get3A_944 = vector.shape_cast %get3A_943 : vector<1x512x8xf32> to vector<512x8xf32>
      %transpose3A_945 = tpu.transpose %get3A_944, [1, 0] : vector<512x8xf32> -> vector<8x512xf32>
      %swap3A_946 = arith.constant 4 : index
      %swap3A_947 = arith.constant 0 : index
      %swap3A_948 = arith.constant 0 : index
      %swap3A_949 = vector.load %arg4[%swap3A_946, %swap3A_947, %swap3A_948] : memref<32x8x512xf32, #tpu.memory_space<vmem>>, vector<1x8x512xf32>
      %swap3A_950 = vector.shape_cast %swap3A_949 : vector<1x8x512xf32> to vector<8x512xf32>
      %swap3A_951 = vector.shape_cast %transpose3A_945 : vector<8x512xf32> to vector<1x8x512xf32>
      tpu.vector_store %arg4[%swap3A_946, %swap3A_947, %swap3A_948], %swap3A_951 {strides = array<i32>} : memref<32x8x512xf32, #tpu.memory_space<vmem>>, vector<1x8x512xf32>,
      %get3A_952 = arith.constant 5 : index
      %get3A_953 = arith.constant 0 : index
      %get3A_954 = arith.constant 0 : index
      %get3A_955 = vector.load %arg2[%get3A_952, %get3A_953, %get3A_954] : memref<32x512x8xf32, #tpu.memory_space<vmem>>, vector<1x512x8xf32>
      %get3A_956 = vector.shape_cast %get3A_955 : vector<1x512x8xf32> to vector<512x8xf32>
      %transpose3A_957 = tpu.transpose %get3A_956, [1, 0] : vector<512x8xf32> -> vector<8x512xf32>
      %swap3A_958 = arith.constant 5 : index
      %swap3A_959 = arith.constant 0 : index
      %swap3A_960 = arith.constant 0 : index
      %swap3A_961 = vector.load %arg4[%swap3A_958, %swap3A_959, %swap3A_960] : memref<32x8x512xf32, #tpu.memory_space<vmem>>, vector<1x8x512xf32>
      %swap3A_962 = vector.shape_cast %swap3A_961 : vector<1x8x512xf32> to vector<8x512xf32>
      %swap3A_963 = vector.shape_cast %transpose3A_957 : vector<8x512xf32> to vector<1x8x512xf32>
      tpu.vector_store %arg4[%swap3A_958, %swap3A_959, %swap3A_960], %swap3A_963 {strides = array<i32>} : memref<32x8x512xf32, #tpu.memory_space<vmem>>, vector<1x8x512xf32>,
      %get3A_964 = arith.constant 6 : index
      %get3A_965 = arith.constant 0 : index
      %get3A_966 = arith.constant 0 : index
      %get3A_967 = vector.load %arg2[%get3A_964, %get3A_965, %get3A_966] : memref<32x512x8xf32, #tpu.memory_space<vmem>>, vector<1x512x8xf32>
      %get3A_968 = vector.shape_cast %get3A_967 : vector<1x512x8xf32> to vector<512x8xf32>
      %transpose3A_969 = tpu.transpose %get3A_968, [1, 0] : vector<512x8xf32> -> vector<8x512xf32>
      %swap3A_970 = arith.constant 6 : index
      %swap3A_971 = arith.constant 0 : index
      %swap3A_972 = arith.constant 0 : index
      %swap3A_973 = vector.load %arg4[%swap3A_970, %swap3A_971, %swap3A_972] : memref<32x8x512xf32, #tpu.memory_space<vmem>>, vector<1x8x512xf32>
      %swap3A_974 = vector.shape_cast %swap3A_973 : vector<1x8x512xf32> to vector<8x512xf32>
      %swap3A_975 = vector.shape_cast %transpose3A_969 : vector<8x512xf32> to vector<1x8x512xf32>
      tpu.vector_store %arg4[%swap3A_970, %swap3A_971, %swap3A_972], %swap3A_975 {strides = array<i32>} : memref<32x8x512xf32, #tpu.memory_space<vmem>>, vector<1x8x512xf32>,
      %get3A_976 = arith.constant 7 : index
      %get3A_977 = arith.constant 0 : index
      %get3A_978 = arith.constant 0 : index
      %get3A_979 = vector.load %arg2[%get3A_976, %get3A_977, %get3A_978] : memref<32x512x8xf32, #tpu.memory_space<vmem>>, vector<1x512x8xf32>
      %get3A_980 = vector.shape_cast %get3A_979 : vector<1x512x8xf32> to vector<512x8xf32>
      %transpose3A_981 = tpu.transpose %get3A_980, [1, 0] : vector<512x8xf32> -> vector<8x512xf32>
      %swap3A_982 = arith.constant 7 : index
      %swap3A_983 = arith.constant 0 : index
      %swap3A_984 = arith.constant 0 : index
      %swap3A_985 = vector.load %arg4[%swap3A_982, %swap3A_983, %swap3A_984] : memref<32x8x512xf32, #tpu.memory_space<vmem>>, vector<1x8x512xf32>
      %swap3A_986 = vector.shape_cast %swap3A_985 : vector<1x8x512xf32> to vector<8x512xf32>
      %swap3A_987 = vector.shape_cast %transpose3A_981 : vector<8x512xf32> to vector<1x8x512xf32>
      tpu.vector_store %arg4[%swap3A_982, %swap3A_983, %swap3A_984], %swap3A_987 {strides = array<i32>} : memref<32x8x512xf32, #tpu.memory_space<vmem>>, vector<1x8x512xf32>,
      %get3A_988 = arith.constant 8 : index
      %get3A_989 = arith.constant 0 : index
      %get3A_990 = arith.constant 0 : index
      %get3A_991 = vector.load %arg2[%get3A_988, %get3A_989, %get3A_990] : memref<32x512x8xf32, #tpu.memory_space<vmem>>, vector<1x512x8xf32>
      %get3A_992 = vector.shape_cast %get3A_991 : vector<1x512x8xf32> to vector<512x8xf32>
      %transpose3A_993 = tpu.transpose %get3A_992, [1, 0] : vector<512x8xf32> -> vector<8x512xf32>
      %swap3A_994 = arith.constant 8 : index
      %swap3A_995 = arith.constant 0 : index
      %swap3A_996 = arith.constant 0 : index
      %swap3A_997 = vector.load %arg4[%swap3A_994, %swap3A_995, %swap3A_996] : memref<32x8x512xf32, #tpu.memory_space<vmem>>, vector<1x8x512xf32>
      %swap3A_998 = vector.shape_cast %swap3A_997 : vector<1x8x512xf32> to vector<8x512xf32>
      %swap3A_999 = vector.shape_cast %transpose3A_993 : vector<8x512xf32> to vector<1x8x512xf32>
      tpu.vector_store %arg4[%swap3A_994, %swap3A_995, %swap3A_996], %swap3A_999 {strides = array<i32>} : memref<32x8x512xf32, #tpu.memory_space<vmem>>, vector<1x8x512xf32>,
      %get3A_1000 = arith.constant 9 : index
      %get3A_1001 = arith.constant 0 : index
      %get3A_1002 = arith.constant 0 : index
      %get3A_1003 = vector.load %arg2[%get3A_1000, %get3A_1001, %get3A_1002] : memref<32x512x8xf32, #tpu.memory_space<vmem>>, vector<1x512x8xf32>
      %get3A_1004 = vector.shape_cast %get3A_1003 : vector<1x512x8xf32> to vector<512x8xf32>
      %transpose3A_1005 = tpu.transpose %get3A_1004, [1, 0] : vector<512x8xf32> -> vector<8x512xf32>
      %swap3A_1006 = arith.constant 9 : index
      %swap3A_1007 = arith.constant 0 : index
      %swap3A_1008 = arith.constant 0 : index
      %swap3A_1009 = vector.load %arg4[%swap3A_1006, %swap3A_1007, %swap3A_1008] : memref<32x8x512xf32, #tpu.memory_space<vmem>>, vector<1x8x512xf32>
      %swap3A_1010 = vector.shape_cast %swap3A_1009 : vector<1x8x512xf32> to vector<8x512xf32>
      %swap3A_1011 = vector.shape_cast %transpose3A_1005 : vector<8x512xf32> to vector<1x8x512xf32>
      tpu.vector_store %arg4[%swap3A_1006, %swap3A_1007, %swap3A_1008], %swap3A_1011 {strides = array<i32>} : memref<32x8x512xf32, #tpu.memory_space<vmem>>, vector<1x8x512xf32>,
      %get3A_1012 = arith.constant 10 : index
      %get3A_1013 = arith.constant 0 : index
      %get3A_1014 = arith.constant 0 : index
      %get3A_1015 = vector.load %arg2[%get3A_1012, %get3A_1013, %get3A_1014] : memref<32x512x8xf32, #tpu.memory_space<vmem>>, vector<1x512x8xf32>
      %get3A_1016 = vector.shape_cast %get3A_1015 : vector<1x512x8xf32> to vector<512x8xf32>
      %transpose3A_1017 = tpu.transpose %get3A_1016, [1, 0] : vector<512x8xf32> -> vector<8x512xf32>
      %swap3A_1018 = arith.constant 10 : index
      %swap3A_1019 = arith.constant 0 : index
      %swap3A_1020 = arith.constant 0 : index
      %swap3A_1021 = vector.load %arg4[%swap3A_1018, %swap3A_1019, %swap3A_1020] : memref<32x8x512xf32, #tpu.memory_space<vmem>>, vector<1x8x512xf32>
      %swap3A_1022 = vector.shape_cast %swap3A_1021 : vector<1x8x512xf32> to vector<8x512xf32>
      %swap3A_1023 = vector.shape_cast %transpose3A_1017 : vector<8x512xf32> to vector<1x8x512xf32>
      tpu.vector_store %arg4[%swap3A_1018, %swap3A_1019, %swap3A_1020], %swap3A_1023 {strides = array<i32>} : memref<32x8x512xf32, #tpu.memory_space<vmem>>, vector<1x8x512xf32>,
      %get3A_1024 = arith.constant 11 : index
      %get3A_1025 = arith.constant 0 : index
      %get3A_1026 = arith.constant 0 : index
      %get3A_1027 = vector.load %arg2[%get3A_1024, %get3A_1025, %get3A_1026] : memref<32x512x8xf32, #tpu.memory_space<vmem>>, vector<1x512x8xf32>
      %get3A_1028 = vector.shape_cast %get3A_1027 : vector<1x512x8xf32> to vector<512x8xf32>
      %transpose3A_1029 = tpu.transpose %get3A_1028, [1, 0] : vector<512x8xf32> -> vector<8x512xf32>
      %swap3A_1030 = arith.constant 11 : index
      %swap3A_1031 = arith.constant 0 : index
      %swap3A_1032 = arith.constant 0 : index
      %swap3A_1033 = vector.load %arg4[%swap3A_1030, %swap3A_1031, %swap3A_1032] : memref<32x8x512xf32, #tpu.memory_space<vmem>>, vector<1x8x512xf32>
      %swap3A_1034 = vector.shape_cast %swap3A_1033 : vector<1x8x512xf32> to vector<8x512xf32>
      %swap3A_1035 = vector.shape_cast %transpose3A_1029 : vector<8x512xf32> to vector<1x8x512xf32>
      tpu.vector_store %arg4[%swap3A_1030, %swap3A_1031, %swap3A_1032], %swap3A_1035 {strides = array<i32>} : memref<32x8x512xf32, #tpu.memory_space<vmem>>, vector<1x8x512xf32>,
      %get3A_1036 = arith.constant 12 : index
      %get3A_1037 = arith.constant 0 : index
      %get3A_1038 = arith.constant 0 : index
      %get3A_1039 = vector.load %arg2[%get3A_1036, %get3A_1037, %get3A_1038] : memref<32x512x8xf32, #tpu.memory_space<vmem>>, vector<1x512x8xf32>
      %get3A_1040 = vector.shape_cast %get3A_1039 : vector<1x512x8xf32> to vector<512x8xf32>
      %transpose3A_1041 = tpu.transpose %get3A_1040, [1, 0] : vector<512x8xf32> -> vector<8x512xf32>
      %swap3A_1042 = arith.constant 12 : index
      %swap3A_1043 = arith.constant 0 : index
      %swap3A_1044 = arith.constant 0 : index
      %swap3A_1045 = vector.load %arg4[%swap3A_1042, %swap3A_1043, %swap3A_1044] : memref<32x8x512xf32, #tpu.memory_space<vmem>>, vector<1x8x512xf32>
      %swap3A_1046 = vector.shape_cast %swap3A_1045 : vector<1x8x512xf32> to vector<8x512xf32>
      %swap3A_1047 = vector.shape_cast %transpose3A_1041 : vector<8x512xf32> to vector<1x8x512xf32>
      tpu.vector_store %arg4[%swap3A_1042, %swap3A_1043, %swap3A_1044], %swap3A_1047 {strides = array<i32>} : memref<32x8x512xf32, #tpu.memory_space<vmem>>, vector<1x8x512xf32>,
      %get3A_1048 = arith.constant 13 : index
      %get3A_1049 = arith.constant 0 : index
      %get3A_1050 = arith.constant 0 : index
      %get3A_1051 = vector.load %arg2[%get3A_1048, %get3A_1049, %get3A_1050] : memref<32x512x8xf32, #tpu.memory_space<vmem>>, vector<1x512x8xf32>
      %get3A_1052 = vector.shape_cast %get3A_1051 : vector<1x512x8xf32> to vector<512x8xf32>
      %transpose3A_1053 = tpu.transpose %get3A_1052, [1, 0] : vector<512x8xf32> -> vector<8x512xf32>
      %swap3A_1054 = arith.constant 13 : index
      %swap3A_1055 = arith.constant 0 : index
      %swap3A_1056 = arith.constant 0 : index
      %swap3A_1057 = vector.load %arg4[%swap3A_1054, %swap3A_1055, %swap3A_1056] : memref<32x8x512xf32, #tpu.memory_space<vmem>>, vector<1x8x512xf32>
      %swap3A_1058 = vector.shape_cast %swap3A_1057 : vector<1x8x512xf32> to vector<8x512xf32>
      %swap3A_1059 = vector.shape_cast %transpose3A_1053 : vector<8x512xf32> to vector<1x8x512xf32>
      tpu.vector_store %arg4[%swap3A_1054, %swap3A_1055, %swap3A_1056], %swap3A_1059 {strides = array<i32>} : memref<32x8x512xf32, #tpu.memory_space<vmem>>, vector<1x8x512xf32>,
      %get3A_1060 = arith.constant 14 : index
      %get3A_1061 = arith.constant 0 : index
      %get3A_1062 = arith.constant 0 : index
      %get3A_1063 = vector.load %arg2[%get3A_1060, %get3A_1061, %get3A_1062] : memref<32x512x8xf32, #tpu.memory_space<vmem>>, vector<1x512x8xf32>
      %get3A_1064 = vector.shape_cast %get3A_1063 : vector<1x512x8xf32> to vector<512x8xf32>
      %transpose3A_1065 = tpu.transpose %get3A_1064, [1, 0] : vector<512x8xf32> -> vector<8x512xf32>
      %swap3A_1066 = arith.constant 14 : index
      %swap3A_1067 = arith.constant 0 : index
      %swap3A_1068 = arith.constant 0 : index
      %swap3A_1069 = vector.load %arg4[%swap3A_1066, %swap3A_1067, %swap3A_1068] : memref<32x8x512xf32, #tpu.memory_space<vmem>>, vector<1x8x512xf32>
      %swap3A_1070 = vector.shape_cast %swap3A_1069 : vector<1x8x512xf32> to vector<8x512xf32>
      %swap3A_1071 = vector.shape_cast %transpose3A_1065 : vector<8x512xf32> to vector<1x8x512xf32>
      tpu.vector_store %arg4[%swap3A_1066, %swap3A_1067, %swap3A_1068], %swap3A_1071 {strides = array<i32>} : memref<32x8x512xf32, #tpu.memory_space<vmem>>, vector<1x8x512xf32>,
      %get3A_1072 = arith.constant 15 : index
      %get3A_1073 = arith.constant 0 : index
      %get3A_1074 = arith.constant 0 : index
      %get3A_1075 = vector.load %arg2[%get3A_1072, %get3A_1073, %get3A_1074] : memref<32x512x8xf32, #tpu.memory_space<vmem>>, vector<1x512x8xf32>
      %get3A_1076 = vector.shape_cast %get3A_1075 : vector<1x512x8xf32> to vector<512x8xf32>
      %transpose3A_1077 = tpu.transpose %get3A_1076, [1, 0] : vector<512x8xf32> -> vector<8x512xf32>
      %swap3A_1078 = arith.constant 15 : index
      %swap3A_1079 = arith.constant 0 : index
      %swap3A_1080 = arith.constant 0 : index
      %swap3A_1081 = vector.load %arg4[%swap3A_1078, %swap3A_1079, %swap3A_1080] : memref<32x8x512xf32, #tpu.memory_space<vmem>>, vector<1x8x512xf32>
      %swap3A_1082 = vector.shape_cast %swap3A_1081 : vector<1x8x512xf32> to vector<8x512xf32>
      %swap3A_1083 = vector.shape_cast %transpose3A_1077 : vector<8x512xf32> to vector<1x8x512xf32>
      tpu.vector_store %arg4[%swap3A_1078, %swap3A_1079, %swap3A_1080], %swap3A_1083 {strides = array<i32>} : memref<32x8x512xf32, #tpu.memory_space<vmem>>, vector<1x8x512xf32>,
      %get3A_1084 = arith.constant 16 : index
      %get3A_1085 = arith.constant 0 : index
      %get3A_1086 = arith.constant 0 : index
      %get3A_1087 = vector.load %arg2[%get3A_1084, %get3A_1085, %get3A_1086] : memref<32x512x8xf32, #tpu.memory_space<vmem>>, vector<1x512x8xf32>
      %get3A_1088 = vector.shape_cast %get3A_1087 : vector<1x512x8xf32> to vector<512x8xf32>
      %transpose3A_1089 = tpu.transpose %get3A_1088, [1, 0] : vector<512x8xf32> -> vector<8x512xf32>
      %swap3A_1090 = arith.constant 16 : index
      %swap3A_1091 = arith.constant 0 : index
      %swap3A_1092 = arith.constant 0 : index
      %swap3A_1093 = vector.load %arg4[%swap3A_1090, %swap3A_1091, %swap3A_1092] : memref<32x8x512xf32, #tpu.memory_space<vmem>>, vector<1x8x512xf32>
      %swap3A_1094 = vector.shape_cast %swap3A_1093 : vector<1x8x512xf32> to vector<8x512xf32>
      %swap3A_1095 = vector.shape_cast %transpose3A_1089 : vector<8x512xf32> to vector<1x8x512xf32>
      tpu.vector_store %arg4[%swap3A_1090, %swap3A_1091, %swap3A_1092], %swap3A_1095 {strides = array<i32>} : memref<32x8x512xf32, #tpu.memory_space<vmem>>, vector<1x8x512xf32>,
      %get3A_1096 = arith.constant 17 : index
      %get3A_1097 = arith.constant 0 : index
      %get3A_1098 = arith.constant 0 : index
      %get3A_1099 = vector.load %arg2[%get3A_1096, %get3A_1097, %get3A_1098] : memref<32x512x8xf32, #tpu.memory_space<vmem>>, vector<1x512x8xf32>
      %get3A_1100 = vector.shape_cast %get3A_1099 : vector<1x512x8xf32> to vector<512x8xf32>
      %transpose3A_1101 = tpu.transpose %get3A_1100, [1, 0] : vector<512x8xf32> -> vector<8x512xf32>
      %swap3A_1102 = arith.constant 17 : index
      %swap3A_1103 = arith.constant 0 : index
      %swap3A_1104 = arith.constant 0 : index
      %swap3A_1105 = vector.load %arg4[%swap3A_1102, %swap3A_1103, %swap3A_1104] : memref<32x8x512xf32, #tpu.memory_space<vmem>>, vector<1x8x512xf32>
      %swap3A_1106 = vector.shape_cast %swap3A_1105 : vector<1x8x512xf32> to vector<8x512xf32>
      %swap3A_1107 = vector.shape_cast %transpose3A_1101 : vector<8x512xf32> to vector<1x8x512xf32>
      tpu.vector_store %arg4[%swap3A_1102, %swap3A_1103, %swap3A_1104], %swap3A_1107 {strides = array<i32>} : memref<32x8x512xf32, #tpu.memory_space<vmem>>, vector<1x8x512xf32>,
      %get3A_1108 = arith.constant 18 : index
      %get3A_1109 = arith.constant 0 : index
      %get3A_1110 = arith.constant 0 : index
      %get3A_1111 = vector.load %arg2[%get3A_1108, %get3A_1109, %get3A_1110] : memref<32x512x8xf32, #tpu.memory_space<vmem>>, vector<1x512x8xf32>
      %get3A_1112 = vector.shape_cast %get3A_1111 : vector<1x512x8xf32> to vector<512x8xf32>
      %transpose3A_1113 = tpu.transpose %get3A_1112, [1, 0] : vector<512x8xf32> -> vector<8x512xf32>
      %swap3A_1114 = arith.constant 18 : index
      %swap3A_1115 = arith.constant 0 : index
      %swap3A_1116 = arith.constant 0 : index
      %swap3A_1117 = vector.load %arg4[%swap3A_1114, %swap3A_1115, %swap3A_1116] : memref<32x8x512xf32, #tpu.memory_space<vmem>>, vector<1x8x512xf32>
      %swap3A_1118 = vector.shape_cast %swap3A_1117 : vector<1x8x512xf32> to vector<8x512xf32>
      %swap3A_1119 = vector.shape_cast %transpose3A_1113 : vector<8x512xf32> to vector<1x8x512xf32>
      tpu.vector_store %arg4[%swap3A_1114, %swap3A_1115, %swap3A_1116], %swap3A_1119 {strides = array<i32>} : memref<32x8x512xf32, #tpu.memory_space<vmem>>, vector<1x8x512xf32>,
      %get3A_1120 = arith.constant 19 : index
      %get3A_1121 = arith.constant 0 : index
      %get3A_1122 = arith.constant 0 : index
      %get3A_1123 = vector.load %arg2[%get3A_1120, %get3A_1121, %get3A_1122] : memref<32x512x8xf32, #tpu.memory_space<vmem>>, vector<1x512x8xf32>
      %get3A_1124 = vector.shape_cast %get3A_1123 : vector<1x512x8xf32> to vector<512x8xf32>
      %transpose3A_1125 = tpu.transpose %get3A_1124, [1, 0] : vector<512x8xf32> -> vector<8x512xf32>
      %swap3A_1126 = arith.constant 19 : index
      %swap3A_1127 = arith.constant 0 : index
      %swap3A_1128 = arith.constant 0 : index
      %swap3A_1129 = vector.load %arg4[%swap3A_1126, %swap3A_1127, %swap3A_1128] : memref<32x8x512xf32, #tpu.memory_space<vmem>>, vector<1x8x512xf32>
      %swap3A_1130 = vector.shape_cast %swap3A_1129 : vector<1x8x512xf32> to vector<8x512xf32>
      %swap3A_1131 = vector.shape_cast %transpose3A_1125 : vector<8x512xf32> to vector<1x8x512xf32>
      tpu.vector_store %arg4[%swap3A_1126, %swap3A_1127, %swap3A_1128], %swap3A_1131 {strides = array<i32>} : memref<32x8x512xf32, #tpu.memory_space<vmem>>, vector<1x8x512xf32>,
      %get3A_1132 = arith.constant 20 : index
      %get3A_1133 = arith.constant 0 : index
      %get3A_1134 = arith.constant 0 : index
      %get3A_1135 = vector.load %arg2[%get3A_1132, %get3A_1133, %get3A_1134] : memref<32x512x8xf32, #tpu.memory_space<vmem>>, vector<1x512x8xf32>
      %get3A_1136 = vector.shape_cast %get3A_1135 : vector<1x512x8xf32> to vector<512x8xf32>
      %transpose3A_1137 = tpu.transpose %get3A_1136, [1, 0] : vector<512x8xf32> -> vector<8x512xf32>
      %swap3A_1138 = arith.constant 20 : index
      %swap3A_1139 = arith.constant 0 : index
      %swap3A_1140 = arith.constant 0 : index
      %swap3A_1141 = vector.load %arg4[%swap3A_1138, %swap3A_1139, %swap3A_1140] : memref<32x8x512xf32, #tpu.memory_space<vmem>>, vector<1x8x512xf32>
      %swap3A_1142 = vector.shape_cast %swap3A_1141 : vector<1x8x512xf32> to vector<8x512xf32>
      %swap3A_1143 = vector.shape_cast %transpose3A_1137 : vector<8x512xf32> to vector<1x8x512xf32>
      tpu.vector_store %arg4[%swap3A_1138, %swap3A_1139, %swap3A_1140], %swap3A_1143 {strides = array<i32>} : memref<32x8x512xf32, #tpu.memory_space<vmem>>, vector<1x8x512xf32>,
      %get3A_1144 = arith.constant 21 : index
      %get3A_1145 = arith.constant 0 : index
      %get3A_1146 = arith.constant 0 : index
      %get3A_1147 = vector.load %arg2[%get3A_1144, %get3A_1145, %get3A_1146] : memref<32x512x8xf32, #tpu.memory_space<vmem>>, vector<1x512x8xf32>
      %get3A_1148 = vector.shape_cast %get3A_1147 : vector<1x512x8xf32> to vector<512x8xf32>
      %transpose3A_1149 = tpu.transpose %get3A_1148, [1, 0] : vector<512x8xf32> -> vector<8x512xf32>
      %swap3A_1150 = arith.constant 21 : index
      %swap3A_1151 = arith.constant 0 : index
      %swap3A_1152 = arith.constant 0 : index
      %swap3A_1153 = vector.load %arg4[%swap3A_1150, %swap3A_1151, %swap3A_1152] : memref<32x8x512xf32, #tpu.memory_space<vmem>>, vector<1x8x512xf32>
      %swap3A_1154 = vector.shape_cast %swap3A_1153 : vector<1x8x512xf32> to vector<8x512xf32>
      %swap3A_1155 = vector.shape_cast %transpose3A_1149 : vector<8x512xf32> to vector<1x8x512xf32>
      tpu.vector_store %arg4[%swap3A_1150, %swap3A_1151, %swap3A_1152], %swap3A_1155 {strides = array<i32>} : memref<32x8x512xf32, #tpu.memory_space<vmem>>, vector<1x8x512xf32>,
      %get3A_1156 = arith.constant 22 : index
      %get3A_1157 = arith.constant 0 : index
      %get3A_1158 = arith.constant 0 : index
      %get3A_1159 = vector.load %arg2[%get3A_1156, %get3A_1157, %get3A_1158] : memref<32x512x8xf32, #tpu.memory_space<vmem>>, vector<1x512x8xf32>
      %get3A_1160 = vector.shape_cast %get3A_1159 : vector<1x512x8xf32> to vector<512x8xf32>
      %transpose3A_1161 = tpu.transpose %get3A_1160, [1, 0] : vector<512x8xf32> -> vector<8x512xf32>
      %swap3A_1162 = arith.constant 22 : index
      %swap3A_1163 = arith.constant 0 : index
      %swap3A_1164 = arith.constant 0 : index
      %swap3A_1165 = vector.load %arg4[%swap3A_1162, %swap3A_1163, %swap3A_1164] : memref<32x8x512xf32, #tpu.memory_space<vmem>>, vector<1x8x512xf32>
      %swap3A_1166 = vector.shape_cast %swap3A_1165 : vector<1x8x512xf32> to vector<8x512xf32>
      %swap3A_1167 = vector.shape_cast %transpose3A_1161 : vector<8x512xf32> to vector<1x8x512xf32>
      tpu.vector_store %arg4[%swap3A_1162, %swap3A_1163, %swap3A_1164], %swap3A_1167 {strides = array<i32>} : memref<32x8x512xf32, #tpu.memory_space<vmem>>, vector<1x8x512xf32>,
      %get3A_1168 = arith.constant 23 : index
      %get3A_1169 = arith.constant 0 : index
      %get3A_1170 = arith.constant 0 : index
      %get3A_1171 = vector.load %arg2[%get3A_1168, %get3A_1169, %get3A_1170] : memref<32x512x8xf32, #tpu.memory_space<vmem>>, vector<1x512x8xf32>
      %get3A_1172 = vector.shape_cast %get3A_1171 : vector<1x512x8xf32> to vector<512x8xf32>
      %transpose3A_1173 = tpu.transpose %get3A_1172, [1, 0] : vector<512x8xf32> -> vector<8x512xf32>
      %swap3A_1174 = arith.constant 23 : index
      %swap3A_1175 = arith.constant 0 : index
      %swap3A_1176 = arith.constant 0 : index
      %swap3A_1177 = vector.load %arg4[%swap3A_1174, %swap3A_1175, %swap3A_1176] : memref<32x8x512xf32, #tpu.memory_space<vmem>>, vector<1x8x512xf32>
      %swap3A_1178 = vector.shape_cast %swap3A_1177 : vector<1x8x512xf32> to vector<8x512xf32>
      %swap3A_1179 = vector.shape_cast %transpose3A_1173 : vector<8x512xf32> to vector<1x8x512xf32>
      tpu.vector_store %arg4[%swap3A_1174, %swap3A_1175, %swap3A_1176], %swap3A_1179 {strides = array<i32>} : memref<32x8x512xf32, #tpu.memory_space<vmem>>, vector<1x8x512xf32>,
      %get3A_1180 = arith.constant 24 : index
      %get3A_1181 = arith.constant 0 : index
      %get3A_1182 = arith.constant 0 : index
      %get3A_1183 = vector.load %arg2[%get3A_1180, %get3A_1181, %get3A_1182] : memref<32x512x8xf32, #tpu.memory_space<vmem>>, vector<1x512x8xf32>
      %get3A_1184 = vector.shape_cast %get3A_1183 : vector<1x512x8xf32> to vector<512x8xf32>
      %transpose3A_1185 = tpu.transpose %get3A_1184, [1, 0] : vector<512x8xf32> -> vector<8x512xf32>
      %swap3A_1186 = arith.constant 24 : index
      %swap3A_1187 = arith.constant 0 : index
      %swap3A_1188 = arith.constant 0 : index
      %swap3A_1189 = vector.load %arg4[%swap3A_1186, %swap3A_1187, %swap3A_1188] : memref<32x8x512xf32, #tpu.memory_space<vmem>>, vector<1x8x512xf32>
      %swap3A_1190 = vector.shape_cast %swap3A_1189 : vector<1x8x512xf32> to vector<8x512xf32>
      %swap3A_1191 = vector.shape_cast %transpose3A_1185 : vector<8x512xf32> to vector<1x8x512xf32>
      tpu.vector_store %arg4[%swap3A_1186, %swap3A_1187, %swap3A_1188], %swap3A_1191 {strides = array<i32>} : memref<32x8x512xf32, #tpu.memory_space<vmem>>, vector<1x8x512xf32>,
      %get3A_1192 = arith.constant 25 : index
      %get3A_1193 = arith.constant 0 : index
      %get3A_1194 = arith.constant 0 : index
      %get3A_1195 = vector.load %arg2[%get3A_1192, %get3A_1193, %get3A_1194] : memref<32x512x8xf32, #tpu.memory_space<vmem>>, vector<1x512x8xf32>
      %get3A_1196 = vector.shape_cast %get3A_1195 : vector<1x512x8xf32> to vector<512x8xf32>
      %transpose3A_1197 = tpu.transpose %get3A_1196, [1, 0] : vector<512x8xf32> -> vector<8x512xf32>
      %swap3A_1198 = arith.constant 25 : index
      %swap3A_1199 = arith.constant 0 : index
      %swap3A_1200 = arith.constant 0 : index
      %swap3A_1201 = vector.load %arg4[%swap3A_1198, %swap3A_1199, %swap3A_1200] : memref<32x8x512xf32, #tpu.memory_space<vmem>>, vector<1x8x512xf32>
      %swap3A_1202 = vector.shape_cast %swap3A_1201 : vector<1x8x512xf32> to vector<8x512xf32>
      %swap3A_1203 = vector.shape_cast %transpose3A_1197 : vector<8x512xf32> to vector<1x8x512xf32>
      tpu.vector_store %arg4[%swap3A_1198, %swap3A_1199, %swap3A_1200], %swap3A_1203 {strides = array<i32>} : memref<32x8x512xf32, #tpu.memory_space<vmem>>, vector<1x8x512xf32>,
      %get3A_1204 = arith.constant 26 : index
      %get3A_1205 = arith.constant 0 : index
      %get3A_1206 = arith.constant 0 : index
      %get3A_1207 = vector.load %arg2[%get3A_1204, %get3A_1205, %get3A_1206] : memref<32x512x8xf32, #tpu.memory_space<vmem>>, vector<1x512x8xf32>
      %get3A_1208 = vector.shape_cast %get3A_1207 : vector<1x512x8xf32> to vector<512x8xf32>
      %transpose3A_1209 = tpu.transpose %get3A_1208, [1, 0] : vector<512x8xf32> -> vector<8x512xf32>
      %swap3A_1210 = arith.constant 26 : index
      %swap3A_1211 = arith.constant 0 : index
      %swap3A_1212 = arith.constant 0 : index
      %swap3A_1213 = vector.load %arg4[%swap3A_1210, %swap3A_1211, %swap3A_1212] : memref<32x8x512xf32, #tpu.memory_space<vmem>>, vector<1x8x512xf32>
      %swap3A_1214 = vector.shape_cast %swap3A_1213 : vector<1x8x512xf32> to vector<8x512xf32>
      %swap3A_1215 = vector.shape_cast %transpose3A_1209 : vector<8x512xf32> to vector<1x8x512xf32>
      tpu.vector_store %arg4[%swap3A_1210, %swap3A_1211, %swap3A_1212], %swap3A_1215 {strides = array<i32>} : memref<32x8x512xf32, #tpu.memory_space<vmem>>, vector<1x8x512xf32>,
      %get3A_1216 = arith.constant 27 : index
      %get3A_1217 = arith.constant 0 : index
      %get3A_1218 = arith.constant 0 : index
      %get3A_1219 = vector.load %arg2[%get3A_1216, %get3A_1217, %get3A_1218] : memref<32x512x8xf32, #tpu.memory_space<vmem>>, vector<1x512x8xf32>
      %get3A_1220 = vector.shape_cast %get3A_1219 : vector<1x512x8xf32> to vector<512x8xf32>
      %transpose3A_1221 = tpu.transpose %get3A_1220, [1, 0] : vector<512x8xf32> -> vector<8x512xf32>
      %swap3A_1222 = arith.constant 27 : index
      %swap3A_1223 = arith.constant 0 : index
      %swap3A_1224 = arith.constant 0 : index
      %swap3A_1225 = vector.load %arg4[%swap3A_1222, %swap3A_1223, %swap3A_1224] : memref<32x8x512xf32, #tpu.memory_space<vmem>>, vector<1x8x512xf32>
      %swap3A_1226 = vector.shape_cast %swap3A_1225 : vector<1x8x512xf32> to vector<8x512xf32>
      %swap3A_1227 = vector.shape_cast %transpose3A_1221 : vector<8x512xf32> to vector<1x8x512xf32>
      tpu.vector_store %arg4[%swap3A_1222, %swap3A_1223, %swap3A_1224], %swap3A_1227 {strides = array<i32>} : memref<32x8x512xf32, #tpu.memory_space<vmem>>, vector<1x8x512xf32>,
      %get3A_1228 = arith.constant 28 : index
      %get3A_1229 = arith.constant 0 : index
      %get3A_1230 = arith.constant 0 : index
      %get3A_1231 = vector.load %arg2[%get3A_1228, %get3A_1229, %get3A_1230] : memref<32x512x8xf32, #tpu.memory_space<vmem>>, vector<1x512x8xf32>
      %get3A_1232 = vector.shape_cast %get3A_1231 : vector<1x512x8xf32> to vector<512x8xf32>
      %transpose3A_1233 = tpu.transpose %get3A_1232, [1, 0] : vector<512x8xf32> -> vector<8x512xf32>
      %swap3A_1234 = arith.constant 28 : index
      %swap3A_1235 = arith.constant 0 : index
      %swap3A_1236 = arith.constant 0 : index
      %swap3A_1237 = vector.load %arg4[%swap3A_1234, %swap3A_1235, %swap3A_1236] : memref<32x8x512xf32, #tpu.memory_space<vmem>>, vector<1x8x512xf32>
      %swap3A_1238 = vector.shape_cast %swap3A_1237 : vector<1x8x512xf32> to vector<8x512xf32>
      %swap3A_1239 = vector.shape_cast %transpose3A_1233 : vector<8x512xf32> to vector<1x8x512xf32>
      tpu.vector_store %arg4[%swap3A_1234, %swap3A_1235, %swap3A_1236], %swap3A_1239 {strides = array<i32>} : memref<32x8x512xf32, #tpu.memory_space<vmem>>, vector<1x8x512xf32>,
      %get3A_1240 = arith.constant 29 : index
      %get3A_1241 = arith.constant 0 : index
      %get3A_1242 = arith.constant 0 : index
      %get3A_1243 = vector.load %arg2[%get3A_1240, %get3A_1241, %get3A_1242] : memref<32x512x8xf32, #tpu.memory_space<vmem>>, vector<1x512x8xf32>
      %get3A_1244 = vector.shape_cast %get3A_1243 : vector<1x512x8xf32> to vector<512x8xf32>
      %transpose3A_1245 = tpu.transpose %get3A_1244, [1, 0] : vector<512x8xf32> -> vector<8x512xf32>
      %swap3A_1246 = arith.constant 29 : index
      %swap3A_1247 = arith.constant 0 : index
      %swap3A_1248 = arith.constant 0 : index
      %swap3A_1249 = vector.load %arg4[%swap3A_1246, %swap3A_1247, %swap3A_1248] : memref<32x8x512xf32, #tpu.memory_space<vmem>>, vector<1x8x512xf32>
      %swap3A_1250 = vector.shape_cast %swap3A_1249 : vector<1x8x512xf32> to vector<8x512xf32>
      %swap3A_1251 = vector.shape_cast %transpose3A_1245 : vector<8x512xf32> to vector<1x8x512xf32>
      tpu.vector_store %arg4[%swap3A_1246, %swap3A_1247, %swap3A_1248], %swap3A_1251 {strides = array<i32>} : memref<32x8x512xf32, #tpu.memory_space<vmem>>, vector<1x8x512xf32>,
      %get3A_1252 = arith.constant 30 : index
      %get3A_1253 = arith.constant 0 : index
      %get3A_1254 = arith.constant 0 : index
      %get3A_1255 = vector.load %arg2[%get3A_1252, %get3A_1253, %get3A_1254] : memref<32x512x8xf32, #tpu.memory_space<vmem>>, vector<1x512x8xf32>
      %get3A_1256 = vector.shape_cast %get3A_1255 : vector<1x512x8xf32> to vector<512x8xf32>
      %transpose3A_1257 = tpu.transpose %get3A_1256, [1, 0] : vector<512x8xf32> -> vector<8x512xf32>
      %swap3A_1258 = arith.constant 30 : index
      %swap3A_1259 = arith.constant 0 : index
      %swap3A_1260 = arith.constant 0 : index
      %swap3A_1261 = vector.load %arg4[%swap3A_1258, %swap3A_1259, %swap3A_1260] : memref<32x8x512xf32, #tpu.memory_space<vmem>>, vector<1x8x512xf32>
      %swap3A_1262 = vector.shape_cast %swap3A_1261 : vector<1x8x512xf32> to vector<8x512xf32>
      %swap3A_1263 = vector.shape_cast %transpose3A_1257 : vector<8x512xf32> to vector<1x8x512xf32>
      tpu.vector_store %arg4[%swap3A_1258, %swap3A_1259, %swap3A_1260], %swap3A_1263 {strides = array<i32>} : memref<32x8x512xf32, #tpu.memory_space<vmem>>, vector<1x8x512xf32>,
      %get3A_1264 = arith.constant 31 : index
      %get3A_1265 = arith.constant 0 : index
      %get3A_1266 = arith.constant 0 : index
      %get3A_1267 = vector.load %arg2[%get3A_1264, %get3A_1265, %get3A_1266] : memref<32x512x8xf32, #tpu.memory_space<vmem>>, vector<1x512x8xf32>
      %get3A_1268 = vector.shape_cast %get3A_1267 : vector<1x512x8xf32> to vector<512x8xf32>
      %transpose3A_1269 = tpu.transpose %get3A_1268, [1, 0] : vector<512x8xf32> -> vector<8x512xf32>
      %swap3A_1270 = arith.constant 31 : index
      %swap3A_1271 = arith.constant 0 : index
      %swap3A_1272 = arith.constant 0 : index
      %swap3A_1273 = vector.load %arg4[%swap3A_1270, %swap3A_1271, %swap3A_1272] : memref<32x8x512xf32, #tpu.memory_space<vmem>>, vector<1x8x512xf32>
      %swap3A_1274 = vector.shape_cast %swap3A_1273 : vector<1x8x512xf32> to vector<8x512xf32>
      %swap3A_1275 = vector.shape_cast %transpose3A_1269 : vector<8x512xf32> to vector<1x8x512xf32>
      tpu.vector_store %arg4[%swap3A_1270, %swap3A_1271, %swap3A_1272], %swap3A_1275 {strides = array<i32>} : memref<32x8x512xf32, #tpu.memory_space<vmem>>, vector<1x8x512xf32>,
    } else {
    }
    return
  }
  func.func @transform_0(%arg0: i32) -> (i32, i32, i32) {
    %c0_i32 = arith.constant 0 : i32
    %c0_i32_0 = arith.constant 0 : i32
    %c0_i32_1 = arith.constant 0 : i32
    return %arg0, %c0_i32, %c0_i32_0 : i32, i32, i32
  }
  func.func @transform_1(%arg0: i32) -> (i32, i32, i32) {
    %c0_i32 = arith.constant 0 : i32
    %c0_i32_0 = arith.constant 0 : i32
    %c0_i32_1 = arith.constant 0 : i32
    %c0_i32_2 = arith.constant 0 : i32
    return %c0_i32, %c0_i32_0, %c0_i32_1 : i32, i32, i32
  }
  func.func @transform_2(%arg0: i32) -> (i32, i32, i32) {
    %c0_i32 = arith.constant 0 : i32
    %c0_i32_0 = arith.constant 0 : i32
    %c0_i32_1 = arith.constant 0 : i32
    return %arg0, %c0_i32, %c0_i32_0 : i32, i32, i32
  }
  func.func @transform_3(%arg0: i32) -> (i32, i32, i32) {
    %c0_i32 = arith.constant 0 : i32
    %c0_i32_0 = arith.constant 0 : i32
    %c0_i32_1 = arith.constant 0 : i32
    %c0_i32_2 = arith.constant 0 : i32
    return %c0_i32, %c0_i32_0, %c0_i32_1 : i32, i32, i32
  }
}

</mosaic_0001>

<sc_bundles>
// kernel: kernel.4.cloned.1.call-start
scs
__scs_entry_jumppad:
0x0: {  	(pc) =	sbr.rel $0x88, $3  }
0x1: {  	(tag) =	ssettag $0x0;
	lr =	simm.s32 $0x1  }
0x2: {  	[smem:$0x3F9F] =	sst lr;
	_ =	strace $0xD0000000  }
0x3: {  	_ = 	snop  }
0x4: {  	_ = 	snop  }
0x5: {  	_ = 	snop  }
0x6: {  	_ = 	snop  }
0x7: {  	_ = 	snop  }
__scs_overlays_trampoline_lowered:
0x8: {  	[smem:$0x3FAE] =	sst s0  }
0x9: {  	[smem:$0x3FAF] =	sst s1  }
0xa: {  	[smem:$0x3FB0] =	sst s2  }
0xb: {  	[smem:$0x3FB1] =	sst s3  }
0xc: {  	[smem:$0x3FB2] =	sst s4  }
0xd: {  	[smem:$0x3FB3] =	sst s5  }
0xe: {  	[smem:$0x3FB4] =	sst s6  }
0xf: {  	[smem:$0x3FB5] =	sst s7  }
0x10: {  	[smem:$0x3FB6] =	sst s8  }
0x11: {  	[smem:$0x3FB7] =	sst s9;
	s0 =	simm.s32 @!p0 $0x0  }
0x12: {  	s1 =	sld [smem:$0x3F9D];
	s0 =	simm.s32 @p0 $0x1  }
0x13: {  	[smem:$0x3FB8] =	sst s0;
	s0 =	simm.s32 @!p1 $0x0  }
0x14: {  	s2 =	sld [smem:$0x3F9C];
	s0 =	simm.s32 @p1 $0x1  }
0x15: {  	[smem:$0x3FB9] =	sst s0;
	s0 =	simm.s32 @!p2 $0x0  }
0x16: {  	s3 =	sld [smem:$0x3FDB];
	s0 =	simm.s32 @p2 $0x1  }
0x17: {  	s4 =	simm.s32 $0x1BF5;
	[smem:$0x3FBB] =	sst s0  }
0x18: {  	s0 =	sld [smem:$0x3F9E];
	_ =	swait.ge [sflag:s4], $0x0  }
0x19: {  	s7 =	sld [smem:$0x3F9F]  }
0x1a: {  	s8 =	sadd.s32 $0xFFFFE003, lr  }
0x1b: {  	s9 =	sadd.s32 $0xFFFFFEF7, lr;
	s5 =	simm.s32 $0xFFFFFFFF;
	p2 =	slt.u32 s8, $0xFFFFF086  }
0x1c: {  	p1 =	slt.u32 s9, $0xF7A;
	s5 =	simm.s32 @!p2 $0x0  }
0x1d: {  	s5 =	simm.s32 @p1 $0x1;
	p0 =	seq.s32 s7, s2  }
0x1e: {  	s7 =	smul.u32 @!p0 $0xF7A, s2;
	p2 =	seq.s32 @!p0 s5, $0x0  }
0x1f: {  	s9 =	smul.u32 $0xF7A, s1;
	s8 =	simm.s32 @!p0 $0x1BF5;
	p2 =	por !p2, p0  }
0x20: {  	[sflag:s8] =	ssyncset.s32 @!p0 $0xFFFFF086;
	s6 =	sadd.s32 @!p0 s3, s7;
	s7 =	simm.s32 @!p0 $0x108  }
0x21: {  	s3 =	sadd.s32 s3, s9;
	s6 =	sadd.s32 @!p0 $0x88, s6;
	s7 =	simm.s32 @p2 $0x1082  }
0x22: {  	[simem:s7], [sflag:s8] =	dma.local @!p0 [hbm:s6], $0xF7A  }
0x23: {  	s9 =	sor.u32 $0xD0000000, s2;
	s6 =	simm.s32 $0x108;
	_ =	swait.ge @!p0 [sflag:s8], $0x0  }
0x24: {  	s3 =	sadd.s32 $0x88, s3;
	s6 =	simm.s32 @!p1 $0x1082;
	[sflag:s4] =	ssyncset.s32 $0xFFFFF086  }
0x25: {  	[simem:s6], [sflag:s4] =	dma.local [hbm:s3], $0xF7A  }
0x26: {  	[smem:$0x3F9F] =	sst s1;
	(tag) =	ssettag s2;
	_ =	strace s9  }
0x27: {  	s1 =	sld [smem:$0x3FAF]  }
0x28: {  	s2 =	sld [smem:$0x3FB0]  }
0x29: {  	s4 =	sld [smem:$0x3FB2]  }
0x2a: {  	p0 =	seq.s32 s5, $0x0;
	s5 =	sld [smem:$0x3FB3]  }
0x2b: {  	s6 =	sld [smem:$0x3FB4]  }
0x2c: {  	s7 =	sld [smem:$0x3FB5]  }
0x2d: {  	s3 =	simm.s32 $0x108;
	s8 =	sld [smem:$0x3FB6]  }
0x2e: {  	s3 =	simm.s32 @!p0 $0x1082;
	s9 =	sld [smem:$0x3FB7]  }
0x2f: {  	lr =	sadd.s32 s0, s3;
	s0 =	sld [smem:$0x3FAE]  }
0x30: {  	s3 =	sld [smem:$0x3FB1]  }
0x31: {  	[smem:$0x3FBA] =	sst s10  }
0x32: {  	s10 =	sld [smem:$0x3FB8];
	_ =	sdelay $0x3  }
0x33: {  	p0 =	seq.s32 s10, $0x1;
	s10 =	sld [smem:$0x3FBA];
	_ =	sdelay $0x3  }
0x34: {  	[smem:$0x3FBA] =	sst s10  }
0x35: {  	s10 =	sld [smem:$0x3FB9];
	_ =	sdelay $0x3  }
0x36: {  	p1 =	seq.s32 s10, $0x1;
	s10 =	sld [smem:$0x3FBA];
	_ =	sdelay $0x3  }
0x37: {  	[smem:$0x3FBA] =	sst s10  }
0x38: {  	s10 =	sld [smem:$0x3FBB]  }
0x39: {  	_ = 	snop;
	(pc) =	sbr.ind lr, $3  }
0x3a: {  	_ = 	snop  }
0x3b: {  	_ = 	snop  }
0x3c: {  	p2 =	seq.s32 s10, $0x1;
	s10 =	sld [smem:$0x3FBA]  }
0x3d: {  	_ =	shalt  }
0x3e: {  	_ =	shalt  }
0x3f: {  	_ =	shalt  }
0x40: {  	_ =	shalt  }
0x41: {  	_ =	shalt  }
0x42: {  	_ =	shalt  }
0x43: {  	_ =	shalt  }
0x44: {  	_ =	shalt  }
0x45: {  	_ =	shalt  }
0x46: {  	_ =	shalt  }
0x47: {  	_ =	shalt  }
0x48: {  	_ =	shalt  }
0x49: {  	_ =	shalt  }
0x4a: {  	_ =	shalt  }
0x4b: {  	_ =	shalt  }
0x4c: {  	_ =	shalt  }
0x4d: {  	_ =	shalt  }
0x4e: {  	_ =	shalt  }
0x4f: {  	_ =	shalt  }
0x50: {  	_ =	shalt  }
0x51: {  	_ =	shalt  }
0x52: {  	_ =	shalt  }
0x53: {  	_ =	shalt  }
0x54: {  	_ =	shalt  }
0x55: {  	_ =	shalt  }
0x56: {  	_ =	shalt  }
0x57: {  	_ =	shalt  }
0x58: {  	_ =	shalt  }
0x59: {  	_ =	shalt  }
0x5a: {  	_ =	shalt  }
0x5b: {  	_ =	shalt  }
0x5c: {  	_ =	shalt  }
0x5d: {  	_ =	shalt  }
0x5e: {  	_ =	shalt  }
0x5f: {  	_ =	shalt  }
0x60: {  	_ =	shalt  }
0x61: {  	_ =	shalt  }
0x62: {  	_ =	shalt  }
0x63: {  	_ =	shalt  }
0x64: {  	_ =	shalt  }
0x65: {  	_ =	shalt  }
0x66: {  	_ =	shalt  }
0x67: {  	_ =	shalt  }
0x68: {  	_ =	shalt  }
0x69: {  	_ =	shalt  }
0x6a: {  	_ =	shalt  }
0x6b: {  	_ =	shalt  }
0x6c: {  	_ =	shalt  }
0x6d: {  	_ =	shalt  }
0x6e: {  	_ =	shalt  }
0x6f: {  	_ =	shalt  }
0x70: {  	_ =	shalt  }
0x71: {  	_ =	shalt  }
0x72: {  	_ =	shalt  }
0x73: {  	_ =	shalt  }
0x74: {  	_ =	shalt  }
0x75: {  	_ =	shalt  }
0x76: {  	_ =	shalt  }
0x77: {  	_ =	shalt  }
0x78: {  	_ =	shalt  }
0x79: {  	_ =	shalt  }
0x7a: {  	_ =	shalt  }
0x7b: {  	_ =	shalt  }
0x7c: {  	_ =	shalt  }
0x7d: {  	_ =	shalt  }
0x7e: {  	_ =	shalt  }
0x7f: {  	_ =	shalt  }
0x80: {  	_ =	shalt  }
0x81: {  	_ =	shalt  }
0x82: {  	_ =	shalt  }
0x83: {  	_ =	shalt  }
0x84: {  	_ =	shalt  }
0x85: {  	_ =	shalt  }
0x86: {  	_ =	shalt  }
0x87: {  	_ =	shalt  }
.Lfunc_end0:
.L_simem_size_0:
called_computation_lowered:
.L_overlay_start_0:
0x88: {  	s2 =	sld [smem:$0x3FD9]  }
0x89: {  	s3 =	sld [smem:$0x3FFE];
	_ =	sdelay $0x1  }
0x8a: {  	s1 =	srdreg.scid  }
0x8b: {  	s0 =	sand.u32 $0x1, s1  }
0x8c: {  	s14 =	sshll.u32 s0, $0xA;
	s2 =	sadd.s32 s3, s2  }
0x8d: {  	s2 =	sadd.s32 s2, s14  }
0x8e: {  	[smem:$0x3FC6] =	sst s2  }
0x8f: {  	_ = 	snop  }
0x90: {  	s2 =	sld [smem:$0x3FD0];
	_ =	sdelay $0x2  }
0x91: {  	s15 =	simm.s32 $0xA;
	s4 =	simm.s32 $0x10  }
0x92: {  	[smem:s4], [sflag:s15] =	dma.local [hbm:s2], $0x1  }
0x93: {  	_ =	swait.eq [sflag:s15], $0x1  }
0x94: {  	[sflag:s15] =	ssyncset.done $0x0  }
0x95: {  	[sflag:s15] =	ssyncadd.s32 $0xFFFFFFFF  }
0x96: {  	s16 =	sld [smem:$0x10];
	(tm) =	ssettm $0x1  }
0x97: {  	s17 =	sld [smem:$0x3FFB];
	_ =	sdelay $0x3  }
0x98: {  	_ =	strace s17  }
0x99: {  	s3 =	sld [smem:$0x3FFC];
	_ =	sdelay $0x3  }
0x9a: {  	_ =	strace s3  }
0x9b: {  	s3 =	sld [smem:$0x3FFD];
	_ =	sdelay $0x3  }
0x9c: {  	_ =	strace s3  }
0x9d: {  	_ =	strace $0x8FFFFFFF  }
0x9e: {  	s18 =	sld [smem:$0x3FDB];
	_ =	sdelay $0x1  }
0x9f: {  	s19 =	simm.s32 $_scs_section_size  }
0xa0: {  	s5 =	simm.s32 $_size__tile_overlayer_lowered;
	s6 =	simm.s32 $_tile_overlayer_lowered  }
0xa1: {  	s22 =	simm.s32 $0x1BFF;
	s21 =	sshll.u32 s6, $0x1;
	s3 =	sadd.s32 s19, s18  }
0xa2: {  	s7 =	simm.s32 $0x0;
	s20 =	sshll.u32 s5, $0x1;
	s5 =	sadd.s32 s21, s3  }
0xa3: {  	[timem:s7], [sflag:s22] =	dma.local [hbm:s5], s20  }
0xa4: {  	_ =	swait.ge [sflag:s22], s20  }
0xa5: {  	s4 =	ssub.s32 $0x0, s20;
	[sflag:s22] =	ssyncset.done $0x0  }
0xa6: {  	[sflag:s22] =	ssyncadd.s32 s4;
	_ =	sdelay $0x1  }
0xa7: {  	s23 =	simm.s32 $0x1B8B  }
0xa8: {  	_ =	swait.ge [sflag:s23], $0x1  }
0xa9: {  	[sflag:s23] =	ssyncset.done $0x0  }
0xaa: {  	s25 =	simm.s32 $0x1B8E;
	s24 =	sld [smem:$0x3FFE];
	[sflag:s23] =	ssyncadd.s32 $0xFFFFFFFF  }
0xab: {  	s26 =	simm.s32 $execute0_lowered;
	[smem:$0x3FD2] =	sst s25  }
0xac: {  	s5 =	sshll.u32 s26, $0x1;
	_ =	strace $0x80000046;
	[dreg:$0x1] =	wrdreg $0xFFFFFFFF  }
0xad: {  	s28 =	simm.s32 $_size_execute0_lowered;
	s3 =	sadd.s32 s3, s5;
	[dreg:$0x0] =	wrdreg $0x0  }
0xae: {  	s5 =	sshll.u32 s28, $0x1;
	[dreg:$0x2] =	wrdreg s3  }
0xaf: {  	[dreg:$0x3] =	wrdreg s5  }
0xb0: {  	[dreg:$0x4] =	wrdreg $0xC0  }
0xb1: {  	_ =	task [dreg:s7], $0x5FFFF  }
0xb2: {  	[dreg:$0x1] =	wrdreg $0xFFFFFFFF  }
0xb3: {  	[dreg:$0x0] =	wrdreg $0x60  }
0xb4: {  	[dreg:$0x2] =	wrdreg s24  }
0xb5: {  	[dreg:$0x3] =	wrdreg s16  }
0xb6: {  	[dreg:$0x4] =	wrdreg $0x9  }
0xb7: {  	_ =	task.clear_ibuf [dreg:s7], $0x5FFFF;
	_ =	strace $0x90000046  }
0xb8: {  	s29 =	simm.s32 $0x9;
	_ =	strace $0x80000048  }
0xb9: {  	_ =	swait.ge [sflag:s29], $0x1  }
0xba: {  	[sflag:s29] =	ssyncadd.s32 $0xFFFFFFFF  }
0xbb: {  	_ =	strace $0x90000048  }
0xbc: {  	_ =	sfence  }
0xbd: {  	s30 =	sld [smem:$0x0];
	_ =	sdelay $0x2  }
0xbe: {  	s31 =	sshll.u32 s1, $0xD;
	s1 =	sshrl.u32 s1, $0x2  }
0xbf: {  	s3 =	sand.u32 $0x4000, s31;
	s1 =	sadd.s32 s1, s30  }
0xc0: {  	s0 =	sor.u32 s3, s0;
	s1 =	sshll.u32 s1, $0x11  }
0xc1: {  	s0 =	sor.u32 s1, s0  }
0xc2: {  	s0 =	sadd.s32 $0x8F2B, s0  }
0xc3: {  	[sflag:s0] =	ssyncadd.remote.s32 $0x1  }
0xc4: {  	_ =	sfence.sel $0xFFFF  }
0xc5: {  	[dreg:$0x0] =	wrdreg $0xFFFFFFFF;
	(pc) =	sbr.abs _section_cstart, $3  }
0xc6: {  	[dreg:$0x1] =	wrdreg $0xFFFFFFFF  }
0xc7: {  	_ =	task.clear_ibuf [dreg:s7], $0x2FFFF;
	_ =	strace $0x9FFFFFFF  }
0xc8: {  	(tm) =	ssettm $0x7FFFFFFF  }
0xc9: {  	_ =	shalt  }
tec
execute0_lowered:
.L_overlay_start_1:
0x0: {  	(tag) =	ssettag $0x1  }
0x1: {  	s0 =	srdreg.scid;
	s1 =	rddreg [dreg:$0x0]  }
0x2: {  	s4 =	stileid.u32;
	s3 =	rddreg [dreg:$0x1];
	s29 =	simm.s32 $0x3800  }
0x3: {  	s30 =	simm.s32 $0x5800;
	s31 =	simm.s32 $0x2;
	s0 =	sand.u32 $0x1, s0  }
0x4: {  	s2 =	sshll.u32 s4, $0x1;
	s4 =	sshrl.u32 s4, $0x2;
	s9 =	sadd.s32 $0xD000, s1  }
0x5: {  	s5 =	sor.u32 s0, s2;
	s2 =	simm.s32 $0x0;
	s7 =	sshll.u32 s4, $0xF  }
0x6: {  	s8 =	sshll.u32 s4, $0xD;
	s4 =	sshll.u32 s4, $0xA;
	s0 =	ssub.s32 $0x2, s0  }
0x7: {  	s6 =	sshll.u32 s5, $0x7;
	[smem:$0x7FF] =	sst s2;
	s11 =	sshrl.u32 s0, $0x1  }
0x8: {  	s5 =	sshll.u32 s5, $0xA;
	s6 =	sand.u32 $0x380, s6;
	_ =	strace $0x80000047  }
0x9: {  	s0 =	ssub.s32 s0, s11;
	s13 =	sadd.s32 s3, s5;
	s14 =	sor.u32 $0x8000, s5  }
0xa: {  	s15 =	sadd.s32 s9, s5;
	s16 =	sor.u32 $0x10000, s5;
	s17 =	sor.u32 $0x18000, s5  }
0xb: {  	s19 =	sor.u32 $0x20000, s5;
	s21 =	sor.u32 $0x28000, s5;
	[dreg:$0x4] =	wrdreg s13  }
0xc: {  	s23 =	sor.u32 $0x30000, s5;
	s10 =	sadd.s32 s3, s14;
	[dreg:$0x6] =	wrdreg s15  }
0xd: {  	s5 =	sor.u32 $0x38000, s5;
	s11 =	sadd.s32 s3, s16;
	[dreg:$0x5] =	wrdreg s10  }
0xe: {  	s7 =	sor.u32 s7, s6;
	s18 =	sadd.s32 s3, s17;
	[dreg:$0x7] =	wrdreg s11  }
0xf: {  	s8 =	sor.u32 s8, s6;
	s20 =	sadd.s32 s3, s19;
	[dreg:$0x9] =	wrdreg s18  }
0x10: {  	s4 =	sor.u32 s4, s6;
	s22 =	sadd.s32 s3, s21;
	[dreg:$0xb] =	wrdreg s20  }
0x11: {  	s24 =	sadd.s32 s3, s23;
	s3 =	sadd.s32 s3, s5;
	[dreg:$0xd] =	wrdreg s22  }
0x12: {  	s25 =	sadd.s32 s9, s23;
	s26 =	sadd.s32 s9, s5;
	[dreg:$0xf] =	wrdreg s24  }
0x13: {  	s0 =	smax.u32 s0, $0x1;
	s13 =	simm.s32 $0x3;
	[dreg:$0x11] =	wrdreg s3  }
0x14: {  	s5 =	simm.s32 $0x5;
	s7 =	sshrl.u32 s7, $0x3;
	[dreg:$0x12] =	wrdreg s25  }
0x15: {  	s8 =	sshrl.u32 s8, $0x3;
	s4 =	sshrl.u32 s4, $0x3;
	[dreg:$0x13] =	wrdreg s26  }
0x16: {  	s10 =	sadd.s32 s9, s16;
	[dreg:$0x15] =	wrdreg s0;
	s0 =	simm.s32 $0x7  }
0x17: {  	s18 =	simm.s32 $0x1480;
	s20 =	simm.s32 $0x1680;
	s3 =	simm.s32 $0x7800  }
0x18: {  	s7 =	sadd.s32 s7, s1;
	s8 =	sadd.s32 s8, s1;
	s1 =	sadd.s32 s4, s1  }
0x19: {  	[dreg:$0xa] =	wrdreg s10;
	s10 =	sadd.s32 s9, s19;
	s19 =	simm.s32 $0x1580  }
0x1a: {  	s12 =	sadd.s32 $0x9000, s7;
	s4 =	sadd.s32 $0x1000, s8;
	s6 =	sadd.s32 $0x2000, s8  }
0x1b: {  	s7 =	sadd.s32 s9, s14;
	[dreg:$0xe] =	wrdreg s10;
	s22 =	sadd.s32 $0x3000, s8  }
0x1c: {  	s23 =	sadd.s32 $0x4000, s8;
	s24 =	sadd.s32 $0x5000, s8;
	s25 =	sadd.s32 $0x6000, s8  }
0x1d: {  	s26 =	sadd.s32 $0x7000, s8;
	s28 =	sadd.s32 $0x8000, s8;
	[dreg:$0x3] =	wrdreg s12  }
0x1e: {  	s1 =	sadd.s32 $0x4D000, s1;
	s8 =	simm.s32 $0x0;
	[dreg:$0x8] =	wrdreg s7  }
0x1f: {  	s7 =	sadd.s32 s9, s17;
	[dreg:$0x14] =	wrdreg s1;
	s12 =	simm.s32 $0x1  }
0x20: {  	s1 =	simm.s32 $0x4;
	[dreg:$0xc] =	wrdreg s7;
	s7 =	sadd.s32 s9, s21  }
0x21: {  	s21 =	simm.s32 $0x1780;
	[dreg:$0x10] =	wrdreg s7;
	s7 =	simm.s32 $0x6  }
.LBB2_1:
0x22: {  	s9 =	rddreg [dreg:$0x3];
	s10 =	simm.s32 $0x80;
	s11 =	simm.s32 $0x400  }
0x23: {  	[tilespmem:s2], [sflag:$0x7] =	stream.strided.gather [hbm4b:s9+s10], $0x1000, s11, s10, $0x38;
	[tilespmem:$0x9880] =	vst v63  }
0x24: {  	_ =	swait.ge [sflag:s0], $0x1000  }
0x25: {  	[sflag:s0] =	ssyncset.done $0x0  }
0x26: {  	s17 =	simm.s32 $0x1000;
	[sflag:s0] =	ssyncadd.s32 $0xFFFFF000  }
0x27: {  	[tilespmem:s17], [sflag:$0x1] =	stream.linear.gather [hbm4b:s4+s2], $0x80, $0x38;
	[tilespmem:$0x9880] =	vst v63  }
0x28: {  	s10 =	sadd.s32 $0x80, s4;
	s11 =	simm.s32 $0x1100  }
0x29: {  	[tilespmem:s11], [sflag:$0x1] =	stream.linear.gather [hbm4b:s10+s2], $0x80, $0x38;
	[tilespmem:$0x9880] =	vst v63  }
0x2a: {  	s14 =	sadd.s32 $0x100, s4;
	s15 =	simm.s32 $0x1200  }
0x2b: {  	[tilespmem:s15], [sflag:$0x1] =	stream.linear.gather [hbm4b:s14+s2], $0x80, $0x38;
	[tilespmem:$0x9880] =	vst v63  }
0x2c: {  	s16 =	sadd.s32 $0x180, s4;
	s17 =	simm.s32 $0x1300  }
0x2d: {  	[tilespmem:s17], [sflag:$0x1] =	stream.linear.gather [hbm4b:s16+s2], $0x80, $0x38;
	[tilespmem:$0x9880] =	vst v63  }
0x2e: {  	s10 =	sadd.s32 $0x200, s4;
	s11 =	simm.s32 $0x1400  }
0x2f: {  	[tilespmem:s11], [sflag:$0x1] =	stream.linear.gather [hbm4b:s10+s2], $0x80, $0x38;
	[tilespmem:$0x9880] =	vst v63  }
0x30: {  	s14 =	sadd.s32 $0x280, s4;
	s15 =	simm.s32 $0x1500  }
0x31: {  	[tilespmem:s15], [sflag:$0x1] =	stream.linear.gather [hbm4b:s14+s2], $0x80, $0x38;
	[tilespmem:$0x9880] =	vst v63  }
0x32: {  	s16 =	sadd.s32 $0x300, s4;
	s17 =	simm.s32 $0x1600  }
0x33: {  	[tilespmem:s17], [sflag:$0x1] =	stream.linear.gather [hbm4b:s16+s2], $0x80, $0x38;
	[tilespmem:$0x9880] =	vst v63  }
0x34: {  	s11 =	sadd.s32 $0x380, s4;
	s14 =	simm.s32 $0x1700  }
0x35: {  	[tilespmem:s14], [sflag:$0x1] =	stream.linear.gather [hbm4b:s11+s2], $0x80, $0x38;
	[tilespmem:$0x9880] =	vst v63  }
0x36: {  	s15 =	rddreg [dreg:$0x4];
	s16 =	simm.s32 $0x1800  }
0x37: {  	[tilespmem:s16], [sflag:$0x3] =	stream.linear.gather [hbm4b:s15+s2], $0x2000, $0x38;
	[tilespmem:$0x9880] =	vst v63  }
0x38: {  	_ =	swait.ge [sflag:s12], $0x400  }
0x39: {  	[sflag:s12] =	ssyncset.done $0x0  }
0x3a: {  	[sflag:s12] =	ssyncadd.s32 $0xFFFFFC00  }
0x3b: {  	_ =	swait.ge [sflag:s13], $0x2000  }
0x3c: {  	[sflag:s13] =	ssyncset.done $0x0  }
0x3d: {  	s17 =	simm.s32 $0x1080;
	[sflag:s13] =	ssyncadd.s32 $0xFFFFE000  }
0x3e: {  	[tilespmem:s17], [sflag:$0x2] =	stream.linear.gather [hbm4b:s6+s2], $0x80, $0x38;
	[tilespmem:$0x9880] =	vst v63  }
0x3f: {  	s10 =	sadd.s32 $0x80, s6;
	s11 =	simm.s32 $0x1180  }
0x40: {  	[tilespmem:s11], [sflag:$0x2] =	stream.linear.gather [hbm4b:s10+s2], $0x80, $0x38;
	[tilespmem:$0x9880] =	vst v63  }
0x41: {  	s14 =	sadd.s32 $0x100, s6;
	s15 =	simm.s32 $0x1280  }
0x42: {  	[tilespmem:s15], [sflag:$0x2] =	stream.linear.gather [hbm4b:s14+s2], $0x80, $0x38;
	[tilespmem:$0x9880] =	vst v63  }
0x43: {  	s16 =	sadd.s32 $0x180, s6;
	s17 =	simm.s32 $0x1380  }
0x44: {  	[tilespmem:s17], [sflag:$0x2] =	stream.linear.gather [hbm4b:s16+s2], $0x80, $0x38;
	[tilespmem:$0x9880] =	vst v63  }
0x45: {  	s11 =	sadd.s32 $0x200, s6  }
0x46: {  	[tilespmem:s18], [sflag:$0x2] =	stream.linear.gather [hbm4b:s11+s2], $0x80, $0x38;
	[tilespmem:$0x9880] =	vst v63  }
0x47: {  	s14 =	sadd.s32 $0x280, s6  }
0x48: {  	[tilespmem:s19], [sflag:$0x2] =	stream.linear.gather [hbm4b:s14+s2], $0x80, $0x38;
	[tilespmem:$0x9880] =	vst v63  }
0x49: {  	s10 =	sand.u32 $0x1C00, s2;
	s15 =	sadd.s32 $0x300, s6  }
0x4a: {  	[tilespmem:s20], [sflag:$0x2] =	stream.linear.gather [hbm4b:s15+s2], $0x80, $0x38;
	[tilespmem:$0x9880] =	vst v63  }
0x4b: {  	s16 =	sadd.s32 $0x380, s6;
	s14 =	sand.u32 $0x70, s2;
	s15 =	sshrl.u32 s10, $0x2  }
0x4c: {  	[tilespmem:s21], [sflag:$0x2] =	stream.linear.gather [hbm4b:s16+s2], $0x80, $0x38;
	[tilespmem:$0x9880] =	vst v63  }
0x4d: {  	s17 =	rddreg [dreg:$0x5];
	s11 =	sor.u32 s14, s15  }
0x4e: {  	[tilespmem:s29], [sflag:$0x4] =	stream.linear.gather [hbm4b:s17+s2], $0x2000, $0x38;
	[tilespmem:$0x9880] =	vst v63  }
0x4f: {  	v0 =	vld [tilespmem:s11+$0x1000];
	_ =	sdelay $0x7  }
0x50: {  	v1 =	vld.idx.msk [tilespmem:v0+s2+$0x0], $0xffff  }
0x51: {  	v2 =	vadd.s32 $0x200, v0;
	_ =	sdelay $0x2  }
0x52: {  	s9 =	sor.u32 s14, s10  }
0x53: {  	[tilespmem:s9+$0x5800] =	vst v1  }
0x54: {  	v2 =	vld.idx.msk [tilespmem:v2+s2+$0x0], $0xffff  }
0x55: {  	v3 =	vadd.s32 $0x400, v0;
	_ =	sdelay $0x3  }
0x56: {  	[tilespmem:s9+$0x5880] =	vst v2  }
0x57: {  	v3 =	vld.idx.msk [tilespmem:v3+s2+$0x0], $0xffff  }
0x58: {  	v4 =	vadd.s32 $0x600, v0;
	_ =	sdelay $0x3  }
0x59: {  	[tilespmem:s9+$0x5900] =	vst v3  }
0x5a: {  	v4 =	vld.idx.msk [tilespmem:v4+s2+$0x0], $0xffff  }
0x5b: {  	v5 =	vadd.s32 $0x800, v0;
	_ =	sdelay $0x3  }
0x5c: {  	[tilespmem:s9+$0x5980] =	vst v4  }
0x5d: {  	v5 =	vld.idx.msk [tilespmem:v5+s2+$0x0], $0xffff  }
0x5e: {  	v6 =	vadd.s32 $0xA00, v0;
	_ =	sdelay $0x3  }
0x5f: {  	[tilespmem:s9+$0x5A00] =	vst v5  }
0x60: {  	v6 =	vld.idx.msk [tilespmem:v6+s2+$0x0], $0xffff  }
0x61: {  	v7 =	vadd.s32 $0xC00, v0;
	_ =	sdelay $0x1  }
0x62: {  	v8 =	vld [tilespmem:s9+$0x1800]  }
0x63: {  	v9 =	vld [tilespmem:s9+$0x1880]  }
0x64: {  	v10 =	vld [tilespmem:s9+$0x1900];
	[tilespmem:s9+$0x5A80] =	vst v6  }
0x65: {  	v7 =	vld.idx.msk [tilespmem:v7+s2+$0x0], $0xffff  }
0x66: {  	v11 =	vld [tilespmem:s9+$0x1980];
	v0 =	vadd.s32 $0xE00, v0  }
0x67: {  	v12 =	vld [tilespmem:s9+$0x1A00];
	_ =	sdelay $0x1  }
0x68: {  	v13 =	vld [tilespmem:s9+$0x1A80];
	v2 =	vsub.f32 v9, v2  }
0x69: {  	s16 =	sor.u32 s2, s2;
	v14 =	vld [tilespmem:s9+$0x1B00];
	v1 =	vsub.f32 v8, v1;
	v8 =	vsub.f32 v10, v3;
	[tilespmem:s9+$0x5B00] =	vst v7  }
0x6a: {  	s17 =	sor.u32 $0x380, s16;
	v2 =	vmul.f32 v2, v2;
	v0 =	vld.idx.msk [tilespmem:v0+s2+$0x0], $0xffff  }
0x6b: {  	v9 =	vsub.f32 v11, v4;
	v10 =	vsub.f32 v12, v5;
	v5 =	vmul.f32 v8, v8;
	v11 =	vld [tilespmem:s17+$0x1800]  }
0x6c: {  	v3 =	vimm.f32 $0.0e+00  }
0x6d: {  	v1 =	vmul.f32 v1, v1;
	v4 =	vadd.f32 v2, v3;
	v5 =	vadd.f32 v5, v3;
	s9 =	simm.s32 $0x80  }
0x6e: {  	s10 =	simm.s32 $0x10;
	v63 =	vsub.f32 v13, v6;
	v7 =	vsub.f32 v14, v7;
	s15 =	sand.u32 $0x1C00, s9  }
0x6f: {  	s16 =	sand.u32 $0x70, s10;
	v2 =	vmul.f32 v10, v10;
	v6 =	vadd.f32 v1, v3;
	v1 =	vmul.f32 v9, v9;
	s14 =	sshrl.u32 s15, $0x2  }
0x70: {  	v9 =	vmul.f32 v63, v63;
	v10 =	vmul.f32 v7, v7;
	v11 =	vsub.f32 v11, v0;
	[tilespmem:s17+$0x5800] =	vst v0;
	s17 =	sor.u32 s16, s14  }
0x71: {  	v7 =	vadd.f32 v1, v3;
	v1 =	vadd.f32 v2, v3;
	v8 =	vld [tilespmem:s17+$0x1000]  }
0x72: {  	s11 =	simm.s32 $0x100;
	v2 =	vadd.f32 v9, v3;
	v0 =	vadd.f32 v10, v3;
	v9 =	vmul.f32 v11, v11  }
.LBB2_2:
0x73: {  	_ = 	snop  }
0x74: {  	p0 =	sne.s32 s11, $0x1F80;
	s14 =	smov.u32 s11;
	s11 =	sadd.s32 $0x80, s11;
	v3 =	vadd.f32 v9, v3  }
0x75: {  	_ =	sdelay $0x3  }
0x76: {  	v9 =	vld.idx.msk [tilespmem:v8+s2+$0x0], $0xffff;
	_ =	sdelay $0x1  }
0x77: {  	v10 =	vadd.s32 $0x200, v8;
	_ =	sdelay $0x2  }
0x78: {  	s15 =	sor.u32 s16, s15  }
0x79: {  	[tilespmem:s15+$0x5800] =	vst v9;
	v11 =	vld [tilespmem:s15+$0x1800]  }
0x7a: {  	v10 =	vld.idx.msk [tilespmem:v10+s2+$0x0], $0xffff  }
0x7b: {  	v12 =	vld [tilespmem:s15+$0x1880]  }
0x7c: {  	v13 =	vadd.s32 $0x400, v8;
	_ =	sdelay $0x1  }
0x7d: {  	v9 =	vsub.f32 v11, v9;
	_ =	sdelay $0x1  }
0x7e: {  	v9 =	vmul.f32 v9, v9;
	[tilespmem:s15+$0x5880] =	vst v10;
	v10 =	vsub.f32 v12, v10  }
0x7f: {  	v11 =	vld.idx.msk [tilespmem:v13+s2+$0x0], $0xffff  }
0x80: {  	v6 =	vadd.f32 v9, v6;
	v9 =	vmul.f32 v10, v10;
	v10 =	vld [tilespmem:s15+$0x1900]  }
0x81: {  	v12 =	vadd.s32 $0x600, v8  }
0x82: {  	v4 =	vadd.f32 v9, v4;
	_ =	sdelay $0x2  }
0x83: {  	[tilespmem:s15+$0x5900] =	vst v11;
	v9 =	vsub.f32 v10, v11  }
0x84: {  	v10 =	vld.idx.msk [tilespmem:v12+s2+$0x0], $0xffff  }
0x85: {  	v9 =	vmul.f32 v9, v9;
	v11 =	vld [tilespmem:s15+$0x1980]  }
0x86: {  	v12 =	vadd.s32 $0x800, v8  }
0x87: {  	v5 =	vadd.f32 v9, v5;
	_ =	sdelay $0x2  }
0x88: {  	[tilespmem:s15+$0x5980] =	vst v10;
	v9 =	vsub.f32 v11, v10  }
0x89: {  	v10 =	vld.idx.msk [tilespmem:v12+s2+$0x0], $0xffff  }
0x8a: {  	v9 =	vmul.f32 v9, v9;
	v11 =	vld [tilespmem:s15+$0x1A00]  }
0x8b: {  	v12 =	vadd.s32 $0xA00, v8  }
0x8c: {  	v7 =	vadd.f32 v9, v7;
	_ =	sdelay $0x2  }
0x8d: {  	[tilespmem:s15+$0x5A00] =	vst v10;
	v9 =	vsub.f32 v11, v10  }
0x8e: {  	v10 =	vld.idx.msk [tilespmem:v12+s2+$0x0], $0xffff  }
0x8f: {  	v9 =	vmul.f32 v9, v9;
	v11 =	vld [tilespmem:s15+$0x1A80]  }
0x90: {  	v12 =	vadd.s32 $0xC00, v8  }
0x91: {  	v1 =	vadd.f32 v9, v1;
	_ =	sdelay $0x2  }
0x92: {  	[tilespmem:s15+$0x5A80] =	vst v10;
	v9 =	vsub.f32 v11, v10  }
0x93: {  	v10 =	vld.idx.msk [tilespmem:v12+s2+$0x0], $0xffff  }
0x94: {  	v9 =	vmul.f32 v9, v9;
	v11 =	vld [tilespmem:s15+$0x1B00]  }
0x95: {  	v8 =	vadd.s32 $0xE00, v8  }
0x96: {  	v2 =	vadd.f32 v9, v2;
	_ =	sdelay $0x2  }
0x97: {  	[tilespmem:s15+$0x5B00] =	vst v10;
	v9 =	vsub.f32 v11, v10;
	s15 =	sor.u32 s9, s10;
	s9 =	smov.u32 s14  }
0x98: {  	v8 =	vld.idx.msk [tilespmem:v8+s2+$0x0], $0xffff;
	s14 =	sor.u32 $0x380, s15  }
0x99: {  	v9 =	vmul.f32 v9, v9;
	v10 =	vld [tilespmem:s14+$0x1800];
	_ =	sdelay $0x1  }
0x9a: {  	v0 =	vadd.f32 v9, v0  }
.Ltmp0:
0x9b: {  	s10 =	sadd.s32 $0x10, s10;
	s15 =	sand.u32 $0x1C00, s9;
	(pc) =	sbr.rel @p0 .LBB2_2-.Ltmp0, $4  }
0x9c: {  	s16 =	sand.u32 $0x70, s10;
	s17 =	sshrl.u32 s15, $0x2  }
0x9d: {  	s17 =	sor.u32 s16, s17;
	[tilespmem:s14+$0x5800] =	vst v8;
	v9 =	vsub.f32 v10, v8  }
0x9e: {  	v8 =	vld [tilespmem:s17+$0x1000]  }
0x9f: {  	v9 =	vmul.f32 v9, v9  }
0xa0: {  	_ =	sdelay $0x6  }
0xa1: {  	v10 =	vld.idx.msk [tilespmem:v8+s2+$0x0], $0xffff  }
0xa2: {  	v11 =	vadd.s32 $0x200, v8;
	_ =	sdelay $0x2  }
0xa3: {  	s11 =	sor.u32 s16, s15  }
0xa4: {  	[tilespmem:s11+$0x5800] =	vst v10  }
0xa5: {  	v11 =	vld.idx.msk [tilespmem:v11+s2+$0x0], $0xffff  }
0xa6: {  	v12 =	vadd.s32 $0x400, v8;
	_ =	sdelay $0x3  }
0xa7: {  	[tilespmem:s11+$0x5880] =	vst v11  }
0xa8: {  	v12 =	vld.idx.msk [tilespmem:v12+s2+$0x0], $0xffff  }
0xa9: {  	v13 =	vadd.s32 $0x600, v8;
	_ =	sdelay $0x3  }
0xaa: {  	[tilespmem:s11+$0x5900] =	vst v12  }
0xab: {  	v13 =	vld.idx.msk [tilespmem:v13+s2+$0x0], $0xffff  }
0xac: {  	v14 =	vadd.s32 $0x800, v8;
	_ =	sdelay $0x3  }
0xad: {  	[tilespmem:s11+$0x5980] =	vst v13  }
0xae: {  	v14 =	vld.idx.msk [tilespmem:v14+s2+$0x0], $0xffff  }
0xaf: {  	v15 =	vadd.s32 $0xA00, v8;
	_ =	sdelay $0x3  }
0xb0: {  	[tilespmem:s11+$0x5A00] =	vst v14  }
0xb1: {  	v15 =	vld.idx.msk [tilespmem:v15+s2+$0x0], $0xffff  }
0xb2: {  	v16 =	vadd.s32 $0xC00, v8;
	_ =	sdelay $0x3  }
0xb3: {  	[tilespmem:s11+$0x5A80] =	vst v15  }
0xb4: {  	v16 =	vld.idx.msk [tilespmem:v16+s2+$0x0], $0xffff  }
0xb5: {  	v8 =	vadd.s32 $0xE00, v8;
	_ =	sdelay $0x1  }
0xb6: {  	v17 =	vld [tilespmem:s11+$0x1800]  }
0xb7: {  	v18 =	vld [tilespmem:s11+$0x1880]  }
0xb8: {  	v19 =	vld [tilespmem:s11+$0x1900];
	[tilespmem:s11+$0x5B00] =	vst v16  }
0xb9: {  	v8 =	vld.idx.msk [tilespmem:v8+s2+$0x0], $0xffff  }
0xba: {  	v20 =	vld [tilespmem:s11+$0x1980]  }
0xbb: {  	v21 =	vld [tilespmem:s11+$0x1A00]  }
0xbc: {  	s9 =	sor.u32 s9, s10;
	v22 =	vld [tilespmem:s11+$0x1A80]  }
0xbd: {  	v23 =	vld [tilespmem:s11+$0x1B00];
	s9 =	sor.u32 $0x380, s9  }
0xbe: {  	s14 =	rddreg [dreg:$0x6];
	v24 =	vld [tilespmem:s9+$0x1800];
	[tilespmem:s9+$0x5800] =	vst v8;
	s9 =	simm.s32 $0x0  }
0xbf: {  	[hbm4b:s14+s9] =	stream.linear.scatter [tilespmem:s30], [sflag:$0x5], $0x2000, $0x38;
	[tilespmem:$0x9880] =	vst v63  }
0xc0: {  	_ =	swait.ge [sflag:s31], $0x400  }
0xc1: {  	[sflag:s31] =	ssyncset.done $0x0  }
0xc2: {  	[sflag:s31] =	ssyncadd.s32 $0xFFFFFC00  }
0xc3: {  	_ =	swait.ge [sflag:s1], $0x2000  }
0xc4: {  	[sflag:s1] =	ssyncset.done $0x0  }
0xc5: {  	s15 =	simm.s32 $0x1000;
	[sflag:s1] =	ssyncadd.s32 $0xFFFFE000  }
0xc6: {  	[tilespmem:s15], [sflag:$0x1] =	stream.linear.gather [hbm4b:s22+s9], $0x80, $0x38;
	[tilespmem:$0x9880] =	vst v63  }
0xc7: {  	s16 =	sadd.s32 $0x80, s22;
	s17 =	simm.s32 $0x1100  }
0xc8: {  	[tilespmem:s17], [sflag:$0x1] =	stream.linear.gather [hbm4b:s16+s9], $0x80, $0x38;
	[tilespmem:$0x9880] =	vst v63  }
0xc9: {  	s14 =	sadd.s32 $0x100, s22;
	s15 =	simm.s32 $0x1200  }
0xca: {  	[tilespmem:s15], [sflag:$0x1] =	stream.linear.gather [hbm4b:s14+s9], $0x80, $0x38;
	[tilespmem:$0x9880] =	vst v63  }
0xcb: {  	s16 =	sadd.s32 $0x180, s22;
	s17 =	simm.s32 $0x1300  }
0xcc: {  	[tilespmem:s17], [sflag:$0x1] =	stream.linear.gather [hbm4b:s16+s9], $0x80, $0x38;
	[tilespmem:$0x9880] =	vst v63  }
0xcd: {  	s14 =	sadd.s32 $0x200, s22;
	s15 =	simm.s32 $0x1400  }
0xce: {  	[tilespmem:s15], [sflag:$0x1] =	stream.linear.gather [hbm4b:s14+s9], $0x80, $0x38;
	[tilespmem:$0x9880] =	vst v63  }
0xcf: {  	s16 =	sadd.s32 $0x280, s22;
	s17 =	simm.s32 $0x1500  }
0xd0: {  	[tilespmem:s17], [sflag:$0x1] =	stream.linear.gather [hbm4b:s16+s9], $0x80, $0x38;
	[tilespmem:$0x9880] =	vst v63  }
0xd1: {  	s14 =	sadd.s32 $0x300, s22;
	s15 =	simm.s32 $0x1600  }
0xd2: {  	[tilespmem:s15], [sflag:$0x1] =	stream.linear.gather [hbm4b:s14+s9], $0x80, $0x38;
	[tilespmem:$0x9880] =	vst v63  }
0xd3: {  	s16 =	sadd.s32 $0x380, s22;
	s17 =	simm.s32 $0x1700  }
0xd4: {  	[tilespmem:s17], [sflag:$0x1] =	stream.linear.gather [hbm4b:s16+s9], $0x80, $0x38;
	[tilespmem:$0x9880] =	vst v63  }
0xd5: {  	s11 =	rddreg [dreg:$0x7];
	s14 =	simm.s32 $0x1800;
	s15 =	sand.u32 $0x1C00, s9  }
0xd6: {  	[tilespmem:s14], [sflag:$0x3] =	stream.linear.gather [hbm4b:s11+s9], $0x2000, $0x38;
	[tilespmem:$0x9880] =	vst v63  }
0xd7: {  	s16 =	sand.u32 $0x70, s9;
	s14 =	sshrl.u32 s15, $0x2  }
0xd8: {  	s14 =	sor.u32 s16, s14  }
0xd9: {  	v25 =	vld [tilespmem:s14+$0x1080];
	_ =	sdelay $0x7  }
0xda: {  	v26 =	vld.idx.msk [tilespmem:v25+s2+$0x0], $0xffff  }
0xdb: {  	v27 =	vadd.s32 $0x200, v25;
	_ =	sdelay $0x2  }
0xdc: {  	s10 =	sor.u32 s16, s15  }
0xdd: {  	[tilespmem:s10+$0x7800] =	vst v26  }
0xde: {  	v27 =	vld.idx.msk [tilespmem:v27+s2+$0x0], $0xffff  }
0xdf: {  	v28 =	vadd.s32 $0x400, v25;
	_ =	sdelay $0x3  }
0xe0: {  	[tilespmem:s10+$0x7880] =	vst v27  }
0xe1: {  	v28 =	vld.idx.msk [tilespmem:v28+s2+$0x0], $0xffff  }
0xe2: {  	v29 =	vadd.s32 $0x600, v25;
	_ =	sdelay $0x3  }
0xe3: {  	[tilespmem:s10+$0x7900] =	vst v28  }
0xe4: {  	v29 =	vld.idx.msk [tilespmem:v29+s2+$0x0], $0xffff  }
0xe5: {  	v30 =	vadd.s32 $0x800, v25;
	_ =	sdelay $0x3  }
0xe6: {  	[tilespmem:s10+$0x7980] =	vst v29  }
0xe7: {  	v30 =	vld.idx.msk [tilespmem:v30+s2+$0x0], $0xffff  }
0xe8: {  	v31 =	vadd.s32 $0xA00, v25;
	_ =	sdelay $0x3  }
0xe9: {  	v10 =	vsub.f32 v17, v10;
	[tilespmem:s10+$0x7A00] =	vst v30  }
0xea: {  	v11 =	vsub.f32 v18, v11;
	v31 =	vld.idx.msk [tilespmem:v31+s2+$0x0], $0xffff  }
0xeb: {  	v10 =	vmul.f32 v10, v10;
	v51 =	vadd.s32 $0xC00, v25  }
0xec: {  	v11 =	vmul.f32 v11, v11;
	v13 =	vsub.f32 v20, v13  }
0xed: {  	v6 =	vadd.f32 v10, v6  }
0xee: {  	v10 =	vadd.f32 v11, v4;
	v12 =	vsub.f32 v19, v12;
	v4 =	vmul.f32 v13, v13;
	v52 =	vld [tilespmem:s10+$0x3800]  }
0xef: {  	v3 =	vadd.f32 v9, v3;
	v54 =	vsub.f32 v22, v15;
	v9 =	vld [tilespmem:s10+$0x3880];
	[tilespmem:s10+$0x7A80] =	vst v31  }
0xf0: {  	v12 =	vmul.f32 v12, v12;
	v7 =	vadd.f32 v4, v7;
	v53 =	vsub.f32 v21, v14;
	v11 =	vld.idx.msk [tilespmem:v51+s2+$0x0], $0xffff  }
0xf1: {  	v13 =	vmul.f32 v54, v54;
	v4 =	vsub.f32 v23, v16;
	v55 =	vld [tilespmem:s10+$0x3900];
	v56 =	vadd.s32 $0xE00, v25  }
0xf2: {  	v5 =	vadd.f32 v12, v5;
	v8 =	vsub.f32 v24, v8;
	v57 =	vld [tilespmem:s10+$0x3980]  }
0xf3: {  	v12 =	vmul.f32 v53, v53;
	v60 =	vadd.f32 v13, v2;
	v4 =	vmul.f32 v4, v4;
	v58 =	vld [tilespmem:s10+$0x3A00]  }
0xf4: {  	v2 =	vmul.f32 v8, v8;
	v8 =	vld [tilespmem:s10+$0x3B00];
	v18 =	vsub.f32 v52, v26;
	v9 =	vsub.f32 v9, v27  }
0xf5: {  	v1 =	vadd.f32 v12, v1;
	s9 =	sor.u32 s9, s9;
	v59 =	vld [tilespmem:s10+$0x3A80];
	[tilespmem:s10+$0x7B00] =	vst v11  }
0xf6: {  	v0 =	vadd.f32 v4, v0;
	s11 =	sor.u32 $0x2380, s9;
	v4 =	vmul.f32 v18, v18;
	v9 =	vmul.f32 v9, v9;
	v61 =	vld.idx.msk [tilespmem:v56+s2+$0x0], $0xffff  }
0xf7: {  	v2 =	vadd.f32 v2, v3;
	v14 =	vsub.f32 v55, v28;
	v62 =	vld [tilespmem:s11+$0x1800]  }
0xf8: {  	v4 =	vadd.f32 v4, v6;
	v3 =	vadd.f32 v9, v10  }
0xf9: {  	s9 =	simm.s32 $0x80;
	v6 =	vmul.f32 v14, v14;
	v9 =	vsub.f32 v57, v29;
	v8 =	vsub.f32 v8, v11  }
0xfa: {  	s15 =	sand.u32 $0x1C00, s9;
	v10 =	vsub.f32 v58, v30;
	v63 =	vsub.f32 v59, v31;
	s10 =	simm.s32 $0x10  }
0xfb: {  	s17 =	sshrl.u32 s15, $0x2;
	v6 =	vadd.f32 v6, v5;
	v5 =	vmul.f32 v9, v9;
	s16 =	sand.u32 $0x70, s10;
	v8 =	vmul.f32 v8, v8  }
0xfc: {  	v9 =	vmul.f32 v10, v10;
	v10 =	vmul.f32 v63, v63;
	s14 =	sor.u32 s16, s17;
	v11 =	vsub.f32 v62, v61;
	[tilespmem:s11+$0x5800] =	vst v61  }
0xfd: {  	v7 =	vadd.f32 v5, v7;
	v0 =	vadd.f32 v8, v0;
	v8 =	vld [tilespmem:s14+$0x1080]  }
0xfe: {  	v1 =	vadd.f32 v9, v1;
	v5 =	vadd.f32 v10, v60;
	s11 =	simm.s32 $0x100;
	v9 =	vmul.f32 v11, v11  }
.LBB2_4:
0xff: {  	_ = 	snop  }
0x100: {  	p0 =	sne.s32 s11, $0x1F80;
	s14 =	smov.u32 s11;
	s11 =	sadd.s32 $0x80, s11;
	v2 =	vadd.f32 v9, v2  }
0x101: {  	_ =	sdelay $0x3  }
0x102: {  	v9 =	vld.idx.msk [tilespmem:v8+s2+$0x0], $0xffff;
	_ =	sdelay $0x1  }
0x103: {  	v10 =	vadd.s32 $0x200, v8;
	_ =	sdelay $0x2  }
0x104: {  	s15 =	sor.u32 s16, s15  }
0x105: {  	[tilespmem:s15+$0x7800] =	vst v9;
	v11 =	vld [tilespmem:s15+$0x3800]  }
0x106: {  	v10 =	vld.idx.msk [tilespmem:v10+s2+$0x0], $0xffff  }
0x107: {  	v12 =	vld [tilespmem:s15+$0x3880]  }
0x108: {  	v13 =	vadd.s32 $0x400, v8;
	_ =	sdelay $0x1  }
0x109: {  	v9 =	vsub.f32 v11, v9;
	_ =	sdelay $0x1  }
0x10a: {  	v9 =	vmul.f32 v9, v9;
	[tilespmem:s15+$0x7880] =	vst v10;
	v10 =	vsub.f32 v12, v10  }
0x10b: {  	v11 =	vld.idx.msk [tilespmem:v13+s2+$0x0], $0xffff  }
0x10c: {  	v4 =	vadd.f32 v9, v4;
	v9 =	vmul.f32 v10, v10;
	v10 =	vld [tilespmem:s15+$0x3900]  }
0x10d: {  	v12 =	vadd.s32 $0x600, v8  }
0x10e: {  	v3 =	vadd.f32 v9, v3;
	_ =	sdelay $0x2  }
0x10f: {  	[tilespmem:s15+$0x7900] =	vst v11;
	v9 =	vsub.f32 v10, v11  }
0x110: {  	v10 =	vld.idx.msk [tilespmem:v12+s2+$0x0], $0xffff  }
0x111: {  	v9 =	vmul.f32 v9, v9;
	v11 =	vld [tilespmem:s15+$0x3980]  }
0x112: {  	v12 =	vadd.s32 $0x800, v8  }
0x113: {  	v6 =	vadd.f32 v9, v6;
	_ =	sdelay $0x2  }
0x114: {  	[tilespmem:s15+$0x7980] =	vst v10;
	v9 =	vsub.f32 v11, v10  }
0x115: {  	v10 =	vld.idx.msk [tilespmem:v12+s2+$0x0], $0xffff  }
0x116: {  	v9 =	vmul.f32 v9, v9;
	v11 =	vld [tilespmem:s15+$0x3A00]  }
0x117: {  	v12 =	vadd.s32 $0xA00, v8  }
0x118: {  	v7 =	vadd.f32 v9, v7;
	_ =	sdelay $0x2  }
0x119: {  	[tilespmem:s15+$0x7A00] =	vst v10;
	v9 =	vsub.f32 v11, v10  }
0x11a: {  	v10 =	vld.idx.msk [tilespmem:v12+s2+$0x0], $0xffff  }
0x11b: {  	v9 =	vmul.f32 v9, v9;
	v11 =	vld [tilespmem:s15+$0x3A80]  }
0x11c: {  	v12 =	vadd.s32 $0xC00, v8  }
0x11d: {  	v1 =	vadd.f32 v9, v1;
	_ =	sdelay $0x2  }
0x11e: {  	[tilespmem:s15+$0x7A80] =	vst v10;
	v9 =	vsub.f32 v11, v10  }
0x11f: {  	v10 =	vld.idx.msk [tilespmem:v12+s2+$0x0], $0xffff  }
0x120: {  	v9 =	vmul.f32 v9, v9;
	v11 =	vld [tilespmem:s15+$0x3B00]  }
0x121: {  	v8 =	vadd.s32 $0xE00, v8  }
0x122: {  	v5 =	vadd.f32 v9, v5;
	_ =	sdelay $0x2  }
0x123: {  	[tilespmem:s15+$0x7B00] =	vst v10;
	v9 =	vsub.f32 v11, v10;
	s15 =	sor.u32 s9, s10;
	s9 =	smov.u32 s14  }
0x124: {  	v8 =	vld.idx.msk [tilespmem:v8+s2+$0x0], $0xffff;
	s14 =	sor.u32 $0x2380, s15  }
0x125: {  	v9 =	vmul.f32 v9, v9;
	v10 =	vld [tilespmem:s14+$0x1800];
	_ =	sdelay $0x1  }
0x126: {  	v0 =	vadd.f32 v9, v0  }
.Ltmp1:
0x127: {  	s10 =	sadd.s32 $0x10, s10;
	s15 =	sand.u32 $0x1C00, s9;
	(pc) =	sbr.rel @p0 .LBB2_4-.Ltmp1, $4  }
0x128: {  	s16 =	sand.u32 $0x70, s10;
	s17 =	sshrl.u32 s15, $0x2  }
0x129: {  	s17 =	sor.u32 s16, s17;
	[tilespmem:s14+$0x5800] =	vst v8;
	v9 =	vsub.f32 v10, v8  }
0x12a: {  	v8 =	vld [tilespmem:s17+$0x1080]  }
0x12b: {  	v9 =	vmul.f32 v9, v9  }
0x12c: {  	_ =	sdelay $0x6  }
0x12d: {  	v10 =	vld.idx.msk [tilespmem:v8+s2+$0x0], $0xffff  }
0x12e: {  	v11 =	vadd.s32 $0x200, v8;
	_ =	sdelay $0x2  }
0x12f: {  	s11 =	sor.u32 s16, s15  }
0x130: {  	[tilespmem:s11+$0x7800] =	vst v10  }
0x131: {  	v11 =	vld.idx.msk [tilespmem:v11+s2+$0x0], $0xffff  }
0x132: {  	v12 =	vadd.s32 $0x400, v8;
	_ =	sdelay $0x3  }
0x133: {  	[tilespmem:s11+$0x7880] =	vst v11  }
0x134: {  	v12 =	vld.idx.msk [tilespmem:v12+s2+$0x0], $0xffff  }
0x135: {  	v13 =	vadd.s32 $0x600, v8;
	_ =	sdelay $0x3  }
0x136: {  	[tilespmem:s11+$0x7900] =	vst v12  }
0x137: {  	v13 =	vld.idx.msk [tilespmem:v13+s2+$0x0], $0xffff  }
0x138: {  	v14 =	vadd.s32 $0x800, v8;
	_ =	sdelay $0x3  }
0x139: {  	[tilespmem:s11+$0x7980] =	vst v13  }
0x13a: {  	v14 =	vld.idx.msk [tilespmem:v14+s2+$0x0], $0xffff  }
0x13b: {  	v15 =	vadd.s32 $0xA00, v8;
	_ =	sdelay $0x3  }
0x13c: {  	[tilespmem:s11+$0x7A00] =	vst v14  }
0x13d: {  	v15 =	vld.idx.msk [tilespmem:v15+s2+$0x0], $0xffff  }
0x13e: {  	v16 =	vadd.s32 $0xC00, v8;
	_ =	sdelay $0x3  }
0x13f: {  	[tilespmem:s11+$0x7A80] =	vst v15  }
0x140: {  	v16 =	vld.idx.msk [tilespmem:v16+s2+$0x0], $0xffff  }
0x141: {  	v8 =	vadd.s32 $0xE00, v8;
	_ =	sdelay $0x1  }
0x142: {  	v17 =	vld [tilespmem:s11+$0x3800]  }
0x143: {  	v18 =	vld [tilespmem:s11+$0x3880]  }
0x144: {  	v19 =	vld [tilespmem:s11+$0x3900];
	[tilespmem:s11+$0x7B00] =	vst v16  }
0x145: {  	v8 =	vld.idx.msk [tilespmem:v8+s2+$0x0], $0xffff  }
0x146: {  	v20 =	vld [tilespmem:s11+$0x3980]  }
0x147: {  	v21 =	vld [tilespmem:s11+$0x3A00]  }
0x148: {  	s9 =	sor.u32 s9, s10;
	v22 =	vld [tilespmem:s11+$0x3A80]  }
0x149: {  	v23 =	vld [tilespmem:s11+$0x3B00];
	s9 =	sor.u32 $0x2380, s9  }
0x14a: {  	s17 =	rddreg [dreg:$0x8];
	v24 =	vld [tilespmem:s9+$0x1800];
	[tilespmem:s9+$0x5800] =	vst v8;
	s9 =	simm.s32 $0x0  }
0x14b: {  	[hbm4b:s17+s9] =	stream.linear.scatter [tilespmem:s3], [sflag:$0x6], $0x2000, $0x38;
	[tilespmem:$0x9880] =	vst v63  }
0x14c: {  	_ =	swait.ge [sflag:s12], $0x400  }
0x14d: {  	[sflag:s12] =	ssyncset.done $0x0  }
0x14e: {  	[sflag:s12] =	ssyncadd.s32 $0xFFFFFC00  }
0x14f: {  	_ =	swait.ge [sflag:s13], $0x2000  }
0x150: {  	[sflag:s13] =	ssyncset.done $0x0  }
0x151: {  	s11 =	simm.s32 $0x1080;
	[sflag:s13] =	ssyncadd.s32 $0xFFFFE000  }
0x152: {  	[tilespmem:s11], [sflag:$0x2] =	stream.linear.gather [hbm4b:s23+s9], $0x80, $0x38;
	[tilespmem:$0x9880] =	vst v63  }
0x153: {  	s14 =	sadd.s32 $0x80, s23;
	s15 =	simm.s32 $0x1180  }
0x154: {  	[tilespmem:s15], [sflag:$0x2] =	stream.linear.gather [hbm4b:s14+s9], $0x80, $0x38;
	[tilespmem:$0x9880] =	vst v63  }
0x155: {  	s16 =	sadd.s32 $0x100, s23;
	s17 =	simm.s32 $0x1280  }
0x156: {  	[tilespmem:s17], [sflag:$0x2] =	stream.linear.gather [hbm4b:s16+s9], $0x80, $0x38;
	[tilespmem:$0x9880] =	vst v63  }
0x157: {  	s11 =	sadd.s32 $0x180, s23;
	s14 =	simm.s32 $0x1380  }
0x158: {  	[tilespmem:s14], [sflag:$0x2] =	stream.linear.gather [hbm4b:s11+s9], $0x80, $0x38;
	[tilespmem:$0x9880] =	vst v63  }
0x159: {  	s15 =	sadd.s32 $0x200, s23  }
0x15a: {  	[tilespmem:s18], [sflag:$0x2] =	stream.linear.gather [hbm4b:s15+s9], $0x80, $0x38;
	[tilespmem:$0x9880] =	vst v63  }
0x15b: {  	s16 =	sadd.s32 $0x280, s23  }
0x15c: {  	[tilespmem:s19], [sflag:$0x2] =	stream.linear.gather [hbm4b:s16+s9], $0x80, $0x38;
	[tilespmem:$0x9880] =	vst v63  }
0x15d: {  	s17 =	sadd.s32 $0x300, s23  }
0x15e: {  	[tilespmem:s20], [sflag:$0x2] =	stream.linear.gather [hbm4b:s17+s9], $0x80, $0x38;
	[tilespmem:$0x9880] =	vst v63  }
0x15f: {  	s11 =	sadd.s32 $0x380, s23  }
0x160: {  	[tilespmem:s21], [sflag:$0x2] =	stream.linear.gather [hbm4b:s11+s9], $0x80, $0x38;
	[tilespmem:$0x9880] =	vst v63  }
0x161: {  	s14 =	rddreg [dreg:$0x9]  }
0x162: {  	[tilespmem:s29], [sflag:$0x4] =	stream.linear.gather [hbm4b:s14+s9], $0x2000, $0x38;
	[tilespmem:$0x9880] =	vst v63  }
0x163: {  	s15 =	sand.u32 $0x1C00, s9;
	_ =	swait.ge [sflag:s5], $0x2000  }
0x164: {  	s16 =	sand.u32 $0x70, s9;
	s14 =	sshrl.u32 s15, $0x2;
	[sflag:s5] =	ssyncset.done $0x0  }
0x165: {  	s14 =	sor.u32 s16, s14;
	[sflag:s5] =	ssyncadd.s32 $0xFFFFE000  }
0x166: {  	v25 =	vld [tilespmem:s14+$0x1000];
	_ =	sdelay $0x7  }
0x167: {  	v26 =	vld.idx.msk [tilespmem:v25+s2+$0x0], $0xffff  }
0x168: {  	v27 =	vadd.s32 $0x200, v25;
	_ =	sdelay $0x2  }
0x169: {  	s10 =	sor.u32 s16, s15  }
0x16a: {  	[tilespmem:s10+$0x5800] =	vst v26  }
0x16b: {  	v27 =	vld.idx.msk [tilespmem:v27+s2+$0x0], $0xffff  }
0x16c: {  	v28 =	vadd.s32 $0x400, v25;
	_ =	sdelay $0x3  }
0x16d: {  	[tilespmem:s10+$0x5880] =	vst v27  }
0x16e: {  	v28 =	vld.idx.msk [tilespmem:v28+s2+$0x0], $0xffff  }
0x16f: {  	v29 =	vadd.s32 $0x600, v25;
	_ =	sdelay $0x3  }
0x170: {  	[tilespmem:s10+$0x5900] =	vst v28  }
0x171: {  	v29 =	vld.idx.msk [tilespmem:v29+s2+$0x0], $0xffff  }
0x172: {  	v30 =	vadd.s32 $0x800, v25;
	_ =	sdelay $0x3  }
0x173: {  	[tilespmem:s10+$0x5980] =	vst v29  }
0x174: {  	v30 =	vld.idx.msk [tilespmem:v30+s2+$0x0], $0xffff  }
0x175: {  	v31 =	vadd.s32 $0xA00, v25;
	_ =	sdelay $0x3  }
0x176: {  	[tilespmem:s10+$0x5A00] =	vst v30  }
0x177: {  	v31 =	vld.idx.msk [tilespmem:v31+s2+$0x0], $0xffff  }
0x178: {  	v10 =	vsub.f32 v17, v10;
	v50 =	vadd.s32 $0xC00, v25  }
0x179: {  	v11 =	vsub.f32 v18, v11;
	v12 =	vsub.f32 v19, v12  }
0x17a: {  	v10 =	vmul.f32 v10, v10  }
0x17b: {  	v11 =	vmul.f32 v11, v11;
	v12 =	vmul.f32 v12, v12;
	v13 =	vsub.f32 v20, v13;
	v51 =	vld [tilespmem:s10+$0x1800]  }
0x17c: {  	v2 =	vadd.f32 v9, v2;
	v4 =	vadd.f32 v10, v4;
	v9 =	vld [tilespmem:s10+$0x1880];
	[tilespmem:s10+$0x5A80] =	vst v31  }
0x17d: {  	v3 =	vadd.f32 v11, v3;
	v6 =	vadd.f32 v12, v6;
	v10 =	vmul.f32 v13, v13;
	v11 =	vld.idx.msk [tilespmem:v50+s2+$0x0], $0xffff  }
0x17e: {  	v52 =	vsub.f32 v21, v14;
	v53 =	vsub.f32 v22, v15;
	v54 =	vld [tilespmem:s10+$0x1900];
	v55 =	vadd.s32 $0xE00, v25  }
0x17f: {  	v7 =	vadd.f32 v10, v7;
	v10 =	vsub.f32 v23, v16;
	v56 =	vld [tilespmem:s10+$0x1980]  }
0x180: {  	v12 =	vmul.f32 v52, v52;
	v13 =	vmul.f32 v53, v53;
	v8 =	vsub.f32 v24, v8;
	v57 =	vld [tilespmem:s10+$0x1A00]  }
0x181: {  	v10 =	vmul.f32 v10, v10;
	v58 =	vld [tilespmem:s10+$0x1A80];
	v18 =	vsub.f32 v51, v26;
	v9 =	vsub.f32 v9, v27  }
0x182: {  	v1 =	vadd.f32 v12, v1;
	v5 =	vadd.f32 v13, v5;
	v8 =	vmul.f32 v8, v8;
	s9 =	sor.u32 s9, s9;
	v59 =	vld [tilespmem:s10+$0x1B00];
	[tilespmem:s10+$0x5B00] =	vst v11  }
0x183: {  	v0 =	vadd.f32 v10, v0;
	s11 =	sor.u32 $0x380, s9;
	v10 =	vmul.f32 v18, v18;
	v9 =	vmul.f32 v9, v9;
	v60 =	vld.idx.msk [tilespmem:v55+s2+$0x0], $0xffff  }
0x184: {  	v2 =	vadd.f32 v8, v2;
	v8 =	vsub.f32 v54, v28;
	v61 =	vld [tilespmem:s11+$0x1800]  }
0x185: {  	v4 =	vadd.f32 v10, v4;
	v3 =	vadd.f32 v9, v3  }
0x186: {  	s9 =	simm.s32 $0x80;
	v8 =	vmul.f32 v8, v8;
	v9 =	vsub.f32 v56, v29;
	v10 =	vsub.f32 v57, v30  }
0x187: {  	s15 =	sand.u32 $0x1C00, s9;
	v62 =	vsub.f32 v58, v31;
	v11 =	vsub.f32 v59, v11;
	s10 =	simm.s32 $0x10  }
0x188: {  	s17 =	sshrl.u32 s15, $0x2;
	v6 =	vadd.f32 v8, v6;
	v8 =	vmul.f32 v9, v9;
	v9 =	vmul.f32 v10, v10;
	s16 =	sand.u32 $0x70, s10  }
0x189: {  	v10 =	vmul.f32 v62, v62;
	v11 =	vmul.f32 v11, v11;
	s14 =	sor.u32 s16, s17;
	v63 =	vsub.f32 v61, v60;
	[tilespmem:s11+$0x5800] =	vst v60  }
0x18a: {  	v7 =	vadd.f32 v8, v7;
	v1 =	vadd.f32 v9, v1;
	v8 =	vld [tilespmem:s14+$0x1000]  }
0x18b: {  	v5 =	vadd.f32 v10, v5;
	v0 =	vadd.f32 v11, v0;
	s11 =	simm.s32 $0x100;
	v9 =	vmul.f32 v63, v63  }
.LBB2_6:
0x18c: {  	_ = 	snop  }
0x18d: {  	p0 =	sne.s32 s11, $0x1F80;
	s14 =	smov.u32 s11;
	s11 =	sadd.s32 $0x80, s11;
	v2 =	vadd.f32 v9, v2  }
0x18e: {  	_ =	sdelay $0x3  }
0x18f: {  	v9 =	vld.idx.msk [tilespmem:v8+s2+$0x0], $0xffff;
	_ =	sdelay $0x1  }
0x190: {  	v10 =	vadd.s32 $0x200, v8;
	_ =	sdelay $0x2  }
0x191: {  	s15 =	sor.u32 s16, s15  }
0x192: {  	[tilespmem:s15+$0x5800] =	vst v9;
	v11 =	vld [tilespmem:s15+$0x1800]  }
0x193: {  	v10 =	vld.idx.msk [tilespmem:v10+s2+$0x0], $0xffff  }
0x194: {  	v12 =	vld [tilespmem:s15+$0x1880]  }
0x195: {  	v13 =	vadd.s32 $0x400, v8;
	_ =	sdelay $0x1  }
0x196: {  	v9 =	vsub.f32 v11, v9;
	_ =	sdelay $0x1  }
0x197: {  	v9 =	vmul.f32 v9, v9;
	[tilespmem:s15+$0x5880] =	vst v10;
	v10 =	vsub.f32 v12, v10  }
0x198: {  	v11 =	vld.idx.msk [tilespmem:v13+s2+$0x0], $0xffff  }
0x199: {  	v4 =	vadd.f32 v9, v4;
	v9 =	vmul.f32 v10, v10;
	v10 =	vld [tilespmem:s15+$0x1900]  }
0x19a: {  	v12 =	vadd.s32 $0x600, v8  }
0x19b: {  	v3 =	vadd.f32 v9, v3;
	_ =	sdelay $0x2  }
0x19c: {  	[tilespmem:s15+$0x5900] =	vst v11;
	v9 =	vsub.f32 v10, v11  }
0x19d: {  	v10 =	vld.idx.msk [tilespmem:v12+s2+$0x0], $0xffff  }
0x19e: {  	v9 =	vmul.f32 v9, v9;
	v11 =	vld [tilespmem:s15+$0x1980]  }
0x19f: {  	v12 =	vadd.s32 $0x800, v8  }
0x1a0: {  	v6 =	vadd.f32 v9, v6;
	_ =	sdelay $0x2  }
0x1a1: {  	[tilespmem:s15+$0x5980] =	vst v10;
	v9 =	vsub.f32 v11, v10  }
0x1a2: {  	v10 =	vld.idx.msk [tilespmem:v12+s2+$0x0], $0xffff  }
0x1a3: {  	v9 =	vmul.f32 v9, v9;
	v11 =	vld [tilespmem:s15+$0x1A00]  }
0x1a4: {  	v12 =	vadd.s32 $0xA00, v8  }
0x1a5: {  	v7 =	vadd.f32 v9, v7;
	_ =	sdelay $0x2  }
0x1a6: {  	[tilespmem:s15+$0x5A00] =	vst v10;
	v9 =	vsub.f32 v11, v10  }
0x1a7: {  	v10 =	vld.idx.msk [tilespmem:v12+s2+$0x0], $0xffff  }
0x1a8: {  	v9 =	vmul.f32 v9, v9;
	v11 =	vld [tilespmem:s15+$0x1A80]  }
0x1a9: {  	v12 =	vadd.s32 $0xC00, v8  }
0x1aa: {  	v1 =	vadd.f32 v9, v1;
	_ =	sdelay $0x2  }
0x1ab: {  	[tilespmem:s15+$0x5A80] =	vst v10;
	v9 =	vsub.f32 v11, v10  }
0x1ac: {  	v10 =	vld.idx.msk [tilespmem:v12+s2+$0x0], $0xffff  }
0x1ad: {  	v9 =	vmul.f32 v9, v9;
	v11 =	vld [tilespmem:s15+$0x1B00]  }
0x1ae: {  	v8 =	vadd.s32 $0xE00, v8  }
0x1af: {  	v5 =	vadd.f32 v9, v5;
	_ =	sdelay $0x2  }
0x1b0: {  	[tilespmem:s15+$0x5B00] =	vst v10;
	v9 =	vsub.f32 v11, v10;
	s15 =	sor.u32 s9, s10;
	s9 =	smov.u32 s14  }
0x1b1: {  	v8 =	vld.idx.msk [tilespmem:v8+s2+$0x0], $0xffff;
	s14 =	sor.u32 $0x380, s15  }
0x1b2: {  	v9 =	vmul.f32 v9, v9;
	v10 =	vld [tilespmem:s14+$0x1800];
	_ =	sdelay $0x1  }
0x1b3: {  	v0 =	vadd.f32 v9, v0  }
.Ltmp2:
0x1b4: {  	s10 =	sadd.s32 $0x10, s10;
	s15 =	sand.u32 $0x1C00, s9;
	(pc) =	sbr.rel @p0 .LBB2_6-.Ltmp2, $4  }
0x1b5: {  	s16 =	sand.u32 $0x70, s10;
	s17 =	sshrl.u32 s15, $0x2  }
0x1b6: {  	s17 =	sor.u32 s16, s17;
	[tilespmem:s14+$0x5800] =	vst v8;
	v9 =	vsub.f32 v10, v8  }
0x1b7: {  	v8 =	vld [tilespmem:s17+$0x1000]  }
0x1b8: {  	v9 =	vmul.f32 v9, v9  }
0x1b9: {  	_ =	sdelay $0x6  }
0x1ba: {  	v10 =	vld.idx.msk [tilespmem:v8+s2+$0x0], $0xffff  }
0x1bb: {  	v11 =	vadd.s32 $0x200, v8;
	_ =	sdelay $0x2  }
0x1bc: {  	s11 =	sor.u32 s16, s15  }
0x1bd: {  	[tilespmem:s11+$0x5800] =	vst v10  }
0x1be: {  	v11 =	vld.idx.msk [tilespmem:v11+s2+$0x0], $0xffff  }
0x1bf: {  	v12 =	vadd.s32 $0x400, v8;
	_ =	sdelay $0x3  }
0x1c0: {  	[tilespmem:s11+$0x5880] =	vst v11  }
0x1c1: {  	v12 =	vld.idx.msk [tilespmem:v12+s2+$0x0], $0xffff  }
0x1c2: {  	v13 =	vadd.s32 $0x600, v8;
	_ =	sdelay $0x3  }
0x1c3: {  	[tilespmem:s11+$0x5900] =	vst v12  }
0x1c4: {  	v13 =	vld.idx.msk [tilespmem:v13+s2+$0x0], $0xffff  }
0x1c5: {  	v14 =	vadd.s32 $0x800, v8;
	_ =	sdelay $0x3  }
0x1c6: {  	[tilespmem:s11+$0x5980] =	vst v13  }
0x1c7: {  	v14 =	vld.idx.msk [tilespmem:v14+s2+$0x0], $0xffff  }
0x1c8: {  	v15 =	vadd.s32 $0xA00, v8;
	_ =	sdelay $0x3  }
0x1c9: {  	[tilespmem:s11+$0x5A00] =	vst v14  }
0x1ca: {  	v15 =	vld.idx.msk [tilespmem:v15+s2+$0x0], $0xffff  }
0x1cb: {  	v16 =	vadd.s32 $0xC00, v8;
	_ =	sdelay $0x3  }
0x1cc: {  	[tilespmem:s11+$0x5A80] =	vst v15  }
0x1cd: {  	v16 =	vld.idx.msk [tilespmem:v16+s2+$0x0], $0xffff  }
0x1ce: {  	v8 =	vadd.s32 $0xE00, v8;
	_ =	sdelay $0x1  }
0x1cf: {  	v17 =	vld [tilespmem:s11+$0x1800]  }
0x1d0: {  	v18 =	vld [tilespmem:s11+$0x1880]  }
0x1d1: {  	v19 =	vld [tilespmem:s11+$0x1900];
	[tilespmem:s11+$0x5B00] =	vst v16  }
0x1d2: {  	v8 =	vld.idx.msk [tilespmem:v8+s2+$0x0], $0xffff  }
0x1d3: {  	v20 =	vld [tilespmem:s11+$0x1980]  }
0x1d4: {  	v21 =	vld [tilespmem:s11+$0x1A00]  }
0x1d5: {  	s9 =	sor.u32 s9, s10;
	v22 =	vld [tilespmem:s11+$0x1A80]  }
0x1d6: {  	v23 =	vld [tilespmem:s11+$0x1B00];
	s9 =	sor.u32 $0x380, s9  }
0x1d7: {  	s14 =	rddreg [dreg:$0xa];
	v24 =	vld [tilespmem:s9+$0x1800];
	[tilespmem:s9+$0x5800] =	vst v8;
	s9 =	simm.s32 $0x0  }
0x1d8: {  	[hbm4b:s14+s9] =	stream.linear.scatter [tilespmem:s30], [sflag:$0x5], $0x2000, $0x38;
	[tilespmem:$0x9880] =	vst v63  }
0x1d9: {  	_ =	swait.ge [sflag:s31], $0x400  }
0x1da: {  	[sflag:s31] =	ssyncset.done $0x0  }
0x1db: {  	[sflag:s31] =	ssyncadd.s32 $0xFFFFFC00  }
0x1dc: {  	_ =	swait.ge [sflag:s1], $0x2000  }
0x1dd: {  	[sflag:s1] =	ssyncset.done $0x0  }
0x1de: {  	s15 =	simm.s32 $0x1000;
	[sflag:s1] =	ssyncadd.s32 $0xFFFFE000  }
0x1df: {  	[tilespmem:s15], [sflag:$0x1] =	stream.linear.gather [hbm4b:s24+s9], $0x80, $0x38;
	[tilespmem:$0x9880] =	vst v63  }
0x1e0: {  	s16 =	sadd.s32 $0x80, s24;
	s17 =	simm.s32 $0x1100  }
0x1e1: {  	[tilespmem:s17], [sflag:$0x1] =	stream.linear.gather [hbm4b:s16+s9], $0x80, $0x38;
	[tilespmem:$0x9880] =	vst v63  }
0x1e2: {  	s14 =	sadd.s32 $0x100, s24;
	s15 =	simm.s32 $0x1200  }
0x1e3: {  	[tilespmem:s15], [sflag:$0x1] =	stream.linear.gather [hbm4b:s14+s9], $0x80, $0x38;
	[tilespmem:$0x9880] =	vst v63  }
0x1e4: {  	s16 =	sadd.s32 $0x180, s24;
	s17 =	simm.s32 $0x1300  }
0x1e5: {  	[tilespmem:s17], [sflag:$0x1] =	stream.linear.gather [hbm4b:s16+s9], $0x80, $0x38;
	[tilespmem:$0x9880] =	vst v63  }
0x1e6: {  	s14 =	sadd.s32 $0x200, s24;
	s15 =	simm.s32 $0x1400  }
0x1e7: {  	[tilespmem:s15], [sflag:$0x1] =	stream.linear.gather [hbm4b:s14+s9], $0x80, $0x38;
	[tilespmem:$0x9880] =	vst v63  }
0x1e8: {  	s16 =	sadd.s32 $0x280, s24;
	s17 =	simm.s32 $0x1500  }
0x1e9: {  	[tilespmem:s17], [sflag:$0x1] =	stream.linear.gather [hbm4b:s16+s9], $0x80, $0x38;
	[tilespmem:$0x9880] =	vst v63  }
0x1ea: {  	s14 =	sadd.s32 $0x300, s24;
	s15 =	simm.s32 $0x1600  }
0x1eb: {  	[tilespmem:s15], [sflag:$0x1] =	stream.linear.gather [hbm4b:s14+s9], $0x80, $0x38;
	[tilespmem:$0x9880] =	vst v63  }
0x1ec: {  	s16 =	sadd.s32 $0x380, s24;
	s17 =	simm.s32 $0x1700  }
0x1ed: {  	[tilespmem:s17], [sflag:$0x1] =	stream.linear.gather [hbm4b:s16+s9], $0x80, $0x38;
	[tilespmem:$0x9880] =	vst v63  }
0x1ee: {  	s11 =	rddreg [dreg:$0xb];
	s14 =	simm.s32 $0x1800  }
0x1ef: {  	[tilespmem:s14], [sflag:$0x3] =	stream.linear.gather [hbm4b:s11+s9], $0x2000, $0x38;
	[tilespmem:$0x9880] =	vst v63  }
0x1f0: {  	s15 =	sand.u32 $0x1C00, s9;
	_ =	swait.ge [sflag:s7], $0x2000  }
0x1f1: {  	s16 =	sand.u32 $0x70, s9;
	s14 =	sshrl.u32 s15, $0x2;
	[sflag:s7] =	ssyncset.done $0x0  }
0x1f2: {  	s14 =	sor.u32 s16, s14;
	[sflag:s7] =	ssyncadd.s32 $0xFFFFE000  }
0x1f3: {  	v25 =	vld [tilespmem:s14+$0x1080];
	_ =	sdelay $0x7  }
0x1f4: {  	v26 =	vld.idx.msk [tilespmem:v25+s2+$0x0], $0xffff  }
0x1f5: {  	v27 =	vadd.s32 $0x200, v25;
	_ =	sdelay $0x2  }
0x1f6: {  	s10 =	sor.u32 s16, s15  }
0x1f7: {  	[tilespmem:s10+$0x7800] =	vst v26  }
0x1f8: {  	v27 =	vld.idx.msk [tilespmem:v27+s2+$0x0], $0xffff  }
0x1f9: {  	v28 =	vadd.s32 $0x400, v25;
	_ =	sdelay $0x3  }
0x1fa: {  	[tilespmem:s10+$0x7880] =	vst v27  }
0x1fb: {  	v28 =	vld.idx.msk [tilespmem:v28+s2+$0x0], $0xffff  }
0x1fc: {  	v29 =	vadd.s32 $0x600, v25;
	_ =	sdelay $0x3  }
0x1fd: {  	[tilespmem:s10+$0x7900] =	vst v28  }
0x1fe: {  	v29 =	vld.idx.msk [tilespmem:v29+s2+$0x0], $0xffff  }
0x1ff: {  	v30 =	vadd.s32 $0x800, v25;
	_ =	sdelay $0x3  }
0x200: {  	[tilespmem:s10+$0x7980] =	vst v29  }
0x201: {  	v30 =	vld.idx.msk [tilespmem:v30+s2+$0x0], $0xffff  }
0x202: {  	v31 =	vadd.s32 $0xA00, v25;
	_ =	sdelay $0x3  }
0x203: {  	[tilespmem:s10+$0x7A00] =	vst v30  }
0x204: {  	v31 =	vld.idx.msk [tilespmem:v31+s2+$0x0], $0xffff  }
0x205: {  	v10 =	vsub.f32 v17, v10;
	v50 =	vadd.s32 $0xC00, v25  }
0x206: {  	v11 =	vsub.f32 v18, v11;
	v12 =	vsub.f32 v19, v12  }
0x207: {  	v10 =	vmul.f32 v10, v10  }
0x208: {  	v11 =	vmul.f32 v11, v11;
	v12 =	vmul.f32 v12, v12;
	v13 =	vsub.f32 v20, v13;
	v51 =	vld [tilespmem:s10+$0x3800]  }
0x209: {  	v2 =	vadd.f32 v9, v2;
	v4 =	vadd.f32 v10, v4;
	v9 =	vld [tilespmem:s10+$0x3880];
	[tilespmem:s10+$0x7A80] =	vst v31  }
0x20a: {  	v3 =	vadd.f32 v11, v3;
	v6 =	vadd.f32 v12, v6;
	v10 =	vmul.f32 v13, v13;
	v11 =	vld.idx.msk [tilespmem:v50+s2+$0x0], $0xffff  }
0x20b: {  	v52 =	vsub.f32 v21, v14;
	v53 =	vsub.f32 v22, v15;
	v54 =	vld [tilespmem:s10+$0x3900];
	v55 =	vadd.s32 $0xE00, v25  }
0x20c: {  	v7 =	vadd.f32 v10, v7;
	v10 =	vsub.f32 v23, v16;
	v56 =	vld [tilespmem:s10+$0x3980]  }
0x20d: {  	v12 =	vmul.f32 v52, v52;
	v13 =	vmul.f32 v53, v53;
	v8 =	vsub.f32 v24, v8;
	v57 =	vld [tilespmem:s10+$0x3A00]  }
0x20e: {  	v10 =	vmul.f32 v10, v10;
	v58 =	vld [tilespmem:s10+$0x3A80];
	v18 =	vsub.f32 v51, v26;
	v9 =	vsub.f32 v9, v27  }
0x20f: {  	v1 =	vadd.f32 v12, v1;
	v5 =	vadd.f32 v13, v5;
	v8 =	vmul.f32 v8, v8;
	s9 =	sor.u32 s9, s9;
	v59 =	vld [tilespmem:s10+$0x3B00];
	[tilespmem:s10+$0x7B00] =	vst v11  }
0x210: {  	v0 =	vadd.f32 v10, v0;
	s11 =	sor.u32 $0x2380, s9;
	v10 =	vmul.f32 v18, v18;
	v9 =	vmul.f32 v9, v9;
	v60 =	vld.idx.msk [tilespmem:v55+s2+$0x0], $0xffff  }
0x211: {  	v2 =	vadd.f32 v8, v2;
	v8 =	vsub.f32 v54, v28;
	v61 =	vld [tilespmem:s11+$0x1800]  }
0x212: {  	v4 =	vadd.f32 v10, v4;
	v3 =	vadd.f32 v9, v3  }
0x213: {  	s9 =	simm.s32 $0x80;
	v8 =	vmul.f32 v8, v8;
	v9 =	vsub.f32 v56, v29;
	v10 =	vsub.f32 v57, v30  }
0x214: {  	s15 =	sand.u32 $0x1C00, s9;
	v62 =	vsub.f32 v58, v31;
	v11 =	vsub.f32 v59, v11;
	s10 =	simm.s32 $0x10  }
0x215: {  	s17 =	sshrl.u32 s15, $0x2;
	v6 =	vadd.f32 v8, v6;
	v8 =	vmul.f32 v9, v9;
	v9 =	vmul.f32 v10, v10;
	s16 =	sand.u32 $0x70, s10  }
0x216: {  	v10 =	vmul.f32 v62, v62;
	v11 =	vmul.f32 v11, v11;
	s14 =	sor.u32 s16, s17;
	v63 =	vsub.f32 v61, v60;
	[tilespmem:s11+$0x5800] =	vst v60  }
0x217: {  	v7 =	vadd.f32 v8, v7;
	v1 =	vadd.f32 v9, v1;
	v8 =	vld [tilespmem:s14+$0x1080]  }
0x218: {  	v5 =	vadd.f32 v10, v5;
	v0 =	vadd.f32 v11, v0;
	s11 =	simm.s32 $0x100;
	v9 =	vmul.f32 v63, v63  }
.LBB2_8:
0x219: {  	_ = 	snop  }
0x21a: {  	p0 =	sne.s32 s11, $0x1F80;
	s14 =	smov.u32 s11;
	s11 =	sadd.s32 $0x80, s11;
	v2 =	vadd.f32 v9, v2  }
0x21b: {  	_ =	sdelay $0x3  }
0x21c: {  	v9 =	vld.idx.msk [tilespmem:v8+s2+$0x0], $0xffff;
	_ =	sdelay $0x1  }
0x21d: {  	v10 =	vadd.s32 $0x200, v8;
	_ =	sdelay $0x2  }
0x21e: {  	s15 =	sor.u32 s16, s15  }
0x21f: {  	[tilespmem:s15+$0x7800] =	vst v9;
	v11 =	vld [tilespmem:s15+$0x3800]  }
0x220: {  	v10 =	vld.idx.msk [tilespmem:v10+s2+$0x0], $0xffff  }
0x221: {  	v12 =	vld [tilespmem:s15+$0x3880]  }
0x222: {  	v13 =	vadd.s32 $0x400, v8;
	_ =	sdelay $0x1  }
0x223: {  	v9 =	vsub.f32 v11, v9;
	_ =	sdelay $0x1  }
0x224: {  	v9 =	vmul.f32 v9, v9;
	[tilespmem:s15+$0x7880] =	vst v10;
	v10 =	vsub.f32 v12, v10  }
0x225: {  	v11 =	vld.idx.msk [tilespmem:v13+s2+$0x0], $0xffff  }
0x226: {  	v4 =	vadd.f32 v9, v4;
	v9 =	vmul.f32 v10, v10;
	v10 =	vld [tilespmem:s15+$0x3900]  }
0x227: {  	v12 =	vadd.s32 $0x600, v8  }
0x228: {  	v3 =	vadd.f32 v9, v3;
	_ =	sdelay $0x2  }
0x229: {  	[tilespmem:s15+$0x7900] =	vst v11;
	v9 =	vsub.f32 v10, v11  }
0x22a: {  	v10 =	vld.idx.msk [tilespmem:v12+s2+$0x0], $0xffff  }
0x22b: {  	v9 =	vmul.f32 v9, v9;
	v11 =	vld [tilespmem:s15+$0x3980]  }
0x22c: {  	v12 =	vadd.s32 $0x800, v8  }
0x22d: {  	v6 =	vadd.f32 v9, v6;
	_ =	sdelay $0x2  }
0x22e: {  	[tilespmem:s15+$0x7980] =	vst v10;
	v9 =	vsub.f32 v11, v10  }
0x22f: {  	v10 =	vld.idx.msk [tilespmem:v12+s2+$0x0], $0xffff  }
0x230: {  	v9 =	vmul.f32 v9, v9;
	v11 =	vld [tilespmem:s15+$0x3A00]  }
0x231: {  	v12 =	vadd.s32 $0xA00, v8  }
0x232: {  	v7 =	vadd.f32 v9, v7;
	_ =	sdelay $0x2  }
0x233: {  	[tilespmem:s15+$0x7A00] =	vst v10;
	v9 =	vsub.f32 v11, v10  }
0x234: {  	v10 =	vld.idx.msk [tilespmem:v12+s2+$0x0], $0xffff  }
0x235: {  	v9 =	vmul.f32 v9, v9;
	v11 =	vld [tilespmem:s15+$0x3A80]  }
0x236: {  	v12 =	vadd.s32 $0xC00, v8  }
0x237: {  	v1 =	vadd.f32 v9, v1;
	_ =	sdelay $0x2  }
0x238: {  	[tilespmem:s15+$0x7A80] =	vst v10;
	v9 =	vsub.f32 v11, v10  }
0x239: {  	v10 =	vld.idx.msk [tilespmem:v12+s2+$0x0], $0xffff  }
0x23a: {  	v9 =	vmul.f32 v9, v9;
	v11 =	vld [tilespmem:s15+$0x3B00]  }
0x23b: {  	v8 =	vadd.s32 $0xE00, v8  }
0x23c: {  	v5 =	vadd.f32 v9, v5;
	_ =	sdelay $0x2  }
0x23d: {  	[tilespmem:s15+$0x7B00] =	vst v10;
	v9 =	vsub.f32 v11, v10;
	s15 =	sor.u32 s9, s10;
	s9 =	smov.u32 s14  }
0x23e: {  	v8 =	vld.idx.msk [tilespmem:v8+s2+$0x0], $0xffff;
	s14 =	sor.u32 $0x2380, s15  }
0x23f: {  	v9 =	vmul.f32 v9, v9;
	v10 =	vld [tilespmem:s14+$0x1800];
	_ =	sdelay $0x1  }
0x240: {  	v0 =	vadd.f32 v9, v0  }
.Ltmp3:
0x241: {  	s10 =	sadd.s32 $0x10, s10;
	s15 =	sand.u32 $0x1C00, s9;
	(pc) =	sbr.rel @p0 .LBB2_8-.Ltmp3, $4  }
0x242: {  	s16 =	sand.u32 $0x70, s10;
	s17 =	sshrl.u32 s15, $0x2  }
0x243: {  	s17 =	sor.u32 s16, s17;
	[tilespmem:s14+$0x5800] =	vst v8;
	v9 =	vsub.f32 v10, v8  }
0x244: {  	v8 =	vld [tilespmem:s17+$0x1080]  }
0x245: {  	v9 =	vmul.f32 v9, v9  }
0x246: {  	_ =	sdelay $0x6  }
0x247: {  	v10 =	vld.idx.msk [tilespmem:v8+s2+$0x0], $0xffff  }
0x248: {  	v11 =	vadd.s32 $0x200, v8;
	_ =	sdelay $0x2  }
0x249: {  	s11 =	sor.u32 s16, s15  }
0x24a: {  	[tilespmem:s11+$0x7800] =	vst v10  }
0x24b: {  	v11 =	vld.idx.msk [tilespmem:v11+s2+$0x0], $0xffff  }
0x24c: {  	v12 =	vadd.s32 $0x400, v8;
	_ =	sdelay $0x3  }
0x24d: {  	[tilespmem:s11+$0x7880] =	vst v11  }
0x24e: {  	v12 =	vld.idx.msk [tilespmem:v12+s2+$0x0], $0xffff  }
0x24f: {  	v13 =	vadd.s32 $0x600, v8;
	_ =	sdelay $0x3  }
0x250: {  	[tilespmem:s11+$0x7900] =	vst v12  }
0x251: {  	v13 =	vld.idx.msk [tilespmem:v13+s2+$0x0], $0xffff  }
0x252: {  	v14 =	vadd.s32 $0x800, v8;
	_ =	sdelay $0x3  }
0x253: {  	[tilespmem:s11+$0x7980] =	vst v13  }
0x254: {  	v14 =	vld.idx.msk [tilespmem:v14+s2+$0x0], $0xffff  }
0x255: {  	v15 =	vadd.s32 $0xA00, v8;
	_ =	sdelay $0x3  }
0x256: {  	[tilespmem:s11+$0x7A00] =	vst v14  }
0x257: {  	v15 =	vld.idx.msk [tilespmem:v15+s2+$0x0], $0xffff  }
0x258: {  	v16 =	vadd.s32 $0xC00, v8;
	_ =	sdelay $0x3  }
0x259: {  	[tilespmem:s11+$0x7A80] =	vst v15  }
0x25a: {  	v16 =	vld.idx.msk [tilespmem:v16+s2+$0x0], $0xffff  }
0x25b: {  	v8 =	vadd.s32 $0xE00, v8;
	_ =	sdelay $0x1  }
0x25c: {  	v17 =	vld [tilespmem:s11+$0x3800]  }
0x25d: {  	v18 =	vld [tilespmem:s11+$0x3880]  }
0x25e: {  	v19 =	vld [tilespmem:s11+$0x3900];
	[tilespmem:s11+$0x7B00] =	vst v16  }
0x25f: {  	v8 =	vld.idx.msk [tilespmem:v8+s2+$0x0], $0xffff  }
0x260: {  	v20 =	vld [tilespmem:s11+$0x3980]  }
0x261: {  	v21 =	vld [tilespmem:s11+$0x3A00]  }
0x262: {  	s9 =	sor.u32 s9, s10;
	v22 =	vld [tilespmem:s11+$0x3A80]  }
0x263: {  	v23 =	vld [tilespmem:s11+$0x3B00];
	s9 =	sor.u32 $0x2380, s9  }
0x264: {  	s17 =	rddreg [dreg:$0xc];
	v24 =	vld [tilespmem:s9+$0x1800];
	[tilespmem:s9+$0x5800] =	vst v8;
	s9 =	simm.s32 $0x0  }
0x265: {  	[hbm4b:s17+s9] =	stream.linear.scatter [tilespmem:s3], [sflag:$0x6], $0x2000, $0x38;
	[tilespmem:$0x9880] =	vst v63  }
0x266: {  	_ =	swait.ge [sflag:s12], $0x400  }
0x267: {  	[sflag:s12] =	ssyncset.done $0x0  }
0x268: {  	[sflag:s12] =	ssyncadd.s32 $0xFFFFFC00  }
0x269: {  	_ =	swait.ge [sflag:s13], $0x2000  }
0x26a: {  	[sflag:s13] =	ssyncset.done $0x0  }
0x26b: {  	s11 =	simm.s32 $0x1080;
	[sflag:s13] =	ssyncadd.s32 $0xFFFFE000  }
0x26c: {  	[tilespmem:s11], [sflag:$0x2] =	stream.linear.gather [hbm4b:s25+s9], $0x80, $0x38;
	[tilespmem:$0x9880] =	vst v63  }
0x26d: {  	s14 =	sadd.s32 $0x80, s25;
	s15 =	simm.s32 $0x1180  }
0x26e: {  	[tilespmem:s15], [sflag:$0x2] =	stream.linear.gather [hbm4b:s14+s9], $0x80, $0x38;
	[tilespmem:$0x9880] =	vst v63  }
0x26f: {  	s16 =	sadd.s32 $0x100, s25;
	s17 =	simm.s32 $0x1280  }
0x270: {  	[tilespmem:s17], [sflag:$0x2] =	stream.linear.gather [hbm4b:s16+s9], $0x80, $0x38;
	[tilespmem:$0x9880] =	vst v63  }
0x271: {  	s11 =	sadd.s32 $0x180, s25;
	s14 =	simm.s32 $0x1380  }
0x272: {  	[tilespmem:s14], [sflag:$0x2] =	stream.linear.gather [hbm4b:s11+s9], $0x80, $0x38;
	[tilespmem:$0x9880] =	vst v63  }
0x273: {  	s15 =	sadd.s32 $0x200, s25  }
0x274: {  	[tilespmem:s18], [sflag:$0x2] =	stream.linear.gather [hbm4b:s15+s9], $0x80, $0x38;
	[tilespmem:$0x9880] =	vst v63  }
0x275: {  	s16 =	sadd.s32 $0x280, s25  }
0x276: {  	[tilespmem:s19], [sflag:$0x2] =	stream.linear.gather [hbm4b:s16+s9], $0x80, $0x38;
	[tilespmem:$0x9880] =	vst v63  }
0x277: {  	s17 =	sadd.s32 $0x300, s25  }
0x278: {  	[tilespmem:s20], [sflag:$0x2] =	stream.linear.gather [hbm4b:s17+s9], $0x80, $0x38;
	[tilespmem:$0x9880] =	vst v63  }
0x279: {  	s11 =	sadd.s32 $0x380, s25  }
0x27a: {  	[tilespmem:s21], [sflag:$0x2] =	stream.linear.gather [hbm4b:s11+s9], $0x80, $0x38;
	[tilespmem:$0x9880] =	vst v63  }
0x27b: {  	s14 =	rddreg [dreg:$0xd]  }
0x27c: {  	[tilespmem:s29], [sflag:$0x4] =	stream.linear.gather [hbm4b:s14+s9], $0x2000, $0x38;
	[tilespmem:$0x9880] =	vst v63  }
0x27d: {  	s15 =	sand.u32 $0x1C00, s9;
	_ =	swait.ge [sflag:s5], $0x2000  }
0x27e: {  	s16 =	sand.u32 $0x70, s9;
	s14 =	sshrl.u32 s15, $0x2;
	[sflag:s5] =	ssyncset.done $0x0  }
0x27f: {  	s14 =	sor.u32 s16, s14;
	[sflag:s5] =	ssyncadd.s32 $0xFFFFE000  }
0x280: {  	v25 =	vld [tilespmem:s14+$0x1000];
	_ =	sdelay $0x7  }
0x281: {  	v26 =	vld.idx.msk [tilespmem:v25+s2+$0x0], $0xffff  }
0x282: {  	v27 =	vadd.s32 $0x200, v25;
	_ =	sdelay $0x2  }
0x283: {  	s10 =	sor.u32 s16, s15  }
0x284: {  	[tilespmem:s10+$0x5800] =	vst v26  }
0x285: {  	v27 =	vld.idx.msk [tilespmem:v27+s2+$0x0], $0xffff  }
0x286: {  	v28 =	vadd.s32 $0x400, v25;
	_ =	sdelay $0x3  }
0x287: {  	[tilespmem:s10+$0x5880] =	vst v27  }
0x288: {  	v28 =	vld.idx.msk [tilespmem:v28+s2+$0x0], $0xffff  }
0x289: {  	v29 =	vadd.s32 $0x600, v25;
	_ =	sdelay $0x3  }
0x28a: {  	[tilespmem:s10+$0x5900] =	vst v28  }
0x28b: {  	v29 =	vld.idx.msk [tilespmem:v29+s2+$0x0], $0xffff  }
0x28c: {  	v30 =	vadd.s32 $0x800, v25;
	_ =	sdelay $0x3  }
0x28d: {  	[tilespmem:s10+$0x5980] =	vst v29  }
0x28e: {  	v30 =	vld.idx.msk [tilespmem:v30+s2+$0x0], $0xffff  }
0x28f: {  	v31 =	vadd.s32 $0xA00, v25;
	_ =	sdelay $0x3  }
0x290: {  	[tilespmem:s10+$0x5A00] =	vst v30  }
0x291: {  	v31 =	vld.idx.msk [tilespmem:v31+s2+$0x0], $0xffff  }
0x292: {  	v10 =	vsub.f32 v17, v10;
	v50 =	vadd.s32 $0xC00, v25  }
0x293: {  	v11 =	vsub.f32 v18, v11;
	v12 =	vsub.f32 v19, v12  }
0x294: {  	v10 =	vmul.f32 v10, v10  }
0x295: {  	v11 =	vmul.f32 v11, v11;
	v12 =	vmul.f32 v12, v12;
	v13 =	vsub.f32 v20, v13;
	v51 =	vld [tilespmem:s10+$0x1800]  }
0x296: {  	v2 =	vadd.f32 v9, v2;
	v4 =	vadd.f32 v10, v4;
	v9 =	vld [tilespmem:s10+$0x1880];
	[tilespmem:s10+$0x5A80] =	vst v31  }
0x297: {  	v3 =	vadd.f32 v11, v3;
	v6 =	vadd.f32 v12, v6;
	v10 =	vmul.f32 v13, v13;
	v11 =	vld.idx.msk [tilespmem:v50+s2+$0x0], $0xffff  }
0x298: {  	v52 =	vsub.f32 v21, v14;
	v53 =	vsub.f32 v22, v15;
	v54 =	vld [tilespmem:s10+$0x1900];
	v55 =	vadd.s32 $0xE00, v25  }
0x299: {  	v7 =	vadd.f32 v10, v7;
	v10 =	vsub.f32 v23, v16;
	v56 =	vld [tilespmem:s10+$0x1980]  }
0x29a: {  	v12 =	vmul.f32 v52, v52;
	v13 =	vmul.f32 v53, v53;
	v8 =	vsub.f32 v24, v8;
	v57 =	vld [tilespmem:s10+$0x1A00]  }
0x29b: {  	v10 =	vmul.f32 v10, v10;
	v58 =	vld [tilespmem:s10+$0x1A80];
	v18 =	vsub.f32 v51, v26;
	v9 =	vsub.f32 v9, v27  }
0x29c: {  	v1 =	vadd.f32 v12, v1;
	v5 =	vadd.f32 v13, v5;
	v8 =	vmul.f32 v8, v8;
	s9 =	sor.u32 s9, s9;
	v59 =	vld [tilespmem:s10+$0x1B00];
	[tilespmem:s10+$0x5B00] =	vst v11  }
0x29d: {  	v0 =	vadd.f32 v10, v0;
	s11 =	sor.u32 $0x380, s9;
	v10 =	vmul.f32 v18, v18;
	v9 =	vmul.f32 v9, v9;
	v60 =	vld.idx.msk [tilespmem:v55+s2+$0x0], $0xffff  }
0x29e: {  	v2 =	vadd.f32 v8, v2;
	v8 =	vsub.f32 v54, v28;
	v61 =	vld [tilespmem:s11+$0x1800]  }
0x29f: {  	v4 =	vadd.f32 v10, v4;
	v3 =	vadd.f32 v9, v3  }
0x2a0: {  	s9 =	simm.s32 $0x80;
	v8 =	vmul.f32 v8, v8;
	v9 =	vsub.f32 v56, v29;
	v10 =	vsub.f32 v57, v30  }
0x2a1: {  	s15 =	sand.u32 $0x1C00, s9;
	v62 =	vsub.f32 v58, v31;
	v11 =	vsub.f32 v59, v11;
	s10 =	simm.s32 $0x10  }
0x2a2: {  	s17 =	sshrl.u32 s15, $0x2;
	v6 =	vadd.f32 v8, v6;
	v8 =	vmul.f32 v9, v9;
	v9 =	vmul.f32 v10, v10;
	s16 =	sand.u32 $0x70, s10  }
0x2a3: {  	v10 =	vmul.f32 v62, v62;
	v11 =	vmul.f32 v11, v11;
	s14 =	sor.u32 s16, s17;
	v63 =	vsub.f32 v61, v60;
	[tilespmem:s11+$0x5800] =	vst v60  }
0x2a4: {  	v7 =	vadd.f32 v8, v7;
	v1 =	vadd.f32 v9, v1;
	v8 =	vld [tilespmem:s14+$0x1000]  }
0x2a5: {  	v5 =	vadd.f32 v10, v5;
	v0 =	vadd.f32 v11, v0;
	s11 =	simm.s32 $0x100;
	v9 =	vmul.f32 v63, v63  }
.LBB2_10:
0x2a6: {  	_ = 	snop  }
0x2a7: {  	p0 =	sne.s32 s11, $0x1F80;
	s14 =	smov.u32 s11;
	s11 =	sadd.s32 $0x80, s11;
	v2 =	vadd.f32 v9, v2  }
0x2a8: {  	_ =	sdelay $0x3  }
0x2a9: {  	v9 =	vld.idx.msk [tilespmem:v8+s2+$0x0], $0xffff;
	_ =	sdelay $0x1  }
0x2aa: {  	v10 =	vadd.s32 $0x200, v8;
	_ =	sdelay $0x2  }
0x2ab: {  	s15 =	sor.u32 s16, s15  }
0x2ac: {  	[tilespmem:s15+$0x5800] =	vst v9;
	v11 =	vld [tilespmem:s15+$0x1800]  }
0x2ad: {  	v10 =	vld.idx.msk [tilespmem:v10+s2+$0x0], $0xffff  }
0x2ae: {  	v12 =	vld [tilespmem:s15+$0x1880]  }
0x2af: {  	v13 =	vadd.s32 $0x400, v8;
	_ =	sdelay $0x1  }
0x2b0: {  	v9 =	vsub.f32 v11, v9;
	_ =	sdelay $0x1  }
0x2b1: {  	v9 =	vmul.f32 v9, v9;
	[tilespmem:s15+$0x5880] =	vst v10;
	v10 =	vsub.f32 v12, v10  }
0x2b2: {  	v11 =	vld.idx.msk [tilespmem:v13+s2+$0x0], $0xffff  }
0x2b3: {  	v4 =	vadd.f32 v9, v4;
	v9 =	vmul.f32 v10, v10;
	v10 =	vld [tilespmem:s15+$0x1900]  }
0x2b4: {  	v12 =	vadd.s32 $0x600, v8  }
0x2b5: {  	v3 =	vadd.f32 v9, v3;
	_ =	sdelay $0x2  }
0x2b6: {  	[tilespmem:s15+$0x5900] =	vst v11;
	v9 =	vsub.f32 v10, v11  }
0x2b7: {  	v10 =	vld.idx.msk [tilespmem:v12+s2+$0x0], $0xffff  }
0x2b8: {  	v9 =	vmul.f32 v9, v9;
	v11 =	vld [tilespmem:s15+$0x1980]  }
0x2b9: {  	v12 =	vadd.s32 $0x800, v8  }
0x2ba: {  	v6 =	vadd.f32 v9, v6;
	_ =	sdelay $0x2  }
0x2bb: {  	[tilespmem:s15+$0x5980] =	vst v10;
	v9 =	vsub.f32 v11, v10  }
0x2bc: {  	v10 =	vld.idx.msk [tilespmem:v12+s2+$0x0], $0xffff  }
0x2bd: {  	v9 =	vmul.f32 v9, v9;
	v11 =	vld [tilespmem:s15+$0x1A00]  }
0x2be: {  	v12 =	vadd.s32 $0xA00, v8  }
0x2bf: {  	v7 =	vadd.f32 v9, v7;
	_ =	sdelay $0x2  }
0x2c0: {  	[tilespmem:s15+$0x5A00] =	vst v10;
	v9 =	vsub.f32 v11, v10  }
0x2c1: {  	v10 =	vld.idx.msk [tilespmem:v12+s2+$0x0], $0xffff  }
0x2c2: {  	v9 =	vmul.f32 v9, v9;
	v11 =	vld [tilespmem:s15+$0x1A80]  }
0x2c3: {  	v12 =	vadd.s32 $0xC00, v8  }
0x2c4: {  	v1 =	vadd.f32 v9, v1;
	_ =	sdelay $0x2  }
0x2c5: {  	[tilespmem:s15+$0x5A80] =	vst v10;
	v9 =	vsub.f32 v11, v10  }
0x2c6: {  	v10 =	vld.idx.msk [tilespmem:v12+s2+$0x0], $0xffff  }
0x2c7: {  	v9 =	vmul.f32 v9, v9;
	v11 =	vld [tilespmem:s15+$0x1B00]  }
0x2c8: {  	v8 =	vadd.s32 $0xE00, v8  }
0x2c9: {  	v5 =	vadd.f32 v9, v5;
	_ =	sdelay $0x2  }
0x2ca: {  	[tilespmem:s15+$0x5B00] =	vst v10;
	v9 =	vsub.f32 v11, v10;
	s15 =	sor.u32 s9, s10;
	s9 =	smov.u32 s14  }
0x2cb: {  	v8 =	vld.idx.msk [tilespmem:v8+s2+$0x0], $0xffff;
	s14 =	sor.u32 $0x380, s15  }
0x2cc: {  	v9 =	vmul.f32 v9, v9;
	v10 =	vld [tilespmem:s14+$0x1800];
	_ =	sdelay $0x1  }
0x2cd: {  	v0 =	vadd.f32 v9, v0  }
.Ltmp4:
0x2ce: {  	s10 =	sadd.s32 $0x10, s10;
	s15 =	sand.u32 $0x1C00, s9;
	(pc) =	sbr.rel @p0 .LBB2_10-.Ltmp4, $4  }
0x2cf: {  	s16 =	sand.u32 $0x70, s10;
	s17 =	sshrl.u32 s15, $0x2  }
0x2d0: {  	s17 =	sor.u32 s16, s17;
	[tilespmem:s14+$0x5800] =	vst v8;
	v9 =	vsub.f32 v10, v8  }
0x2d1: {  	v8 =	vld [tilespmem:s17+$0x1000]  }
0x2d2: {  	v9 =	vmul.f32 v9, v9  }
0x2d3: {  	_ =	sdelay $0x6  }
0x2d4: {  	v10 =	vld.idx.msk [tilespmem:v8+s2+$0x0], $0xffff  }
0x2d5: {  	v11 =	vadd.s32 $0x200, v8;
	_ =	sdelay $0x2  }
0x2d6: {  	s11 =	sor.u32 s16, s15  }
0x2d7: {  	[tilespmem:s11+$0x5800] =	vst v10  }
0x2d8: {  	v11 =	vld.idx.msk [tilespmem:v11+s2+$0x0], $0xffff  }
0x2d9: {  	v12 =	vadd.s32 $0x400, v8;
	_ =	sdelay $0x3  }
0x2da: {  	[tilespmem:s11+$0x5880] =	vst v11  }
0x2db: {  	v12 =	vld.idx.msk [tilespmem:v12+s2+$0x0], $0xffff  }
0x2dc: {  	v13 =	vadd.s32 $0x600, v8;
	_ =	sdelay $0x3  }
0x2dd: {  	[tilespmem:s11+$0x5900] =	vst v12  }
0x2de: {  	v13 =	vld.idx.msk [tilespmem:v13+s2+$0x0], $0xffff  }
0x2df: {  	v14 =	vadd.s32 $0x800, v8;
	_ =	sdelay $0x3  }
0x2e0: {  	[tilespmem:s11+$0x5980] =	vst v13  }
0x2e1: {  	v14 =	vld.idx.msk [tilespmem:v14+s2+$0x0], $0xffff  }
0x2e2: {  	v15 =	vadd.s32 $0xA00, v8;
	_ =	sdelay $0x3  }
0x2e3: {  	[tilespmem:s11+$0x5A00] =	vst v14  }
0x2e4: {  	v15 =	vld.idx.msk [tilespmem:v15+s2+$0x0], $0xffff  }
0x2e5: {  	v16 =	vadd.s32 $0xC00, v8;
	_ =	sdelay $0x3  }
0x2e6: {  	[tilespmem:s11+$0x5A80] =	vst v15  }
0x2e7: {  	v16 =	vld.idx.msk [tilespmem:v16+s2+$0x0], $0xffff  }
0x2e8: {  	v8 =	vadd.s32 $0xE00, v8;
	_ =	sdelay $0x1  }
0x2e9: {  	v17 =	vld [tilespmem:s11+$0x1800]  }
0x2ea: {  	v18 =	vld [tilespmem:s11+$0x1880]  }
0x2eb: {  	v19 =	vld [tilespmem:s11+$0x1900];
	[tilespmem:s11+$0x5B00] =	vst v16  }
0x2ec: {  	v8 =	vld.idx.msk [tilespmem:v8+s2+$0x0], $0xffff  }
0x2ed: {  	v20 =	vld [tilespmem:s11+$0x1980]  }
0x2ee: {  	v21 =	vld [tilespmem:s11+$0x1A00]  }
0x2ef: {  	s9 =	sor.u32 s9, s10;
	v22 =	vld [tilespmem:s11+$0x1A80]  }
0x2f0: {  	v23 =	vld [tilespmem:s11+$0x1B00];
	s9 =	sor.u32 $0x380, s9  }
0x2f1: {  	s14 =	rddreg [dreg:$0xe];
	v24 =	vld [tilespmem:s9+$0x1800];
	[tilespmem:s9+$0x5800] =	vst v8;
	s9 =	simm.s32 $0x0  }
0x2f2: {  	[hbm4b:s14+s9] =	stream.linear.scatter [tilespmem:s30], [sflag:$0x5], $0x2000, $0x38;
	[tilespmem:$0x9880] =	vst v63  }
0x2f3: {  	_ =	swait.ge [sflag:s31], $0x400  }
0x2f4: {  	[sflag:s31] =	ssyncset.done $0x0  }
0x2f5: {  	[sflag:s31] =	ssyncadd.s32 $0xFFFFFC00  }
0x2f6: {  	_ =	swait.ge [sflag:s1], $0x2000  }
0x2f7: {  	[sflag:s1] =	ssyncset.done $0x0  }
0x2f8: {  	s15 =	simm.s32 $0x1000;
	[sflag:s1] =	ssyncadd.s32 $0xFFFFE000  }
0x2f9: {  	[tilespmem:s15], [sflag:$0x1] =	stream.linear.gather [hbm4b:s26+s9], $0x80, $0x38;
	[tilespmem:$0x9880] =	vst v63  }
0x2fa: {  	s16 =	sadd.s32 $0x80, s26;
	s17 =	simm.s32 $0x1100  }
0x2fb: {  	[tilespmem:s17], [sflag:$0x1] =	stream.linear.gather [hbm4b:s16+s9], $0x80, $0x38;
	[tilespmem:$0x9880] =	vst v63  }
0x2fc: {  	s14 =	sadd.s32 $0x100, s26;
	s15 =	simm.s32 $0x1200  }
0x2fd: {  	[tilespmem:s15], [sflag:$0x1] =	stream.linear.gather [hbm4b:s14+s9], $0x80, $0x38;
	[tilespmem:$0x9880] =	vst v63  }
0x2fe: {  	s16 =	sadd.s32 $0x180, s26;
	s17 =	simm.s32 $0x1300  }
0x2ff: {  	[tilespmem:s17], [sflag:$0x1] =	stream.linear.gather [hbm4b:s16+s9], $0x80, $0x38;
	[tilespmem:$0x9880] =	vst v63  }
0x300: {  	s14 =	sadd.s32 $0x200, s26;
	s15 =	simm.s32 $0x1400  }
0x301: {  	[tilespmem:s15], [sflag:$0x1] =	stream.linear.gather [hbm4b:s14+s9], $0x80, $0x38;
	[tilespmem:$0x9880] =	vst v63  }
0x302: {  	s16 =	sadd.s32 $0x280, s26;
	s17 =	simm.s32 $0x1500  }
0x303: {  	[tilespmem:s17], [sflag:$0x1] =	stream.linear.gather [hbm4b:s16+s9], $0x80, $0x38;
	[tilespmem:$0x9880] =	vst v63  }
0x304: {  	s14 =	sadd.s32 $0x300, s26;
	s15 =	simm.s32 $0x1600  }
0x305: {  	[tilespmem:s15], [sflag:$0x1] =	stream.linear.gather [hbm4b:s14+s9], $0x80, $0x38;
	[tilespmem:$0x9880] =	vst v63  }
0x306: {  	s16 =	sadd.s32 $0x380, s26;
	s17 =	simm.s32 $0x1700  }
0x307: {  	[tilespmem:s17], [sflag:$0x1] =	stream.linear.gather [hbm4b:s16+s9], $0x80, $0x38;
	[tilespmem:$0x9880] =	vst v63  }
0x308: {  	s11 =	rddreg [dreg:$0xf];
	s14 =	simm.s32 $0x1800  }
0x309: {  	[tilespmem:s14], [sflag:$0x3] =	stream.linear.gather [hbm4b:s11+s9], $0x2000, $0x38;
	[tilespmem:$0x9880] =	vst v63  }
0x30a: {  	s15 =	sand.u32 $0x1C00, s9;
	_ =	swait.ge [sflag:s7], $0x2000  }
0x30b: {  	s16 =	sand.u32 $0x70, s9;
	s14 =	sshrl.u32 s15, $0x2;
	[sflag:s7] =	ssyncset.done $0x0  }
0x30c: {  	s14 =	sor.u32 s16, s14;
	[sflag:s7] =	ssyncadd.s32 $0xFFFFE000  }
0x30d: {  	v25 =	vld [tilespmem:s14+$0x1080];
	_ =	sdelay $0x7  }
0x30e: {  	v26 =	vld.idx.msk [tilespmem:v25+s2+$0x0], $0xffff  }
0x30f: {  	v27 =	vadd.s32 $0x200, v25;
	_ =	sdelay $0x2  }
0x310: {  	s10 =	sor.u32 s16, s15  }
0x311: {  	[tilespmem:s10+$0x7800] =	vst v26  }
0x312: {  	v27 =	vld.idx.msk [tilespmem:v27+s2+$0x0], $0xffff  }
0x313: {  	v28 =	vadd.s32 $0x400, v25;
	_ =	sdelay $0x3  }
0x314: {  	[tilespmem:s10+$0x7880] =	vst v27  }
0x315: {  	v28 =	vld.idx.msk [tilespmem:v28+s2+$0x0], $0xffff  }
0x316: {  	v29 =	vadd.s32 $0x600, v25;
	_ =	sdelay $0x3  }
0x317: {  	[tilespmem:s10+$0x7900] =	vst v28  }
0x318: {  	v29 =	vld.idx.msk [tilespmem:v29+s2+$0x0], $0xffff  }
0x319: {  	v30 =	vadd.s32 $0x800, v25;
	_ =	sdelay $0x3  }
0x31a: {  	[tilespmem:s10+$0x7980] =	vst v29  }
0x31b: {  	v30 =	vld.idx.msk [tilespmem:v30+s2+$0x0], $0xffff  }
0x31c: {  	v31 =	vadd.s32 $0xA00, v25;
	_ =	sdelay $0x3  }
0x31d: {  	[tilespmem:s10+$0x7A00] =	vst v30  }
0x31e: {  	v31 =	vld.idx.msk [tilespmem:v31+s2+$0x0], $0xffff  }
0x31f: {  	v10 =	vsub.f32 v17, v10;
	v50 =	vadd.s32 $0xC00, v25  }
0x320: {  	v11 =	vsub.f32 v18, v11;
	v12 =	vsub.f32 v19, v12  }
0x321: {  	v10 =	vmul.f32 v10, v10  }
0x322: {  	v11 =	vmul.f32 v11, v11;
	v12 =	vmul.f32 v12, v12;
	v13 =	vsub.f32 v20, v13;
	v51 =	vld [tilespmem:s10+$0x3800]  }
0x323: {  	v2 =	vadd.f32 v9, v2;
	v4 =	vadd.f32 v10, v4;
	v9 =	vld [tilespmem:s10+$0x3880];
	[tilespmem:s10+$0x7A80] =	vst v31  }
0x324: {  	v3 =	vadd.f32 v11, v3;
	v6 =	vadd.f32 v12, v6;
	v10 =	vmul.f32 v13, v13;
	v11 =	vld.idx.msk [tilespmem:v50+s2+$0x0], $0xffff  }
0x325: {  	v52 =	vsub.f32 v21, v14;
	v53 =	vsub.f32 v22, v15;
	v54 =	vld [tilespmem:s10+$0x3900];
	v55 =	vadd.s32 $0xE00, v25  }
0x326: {  	v7 =	vadd.f32 v10, v7;
	v10 =	vsub.f32 v23, v16;
	v56 =	vld [tilespmem:s10+$0x3980]  }
0x327: {  	v12 =	vmul.f32 v52, v52;
	v13 =	vmul.f32 v53, v53;
	v8 =	vsub.f32 v24, v8;
	v57 =	vld [tilespmem:s10+$0x3A00]  }
0x328: {  	v10 =	vmul.f32 v10, v10;
	v58 =	vld [tilespmem:s10+$0x3A80];
	v18 =	vsub.f32 v51, v26;
	v9 =	vsub.f32 v9, v27  }
0x329: {  	v1 =	vadd.f32 v12, v1;
	v5 =	vadd.f32 v13, v5;
	v8 =	vmul.f32 v8, v8;
	s9 =	sor.u32 s9, s9;
	v59 =	vld [tilespmem:s10+$0x3B00];
	[tilespmem:s10+$0x7B00] =	vst v11  }
0x32a: {  	v0 =	vadd.f32 v10, v0;
	s11 =	sor.u32 $0x2380, s9;
	v10 =	vmul.f32 v18, v18;
	v9 =	vmul.f32 v9, v9;
	v60 =	vld.idx.msk [tilespmem:v55+s2+$0x0], $0xffff  }
0x32b: {  	v2 =	vadd.f32 v8, v2;
	v8 =	vsub.f32 v54, v28;
	v61 =	vld [tilespmem:s11+$0x1800]  }
0x32c: {  	v4 =	vadd.f32 v10, v4;
	v3 =	vadd.f32 v9, v3  }
0x32d: {  	s9 =	simm.s32 $0x80;
	v8 =	vmul.f32 v8, v8;
	v9 =	vsub.f32 v56, v29;
	v10 =	vsub.f32 v57, v30  }
0x32e: {  	s15 =	sand.u32 $0x1C00, s9;
	v62 =	vsub.f32 v58, v31;
	v11 =	vsub.f32 v59, v11;
	s10 =	simm.s32 $0x10  }
0x32f: {  	s17 =	sshrl.u32 s15, $0x2;
	v6 =	vadd.f32 v8, v6;
	v8 =	vmul.f32 v9, v9;
	v9 =	vmul.f32 v10, v10;
	s16 =	sand.u32 $0x70, s10  }
0x330: {  	v10 =	vmul.f32 v62, v62;
	v11 =	vmul.f32 v11, v11;
	s14 =	sor.u32 s16, s17;
	v63 =	vsub.f32 v61, v60;
	[tilespmem:s11+$0x5800] =	vst v60  }
0x331: {  	v7 =	vadd.f32 v8, v7;
	v1 =	vadd.f32 v9, v1;
	v8 =	vld [tilespmem:s14+$0x1080]  }
0x332: {  	v5 =	vadd.f32 v10, v5;
	v0 =	vadd.f32 v11, v0;
	s11 =	simm.s32 $0x100;
	v9 =	vmul.f32 v63, v63  }
.LBB2_12:
0x333: {  	_ = 	snop  }
0x334: {  	p0 =	sne.s32 s11, $0x1F80;
	s14 =	smov.u32 s11;
	s11 =	sadd.s32 $0x80, s11;
	v2 =	vadd.f32 v9, v2  }
0x335: {  	_ =	sdelay $0x3  }
0x336: {  	v9 =	vld.idx.msk [tilespmem:v8+s2+$0x0], $0xffff;
	_ =	sdelay $0x1  }
0x337: {  	v10 =	vadd.s32 $0x200, v8;
	_ =	sdelay $0x2  }
0x338: {  	s15 =	sor.u32 s16, s15  }
0x339: {  	[tilespmem:s15+$0x7800] =	vst v9;
	v11 =	vld [tilespmem:s15+$0x3800]  }
0x33a: {  	v10 =	vld.idx.msk [tilespmem:v10+s2+$0x0], $0xffff  }
0x33b: {  	v12 =	vld [tilespmem:s15+$0x3880]  }
0x33c: {  	v13 =	vadd.s32 $0x400, v8;
	_ =	sdelay $0x1  }
0x33d: {  	v9 =	vsub.f32 v11, v9;
	_ =	sdelay $0x1  }
0x33e: {  	v9 =	vmul.f32 v9, v9;
	[tilespmem:s15+$0x7880] =	vst v10;
	v10 =	vsub.f32 v12, v10  }
0x33f: {  	v11 =	vld.idx.msk [tilespmem:v13+s2+$0x0], $0xffff  }
0x340: {  	v4 =	vadd.f32 v9, v4;
	v9 =	vmul.f32 v10, v10;
	v10 =	vld [tilespmem:s15+$0x3900]  }
0x341: {  	v12 =	vadd.s32 $0x600, v8  }
0x342: {  	v3 =	vadd.f32 v9, v3;
	_ =	sdelay $0x2  }
0x343: {  	[tilespmem:s15+$0x7900] =	vst v11;
	v9 =	vsub.f32 v10, v11  }
0x344: {  	v10 =	vld.idx.msk [tilespmem:v12+s2+$0x0], $0xffff  }
0x345: {  	v9 =	vmul.f32 v9, v9;
	v11 =	vld [tilespmem:s15+$0x3980]  }
0x346: {  	v12 =	vadd.s32 $0x800, v8  }
0x347: {  	v6 =	vadd.f32 v9, v6;
	_ =	sdelay $0x2  }
0x348: {  	[tilespmem:s15+$0x7980] =	vst v10;
	v9 =	vsub.f32 v11, v10  }
0x349: {  	v10 =	vld.idx.msk [tilespmem:v12+s2+$0x0], $0xffff  }
0x34a: {  	v9 =	vmul.f32 v9, v9;
	v11 =	vld [tilespmem:s15+$0x3A00]  }
0x34b: {  	v12 =	vadd.s32 $0xA00, v8  }
0x34c: {  	v7 =	vadd.f32 v9, v7;
	_ =	sdelay $0x2  }
0x34d: {  	[tilespmem:s15+$0x7A00] =	vst v10;
	v9 =	vsub.f32 v11, v10  }
0x34e: {  	v10 =	vld.idx.msk [tilespmem:v12+s2+$0x0], $0xffff  }
0x34f: {  	v9 =	vmul.f32 v9, v9;
	v11 =	vld [tilespmem:s15+$0x3A80]  }
0x350: {  	v12 =	vadd.s32 $0xC00, v8  }
0x351: {  	v1 =	vadd.f32 v9, v1;
	_ =	sdelay $0x2  }
0x352: {  	[tilespmem:s15+$0x7A80] =	vst v10;
	v9 =	vsub.f32 v11, v10  }
0x353: {  	v10 =	vld.idx.msk [tilespmem:v12+s2+$0x0], $0xffff  }
0x354: {  	v9 =	vmul.f32 v9, v9;
	v11 =	vld [tilespmem:s15+$0x3B00]  }
0x355: {  	v8 =	vadd.s32 $0xE00, v8  }
0x356: {  	v5 =	vadd.f32 v9, v5;
	_ =	sdelay $0x2  }
0x357: {  	[tilespmem:s15+$0x7B00] =	vst v10;
	v9 =	vsub.f32 v11, v10;
	s15 =	sor.u32 s9, s10;
	s9 =	smov.u32 s14  }
0x358: {  	v8 =	vld.idx.msk [tilespmem:v8+s2+$0x0], $0xffff;
	s14 =	sor.u32 $0x2380, s15  }
0x359: {  	v9 =	vmul.f32 v9, v9;
	v10 =	vld [tilespmem:s14+$0x1800];
	_ =	sdelay $0x1  }
0x35a: {  	v0 =	vadd.f32 v9, v0  }
.Ltmp5:
0x35b: {  	s10 =	sadd.s32 $0x10, s10;
	s15 =	sand.u32 $0x1C00, s9;
	(pc) =	sbr.rel @p0 .LBB2_12-.Ltmp5, $4  }
0x35c: {  	s16 =	sand.u32 $0x70, s10;
	s17 =	sshrl.u32 s15, $0x2  }
0x35d: {  	s17 =	sor.u32 s16, s17;
	[tilespmem:s14+$0x5800] =	vst v8;
	v9 =	vsub.f32 v10, v8  }
0x35e: {  	v8 =	vld [tilespmem:s17+$0x1080]  }
0x35f: {  	v9 =	vmul.f32 v9, v9  }
0x360: {  	_ =	sdelay $0x6  }
0x361: {  	v10 =	vld.idx.msk [tilespmem:v8+s2+$0x0], $0xffff  }
0x362: {  	v11 =	vadd.s32 $0x200, v8;
	_ =	sdelay $0x2  }
0x363: {  	s11 =	sor.u32 s16, s15  }
0x364: {  	[tilespmem:s11+$0x7800] =	vst v10  }
0x365: {  	v11 =	vld.idx.msk [tilespmem:v11+s2+$0x0], $0xffff  }
0x366: {  	v12 =	vadd.s32 $0x400, v8;
	_ =	sdelay $0x3  }
0x367: {  	[tilespmem:s11+$0x7880] =	vst v11  }
0x368: {  	v12 =	vld.idx.msk [tilespmem:v12+s2+$0x0], $0xffff  }
0x369: {  	v13 =	vadd.s32 $0x600, v8;
	_ =	sdelay $0x3  }
0x36a: {  	[tilespmem:s11+$0x7900] =	vst v12  }
0x36b: {  	v13 =	vld.idx.msk [tilespmem:v13+s2+$0x0], $0xffff  }
0x36c: {  	v14 =	vadd.s32 $0x800, v8;
	_ =	sdelay $0x3  }
0x36d: {  	[tilespmem:s11+$0x7980] =	vst v13  }
0x36e: {  	v14 =	vld.idx.msk [tilespmem:v14+s2+$0x0], $0xffff  }
0x36f: {  	v15 =	vadd.s32 $0xA00, v8;
	_ =	sdelay $0x3  }
0x370: {  	[tilespmem:s11+$0x7A00] =	vst v14  }
0x371: {  	v15 =	vld.idx.msk [tilespmem:v15+s2+$0x0], $0xffff  }
0x372: {  	v16 =	vadd.s32 $0xC00, v8;
	_ =	sdelay $0x3  }
0x373: {  	[tilespmem:s11+$0x7A80] =	vst v15  }
0x374: {  	v16 =	vld.idx.msk [tilespmem:v16+s2+$0x0], $0xffff  }
0x375: {  	v8 =	vadd.s32 $0xE00, v8;
	_ =	sdelay $0x1  }
0x376: {  	v17 =	vld [tilespmem:s11+$0x3800]  }
0x377: {  	v18 =	vld [tilespmem:s11+$0x3880]  }
0x378: {  	v19 =	vld [tilespmem:s11+$0x3900];
	[tilespmem:s11+$0x7B00] =	vst v16  }
0x379: {  	v8 =	vld.idx.msk [tilespmem:v8+s2+$0x0], $0xffff  }
0x37a: {  	v20 =	vld [tilespmem:s11+$0x3980]  }
0x37b: {  	v21 =	vld [tilespmem:s11+$0x3A00]  }
0x37c: {  	s9 =	sor.u32 s9, s10;
	v22 =	vld [tilespmem:s11+$0x3A80]  }
0x37d: {  	v23 =	vld [tilespmem:s11+$0x3B00];
	s9 =	sor.u32 $0x2380, s9  }
0x37e: {  	s17 =	rddreg [dreg:$0x10];
	v24 =	vld [tilespmem:s9+$0x1800];
	[tilespmem:s9+$0x5800] =	vst v8;
	s9 =	simm.s32 $0x0  }
0x37f: {  	[hbm4b:s17+s9] =	stream.linear.scatter [tilespmem:s3], [sflag:$0x6], $0x2000, $0x38;
	[tilespmem:$0x9880] =	vst v63  }
0x380: {  	_ =	swait.ge [sflag:s12], $0x400  }
0x381: {  	[sflag:s12] =	ssyncset.done $0x0  }
0x382: {  	[sflag:s12] =	ssyncadd.s32 $0xFFFFFC00  }
0x383: {  	_ =	swait.ge [sflag:s13], $0x2000  }
0x384: {  	[sflag:s13] =	ssyncset.done $0x0  }
0x385: {  	s11 =	simm.s32 $0x1080;
	[sflag:s13] =	ssyncadd.s32 $0xFFFFE000  }
0x386: {  	[tilespmem:s11], [sflag:$0x2] =	stream.linear.gather [hbm4b:s28+s9], $0x80, $0x38;
	[tilespmem:$0x9880] =	vst v63  }
0x387: {  	s14 =	sadd.s32 $0x80, s28;
	s15 =	simm.s32 $0x1180  }
0x388: {  	[tilespmem:s15], [sflag:$0x2] =	stream.linear.gather [hbm4b:s14+s9], $0x80, $0x38;
	[tilespmem:$0x9880] =	vst v63  }
0x389: {  	s16 =	sadd.s32 $0x100, s28;
	s17 =	simm.s32 $0x1280  }
0x38a: {  	[tilespmem:s17], [sflag:$0x2] =	stream.linear.gather [hbm4b:s16+s9], $0x80, $0x38;
	[tilespmem:$0x9880] =	vst v63  }
0x38b: {  	s11 =	sadd.s32 $0x180, s28;
	s14 =	simm.s32 $0x1380  }
0x38c: {  	[tilespmem:s14], [sflag:$0x2] =	stream.linear.gather [hbm4b:s11+s9], $0x80, $0x38;
	[tilespmem:$0x9880] =	vst v63  }
0x38d: {  	s15 =	sadd.s32 $0x200, s28  }
0x38e: {  	[tilespmem:s18], [sflag:$0x2] =	stream.linear.gather [hbm4b:s15+s9], $0x80, $0x38;
	[tilespmem:$0x9880] =	vst v63  }
0x38f: {  	s16 =	sadd.s32 $0x280, s28  }
0x390: {  	[tilespmem:s19], [sflag:$0x2] =	stream.linear.gather [hbm4b:s16+s9], $0x80, $0x38;
	[tilespmem:$0x9880] =	vst v63  }
0x391: {  	s17 =	sadd.s32 $0x300, s28  }
0x392: {  	[tilespmem:s20], [sflag:$0x2] =	stream.linear.gather [hbm4b:s17+s9], $0x80, $0x38;
	[tilespmem:$0x9880] =	vst v63  }
0x393: {  	s11 =	sadd.s32 $0x380, s28  }
0x394: {  	[tilespmem:s21], [sflag:$0x2] =	stream.linear.gather [hbm4b:s11+s9], $0x80, $0x38;
	[tilespmem:$0x9880] =	vst v63  }
0x395: {  	s14 =	rddreg [dreg:$0x11]  }
0x396: {  	[tilespmem:s29], [sflag:$0x4] =	stream.linear.gather [hbm4b:s14+s9], $0x2000, $0x38;
	[tilespmem:$0x9880] =	vst v63  }
0x397: {  	s15 =	sand.u32 $0x1C00, s9;
	_ =	swait.ge [sflag:s5], $0x2000  }
0x398: {  	s16 =	sand.u32 $0x70, s9;
	s14 =	sshrl.u32 s15, $0x2;
	[sflag:s5] =	ssyncset.done $0x0  }
0x399: {  	s14 =	sor.u32 s16, s14;
	[sflag:s5] =	ssyncadd.s32 $0xFFFFE000  }
0x39a: {  	v25 =	vld [tilespmem:s14+$0x1000];
	_ =	sdelay $0x7  }
0x39b: {  	v26 =	vld.idx.msk [tilespmem:v25+s2+$0x0], $0xffff  }
0x39c: {  	v27 =	vadd.s32 $0x200, v25;
	_ =	sdelay $0x2  }
0x39d: {  	s10 =	sor.u32 s16, s15  }
0x39e: {  	[tilespmem:s10+$0x5800] =	vst v26  }
0x39f: {  	v27 =	vld.idx.msk [tilespmem:v27+s2+$0x0], $0xffff  }
0x3a0: {  	v28 =	vadd.s32 $0x400, v25;
	_ =	sdelay $0x3  }
0x3a1: {  	[tilespmem:s10+$0x5880] =	vst v27  }
0x3a2: {  	v28 =	vld.idx.msk [tilespmem:v28+s2+$0x0], $0xffff  }
0x3a3: {  	v29 =	vadd.s32 $0x600, v25;
	_ =	sdelay $0x3  }
0x3a4: {  	[tilespmem:s10+$0x5900] =	vst v28  }
0x3a5: {  	v29 =	vld.idx.msk [tilespmem:v29+s2+$0x0], $0xffff  }
0x3a6: {  	v30 =	vadd.s32 $0x800, v25;
	_ =	sdelay $0x3  }
0x3a7: {  	[tilespmem:s10+$0x5980] =	vst v29  }
0x3a8: {  	v30 =	vld.idx.msk [tilespmem:v30+s2+$0x0], $0xffff  }
0x3a9: {  	v31 =	vadd.s32 $0xA00, v25;
	_ =	sdelay $0x3  }
0x3aa: {  	[tilespmem:s10+$0x5A00] =	vst v30  }
0x3ab: {  	v31 =	vld.idx.msk [tilespmem:v31+s2+$0x0], $0xffff  }
0x3ac: {  	v10 =	vsub.f32 v17, v10;
	v50 =	vadd.s32 $0xC00, v25  }
0x3ad: {  	v11 =	vsub.f32 v18, v11;
	v12 =	vsub.f32 v19, v12  }
0x3ae: {  	v10 =	vmul.f32 v10, v10  }
0x3af: {  	v11 =	vmul.f32 v11, v11;
	v12 =	vmul.f32 v12, v12;
	v13 =	vsub.f32 v20, v13;
	v51 =	vld [tilespmem:s10+$0x1800]  }
0x3b0: {  	v2 =	vadd.f32 v9, v2;
	v4 =	vadd.f32 v10, v4;
	v9 =	vld [tilespmem:s10+$0x1880];
	[tilespmem:s10+$0x5A80] =	vst v31  }
0x3b1: {  	v3 =	vadd.f32 v11, v3;
	v6 =	vadd.f32 v12, v6;
	v10 =	vmul.f32 v13, v13;
	v11 =	vld.idx.msk [tilespmem:v50+s2+$0x0], $0xffff  }
0x3b2: {  	v52 =	vsub.f32 v21, v14;
	v53 =	vsub.f32 v22, v15;
	v54 =	vld [tilespmem:s10+$0x1900];
	v55 =	vadd.s32 $0xE00, v25  }
0x3b3: {  	v7 =	vadd.f32 v10, v7;
	v10 =	vsub.f32 v23, v16;
	v56 =	vld [tilespmem:s10+$0x1980]  }
0x3b4: {  	v12 =	vmul.f32 v52, v52;
	v13 =	vmul.f32 v53, v53;
	v8 =	vsub.f32 v24, v8;
	v57 =	vld [tilespmem:s10+$0x1A00]  }
0x3b5: {  	v10 =	vmul.f32 v10, v10;
	v58 =	vld [tilespmem:s10+$0x1A80];
	v18 =	vsub.f32 v51, v26;
	v9 =	vsub.f32 v9, v27  }
0x3b6: {  	v1 =	vadd.f32 v12, v1;
	v5 =	vadd.f32 v13, v5;
	v8 =	vmul.f32 v8, v8;
	s9 =	sor.u32 s9, s9;
	v59 =	vld [tilespmem:s10+$0x1B00];
	[tilespmem:s10+$0x5B00] =	vst v11  }
0x3b7: {  	v0 =	vadd.f32 v10, v0;
	s11 =	sor.u32 $0x380, s9;
	v10 =	vmul.f32 v18, v18;
	v9 =	vmul.f32 v9, v9;
	v60 =	vld.idx.msk [tilespmem:v55+s2+$0x0], $0xffff  }
0x3b8: {  	v2 =	vadd.f32 v8, v2;
	v8 =	vsub.f32 v54, v28;
	v61 =	vld [tilespmem:s11+$0x1800]  }
0x3b9: {  	v4 =	vadd.f32 v10, v4;
	v3 =	vadd.f32 v9, v3  }
0x3ba: {  	s9 =	simm.s32 $0x80;
	v8 =	vmul.f32 v8, v8;
	v9 =	vsub.f32 v56, v29;
	v10 =	vsub.f32 v57, v30  }
0x3bb: {  	s15 =	sand.u32 $0x1C00, s9;
	v62 =	vsub.f32 v58, v31;
	v11 =	vsub.f32 v59, v11;
	s10 =	simm.s32 $0x10  }
0x3bc: {  	s17 =	sshrl.u32 s15, $0x2;
	v6 =	vadd.f32 v8, v6;
	v8 =	vmul.f32 v9, v9;
	v9 =	vmul.f32 v10, v10;
	s16 =	sand.u32 $0x70, s10  }
0x3bd: {  	v10 =	vmul.f32 v62, v62;
	v11 =	vmul.f32 v11, v11;
	s14 =	sor.u32 s16, s17;
	v63 =	vsub.f32 v61, v60;
	[tilespmem:s11+$0x5800] =	vst v60  }
0x3be: {  	v7 =	vadd.f32 v8, v7;
	v1 =	vadd.f32 v9, v1;
	v8 =	vld [tilespmem:s14+$0x1000]  }
0x3bf: {  	v5 =	vadd.f32 v10, v5;
	v0 =	vadd.f32 v11, v0;
	s11 =	simm.s32 $0x100;
	v9 =	vmul.f32 v63, v63  }
.LBB2_14:
0x3c0: {  	_ = 	snop  }
0x3c1: {  	p0 =	sne.s32 s11, $0x1F80;
	s14 =	smov.u32 s11;
	s11 =	sadd.s32 $0x80, s11;
	v2 =	vadd.f32 v9, v2  }
0x3c2: {  	_ =	sdelay $0x3  }
0x3c3: {  	v9 =	vld.idx.msk [tilespmem:v8+s2+$0x0], $0xffff;
	_ =	sdelay $0x1  }
0x3c4: {  	v10 =	vadd.s32 $0x200, v8;
	_ =	sdelay $0x2  }
0x3c5: {  	s15 =	sor.u32 s16, s15  }
0x3c6: {  	[tilespmem:s15+$0x5800] =	vst v9;
	v11 =	vld [tilespmem:s15+$0x1800]  }
0x3c7: {  	v10 =	vld.idx.msk [tilespmem:v10+s2+$0x0], $0xffff  }
0x3c8: {  	v12 =	vld [tilespmem:s15+$0x1880]  }
0x3c9: {  	v13 =	vadd.s32 $0x400, v8;
	_ =	sdelay $0x1  }
0x3ca: {  	v9 =	vsub.f32 v11, v9;
	_ =	sdelay $0x1  }
0x3cb: {  	v9 =	vmul.f32 v9, v9;
	[tilespmem:s15+$0x5880] =	vst v10;
	v10 =	vsub.f32 v12, v10  }
0x3cc: {  	v11 =	vld.idx.msk [tilespmem:v13+s2+$0x0], $0xffff  }
0x3cd: {  	v4 =	vadd.f32 v9, v4;
	v9 =	vmul.f32 v10, v10;
	v10 =	vld [tilespmem:s15+$0x1900]  }
0x3ce: {  	v12 =	vadd.s32 $0x600, v8  }
0x3cf: {  	v3 =	vadd.f32 v9, v3;
	_ =	sdelay $0x2  }
0x3d0: {  	[tilespmem:s15+$0x5900] =	vst v11;
	v9 =	vsub.f32 v10, v11  }
0x3d1: {  	v10 =	vld.idx.msk [tilespmem:v12+s2+$0x0], $0xffff  }
0x3d2: {  	v9 =	vmul.f32 v9, v9;
	v11 =	vld [tilespmem:s15+$0x1980]  }
0x3d3: {  	v12 =	vadd.s32 $0x800, v8  }
0x3d4: {  	v6 =	vadd.f32 v9, v6;
	_ =	sdelay $0x2  }
0x3d5: {  	[tilespmem:s15+$0x5980] =	vst v10;
	v9 =	vsub.f32 v11, v10  }
0x3d6: {  	v10 =	vld.idx.msk [tilespmem:v12+s2+$0x0], $0xffff  }
0x3d7: {  	v9 =	vmul.f32 v9, v9;
	v11 =	vld [tilespmem:s15+$0x1A00]  }
0x3d8: {  	v12 =	vadd.s32 $0xA00, v8  }
0x3d9: {  	v7 =	vadd.f32 v9, v7;
	_ =	sdelay $0x2  }
0x3da: {  	[tilespmem:s15+$0x5A00] =	vst v10;
	v9 =	vsub.f32 v11, v10  }
0x3db: {  	v10 =	vld.idx.msk [tilespmem:v12+s2+$0x0], $0xffff  }
0x3dc: {  	v9 =	vmul.f32 v9, v9;
	v11 =	vld [tilespmem:s15+$0x1A80]  }
0x3dd: {  	v12 =	vadd.s32 $0xC00, v8  }
0x3de: {  	v1 =	vadd.f32 v9, v1;
	_ =	sdelay $0x2  }
0x3df: {  	[tilespmem:s15+$0x5A80] =	vst v10;
	v9 =	vsub.f32 v11, v10  }
0x3e0: {  	v10 =	vld.idx.msk [tilespmem:v12+s2+$0x0], $0xffff  }
0x3e1: {  	v9 =	vmul.f32 v9, v9;
	v11 =	vld [tilespmem:s15+$0x1B00]  }
0x3e2: {  	v8 =	vadd.s32 $0xE00, v8  }
0x3e3: {  	v5 =	vadd.f32 v9, v5;
	_ =	sdelay $0x2  }
0x3e4: {  	[tilespmem:s15+$0x5B00] =	vst v10;
	v9 =	vsub.f32 v11, v10;
	s15 =	sor.u32 s9, s10;
	s9 =	smov.u32 s14  }
0x3e5: {  	v8 =	vld.idx.msk [tilespmem:v8+s2+$0x0], $0xffff;
	s14 =	sor.u32 $0x380, s15  }
0x3e6: {  	v9 =	vmul.f32 v9, v9;
	v10 =	vld [tilespmem:s14+$0x1800];
	_ =	sdelay $0x1  }
0x3e7: {  	v0 =	vadd.f32 v9, v0  }
.Ltmp6:
0x3e8: {  	s10 =	sadd.s32 $0x10, s10;
	s15 =	sand.u32 $0x1C00, s9;
	(pc) =	sbr.rel @p0 .LBB2_14-.Ltmp6, $4  }
0x3e9: {  	s16 =	sand.u32 $0x70, s10;
	s17 =	sshrl.u32 s15, $0x2  }
0x3ea: {  	s17 =	sor.u32 s16, s17;
	[tilespmem:s14+$0x5800] =	vst v8;
	v9 =	vsub.f32 v10, v8  }
0x3eb: {  	v8 =	vld [tilespmem:s17+$0x1000]  }
0x3ec: {  	v9 =	vmul.f32 v9, v9  }
0x3ed: {  	_ =	sdelay $0x6  }
0x3ee: {  	v10 =	vld.idx.msk [tilespmem:v8+s2+$0x0], $0xffff  }
0x3ef: {  	v11 =	vadd.s32 $0x200, v8;
	_ =	sdelay $0x2  }
0x3f0: {  	s11 =	sor.u32 s16, s15  }
0x3f1: {  	[tilespmem:s11+$0x5800] =	vst v10  }
0x3f2: {  	v11 =	vld.idx.msk [tilespmem:v11+s2+$0x0], $0xffff  }
0x3f3: {  	v12 =	vadd.s32 $0x400, v8;
	_ =	sdelay $0x3  }
0x3f4: {  	[tilespmem:s11+$0x5880] =	vst v11  }
0x3f5: {  	v12 =	vld.idx.msk [tilespmem:v12+s2+$0x0], $0xffff  }
0x3f6: {  	v13 =	vadd.s32 $0x600, v8;
	_ =	sdelay $0x3  }
0x3f7: {  	[tilespmem:s11+$0x5900] =	vst v12  }
0x3f8: {  	v13 =	vld.idx.msk [tilespmem:v13+s2+$0x0], $0xffff  }
0x3f9: {  	v14 =	vadd.s32 $0x800, v8;
	_ =	sdelay $0x3  }
0x3fa: {  	[tilespmem:s11+$0x5980] =	vst v13  }
0x3fb: {  	v14 =	vld.idx.msk [tilespmem:v14+s2+$0x0], $0xffff  }
0x3fc: {  	v15 =	vadd.s32 $0xA00, v8;
	_ =	sdelay $0x3  }
0x3fd: {  	[tilespmem:s11+$0x5A00] =	vst v14  }
0x3fe: {  	v15 =	vld.idx.msk [tilespmem:v15+s2+$0x0], $0xffff  }
0x3ff: {  	v16 =	vadd.s32 $0xC00, v8;
	_ =	sdelay $0x3  }
0x400: {  	[tilespmem:s11+$0x5A80] =	vst v15  }
0x401: {  	v16 =	vld.idx.msk [tilespmem:v16+s2+$0x0], $0xffff  }
0x402: {  	v8 =	vadd.s32 $0xE00, v8;
	_ =	sdelay $0x2  }
0x403: {  	v17 =	vld [tilespmem:s11+$0x1800]  }
0x404: {  	v18 =	vld [tilespmem:s11+$0x1880];
	[tilespmem:s11+$0x5B00] =	vst v16  }
0x405: {  	v8 =	vld.idx.msk [tilespmem:v8+s2+$0x0], $0xffff  }
0x406: {  	v19 =	vld [tilespmem:s11+$0x1900]  }
0x407: {  	v20 =	vld [tilespmem:s11+$0x1980]  }
0x408: {  	s9 =	sor.u32 s9, s10;
	v21 =	vld [tilespmem:s11+$0x1A00]  }
0x409: {  	v22 =	vld [tilespmem:s11+$0x1A80];
	s9 =	sor.u32 $0x380, s9  }
0x40a: {  	s17 =	simm.s32 $0x0;
	s14 =	rddreg [dreg:$0x12];
	v23 =	vld [tilespmem:s11+$0x1B00];
	[tilespmem:s9+$0x5800] =	vst v8  }
0x40b: {  	v24 =	vld [tilespmem:s9+$0x1800];
	[hbm4b:s14+s17] =	stream.linear.scatter [tilespmem:s30], [sflag:$0x5], $0x2000, $0x38  }
0x40c: {  	_ =	swait.ge [sflag:s31], $0x400  }
0x40d: {  	[sflag:s31] =	ssyncset.done $0x0  }
0x40e: {  	[sflag:s31] =	ssyncadd.s32 $0xFFFFFC00  }
0x40f: {  	_ =	swait.ge [sflag:s1], $0x2000  }
0x410: {  	[sflag:s1] =	ssyncset.done $0x0  }
0x411: {  	[sflag:s1] =	ssyncadd.s32 $0xFFFFE000  }
0x412: {  	s15 =	sand.u32 $0x1C00, s17;
	_ =	swait.ge [sflag:s7], $0x2000  }
0x413: {  	s16 =	sand.u32 $0x70, s17;
	s14 =	sshrl.u32 s15, $0x2;
	[sflag:s7] =	ssyncset.done $0x0  }
0x414: {  	s14 =	sor.u32 s16, s14;
	[sflag:s7] =	ssyncadd.s32 $0xFFFFE000  }
0x415: {  	v25 =	vld [tilespmem:s14+$0x1080];
	_ =	sdelay $0x7  }
0x416: {  	v26 =	vld.idx.msk [tilespmem:v25+s2+$0x0], $0xffff  }
0x417: {  	v27 =	vadd.s32 $0x200, v25;
	_ =	sdelay $0x2  }
0x418: {  	s10 =	sor.u32 s16, s15  }
0x419: {  	[tilespmem:s10+$0x7800] =	vst v26  }
0x41a: {  	v27 =	vld.idx.msk [tilespmem:v27+s2+$0x0], $0xffff  }
0x41b: {  	v28 =	vadd.s32 $0x400, v25;
	_ =	sdelay $0x3  }
0x41c: {  	[tilespmem:s10+$0x7880] =	vst v27  }
0x41d: {  	v28 =	vld.idx.msk [tilespmem:v28+s2+$0x0], $0xffff  }
0x41e: {  	v29 =	vadd.s32 $0x600, v25;
	_ =	sdelay $0x3  }
0x41f: {  	[tilespmem:s10+$0x7900] =	vst v28  }
0x420: {  	v29 =	vld.idx.msk [tilespmem:v29+s2+$0x0], $0xffff  }
0x421: {  	v30 =	vadd.s32 $0x800, v25;
	_ =	sdelay $0x3  }
0x422: {  	[tilespmem:s10+$0x7980] =	vst v29  }
0x423: {  	v30 =	vld.idx.msk [tilespmem:v30+s2+$0x0], $0xffff  }
0x424: {  	v31 =	vadd.s32 $0xA00, v25;
	_ =	sdelay $0x3  }
0x425: {  	[tilespmem:s10+$0x7A00] =	vst v30  }
0x426: {  	v31 =	vld.idx.msk [tilespmem:v31+s2+$0x0], $0xffff  }
0x427: {  	v10 =	vsub.f32 v17, v10;
	v11 =	vsub.f32 v18, v11;
	v50 =	vadd.s32 $0xC00, v25;
	_ =	sdelay $0x1  }
0x428: {  	v10 =	vmul.f32 v10, v10;
	v11 =	vmul.f32 v11, v11;
	v13 =	vsub.f32 v20, v13  }
0x429: {  	v2 =	vadd.f32 v9, v2;
	v51 =	vld [tilespmem:s10+$0x3800]  }
0x42a: {  	v4 =	vadd.f32 v10, v4;
	v3 =	vadd.f32 v11, v3;
	v10 =	vmul.f32 v13, v13;
	v9 =	vld [tilespmem:s10+$0x3880];
	[tilespmem:s10+$0x7A80] =	vst v31  }
0x42b: {  	v12 =	vsub.f32 v19, v12;
	v53 =	vsub.f32 v22, v15;
	v11 =	vld.idx.msk [tilespmem:v50+s2+$0x0], $0xffff  }
0x42c: {  	v7 =	vadd.f32 v10, v7;
	v10 =	vsub.f32 v23, v16;
	v54 =	vld [tilespmem:s10+$0x3900];
	v55 =	vadd.s32 $0xE00, v25  }
0x42d: {  	v13 =	vmul.f32 v53, v53;
	v8 =	vsub.f32 v24, v8;
	v56 =	vld [tilespmem:s10+$0x3980]  }
0x42e: {  	v12 =	vmul.f32 v12, v12;
	v10 =	vmul.f32 v10, v10;
	v57 =	vld [tilespmem:s10+$0x3A00];
	v18 =	vsub.f32 v51, v26  }
0x42f: {  	v59 =	vadd.f32 v13, v5;
	v5 =	vmul.f32 v8, v8;
	v8 =	vld [tilespmem:s10+$0x3B00];
	v9 =	vsub.f32 v9, v27  }
0x430: {  	v6 =	vadd.f32 v12, v6;
	v10 =	vadd.f32 v10, v0;
	s9 =	sor.u32 s17, s17;
	v58 =	vld [tilespmem:s10+$0x3A80];
	v60 =	vmul.f32 v18, v18;
	[tilespmem:s10+$0x7B00] =	vst v11  }
0x431: {  	s11 =	sor.u32 $0x2380, s9;
	v0 =	vadd.f32 v5, v2;
	v9 =	vmul.f32 v9, v9;
	v5 =	vsub.f32 v54, v28;
	v15 =	vld.idx.msk [tilespmem:v55+s2+$0x0], $0xffff  }
0x432: {  	v52 =	vsub.f32 v21, v14;
	v2 =	vadd.f32 v60, v4;
	v61 =	vld [tilespmem:s11+$0x1800]  }
0x433: {  	v3 =	vadd.f32 v9, v3;
	v4 =	vmul.f32 v5, v5;
	v9 =	vsub.f32 v56, v29  }
0x434: {  	v12 =	vmul.f32 v52, v52;
	s9 =	simm.s32 $0x80;
	v62 =	vsub.f32 v57, v30;
	v8 =	vsub.f32 v8, v11  }
0x435: {  	s15 =	sand.u32 $0x1C00, s9;
	v4 =	vadd.f32 v4, v6;
	v6 =	vmul.f32 v9, v9;
	v5 =	vsub.f32 v58, v31;
	s10 =	simm.s32 $0x10  }
0x436: {  	v1 =	vadd.f32 v12, v1;
	s17 =	sshrl.u32 s15, $0x2;
	v9 =	vmul.f32 v62, v62;
	s16 =	sand.u32 $0x70, s10;
	v8 =	vmul.f32 v8, v8  }
0x437: {  	v11 =	vmul.f32 v5, v5;
	s14 =	sor.u32 s16, s17;
	v63 =	vsub.f32 v61, v15;
	[tilespmem:s11+$0x5800] =	vst v15  }
0x438: {  	v5 =	vadd.f32 v9, v1;
	v1 =	vadd.f32 v8, v10;
	v8 =	vld [tilespmem:s14+$0x1080]  }
0x439: {  	v7 =	vadd.f32 v6, v7;
	v6 =	vadd.f32 v11, v59;
	s11 =	simm.s32 $0x100;
	v9 =	vmul.f32 v63, v63  }
.LBB2_16:
0x43a: {  	_ = 	snop  }
0x43b: {  	p0 =	sne.s32 s11, $0x1F80;
	s14 =	smov.u32 s11;
	s11 =	sadd.s32 $0x80, s11;
	v0 =	vadd.f32 v9, v0  }
0x43c: {  	_ =	sdelay $0x3  }
0x43d: {  	v9 =	vld.idx.msk [tilespmem:v8+s2+$0x0], $0xffff;
	_ =	sdelay $0x1  }
0x43e: {  	v10 =	vadd.s32 $0x200, v8;
	_ =	sdelay $0x2  }
0x43f: {  	s15 =	sor.u32 s16, s15  }
0x440: {  	[tilespmem:s15+$0x7800] =	vst v9;
	v11 =	vld [tilespmem:s15+$0x3800]  }
0x441: {  	v10 =	vld.idx.msk [tilespmem:v10+s2+$0x0], $0xffff  }
0x442: {  	v12 =	vld [tilespmem:s15+$0x3880]  }
0x443: {  	v13 =	vadd.s32 $0x400, v8;
	_ =	sdelay $0x1  }
0x444: {  	v9 =	vsub.f32 v11, v9;
	_ =	sdelay $0x1  }
0x445: {  	v9 =	vmul.f32 v9, v9;
	[tilespmem:s15+$0x7880] =	vst v10;
	v10 =	vsub.f32 v12, v10  }
0x446: {  	v11 =	vld.idx.msk [tilespmem:v13+s2+$0x0], $0xffff  }
0x447: {  	v2 =	vadd.f32 v9, v2;
	v9 =	vmul.f32 v10, v10;
	v10 =	vld [tilespmem:s15+$0x3900]  }
0x448: {  	v12 =	vadd.s32 $0x600, v8  }
0x449: {  	v3 =	vadd.f32 v9, v3;
	_ =	sdelay $0x2  }
0x44a: {  	[tilespmem:s15+$0x7900] =	vst v11;
	v9 =	vsub.f32 v10, v11  }
0x44b: {  	v10 =	vld.idx.msk [tilespmem:v12+s2+$0x0], $0xffff  }
0x44c: {  	v9 =	vmul.f32 v9, v9;
	v11 =	vld [tilespmem:s15+$0x3980]  }
0x44d: {  	v12 =	vadd.s32 $0x800, v8  }
0x44e: {  	v4 =	vadd.f32 v9, v4;
	_ =	sdelay $0x2  }
0x44f: {  	[tilespmem:s15+$0x7980] =	vst v10;
	v9 =	vsub.f32 v11, v10  }
0x450: {  	v10 =	vld.idx.msk [tilespmem:v12+s2+$0x0], $0xffff  }
0x451: {  	v9 =	vmul.f32 v9, v9;
	v11 =	vld [tilespmem:s15+$0x3A00]  }
0x452: {  	v12 =	vadd.s32 $0xA00, v8  }
0x453: {  	v7 =	vadd.f32 v9, v7;
	_ =	sdelay $0x2  }
0x454: {  	[tilespmem:s15+$0x7A00] =	vst v10;
	v9 =	vsub.f32 v11, v10  }
0x455: {  	v10 =	vld.idx.msk [tilespmem:v12+s2+$0x0], $0xffff  }
0x456: {  	v9 =	vmul.f32 v9, v9;
	v11 =	vld [tilespmem:s15+$0x3A80]  }
0x457: {  	v12 =	vadd.s32 $0xC00, v8  }
0x458: {  	v5 =	vadd.f32 v9, v5;
	_ =	sdelay $0x2  }
0x459: {  	[tilespmem:s15+$0x7A80] =	vst v10;
	v9 =	vsub.f32 v11, v10  }
0x45a: {  	v10 =	vld.idx.msk [tilespmem:v12+s2+$0x0], $0xffff  }
0x45b: {  	v9 =	vmul.f32 v9, v9;
	v11 =	vld [tilespmem:s15+$0x3B00]  }
0x45c: {  	v8 =	vadd.s32 $0xE00, v8  }
0x45d: {  	v6 =	vadd.f32 v9, v6;
	_ =	sdelay $0x2  }
0x45e: {  	[tilespmem:s15+$0x7B00] =	vst v10;
	v9 =	vsub.f32 v11, v10;
	s15 =	sor.u32 s9, s10;
	s9 =	smov.u32 s14  }
0x45f: {  	v8 =	vld.idx.msk [tilespmem:v8+s2+$0x0], $0xffff;
	s14 =	sor.u32 $0x2380, s15  }
0x460: {  	v9 =	vmul.f32 v9, v9;
	v10 =	vld [tilespmem:s14+$0x1800];
	_ =	sdelay $0x1  }
0x461: {  	v1 =	vadd.f32 v9, v1  }
.Ltmp7:
0x462: {  	s10 =	sadd.s32 $0x10, s10;
	s15 =	sand.u32 $0x1C00, s9;
	(pc) =	sbr.rel @p0 .LBB2_16-.Ltmp7, $4  }
0x463: {  	s16 =	sand.u32 $0x70, s10;
	s17 =	sshrl.u32 s15, $0x2  }
0x464: {  	s17 =	sor.u32 s16, s17;
	[tilespmem:s14+$0x5800] =	vst v8;
	v9 =	vsub.f32 v10, v8  }
0x465: {  	v8 =	vld [tilespmem:s17+$0x1080]  }
0x466: {  	v9 =	vmul.f32 v9, v9  }
0x467: {  	_ =	sdelay $0x6  }
0x468: {  	v10 =	vld.idx.msk [tilespmem:v8+s2+$0x0], $0xffff  }
0x469: {  	v11 =	vadd.s32 $0x200, v8;
	_ =	sdelay $0x2  }
0x46a: {  	s11 =	sor.u32 s16, s15  }
0x46b: {  	[tilespmem:s11+$0x7800] =	vst v10  }
0x46c: {  	v11 =	vld.idx.msk [tilespmem:v11+s2+$0x0], $0xffff  }
0x46d: {  	v12 =	vadd.s32 $0x400, v8;
	_ =	sdelay $0x3  }
0x46e: {  	[tilespmem:s11+$0x7880] =	vst v11  }
0x46f: {  	v12 =	vld.idx.msk [tilespmem:v12+s2+$0x0], $0xffff  }
0x470: {  	v13 =	vadd.s32 $0x600, v8;
	_ =	sdelay $0x3  }
0x471: {  	[tilespmem:s11+$0x7900] =	vst v12  }
0x472: {  	v13 =	vld.idx.msk [tilespmem:v13+s2+$0x0], $0xffff  }
0x473: {  	v14 =	vadd.s32 $0x800, v8;
	_ =	sdelay $0x3  }
0x474: {  	[tilespmem:s11+$0x7980] =	vst v13  }
0x475: {  	v14 =	vld.idx.msk [tilespmem:v14+s2+$0x0], $0xffff  }
0x476: {  	v15 =	vadd.s32 $0xA00, v8;
	_ =	sdelay $0x2  }
0x477: {  	v16 =	vld [tilespmem:s11+$0x3800]  }
0x478: {  	v17 =	vld [tilespmem:s11+$0x3880];
	[tilespmem:s11+$0x7A00] =	vst v14  }
0x479: {  	v15 =	vld.idx.msk [tilespmem:v15+s2+$0x0], $0xffff  }
0x47a: {  	v18 =	vadd.s32 $0xC00, v8  }
0x47b: {  	v19 =	vld [tilespmem:s11+$0x3900];
	_ =	sdelay $0x1  }
0x47c: {  	v20 =	vld [tilespmem:s11+$0x3980];
	v10 =	vsub.f32 v16, v10;
	v11 =	vsub.f32 v17, v11  }
0x47d: {  	v45 =	vld [tilespmem:s11+$0x3A00];
	[tilespmem:s11+$0x7A80] =	vst v15  }
0x47e: {  	v10 =	vmul.f32 v10, v10;
	v11 =	vmul.f32 v11, v11;
	v46 =	vld.idx.msk [tilespmem:v18+s2+$0x0], $0xffff  }
0x47f: {  	v47 =	vadd.s32 $0xE00, v8;
	v12 =	vsub.f32 v19, v12  }
0x480: {  	v2 =	vadd.f32 v10, v2;
	v3 =	vadd.f32 v11, v3  }
0x481: {  	v48 =	vld [tilespmem:s11+$0x3A80];
	v50 =	vmul.f32 v12, v12;
	v49 =	vsub.f32 v20, v13  }
0x482: {  	v2 =	vadd.f32 v3, v2  }
0x483: {  	s9 =	sor.u32 s9, s10;
	v52 =	vld [tilespmem:s11+$0x3B00];
	v4 =	vadd.f32 v50, v4;
	v53 =	vmul.f32 v49, v49;
	v51 =	vsub.f32 v45, v14;
	[tilespmem:s11+$0x7B00] =	vst v46  }
0x484: {  	s9 =	sor.u32 $0x2380, s9;
	v8 =	vld.idx.msk [tilespmem:v47+s2+$0x0], $0xffff  }
0x485: {  	v2 =	vadd.f32 v4, v2;
	v3 =	vadd.f32 v53, v7;
	v54 =	vmul.f32 v51, v51;
	v56 =	vld [tilespmem:s9+$0x1800]  }
0x486: {  	v55 =	vsub.f32 v48, v15  }
0x487: {  	v2 =	vadd.f32 v3, v2;
	v57 =	vadd.f32 v54, v5  }
0x488: {  	v58 =	vmul.f32 v55, v55;
	v59 =	vsub.f32 v52, v46  }
0x489: {  	v2 =	vadd.f32 v57, v2  }
0x48a: {  	v60 =	vadd.f32 v58, v6;
	v61 =	vmul.f32 v59, v59;
	v62 =	vsub.f32 v56, v8  }
0x48b: {  	v0 =	vadd.f32 v9, v0  }
0x48c: {  	v2 =	vadd.f32 v60, v2;
	v1 =	vadd.f32 v61, v1;
	v63 =	vmul.f32 v62, v62;
	_ =	sdelay $0x1  }
0x48d: {  	v1 =	vadd.f32 v1, v2;
	v0 =	vadd.f32 v63, v0;
	_ =	sdelay $0x1  }
0x48e: {  	s14 =	rddreg [dreg:$0x13];
	[tilespmem:s9+$0x5800] =	vst v8;
	v0 =	vadd.f32 v0, v1  }
0x48f: {  	[hbm4b:s14+s2] =	stream.linear.scatter [tilespmem:s3], [sflag:$0x6], $0x2000, $0x38;
	[tilespmem:$0x9880] =	vst v63  }
0x490: {  	[tilespmem:$0x9800] =	vst v0  }
0x491: {  	_ =	swait.ge [sflag:s5], $0x2000  }
0x492: {  	[sflag:s5] =	ssyncset.done $0x0  }
0x493: {  	[sflag:s5] =	ssyncadd.s32 $0xFFFFE000  }
0x494: {  	_ =	swait.ge [sflag:s7], $0x2000  }
0x495: {  	[sflag:s7] =	ssyncset.done $0x0  }
0x496: {  	s16 =	simm.s32 $0x9800;
	s15 =	rddreg [dreg:$0x14];
	[sflag:s7] =	ssyncadd.s32 $0xFFFFE000  }
0x497: {  	[hbm4b:s15+s2] =	stream.linear.scatter [tilespmem:s16], [sflag:$0x7], $0x80, $0x38;
	[tilespmem:$0x9880] =	vst v63  }
0x498: {  	_ =	swait.ge [sflag:s0], $0x80  }
0x499: {  	s8 =	sadd.s32 $0x1, s8;
	s17 =	rddreg [dreg:$0x15]  }
0x49a: {  	p0 =	sne.s32 s8, s17  }
.Ltmp8:
0x49b: {  	_ = 	snop;
	(pc) =	sbr.rel @p0 .LBB2_1-.Ltmp8, $3  }
0x49c: {  	_ =	sdelay $0x1  }
0x49d: {  	[sflag:s0] =	ssyncset.done $0x0  }
0x49e: {  	[sflag:s0] =	ssyncadd.s32 $0xFFFFFF80  }
0x49f: {  	_ =	sfence.sel $0x180000  }
0x4a0: {  	[bflag:$0x0] =	sbarrier.arrive $0xFFFF  }
0x4a1: {  	_ =	strace $0x90000047  }
0x4a2: {  	s0 =	stileid.u32;
	[bflag:$0x2] =	sbarrier.arrive $0xFFFF  }
0x4a3: {  	p0 =	sne.s32 s0, $0x0;
	s0 =	rddreg [dreg:$0x2]  }
0x4a4: {  	s0 =	sadd.s32 @!p0 $0x100000, s0  }
0x4a5: {  	[sflag:s0] =	ssyncadd.tile.s32 @!p0 $0x1;
	_ =	shalt  }
.Lfunc_end2:
_tile_overlayer_lowered:
.L_overlay_start_2:
0x4a6: {  	(tag) =	ssettag $0x2  }
0x4a7: {  	s0 =	rddreg [dreg:$0x0];
	s2 =	stileid.u32  }
0x4a8: {  	s1 =	rddreg [dreg:$0x1];
	p0 =	sne.s32 s2, $0x0  }
0x4a9: {  	s3 =	rddreg [dreg:$0x2];
	[bflag:$0x3] =	sbarrier.arrive $0xFFFF;
	s2 =	simm.s32 @!p0 $0x1C07  }
0x4aa: {  	[timem:s3], [sflag:s2] =	dma.local @!p0 [hbm:s0], s1  }
0x4ab: {  	s0 =	simm.s32 @!p0 $0x7  }
0x4ac: {  	_ =	swait.ge @!p0 [sflag:s0], s1  }
0x4ad: {  	s1 =	ssub.s32 @!p0 $0x0, s1;
	[sflag:s0] =	ssyncset.done @!p0 $0x0  }
0x4ae: {  	[sflag:s0] =	ssyncadd.s32 @!p0 s1  }
0x4af: {  	[bflag:$0x3] =	sbarrier.arrive $0xFFFF  }
0x4b0: {  	_ =	shalt  }

</sc_bundles>
